<compile_context>
chip_gen: v7x
topology: tpu7x:2x2x1
jax: 0.10.2.dev20260603
libtpu: 0.0.44.dev20260713+nightly
codegen_flags: <defaults>
</compile_context>

<pallas_src>
import functools

import jax
import jax.numpy as jnp
from jax import lax
from jax.experimental import pallas as pl
from jax.experimental.pallas import tpu as pltpu
from jax.experimental.pallas import tpu_sc as plsc

D = 128
H = 128
LSEQ = 24
B = 32
N1 = 12
N2 = 12

_NC, _NS = 2, 16
_NW = _NC * _NS
_CH = 128

_M_TOT = B * (2 + 3 * N1 + 3 * N1 * N2)
_MB = 1024
_M_PAD = 15360
_NTOK = _M_PAD * LSEQ
_NW_CHUNKS = _NTOK // (_NW * _CH)
_NUSR = B * (1 + N1 + N1 * N2)
_NUSR_PAD = _NW * 2 * _CH
_NU_CHUNKS = 2


_NBUF = 6
_NGRP = _NW_CHUNKS // _NBUF


def _sc_gather(word_ids, user_ids, word_tab, user_tab):
    mesh = plsc.VectorSubcoreMesh(core_axis_name="c", subcore_axis_name="s")
    dw = word_tab.shape[1]

    @functools.partial(
        pl.kernel,
        out_type=(
            jax.ShapeDtypeStruct((_NTOK, dw), jnp.int32),
            jax.ShapeDtypeStruct((_NUSR_PAD, D), jnp.float32),
        ),
        mesh=mesh,
        compiler_params=pltpu.CompilerParams(use_tc_tiling_on_sc=False),
        scratch_types=[
            pltpu.VMEM((_NW_CHUNKS * _CH,), jnp.int32),
            pltpu.VMEM((_NU_CHUNKS * _CH,), jnp.int32),
            pltpu.VMEM((_NBUF, _CH, dw), jnp.int32),
            pltpu.VMEM((_NU_CHUNKS, _CH, D), jnp.float32),
            [pltpu.SemaphoreType.DMA] * _NBUF,
            [pltpu.SemaphoreType.DMA] * _NBUF,
        ],
    )
    def k(wids, uids, wtab, utab, wout, uout, widx_v, uidx_v, rows_v,
          urows_v, sem_g, sem_w):
        w = lax.axis_index("s") * _NC + lax.axis_index("c")
        wbase = w * _NW_CHUNKS * _CH
        ubase = w * _NU_CHUNKS * _CH
        pltpu.sync_copy(wids.at[pl.ds(wbase, _NW_CHUNKS * _CH)], widx_v)
        pltpu.sync_copy(uids.at[pl.ds(ubase, _NU_CHUNKS * _CH)], uidx_v)

        def group(g, carry):
            handles = []
            for j in range(_NBUF):
                @pl.when(g > 0)
                def _():
                    pltpu.make_async_copy(
                        rows_v.at[j], wout.at[pl.ds(0, _CH)], sem_w[j]).wait()
                idx = widx_v.at[pl.ds((g * _NBUF + j) * _CH, _CH)]
                handles.append(
                    pltpu.async_copy(wtab.at[idx], rows_v.at[j], sem_g[j]))
            for j in range(_NBUF):
                handles[j].wait()
                pltpu.async_copy(
                    rows_v.at[j],
                    wout.at[pl.ds(wbase + (g * _NBUF + j) * _CH, _CH)],
                    sem_w[j])
            return carry

        lax.fori_loop(0, _NGRP, group, 0)
        for j in range(_NBUF):
            pltpu.make_async_copy(
                rows_v.at[j], wout.at[pl.ds(0, _CH)], sem_w[j]).wait()

        uhandles = []
        for j in range(_NU_CHUNKS):
            idx = uidx_v.at[pl.ds(j * _CH, _CH)]
            uhandles.append(
                pltpu.async_copy(utab.at[idx], urows_v.at[j], sem_g[j]))
        for j in range(_NU_CHUNKS):
            uhandles[j].wait()
            pltpu.async_copy(
                urows_v.at[j], uout.at[pl.ds(ubase + j * _CH, _CH)], sem_w[j])
        for j in range(_NU_CHUNKS):
            pltpu.make_async_copy(
                urows_v.at[j], uout.at[pl.ds(0, _CH)], sem_w[j]).wait()

    return k(word_ids, user_ids, word_tab, user_tab)


def _lstm_maxpool_all(x, w_cat, b):
    m = x.shape[0]
    grid = m // _MB

    def body(x_ref, w_ref, b_ref, out_ref):
        wc = w_ref[...]
        bb = b_ref[...]
        h = jnp.zeros((_MB, H), jnp.float32)
        c = jnp.zeros((_MB, H), jnp.float32)
        hm = jnp.full((_MB, H), -jnp.inf, jnp.float32)
        for t in range(LSEQ):
            xt = x_ref[:, t, :].astype(jnp.float32)
            xh = jnp.concatenate([xt, h], axis=1)
            g = jnp.dot(xh, wc, preferred_element_type=jnp.float32) + bb
            i = jax.nn.sigmoid(g[:, :H])
            f = jax.nn.sigmoid(g[:, H:2 * H])
            gg = jnp.tanh(g[:, 2 * H:3 * H])
            o = jax.nn.sigmoid(g[:, 3 * H:])
            c = f * c + i * gg
            h = o * jnp.tanh(c)
            hm = jnp.maximum(hm, h)
        out_ref[...] = hm

    return pl.pallas_call(
        body,
        grid=(grid,),
        in_specs=[
            pl.BlockSpec((_MB, LSEQ, D), lambda i: (i, 0, 0)),
            pl.BlockSpec((D + H, 4 * H), lambda i: (0, 0)),
            pl.BlockSpec((1, 4 * H), lambda i: (0, 0)),
        ],
        out_specs=pl.BlockSpec((_MB, H), lambda i: (i, 0)),
        out_shape=jax.ShapeDtypeStruct((m, H), jnp.float32),
    )(x, w_cat, b)


def _second_layer(qsl3, qesl3, usl3, uesl3, qfl, ufl,
                  We, Ws, Wd, be, Wn_q, Wea_q, Wsa_q, b_agg_q,
                  Wn_u, Wea_u, Wsa_u, b_agg_u):
    r = qfl.shape[0]
    scale = 1.0 / float(H) ** 0.5

    def body(qsl_r, qesl_r, usl_r, uesl_r, qfl_r, ufl_r,
             we_r, ws_r, wd_r, be_r, wnq_r, weaq_r, wsaq_r, bq_r,
             wnu_r, weau_r, wsau_r, bu_r,
             qout_r, uout_r, msgq_s, msgu_s):
        dot = lambda a, m: jnp.dot(a, m, preferred_element_type=jnp.float32)
        qfl2 = qfl_r[...]
        ufl2 = ufl_r[...]
        we = we_r[...]
        ws = ws_r[...]
        wd = wd_r[...]
        be2 = be_r[...]
        ufl_wd = dot(ufl2, wd) + be2
        qfl_ws = dot(qfl2, ws) + be2
        wed = we + wd
        sq_list = []
        su_list = []
        for j in range(N2):
            qe = jnp.tanh(dot(qesl_r[:, j, :], we) + dot(qsl_r[:, j, :], ws)
                          + ufl_wd)
            ue = jnp.tanh(dot(uesl_r[:, j, :], wed) + qfl_ws)
            mq = jnp.tanh(dot(usl_r[:, j, :], wnq_r[...]) + dot(qe, weaq_r[...]))
            mu = jnp.tanh(dot(qsl_r[:, j, :], wnu_r[...]) + dot(ue, weau_r[...]))
            msgq_s[:, j, :] = mq
            msgu_s[:, j, :] = mu
            sq_list.append(jnp.sum(qfl2 * mq, axis=1, keepdims=True))
            su_list.append(jnp.sum(ufl2 * mu, axis=1, keepdims=True))

        def softmax(s):
            mx = jnp.max(s, axis=1, keepdims=True)
            e = jnp.exp(s - mx)
            return e / jnp.sum(e, axis=1, keepdims=True)

        aq = softmax(jnp.concatenate(sq_list, axis=1) * scale)
        au = softmax(jnp.concatenate(su_list, axis=1) * scale)
        aggq = jnp.zeros((r, H), jnp.float32)
        aggu = jnp.zeros((r, H), jnp.float32)
        for j in range(N2):
            aggq = aggq + aq[:, j:j + 1] * msgq_s[:, j, :]
            aggu = aggu + au[:, j:j + 1] * msgu_s[:, j, :]
        qout_r[...] = jnp.tanh(dot(qfl2, wsaq_r[...]) + aggq + bq_r[...])
        uout_r[...] = jnp.tanh(dot(ufl2, wsau_r[...]) + aggu + bu_r[...])

    return pl.pallas_call(
        body,
        out_shape=(jax.ShapeDtypeStruct((r, H), jnp.float32),
                   jax.ShapeDtypeStruct((r, H), jnp.float32)),
        scratch_shapes=[pltpu.VMEM((r, N2, H), jnp.float32),
                        pltpu.VMEM((r, N2, H), jnp.float32)],
    )(qsl3, qesl3, usl3, uesl3, qfl, ufl,
      We, Ws, Wd, be, Wn_q, Wea_q, Wsa_q, b_agg_q,
      Wn_u, Wea_u, Wsa_u, b_agg_u)


def _first_layer(qefl3, uefl3, ufl3, qfl3, q1, a1, u1,
                 We, Ws, Wd, be, Wn_q, Wea_q, Wsa_q, b_agg_q,
                 Wn_u, Wea_u, Wsa_u, b_agg_u,
                 wq, wa, wu, bq, ba, bu, wfinal, bfinal):
    scale = 1.0 / float(H) ** 0.5

    def body(qefl_r, uefl_r, ufl_r, qfl_r, q1_r, a1_r, u1_r,
             we_r, ws_r, wd_r, be_r, wnq_r, weaq_r, wsaq_r, bgq_r,
             wnu_r, weau_r, wsau_r, bgu_r,
             wq_r, wa_r, wu_r, bq_r, ba_r, bu_r, wf_r, bf_r,
             res_r, pred_r, msgq_s, msgu_s):
        dot = lambda a, m: jnp.dot(a, m, preferred_element_type=jnp.float32)
        q1v = q1_r[...]
        a1v = a1_r[...]
        u1v = u1_r[...]
        we = we_r[...]
        ws = ws_r[...]
        wd = wd_r[...]
        be2 = be_r[...]
        q1_ws = dot(q1v, ws) + be2
        u1_wd = dot(u1v, wd) + be2
        sq_list = []
        su_list = []
        for j in range(N1):
            uflj = ufl_r[:, j, :]
            qflj = qfl_r[:, j, :]
            qe = jnp.tanh(dot(qefl_r[:, j, :], we) + q1_ws + dot(uflj, wd))
            ue = jnp.tanh(dot(uefl_r[:, j, :], we) + dot(qflj, ws) + u1_wd)
            mq = jnp.tanh(dot(uflj, wnq_r[...]) + dot(qe, weaq_r[...]))
            mu = jnp.tanh(dot(qflj, wnu_r[...]) + dot(ue, weau_r[...]))
            msgq_s[:, j, :] = mq
            msgu_s[:, j, :] = mu
            sq_list.append(jnp.sum(q1v * mq, axis=1, keepdims=True))
            su_list.append(jnp.sum(u1v * mu, axis=1, keepdims=True))

        def softmax(s):
            mx = jnp.max(s, axis=1, keepdims=True)
            e = jnp.exp(s - mx)
            return e / jnp.sum(e, axis=1, keepdims=True)

        aq = softmax(jnp.concatenate(sq_list, axis=1) * scale)
        au = softmax(jnp.concatenate(su_list, axis=1) * scale)
        aggq = jnp.zeros((B, H), jnp.float32)
        aggu = jnp.zeros((B, H), jnp.float32)
        for j in range(N1):
            aggq = aggq + aq[:, j:j + 1] * msgq_s[:, j, :]
            aggu = aggu + au[:, j:j + 1] * msgu_s[:, j, :]
        q1n = jnp.tanh(dot(q1v, wsaq_r[...]) + aggq + bgq_r[...])
        u1n = jnp.tanh(dot(u1v, wsau_r[...]) + aggu + bgu_r[...])
        a1n = jnp.tanh(dot(a1v, we) + dot(q1n, ws) + dot(u1n, wd) + be2)
        t = jnp.tanh(dot(q1n, wq_r[...]) + bq_r[...]
                     + dot(a1n, wa_r[...]) + ba_r[...]
                     + dot(u1n, wu_r[...]) + bu_r[...])
        z = dot(t, wf_r[...]) + bf_r[...]
        mx = jnp.max(z, axis=1, keepdims=True)
        lse = mx + jnp.log(jnp.sum(jnp.exp(z - mx), axis=1, keepdims=True))
        res_r[...] = z - lse
        pred_r[...] = (z[:, 1:2] > z[:, 0:1]).astype(jnp.int32)

    return pl.pallas_call(
        body,
        out_shape=(jax.ShapeDtypeStruct((B, 2), jnp.float32),
                   jax.ShapeDtypeStruct((B, 1), jnp.int32)),
        scratch_shapes=[pltpu.VMEM((B, N1, H), jnp.float32),
                        pltpu.VMEM((B, N1, H), jnp.float32)],
    )(qefl3, uefl3, ufl3, qfl3, q1, a1, u1,
      We, Ws, Wd, be, Wn_q, Wea_q, Wsa_q, b_agg_q,
      Wn_u, Wea_u, Wsa_u, b_agg_u,
      wq, wa, wu, bq, ba, bu, wfinal, bfinal)


def kernel(question1, answer1, user1, score1, question_first_layer,
           question_edge_first_layer, question_edge_score_list_first_layer,
           question_second_layer, question_edge_second_layer,
           question_edge_score_list_second_layer, user_first_layer,
           user_edge_first_layer, user_edge_score_list_first_layer,
           user_second_layer, user_edge_second_layer,
           user_edge_score_list_second_layer, word_embed, user_embed,
           Wih, Whh, b_lstm, We, Ws, Wd, be, Wn_q, Wea_q, Wsa_q, b_agg_q,
           Wn_u, Wea_u, Wsa_u, b_agg_u, wq, wa, wu, bq, ba, bu,
           wfinal, bfinal):
    i32 = jnp.int32
    wids = jnp.concatenate([
        question1.reshape(-1, LSEQ), answer1.reshape(-1, LSEQ),
        user_edge_first_layer.reshape(-1, LSEQ),
        user_edge_second_layer.reshape(-1, LSEQ),
        question_first_layer.reshape(-1, LSEQ),
        question_edge_first_layer.reshape(-1, LSEQ),
        question_second_layer.reshape(-1, LSEQ),
        question_edge_second_layer.reshape(-1, LSEQ),
    ], axis=0).reshape(-1).astype(i32)
    wids = jnp.concatenate(
        [wids, jnp.zeros((_NTOK - _M_TOT * LSEQ,), i32)])
    uids = jnp.concatenate([
        user1.reshape(-1), user_first_layer.reshape(-1),
        user_second_layer.reshape(-1)]).astype(i32)
    uids = jnp.concatenate([uids, jnp.zeros((_NUSR_PAD - _NUSR,), i32)])

    wtab_i32 = lax.bitcast_convert_type(
        word_embed.astype(jnp.bfloat16).reshape(word_embed.shape[0], D // 2, 2),
        jnp.int32)
    xw_i32, xu = _sc_gather(wids, uids, wtab_i32, user_embed)
    xw = lax.bitcast_convert_type(xw_i32, jnp.bfloat16)

    w_cat = jnp.concatenate([Wih, Whh], axis=0)
    hs = _lstm_maxpool_all(xw.reshape(_M_PAD, LSEQ, D), w_cat,
                           b_lstm.reshape(1, 4 * H))

    o = 0
    q1 = hs[o:o + B]; o += B
    a1 = hs[o:o + B]; o += B
    uefl = hs[o:o + B * N1]; o += B * N1
    uesl = hs[o:o + B * N1 * N2]; o += B * N1 * N2
    qfl = hs[o:o + B * N1]; o += B * N1
    qefl = hs[o:o + B * N1]; o += B * N1
    qsl = hs[o:o + B * N1 * N2]; o += B * N1 * N2
    qesl = hs[o:o + B * N1 * N2]; o += B * N1 * N2

    u1 = xu[:B]
    ufl = xu[B:B + B * N1]
    usl = xu[B + B * N1:_NUSR]

    r3 = lambda a: a.reshape(B * N1, N2, H)
    be2 = be.reshape(1, H)
    qfl_new, ufl_new = _second_layer(
        r3(qsl), r3(qesl), r3(usl), r3(uesl), qfl, ufl,
        We, Ws, Wd, be2, Wn_q, Wea_q, Wsa_q, b_agg_q.reshape(1, H),
        Wn_u, Wea_u, Wsa_u, b_agg_u.reshape(1, H))

    f3 = lambda a: a.reshape(B, N1, H)
    result, predict = _first_layer(
        f3(qefl), f3(uefl), f3(ufl_new), f3(qfl_new), q1, a1, u1,
        We, Ws, Wd, be2, Wn_q, Wea_q, Wsa_q, b_agg_q.reshape(1, H),
        Wn_u, Wea_u, Wsa_u, b_agg_u.reshape(1, H),
        wq, wa, wu, bq.reshape(1, H), ba.reshape(1, H), bu.reshape(1, H),
        wfinal, bfinal.reshape(1, 2))

    return (result, predict.reshape(B))

# --- scband reference (transcript-rebuilt; emitter-appended) ---
"""Pipeline reference for scband-induceive-model-60533269070006 (READ-ONLY COPY).

The authoritative reference and input builder live on the scoring server;
editing this copy changes nothing except your own understanding.
"""

import jax, jax.numpy as jnp
import numpy as np

VOCAB = 100000
USERS = 100000
D = 128
H = 128
LABELS = 2
B, N1, N2, L = 32, 12, 12, 24


def lstm_maxpool(x, Wih, Whh, b):
    lead = x.shape[:-2]
    Lx, Dx = x.shape[-2], x.shape[-1]
    Hh = Whh.shape[0]
    xf = x.reshape((-1, Lx, Dx))
    M = xf.shape[0]

    def step(carry, xt):
        h, c = carry
        g = xt @ Wih + h @ Whh + b
        i, f, gg, o = jnp.split(g, 4, axis=-1)
        c = jax.nn.sigmoid(f) * c + jax.nn.sigmoid(i) * jnp.tanh(gg)
        h = jax.nn.sigmoid(o) * jnp.tanh(c)
        return (h, c), h

    init = (jnp.zeros((M, Hh), x.dtype), jnp.zeros((M, Hh), x.dtype))
    _, hs = jax.lax.scan(step, init, jnp.swapaxes(xf, 0, 1))
    return hs.max(axis=0).reshape(lead + (Hh,))


def edge_attention(edge, src, dst, We, Ws, Wd, be):
    return jnp.tanh(edge @ We + src @ Ws + dst @ Wd + be)


def aggregate(neighbors, edges, self_node, Wn, Wea, Wsa, b):
    msg = jnp.tanh(neighbors @ Wn + edges @ Wea)
    scores = (jnp.expand_dims(self_node, -2) * msg).sum(-1) / float(np.sqrt(msg.shape[-1]))
    attn = jax.nn.softmax(scores, axis=-1)
    agg = (attn[..., None] * msg).sum(-2)
    return jnp.tanh(self_node @ Wsa + agg + b)


def setup_inputs(seed: int = 0):
    key = jax.random.key(seed)
    ks = jax.random.split(key, 40)
    p = lambda k, s, sc=0.05: jax.random.normal(k, s, dtype=jnp.float32) * sc
    inp = {}
    inp['question1'] = jax.random.randint(ks[0], (B, L), 0, VOCAB)
    inp['answer1'] = jax.random.randint(ks[1], (B, L), 0, VOCAB)
    inp['user1'] = jax.random.randint(ks[2], (B,), 0, USERS)
    inp['score1'] = jax.random.uniform(ks[3], (B,), dtype=jnp.float32)
    inp['question_first_layer'] = jax.random.randint(ks[4], (B, N1, L), 0, VOCAB)
    inp['question_edge_first_layer'] = jax.random.randint(ks[5], (B, N1, L), 0, VOCAB)
    inp['question_edge_score_list_first_layer'] = jax.random.uniform(ks[6], (B, N1), dtype=jnp.float32)
    inp['question_second_layer'] = jax.random.randint(ks[7], (B, N1, N2, L), 0, VOCAB)
    inp['question_edge_second_layer'] = jax.random.randint(ks[8], (B, N1, N2, L), 0, VOCAB)
    inp['question_edge_score_list_second_layer'] = jax.random.uniform(ks[9], (B, N1, N2), dtype=jnp.float32)
    inp['user_first_layer'] = jax.random.randint(ks[10], (B, N1), 0, USERS)
    inp['user_edge_first_layer'] = jax.random.randint(ks[11], (B, N1, L), 0, VOCAB)
    inp['user_edge_score_list_first_layer'] = jax.random.uniform(ks[12], (B, N1), dtype=jnp.float32)
    inp['user_second_layer'] = jax.random.randint(ks[13], (B, N1, N2), 0, USERS)
    inp['user_edge_second_layer'] = jax.random.randint(ks[14], (B, N1, N2, L), 0, VOCAB)
    inp['user_edge_score_list_second_layer'] = jax.random.uniform(ks[15], (B, N1, N2), dtype=jnp.float32)
    inp['word_embed'] = p(ks[16], (VOCAB, D), 0.1)
    inp['user_embed'] = p(ks[17], (USERS, H), 0.1)
    inp['Wih'] = p(ks[18], (D, 4 * H))
    inp['Whh'] = p(ks[19], (H, 4 * H))
    inp['b_lstm'] = jnp.zeros((4 * H,), jnp.float32)
    inp['We'] = p(ks[20], (H, H))
    inp['Ws'] = p(ks[21], (H, H))
    inp['Wd'] = p(ks[22], (H, H))
    inp['be'] = jnp.zeros((H,), jnp.float32)
    inp['Wn_q'] = p(ks[23], (H, H))
    inp['Wea_q'] = p(ks[24], (H, H))
    inp['Wsa_q'] = p(ks[25], (H, H))
    inp['b_agg_q'] = jnp.zeros((H,), jnp.float32)
    inp['Wn_u'] = p(ks[26], (H, H))
    inp['Wea_u'] = p(ks[27], (H, H))
    inp['Wsa_u'] = p(ks[28], (H, H))
    inp['b_agg_u'] = jnp.zeros((H,), jnp.float32)
    inp['wq'] = p(ks[29], (H, H))
    inp['wa'] = p(ks[30], (H, H))
    inp['wu'] = p(ks[31], (H, H))
    inp['bq'] = jnp.zeros((H,), jnp.float32)
    inp['ba'] = jnp.zeros((H,), jnp.float32)
    inp['bu'] = jnp.zeros((H,), jnp.float32)
    inp['wfinal'] = p(ks[32], (H, LABELS))
    inp['bfinal'] = jnp.zeros((LABELS,), jnp.float32)
    return inp


def reference(question1, answer1, user1, score1, question_first_layer, question_edge_first_layer,
              question_edge_score_list_first_layer, question_second_layer, question_edge_second_layer,
              question_edge_score_list_second_layer, user_first_layer, user_edge_first_layer,
              user_edge_score_list_first_layer, user_second_layer, user_edge_second_layer,
              user_edge_score_list_second_layer, word_embed, user_embed, Wih, Whh, b_lstm,
              We, Ws, Wd, be, Wn_q, Wea_q, Wsa_q, b_agg_q, Wn_u, Wea_u, Wsa_u, b_agg_u,
              wq, wa, wu, bq, ba, bu, wfinal, bfinal):
    lm = lambda ids: lstm_maxpool(jnp.take(word_embed, ids, axis=0), Wih, Whh, b_lstm)
    q1 = lm(question1)
    a1 = lm(answer1)
    u1 = jnp.take(user_embed, user1, axis=0)
    ufl = jnp.take(user_embed, user_first_layer, axis=0)
    uefl = lm(user_edge_first_layer)
    usl = jnp.take(user_embed, user_second_layer, axis=0)
    uesl = lm(user_edge_second_layer)
    qfl = lm(question_first_layer)
    qefl = lm(question_edge_first_layer)
    qsl = lm(question_second_layer)
    qesl = lm(question_edge_second_layer)
    qesl = edge_attention(qesl, qsl, jnp.expand_dims(ufl, 2), We, Ws, Wd, be)
    uesl = edge_attention(uesl, jnp.expand_dims(qfl, 2), uesl, We, Ws, Wd, be)
    qfl = aggregate(usl, qesl, qfl, Wn_q, Wea_q, Wsa_q, b_agg_q)
    ufl = aggregate(qsl, uesl, ufl, Wn_u, Wea_u, Wsa_u, b_agg_u)
    qefl = edge_attention(qefl, jnp.expand_dims(q1, 1), ufl, We, Ws, Wd, be)
    uefl = edge_attention(uefl, qfl, jnp.expand_dims(u1, 1), We, Ws, Wd, be)
    q1 = aggregate(ufl, qefl, q1, Wn_q, Wea_q, Wsa_q, b_agg_q)
    u1 = aggregate(qfl, uefl, u1, Wn_u, Wea_u, Wsa_u, b_agg_u)
    a1 = edge_attention(a1, q1, u1, We, Ws, Wd, be)
    t = jnp.tanh(q1 @ wq + bq + a1 @ wa + ba + u1 @ wu + bu)
    result = jax.nn.log_softmax(t @ wfinal + bfinal, axis=-1)
    predict = jnp.argmax(result, axis=-1)
    return (result, predict)

if __name__ == "__main__":
    import jax
    _d = setup_inputs()
    print(jax.jit(kernel)(*tuple(_d.values())))

</pallas_src>

<mosaic_0001>
#map = affine_map<(d0, d1) -> (0)>
#map1 = affine_map<(d0, d1) -> (0, 0)>
module attributes {stable_mosaic.version = 14 : i64} {
  func.func @k(%arg0: i32, %arg1: i32, %arg2: memref<368640xi32, #tpu.memory_space<hbm>>, %arg3: memref<8192xi32, #tpu.memory_space<hbm>>, %arg4: memref<100000x64xi32, #tpu.memory_space<hbm>>, %arg5: memref<100000x128xf32, #tpu.memory_space<hbm>>, %arg6: memref<368640x64xi32, #tpu.memory_space<hbm>>, %arg7: memref<8192x128xf32, #tpu.memory_space<hbm>>, %arg8: memref<11520xi32, #tpu.memory_space<vmem>>, %arg9: memref<256xi32, #tpu.memory_space<vmem>>, %arg10: memref<6x128x64xi32, #tpu.memory_space<vmem>>, %arg11: memref<2x128x128xf32, #tpu.memory_space<vmem>>, %arg12: memref<!tpu.dma_semaphore, #tpu.memory_space<semaphore_mem>>, %arg13: memref<!tpu.dma_semaphore, #tpu.memory_space<semaphore_mem>>, %arg14: memref<!tpu.dma_semaphore, #tpu.memory_space<semaphore_mem>>, %arg15: memref<!tpu.dma_semaphore, #tpu.memory_space<semaphore_mem>>, %arg16: memref<!tpu.dma_semaphore, #tpu.memory_space<semaphore_mem>>, %arg17: memref<!tpu.dma_semaphore, #tpu.memory_space<semaphore_mem>>, %arg18: memref<!tpu.dma_semaphore, #tpu.memory_space<semaphore_mem>>, %arg19: memref<!tpu.dma_semaphore, #tpu.memory_space<semaphore_mem>>, %arg20: memref<!tpu.dma_semaphore, #tpu.memory_space<semaphore_mem>>, %arg21: memref<!tpu.dma_semaphore, #tpu.memory_space<semaphore_mem>>, %arg22: memref<!tpu.dma_semaphore, #tpu.memory_space<semaphore_mem>>, %arg23: memref<!tpu.dma_semaphore, #tpu.memory_space<semaphore_mem>>) attributes {dimension_semantics = [#tpu.dimension_semantics<core_parallel>, #tpu.dimension_semantics<subcore_parallel>], iteration_bounds = array<i64: 2, 16>, scalar_prefetch = 0 : i64, scratch_operands = 16 : i64, tpu.core_type = #tpu.core_type<sc_vector_subcore>, window_params = [{transform_indices = #map}, {transform_indices = #map}, {transform_indices = #map1}, {transform_indices = #map1}, {transform_indices = #map1}, {transform_indices = #map1}]} {
    %mul3A = arith.constant 2 : i32
    %mul3A_0 = arith.muli %arg1, %mul3A : i32
    %add3A = arith.addi %mul3A_0, %arg0 : i32
    %mul3A_1 = arith.constant 90 : i32
    %mul3A_2 = arith.muli %add3A, %mul3A_1 : i32
    %mul3A_3 = arith.constant 128 : i32
    %mul3A_4 = arith.muli %mul3A_2, %mul3A_3 : i32
    %mul3A_5 = arith.constant 2 : i32
    %mul3A_6 = arith.muli %add3A, %mul3A_5 : i32
    %mul3A_7 = arith.constant 128 : i32
    %mul3A_8 = arith.muli %mul3A_6, %mul3A_7 : i32
    "tpu.region"() ({
      %run_scoped3A = tpu.sem_alloc : memref<!tpu.dma_semaphore, #tpu.memory_space<semaphore_mem>>
      %dma_start3A_202 = tpu.memref_slice %arg2[%mul3A_4] : memref<368640xi32, #tpu.memory_space<hbm>> -> memref<11520xi32, #tpu.memory_space<hbm>>
      %dma_start3A_203 = tpu.memref_slice %arg2[%mul3A_4] : memref<368640xi32, #tpu.memory_space<hbm>> -> memref<11520xi32, #tpu.memory_space<hbm>>
      tpu.enqueue_dma source(%dma_start3A_203 : memref<11520xi32, #tpu.memory_space<hbm>>) target(%arg8 : memref<11520xi32, #tpu.memory_space<vmem>>) target_semaphore(%run_scoped3A : memref<!tpu.dma_semaphore, #tpu.memory_space<semaphore_mem>>)
      %dma_wait3A_204 = tpu.memref_slice %arg2[%mul3A_4] : memref<368640xi32, #tpu.memory_space<hbm>> -> memref<11520xi32, #tpu.memory_space<hbm>>
      %dma_wait3A_205 = tpu.memref_slice %arg2[%mul3A_4] : memref<368640xi32, #tpu.memory_space<hbm>> -> memref<11520xi32, #tpu.memory_space<hbm>>
      tpu.wait_dma2 semaphore(%run_scoped3A : memref<!tpu.dma_semaphore, #tpu.memory_space<semaphore_mem>>) src(%dma_wait3A_205 : memref<11520xi32, #tpu.memory_space<hbm>>) dst(%arg8 : memref<11520xi32, #tpu.memory_space<vmem>>)
      tpu.yield
    }) : () -> ()
    "tpu.region"() ({
      %run_scoped3A = tpu.sem_alloc : memref<!tpu.dma_semaphore, #tpu.memory_space<semaphore_mem>>
      %dma_start3A_202 = tpu.memref_slice %arg3[%mul3A_8] : memref<8192xi32, #tpu.memory_space<hbm>> -> memref<256xi32, #tpu.memory_space<hbm>>
      %dma_start3A_203 = tpu.memref_slice %arg3[%mul3A_8] : memref<8192xi32, #tpu.memory_space<hbm>> -> memref<256xi32, #tpu.memory_space<hbm>>
      tpu.enqueue_dma source(%dma_start3A_203 : memref<256xi32, #tpu.memory_space<hbm>>) target(%arg9 : memref<256xi32, #tpu.memory_space<vmem>>) target_semaphore(%run_scoped3A : memref<!tpu.dma_semaphore, #tpu.memory_space<semaphore_mem>>)
      %dma_wait3A_204 = tpu.memref_slice %arg3[%mul3A_8] : memref<8192xi32, #tpu.memory_space<hbm>> -> memref<256xi32, #tpu.memory_space<hbm>>
      %dma_wait3A_205 = tpu.memref_slice %arg3[%mul3A_8] : memref<8192xi32, #tpu.memory_space<hbm>> -> memref<256xi32, #tpu.memory_space<hbm>>
      tpu.wait_dma2 semaphore(%run_scoped3A : memref<!tpu.dma_semaphore, #tpu.memory_space<semaphore_mem>>) src(%dma_wait3A_205 : memref<256xi32, #tpu.memory_space<hbm>>) dst(%arg9 : memref<256xi32, #tpu.memory_space<vmem>>)
      tpu.yield
    }) : () -> ()
    %scan3A = arith.constant 0 : i32
    %scan3A_9 = arith.constant 0 : i32
    %scan3A_10 = arith.constant 15 : i32
    %scan3A_11 = arith.addi %scan3A_9, %scan3A_10 : i32
    %scan3A_12 = arith.constant 1 : i32
    scf.for %scan3A_202 = %scan3A_9 to %scan3A_11 step %scan3A_12  : i32 {
      %gt3A = arith.constant 0 : i32
      %gt3A_203 = arith.cmpi sgt, %scan3A_202, %gt3A : i32
      %convert_element_type3A = arith.extui %gt3A_203 : i1 to i32
      %cond3A = arith.constant 0 : i32
      %cond3A_204 = arith.cmpi ne, %convert_element_type3A, %cond3A : i32
      scf.if %cond3A_204 {
        %dma_wait3A_494 = arith.constant 0 : i32
        %dma_wait3A_495 = arith.constant 0 : i32
        %dma_wait3A_496 = arith.constant 0 : i32
        %dma_wait3A_497 = tpu.memref_slice %arg10[%dma_wait3A_494, %dma_wait3A_495, %dma_wait3A_496] : memref<6x128x64xi32, #tpu.memory_space<vmem>> -> memref<1x128x64xi32, #tpu.memory_space<vmem>>
        %dma_wait3A_498 = tpu.memref_squeeze %dma_wait3A_497 : memref<1x128x64xi32, #tpu.memory_space<vmem>> -> memref<128x64xi32, #tpu.memory_space<vmem>>
        %dma_wait3A_499 = arith.constant 0 : i32
        %dma_wait3A_500 = arith.constant 0 : i32
        %dma_wait3A_501 = tpu.memref_slice %arg6[%dma_wait3A_499, %dma_wait3A_500] : memref<368640x64xi32, #tpu.memory_space<hbm>> -> memref<128x64xi32, #tpu.memory_space<hbm>>
        %dma_wait3A_502 = arith.constant 0 : i32
        %dma_wait3A_503 = arith.constant 0 : i32
        %dma_wait3A_504 = tpu.memref_slice %arg6[%dma_wait3A_502, %dma_wait3A_503] : memref<368640x64xi32, #tpu.memory_space<hbm>> -> memref<128x64xi32, #tpu.memory_space<hbm>>
        %dma_wait3A_505 = arith.constant 0 : i32
        %dma_wait3A_506 = arith.constant 0 : i32
        %dma_wait3A_507 = tpu.memref_slice %arg10[%dma_wait3A_494, %dma_wait3A_505, %dma_wait3A_506] : memref<6x128x64xi32, #tpu.memory_space<vmem>> -> memref<1x128x64xi32, #tpu.memory_space<vmem>>
        %dma_wait3A_508 = tpu.memref_squeeze %dma_wait3A_507 : memref<1x128x64xi32, #tpu.memory_space<vmem>> -> memref<128x64xi32, #tpu.memory_space<vmem>>
        tpu.wait_dma2 semaphore(%arg18 : memref<!tpu.dma_semaphore, #tpu.memory_space<semaphore_mem>>) src(%dma_wait3A_508 : memref<128x64xi32, #tpu.memory_space<vmem>>) dst(%dma_wait3A_504 : memref<128x64xi32, #tpu.memory_space<hbm>>)
      } else {
      }
      %mul3A_205 = arith.constant 6 : i32
      %mul3A_206 = arith.muli %scan3A_202, %mul3A_205 : i32
      %add3A_207 = arith.constant 0 : i32
      %add3A_208 = arith.addi %mul3A_206, %add3A_207 : i32
      %mul3A_209 = arith.constant 128 : i32
      %mul3A_210 = arith.muli %add3A_208, %mul3A_209 : i32
      %dma_start3A_211 = arith.constant 0 : i32
      %dma_start3A_212 = arith.constant 0 : i32
      %dma_start3A_213 = arith.constant 0 : i32
      %dma_start3A_214 = tpu.memref_slice %arg10[%dma_start3A_211, %dma_start3A_212, %dma_start3A_213] : memref<6x128x64xi32, #tpu.memory_space<vmem>> -> memref<1x128x64xi32, #tpu.memory_space<vmem>>
      %dma_start3A_215 = tpu.memref_squeeze %dma_start3A_214 : memref<1x128x64xi32, #tpu.memory_space<vmem>> -> memref<128x64xi32, #tpu.memory_space<vmem>>
      %dma_start3A_216 = tpu.memref_slice %arg8[%mul3A_210] : memref<11520xi32, #tpu.memory_space<vmem>> -> memref<128xi32, #tpu.memory_space<vmem>>
      %dma_start3A_217 = arith.constant 0 : i32
      %dma_start3A_218 = arith.constant 0 : i32
      %dma_start3A_219 = tpu.memref_slice %arg4[%dma_start3A_217, %dma_start3A_218] : memref<100000x64xi32, #tpu.memory_space<hbm>> -> memref<100000x64xi32, #tpu.memory_space<hbm>>
      tpu.enqueue_indirect_dma source(%dma_start3A_219 : memref<100000x64xi32, #tpu.memory_space<hbm>>) target(%dma_start3A_215 : memref<128x64xi32, #tpu.memory_space<vmem>>) offsets(%dma_start3A_216 : memref<128xi32, #tpu.memory_space<vmem>>) semaphore(%arg12 : memref<!tpu.dma_semaphore, #tpu.memory_space<semaphore_mem>>)
      %gt3A_220 = arith.constant 0 : i32
      %gt3A_221 = arith.cmpi sgt, %scan3A_202, %gt3A_220 : i32
      %convert_element_type3A_222 = arith.extui %gt3A_221 : i1 to i32
      %cond3A_223 = arith.constant 0 : i32
      %cond3A_224 = arith.cmpi ne, %convert_element_type3A_222, %cond3A_223 : i32
      scf.if %cond3A_224 {
        %dma_wait3A_494 = arith.constant 1 : i32
        %dma_wait3A_495 = arith.constant 0 : i32
        %dma_wait3A_496 = arith.constant 0 : i32
        %dma_wait3A_497 = tpu.memref_slice %arg10[%dma_wait3A_494, %dma_wait3A_495, %dma_wait3A_496] : memref<6x128x64xi32, #tpu.memory_space<vmem>> -> memref<1x128x64xi32, #tpu.memory_space<vmem>>
        %dma_wait3A_498 = tpu.memref_squeeze %dma_wait3A_497 : memref<1x128x64xi32, #tpu.memory_space<vmem>> -> memref<128x64xi32, #tpu.memory_space<vmem>>
        %dma_wait3A_499 = arith.constant 0 : i32
        %dma_wait3A_500 = arith.constant 0 : i32
        %dma_wait3A_501 = tpu.memref_slice %arg6[%dma_wait3A_499, %dma_wait3A_500] : memref<368640x64xi32, #tpu.memory_space<hbm>> -> memref<128x64xi32, #tpu.memory_space<hbm>>
        %dma_wait3A_502 = arith.constant 0 : i32
        %dma_wait3A_503 = arith.constant 0 : i32
        %dma_wait3A_504 = tpu.memref_slice %arg6[%dma_wait3A_502, %dma_wait3A_503] : memref<368640x64xi32, #tpu.memory_space<hbm>> -> memref<128x64xi32, #tpu.memory_space<hbm>>
        %dma_wait3A_505 = arith.constant 0 : i32
        %dma_wait3A_506 = arith.constant 0 : i32
        %dma_wait3A_507 = tpu.memref_slice %arg10[%dma_wait3A_494, %dma_wait3A_505, %dma_wait3A_506] : memref<6x128x64xi32, #tpu.memory_space<vmem>> -> memref<1x128x64xi32, #tpu.memory_space<vmem>>
        %dma_wait3A_508 = tpu.memref_squeeze %dma_wait3A_507 : memref<1x128x64xi32, #tpu.memory_space<vmem>> -> memref<128x64xi32, #tpu.memory_space<vmem>>
        tpu.wait_dma2 semaphore(%arg19 : memref<!tpu.dma_semaphore, #tpu.memory_space<semaphore_mem>>) src(%dma_wait3A_508 : memref<128x64xi32, #tpu.memory_space<vmem>>) dst(%dma_wait3A_504 : memref<128x64xi32, #tpu.memory_space<hbm>>)
      } else {
      }
      %mul3A_225 = arith.constant 6 : i32
      %mul3A_226 = arith.muli %scan3A_202, %mul3A_225 : i32
      %add3A_227 = arith.constant 1 : i32
      %add3A_228 = arith.addi %mul3A_226, %add3A_227 : i32
      %mul3A_229 = arith.constant 128 : i32
      %mul3A_230 = arith.muli %add3A_228, %mul3A_229 : i32
      %dma_start3A_231 = arith.constant 1 : i32
      %dma_start3A_232 = arith.constant 0 : i32
      %dma_start3A_233 = arith.constant 0 : i32
      %dma_start3A_234 = tpu.memref_slice %arg10[%dma_start3A_231, %dma_start3A_232, %dma_start3A_233] : memref<6x128x64xi32, #tpu.memory_space<vmem>> -> memref<1x128x64xi32, #tpu.memory_space<vmem>>
      %dma_start3A_235 = tpu.memref_squeeze %dma_start3A_234 : memref<1x128x64xi32, #tpu.memory_space<vmem>> -> memref<128x64xi32, #tpu.memory_space<vmem>>
      %dma_start3A_236 = tpu.memref_slice %arg8[%mul3A_230] : memref<11520xi32, #tpu.memory_space<vmem>> -> memref<128xi32, #tpu.memory_space<vmem>>
      %dma_start3A_237 = arith.constant 0 : i32
      %dma_start3A_238 = arith.constant 0 : i32
      %dma_start3A_239 = tpu.memref_slice %arg4[%dma_start3A_237, %dma_start3A_238] : memref<100000x64xi32, #tpu.memory_space<hbm>> -> memref<100000x64xi32, #tpu.memory_space<hbm>>
      tpu.enqueue_indirect_dma source(%dma_start3A_239 : memref<100000x64xi32, #tpu.memory_space<hbm>>) target(%dma_start3A_235 : memref<128x64xi32, #tpu.memory_space<vmem>>) offsets(%dma_start3A_236 : memref<128xi32, #tpu.memory_space<vmem>>) semaphore(%arg13 : memref<!tpu.dma_semaphore, #tpu.memory_space<semaphore_mem>>)
      %gt3A_240 = arith.constant 0 : i32
      %gt3A_241 = arith.cmpi sgt, %scan3A_202, %gt3A_240 : i32
      %convert_element_type3A_242 = arith.extui %gt3A_241 : i1 to i32
      %cond3A_243 = arith.constant 0 : i32
      %cond3A_244 = arith.cmpi ne, %convert_element_type3A_242, %cond3A_243 : i32
      scf.if %cond3A_244 {
        %dma_wait3A_494 = arith.constant 2 : i32
        %dma_wait3A_495 = arith.constant 0 : i32
        %dma_wait3A_496 = arith.constant 0 : i32
        %dma_wait3A_497 = tpu.memref_slice %arg10[%dma_wait3A_494, %dma_wait3A_495, %dma_wait3A_496] : memref<6x128x64xi32, #tpu.memory_space<vmem>> -> memref<1x128x64xi32, #tpu.memory_space<vmem>>
        %dma_wait3A_498 = tpu.memref_squeeze %dma_wait3A_497 : memref<1x128x64xi32, #tpu.memory_space<vmem>> -> memref<128x64xi32, #tpu.memory_space<vmem>>
        %dma_wait3A_499 = arith.constant 0 : i32
        %dma_wait3A_500 = arith.constant 0 : i32
        %dma_wait3A_501 = tpu.memref_slice %arg6[%dma_wait3A_499, %dma_wait3A_500] : memref<368640x64xi32, #tpu.memory_space<hbm>> -> memref<128x64xi32, #tpu.memory_space<hbm>>
        %dma_wait3A_502 = arith.constant 0 : i32
        %dma_wait3A_503 = arith.constant 0 : i32
        %dma_wait3A_504 = tpu.memref_slice %arg6[%dma_wait3A_502, %dma_wait3A_503] : memref<368640x64xi32, #tpu.memory_space<hbm>> -> memref<128x64xi32, #tpu.memory_space<hbm>>
        %dma_wait3A_505 = arith.constant 0 : i32
        %dma_wait3A_506 = arith.constant 0 : i32
        %dma_wait3A_507 = tpu.memref_slice %arg10[%dma_wait3A_494, %dma_wait3A_505, %dma_wait3A_506] : memref<6x128x64xi32, #tpu.memory_space<vmem>> -> memref<1x128x64xi32, #tpu.memory_space<vmem>>
        %dma_wait3A_508 = tpu.memref_squeeze %dma_wait3A_507 : memref<1x128x64xi32, #tpu.memory_space<vmem>> -> memref<128x64xi32, #tpu.memory_space<vmem>>
        tpu.wait_dma2 semaphore(%arg20 : memref<!tpu.dma_semaphore, #tpu.memory_space<semaphore_mem>>) src(%dma_wait3A_508 : memref<128x64xi32, #tpu.memory_space<vmem>>) dst(%dma_wait3A_504 : memref<128x64xi32, #tpu.memory_space<hbm>>)
      } else {
      }
      %mul3A_245 = arith.constant 6 : i32
      %mul3A_246 = arith.muli %scan3A_202, %mul3A_245 : i32
      %add3A_247 = arith.constant 2 : i32
      %add3A_248 = arith.addi %mul3A_246, %add3A_247 : i32
      %mul3A_249 = arith.constant 128 : i32
      %mul3A_250 = arith.muli %add3A_248, %mul3A_249 : i32
      %dma_start3A_251 = arith.constant 2 : i32
      %dma_start3A_252 = arith.constant 0 : i32
      %dma_start3A_253 = arith.constant 0 : i32
      %dma_start3A_254 = tpu.memref_slice %arg10[%dma_start3A_251, %dma_start3A_252, %dma_start3A_253] : memref<6x128x64xi32, #tpu.memory_space<vmem>> -> memref<1x128x64xi32, #tpu.memory_space<vmem>>
      %dma_start3A_255 = tpu.memref_squeeze %dma_start3A_254 : memref<1x128x64xi32, #tpu.memory_space<vmem>> -> memref<128x64xi32, #tpu.memory_space<vmem>>
      %dma_start3A_256 = tpu.memref_slice %arg8[%mul3A_250] : memref<11520xi32, #tpu.memory_space<vmem>> -> memref<128xi32, #tpu.memory_space<vmem>>
      %dma_start3A_257 = arith.constant 0 : i32
      %dma_start3A_258 = arith.constant 0 : i32
      %dma_start3A_259 = tpu.memref_slice %arg4[%dma_start3A_257, %dma_start3A_258] : memref<100000x64xi32, #tpu.memory_space<hbm>> -> memref<100000x64xi32, #tpu.memory_space<hbm>>
      tpu.enqueue_indirect_dma source(%dma_start3A_259 : memref<100000x64xi32, #tpu.memory_space<hbm>>) target(%dma_start3A_255 : memref<128x64xi32, #tpu.memory_space<vmem>>) offsets(%dma_start3A_256 : memref<128xi32, #tpu.memory_space<vmem>>) semaphore(%arg14 : memref<!tpu.dma_semaphore, #tpu.memory_space<semaphore_mem>>)
      %gt3A_260 = arith.constant 0 : i32
      %gt3A_261 = arith.cmpi sgt, %scan3A_202, %gt3A_260 : i32
      %convert_element_type3A_262 = arith.extui %gt3A_261 : i1 to i32
      %cond3A_263 = arith.constant 0 : i32
      %cond3A_264 = arith.cmpi ne, %convert_element_type3A_262, %cond3A_263 : i32
      scf.if %cond3A_264 {
        %dma_wait3A_494 = arith.constant 3 : i32
        %dma_wait3A_495 = arith.constant 0 : i32
        %dma_wait3A_496 = arith.constant 0 : i32
        %dma_wait3A_497 = tpu.memref_slice %arg10[%dma_wait3A_494, %dma_wait3A_495, %dma_wait3A_496] : memref<6x128x64xi32, #tpu.memory_space<vmem>> -> memref<1x128x64xi32, #tpu.memory_space<vmem>>
        %dma_wait3A_498 = tpu.memref_squeeze %dma_wait3A_497 : memref<1x128x64xi32, #tpu.memory_space<vmem>> -> memref<128x64xi32, #tpu.memory_space<vmem>>
        %dma_wait3A_499 = arith.constant 0 : i32
        %dma_wait3A_500 = arith.constant 0 : i32
        %dma_wait3A_501 = tpu.memref_slice %arg6[%dma_wait3A_499, %dma_wait3A_500] : memref<368640x64xi32, #tpu.memory_space<hbm>> -> memref<128x64xi32, #tpu.memory_space<hbm>>
        %dma_wait3A_502 = arith.constant 0 : i32
        %dma_wait3A_503 = arith.constant 0 : i32
        %dma_wait3A_504 = tpu.memref_slice %arg6[%dma_wait3A_502, %dma_wait3A_503] : memref<368640x64xi32, #tpu.memory_space<hbm>> -> memref<128x64xi32, #tpu.memory_space<hbm>>
        %dma_wait3A_505 = arith.constant 0 : i32
        %dma_wait3A_506 = arith.constant 0 : i32
        %dma_wait3A_507 = tpu.memref_slice %arg10[%dma_wait3A_494, %dma_wait3A_505, %dma_wait3A_506] : memref<6x128x64xi32, #tpu.memory_space<vmem>> -> memref<1x128x64xi32, #tpu.memory_space<vmem>>
        %dma_wait3A_508 = tpu.memref_squeeze %dma_wait3A_507 : memref<1x128x64xi32, #tpu.memory_space<vmem>> -> memref<128x64xi32, #tpu.memory_space<vmem>>
        tpu.wait_dma2 semaphore(%arg21 : memref<!tpu.dma_semaphore, #tpu.memory_space<semaphore_mem>>) src(%dma_wait3A_508 : memref<128x64xi32, #tpu.memory_space<vmem>>) dst(%dma_wait3A_504 : memref<128x64xi32, #tpu.memory_space<hbm>>)
      } else {
      }
      %mul3A_265 = arith.constant 6 : i32
      %mul3A_266 = arith.muli %scan3A_202, %mul3A_265 : i32
      %add3A_267 = arith.constant 3 : i32
      %add3A_268 = arith.addi %mul3A_266, %add3A_267 : i32
      %mul3A_269 = arith.constant 128 : i32
      %mul3A_270 = arith.muli %add3A_268, %mul3A_269 : i32
      %dma_start3A_271 = arith.constant 3 : i32
      %dma_start3A_272 = arith.constant 0 : i32
      %dma_start3A_273 = arith.constant 0 : i32
      %dma_start3A_274 = tpu.memref_slice %arg10[%dma_start3A_271, %dma_start3A_272, %dma_start3A_273] : memref<6x128x64xi32, #tpu.memory_space<vmem>> -> memref<1x128x64xi32, #tpu.memory_space<vmem>>
      %dma_start3A_275 = tpu.memref_squeeze %dma_start3A_274 : memref<1x128x64xi32, #tpu.memory_space<vmem>> -> memref<128x64xi32, #tpu.memory_space<vmem>>
      %dma_start3A_276 = tpu.memref_slice %arg8[%mul3A_270] : memref<11520xi32, #tpu.memory_space<vmem>> -> memref<128xi32, #tpu.memory_space<vmem>>
      %dma_start3A_277 = arith.constant 0 : i32
      %dma_start3A_278 = arith.constant 0 : i32
      %dma_start3A_279 = tpu.memref_slice %arg4[%dma_start3A_277, %dma_start3A_278] : memref<100000x64xi32, #tpu.memory_space<hbm>> -> memref<100000x64xi32, #tpu.memory_space<hbm>>
      tpu.enqueue_indirect_dma source(%dma_start3A_279 : memref<100000x64xi32, #tpu.memory_space<hbm>>) target(%dma_start3A_275 : memref<128x64xi32, #tpu.memory_space<vmem>>) offsets(%dma_start3A_276 : memref<128xi32, #tpu.memory_space<vmem>>) semaphore(%arg15 : memref<!tpu.dma_semaphore, #tpu.memory_space<semaphore_mem>>)
      %gt3A_280 = arith.constant 0 : i32
      %gt3A_281 = arith.cmpi sgt, %scan3A_202, %gt3A_280 : i32
      %convert_element_type3A_282 = arith.extui %gt3A_281 : i1 to i32
      %cond3A_283 = arith.constant 0 : i32
      %cond3A_284 = arith.cmpi ne, %convert_element_type3A_282, %cond3A_283 : i32
      scf.if %cond3A_284 {
        %dma_wait3A_494 = arith.constant 4 : i32
        %dma_wait3A_495 = arith.constant 0 : i32
        %dma_wait3A_496 = arith.constant 0 : i32
        %dma_wait3A_497 = tpu.memref_slice %arg10[%dma_wait3A_494, %dma_wait3A_495, %dma_wait3A_496] : memref<6x128x64xi32, #tpu.memory_space<vmem>> -> memref<1x128x64xi32, #tpu.memory_space<vmem>>
        %dma_wait3A_498 = tpu.memref_squeeze %dma_wait3A_497 : memref<1x128x64xi32, #tpu.memory_space<vmem>> -> memref<128x64xi32, #tpu.memory_space<vmem>>
        %dma_wait3A_499 = arith.constant 0 : i32
        %dma_wait3A_500 = arith.constant 0 : i32
        %dma_wait3A_501 = tpu.memref_slice %arg6[%dma_wait3A_499, %dma_wait3A_500] : memref<368640x64xi32, #tpu.memory_space<hbm>> -> memref<128x64xi32, #tpu.memory_space<hbm>>
        %dma_wait3A_502 = arith.constant 0 : i32
        %dma_wait3A_503 = arith.constant 0 : i32
        %dma_wait3A_504 = tpu.memref_slice %arg6[%dma_wait3A_502, %dma_wait3A_503] : memref<368640x64xi32, #tpu.memory_space<hbm>> -> memref<128x64xi32, #tpu.memory_space<hbm>>
        %dma_wait3A_505 = arith.constant 0 : i32
        %dma_wait3A_506 = arith.constant 0 : i32
        %dma_wait3A_507 = tpu.memref_slice %arg10[%dma_wait3A_494, %dma_wait3A_505, %dma_wait3A_506] : memref<6x128x64xi32, #tpu.memory_space<vmem>> -> memref<1x128x64xi32, #tpu.memory_space<vmem>>
        %dma_wait3A_508 = tpu.memref_squeeze %dma_wait3A_507 : memref<1x128x64xi32, #tpu.memory_space<vmem>> -> memref<128x64xi32, #tpu.memory_space<vmem>>
        tpu.wait_dma2 semaphore(%arg22 : memref<!tpu.dma_semaphore, #tpu.memory_space<semaphore_mem>>) src(%dma_wait3A_508 : memref<128x64xi32, #tpu.memory_space<vmem>>) dst(%dma_wait3A_504 : memref<128x64xi32, #tpu.memory_space<hbm>>)
      } else {
      }
      %mul3A_285 = arith.constant 6 : i32
      %mul3A_286 = arith.muli %scan3A_202, %mul3A_285 : i32
      %add3A_287 = arith.constant 4 : i32
      %add3A_288 = arith.addi %mul3A_286, %add3A_287 : i32
      %mul3A_289 = arith.constant 128 : i32
      %mul3A_290 = arith.muli %add3A_288, %mul3A_289 : i32
      %dma_start3A_291 = arith.constant 4 : i32
      %dma_start3A_292 = arith.constant 0 : i32
      %dma_start3A_293 = arith.constant 0 : i32
      %dma_start3A_294 = tpu.memref_slice %arg10[%dma_start3A_291, %dma_start3A_292, %dma_start3A_293] : memref<6x128x64xi32, #tpu.memory_space<vmem>> -> memref<1x128x64xi32, #tpu.memory_space<vmem>>
      %dma_start3A_295 = tpu.memref_squeeze %dma_start3A_294 : memref<1x128x64xi32, #tpu.memory_space<vmem>> -> memref<128x64xi32, #tpu.memory_space<vmem>>
      %dma_start3A_296 = tpu.memref_slice %arg8[%mul3A_290] : memref<11520xi32, #tpu.memory_space<vmem>> -> memref<128xi32, #tpu.memory_space<vmem>>
      %dma_start3A_297 = arith.constant 0 : i32
      %dma_start3A_298 = arith.constant 0 : i32
      %dma_start3A_299 = tpu.memref_slice %arg4[%dma_start3A_297, %dma_start3A_298] : memref<100000x64xi32, #tpu.memory_space<hbm>> -> memref<100000x64xi32, #tpu.memory_space<hbm>>
      tpu.enqueue_indirect_dma source(%dma_start3A_299 : memref<100000x64xi32, #tpu.memory_space<hbm>>) target(%dma_start3A_295 : memref<128x64xi32, #tpu.memory_space<vmem>>) offsets(%dma_start3A_296 : memref<128xi32, #tpu.memory_space<vmem>>) semaphore(%arg16 : memref<!tpu.dma_semaphore, #tpu.memory_space<semaphore_mem>>)
      %gt3A_300 = arith.constant 0 : i32
      %gt3A_301 = arith.cmpi sgt, %scan3A_202, %gt3A_300 : i32
      %convert_element_type3A_302 = arith.extui %gt3A_301 : i1 to i32
      %cond3A_303 = arith.constant 0 : i32
      %cond3A_304 = arith.cmpi ne, %convert_element_type3A_302, %cond3A_303 : i32
      scf.if %cond3A_304 {
        %dma_wait3A_494 = arith.constant 5 : i32
        %dma_wait3A_495 = arith.constant 0 : i32
        %dma_wait3A_496 = arith.constant 0 : i32
        %dma_wait3A_497 = tpu.memref_slice %arg10[%dma_wait3A_494, %dma_wait3A_495, %dma_wait3A_496] : memref<6x128x64xi32, #tpu.memory_space<vmem>> -> memref<1x128x64xi32, #tpu.memory_space<vmem>>
        %dma_wait3A_498 = tpu.memref_squeeze %dma_wait3A_497 : memref<1x128x64xi32, #tpu.memory_space<vmem>> -> memref<128x64xi32, #tpu.memory_space<vmem>>
        %dma_wait3A_499 = arith.constant 0 : i32
        %dma_wait3A_500 = arith.constant 0 : i32
        %dma_wait3A_501 = tpu.memref_slice %arg6[%dma_wait3A_499, %dma_wait3A_500] : memref<368640x64xi32, #tpu.memory_space<hbm>> -> memref<128x64xi32, #tpu.memory_space<hbm>>
        %dma_wait3A_502 = arith.constant 0 : i32
        %dma_wait3A_503 = arith.constant 0 : i32
        %dma_wait3A_504 = tpu.memref_slice %arg6[%dma_wait3A_502, %dma_wait3A_503] : memref<368640x64xi32, #tpu.memory_space<hbm>> -> memref<128x64xi32, #tpu.memory_space<hbm>>
        %dma_wait3A_505 = arith.constant 0 : i32
        %dma_wait3A_506 = arith.constant 0 : i32
        %dma_wait3A_507 = tpu.memref_slice %arg10[%dma_wait3A_494, %dma_wait3A_505, %dma_wait3A_506] : memref<6x128x64xi32, #tpu.memory_space<vmem>> -> memref<1x128x64xi32, #tpu.memory_space<vmem>>
        %dma_wait3A_508 = tpu.memref_squeeze %dma_wait3A_507 : memref<1x128x64xi32, #tpu.memory_space<vmem>> -> memref<128x64xi32, #tpu.memory_space<vmem>>
        tpu.wait_dma2 semaphore(%arg23 : memref<!tpu.dma_semaphore, #tpu.memory_space<semaphore_mem>>) src(%dma_wait3A_508 : memref<128x64xi32, #tpu.memory_space<vmem>>) dst(%dma_wait3A_504 : memref<128x64xi32, #tpu.memory_space<hbm>>)
      } else {
      }
      %mul3A_305 = arith.constant 6 : i32
      %mul3A_306 = arith.muli %scan3A_202, %mul3A_305 : i32
      %add3A_307 = arith.constant 5 : i32
      %add3A_308 = arith.addi %mul3A_306, %add3A_307 : i32
      %mul3A_309 = arith.constant 128 : i32
      %mul3A_310 = arith.muli %add3A_308, %mul3A_309 : i32
      %dma_start3A_311 = arith.constant 5 : i32
      %dma_start3A_312 = arith.constant 0 : i32
      %dma_start3A_313 = arith.constant 0 : i32
      %dma_start3A_314 = tpu.memref_slice %arg10[%dma_start3A_311, %dma_start3A_312, %dma_start3A_313] : memref<6x128x64xi32, #tpu.memory_space<vmem>> -> memref<1x128x64xi32, #tpu.memory_space<vmem>>
      %dma_start3A_315 = tpu.memref_squeeze %dma_start3A_314 : memref<1x128x64xi32, #tpu.memory_space<vmem>> -> memref<128x64xi32, #tpu.memory_space<vmem>>
      %dma_start3A_316 = tpu.memref_slice %arg8[%mul3A_310] : memref<11520xi32, #tpu.memory_space<vmem>> -> memref<128xi32, #tpu.memory_space<vmem>>
      %dma_start3A_317 = arith.constant 0 : i32
      %dma_start3A_318 = arith.constant 0 : i32
      %dma_start3A_319 = tpu.memref_slice %arg4[%dma_start3A_317, %dma_start3A_318] : memref<100000x64xi32, #tpu.memory_space<hbm>> -> memref<100000x64xi32, #tpu.memory_space<hbm>>
      tpu.enqueue_indirect_dma source(%dma_start3A_319 : memref<100000x64xi32, #tpu.memory_space<hbm>>) target(%dma_start3A_315 : memref<128x64xi32, #tpu.memory_space<vmem>>) offsets(%dma_start3A_316 : memref<128xi32, #tpu.memory_space<vmem>>) semaphore(%arg17 : memref<!tpu.dma_semaphore, #tpu.memory_space<semaphore_mem>>)
      %dma_wait3A_320 = arith.constant 0 : i32
      %dma_wait3A_321 = arith.constant 0 : i32
      %dma_wait3A_322 = arith.constant 0 : i32
      %dma_wait3A_323 = tpu.memref_slice %arg10[%dma_wait3A_320, %dma_wait3A_321, %dma_wait3A_322] : memref<6x128x64xi32, #tpu.memory_space<vmem>> -> memref<1x128x64xi32, #tpu.memory_space<vmem>>
      %dma_wait3A_324 = tpu.memref_squeeze %dma_wait3A_323 : memref<1x128x64xi32, #tpu.memory_space<vmem>> -> memref<128x64xi32, #tpu.memory_space<vmem>>
      %dma_wait3A_325 = tpu.memref_slice %arg8[%mul3A_210] : memref<11520xi32, #tpu.memory_space<vmem>> -> memref<128xi32, #tpu.memory_space<vmem>>
      %dma_wait3A_326 = arith.constant 0 : i32
      %dma_wait3A_327 = arith.constant 0 : i32
      %dma_wait3A_328 = tpu.memref_slice %arg4[%dma_wait3A_326, %dma_wait3A_327] : memref<100000x64xi32, #tpu.memory_space<hbm>> -> memref<100000x64xi32, #tpu.memory_space<hbm>>
      tpu.wait_indirect_dma semaphore(%arg12 : memref<!tpu.dma_semaphore, #tpu.memory_space<semaphore_mem>>) src(%dma_wait3A_328 : memref<100000x64xi32, #tpu.memory_space<hbm>>) dst(%dma_wait3A_324 : memref<128x64xi32, #tpu.memory_space<vmem>>)
      %mul3A_329 = arith.constant 6 : i32
      %mul3A_330 = arith.muli %scan3A_202, %mul3A_329 : i32
      %add3A_331 = arith.constant 0 : i32
      %add3A_332 = arith.addi %mul3A_330, %add3A_331 : i32
      %mul3A_333 = arith.constant 128 : i32
      %mul3A_334 = arith.muli %add3A_332, %mul3A_333 : i32
      %add3A_335 = arith.addi %mul3A_4, %mul3A_334 : i32
      %dma_start3A_336 = arith.constant 0 : i32
      %dma_start3A_337 = arith.constant 0 : i32
      %dma_start3A_338 = arith.constant 0 : i32
      %dma_start3A_339 = tpu.memref_slice %arg10[%dma_start3A_336, %dma_start3A_337, %dma_start3A_338] : memref<6x128x64xi32, #tpu.memory_space<vmem>> -> memref<1x128x64xi32, #tpu.memory_space<vmem>>
      %dma_start3A_340 = tpu.memref_squeeze %dma_start3A_339 : memref<1x128x64xi32, #tpu.memory_space<vmem>> -> memref<128x64xi32, #tpu.memory_space<vmem>>
      %dma_start3A_341 = arith.constant 0 : i32
      %dma_start3A_342 = tpu.memref_slice %arg6[%add3A_335, %dma_start3A_341] : memref<368640x64xi32, #tpu.memory_space<hbm>> -> memref<128x64xi32, #tpu.memory_space<hbm>>
      %dma_start3A_343 = arith.constant 0 : i32
      %dma_start3A_344 = tpu.memref_slice %arg6[%add3A_335, %dma_start3A_343] : memref<368640x64xi32, #tpu.memory_space<hbm>> -> memref<128x64xi32, #tpu.memory_space<hbm>>
      %dma_start3A_345 = arith.constant 0 : i32
      %dma_start3A_346 = arith.constant 0 : i32
      %dma_start3A_347 = tpu.memref_slice %arg10[%dma_start3A_336, %dma_start3A_345, %dma_start3A_346] : memref<6x128x64xi32, #tpu.memory_space<vmem>> -> memref<1x128x64xi32, #tpu.memory_space<vmem>>
      %dma_start3A_348 = tpu.memref_squeeze %dma_start3A_347 : memref<1x128x64xi32, #tpu.memory_space<vmem>> -> memref<128x64xi32, #tpu.memory_space<vmem>>
      tpu.enqueue_dma source(%dma_start3A_348 : memref<128x64xi32, #tpu.memory_space<vmem>>) target(%dma_start3A_344 : memref<128x64xi32, #tpu.memory_space<hbm>>) target_semaphore(%arg18 : memref<!tpu.dma_semaphore, #tpu.memory_space<semaphore_mem>>)
      %dma_wait3A_349 = arith.constant 1 : i32
      %dma_wait3A_350 = arith.constant 0 : i32
      %dma_wait3A_351 = arith.constant 0 : i32
      %dma_wait3A_352 = tpu.memref_slice %arg10[%dma_wait3A_349, %dma_wait3A_350, %dma_wait3A_351] : memref<6x128x64xi32, #tpu.memory_space<vmem>> -> memref<1x128x64xi32, #tpu.memory_space<vmem>>
      %dma_wait3A_353 = tpu.memref_squeeze %dma_wait3A_352 : memref<1x128x64xi32, #tpu.memory_space<vmem>> -> memref<128x64xi32, #tpu.memory_space<vmem>>
      %dma_wait3A_354 = tpu.memref_slice %arg8[%mul3A_230] : memref<11520xi32, #tpu.memory_space<vmem>> -> memref<128xi32, #tpu.memory_space<vmem>>
      %dma_wait3A_355 = arith.constant 0 : i32
      %dma_wait3A_356 = arith.constant 0 : i32
      %dma_wait3A_357 = tpu.memref_slice %arg4[%dma_wait3A_355, %dma_wait3A_356] : memref<100000x64xi32, #tpu.memory_space<hbm>> -> memref<100000x64xi32, #tpu.memory_space<hbm>>
      tpu.wait_indirect_dma semaphore(%arg13 : memref<!tpu.dma_semaphore, #tpu.memory_space<semaphore_mem>>) src(%dma_wait3A_357 : memref<100000x64xi32, #tpu.memory_space<hbm>>) dst(%dma_wait3A_353 : memref<128x64xi32, #tpu.memory_space<vmem>>)
      %mul3A_358 = arith.constant 6 : i32
      %mul3A_359 = arith.muli %scan3A_202, %mul3A_358 : i32
      %add3A_360 = arith.constant 1 : i32
      %add3A_361 = arith.addi %mul3A_359, %add3A_360 : i32
      %mul3A_362 = arith.constant 128 : i32
      %mul3A_363 = arith.muli %add3A_361, %mul3A_362 : i32
      %add3A_364 = arith.addi %mul3A_4, %mul3A_363 : i32
      %dma_start3A_365 = arith.constant 1 : i32
      %dma_start3A_366 = arith.constant 0 : i32
      %dma_start3A_367 = arith.constant 0 : i32
      %dma_start3A_368 = tpu.memref_slice %arg10[%dma_start3A_365, %dma_start3A_366, %dma_start3A_367] : memref<6x128x64xi32, #tpu.memory_space<vmem>> -> memref<1x128x64xi32, #tpu.memory_space<vmem>>
      %dma_start3A_369 = tpu.memref_squeeze %dma_start3A_368 : memref<1x128x64xi32, #tpu.memory_space<vmem>> -> memref<128x64xi32, #tpu.memory_space<vmem>>
      %dma_start3A_370 = arith.constant 0 : i32
      %dma_start3A_371 = tpu.memref_slice %arg6[%add3A_364, %dma_start3A_370] : memref<368640x64xi32, #tpu.memory_space<hbm>> -> memref<128x64xi32, #tpu.memory_space<hbm>>
      %dma_start3A_372 = arith.constant 0 : i32
      %dma_start3A_373 = tpu.memref_slice %arg6[%add3A_364, %dma_start3A_372] : memref<368640x64xi32, #tpu.memory_space<hbm>> -> memref<128x64xi32, #tpu.memory_space<hbm>>
      %dma_start3A_374 = arith.constant 0 : i32
      %dma_start3A_375 = arith.constant 0 : i32
      %dma_start3A_376 = tpu.memref_slice %arg10[%dma_start3A_365, %dma_start3A_374, %dma_start3A_375] : memref<6x128x64xi32, #tpu.memory_space<vmem>> -> memref<1x128x64xi32, #tpu.memory_space<vmem>>
      %dma_start3A_377 = tpu.memref_squeeze %dma_start3A_376 : memref<1x128x64xi32, #tpu.memory_space<vmem>> -> memref<128x64xi32, #tpu.memory_space<vmem>>
      tpu.enqueue_dma source(%dma_start3A_377 : memref<128x64xi32, #tpu.memory_space<vmem>>) target(%dma_start3A_373 : memref<128x64xi32, #tpu.memory_space<hbm>>) target_semaphore(%arg19 : memref<!tpu.dma_semaphore, #tpu.memory_space<semaphore_mem>>)
      %dma_wait3A_378 = arith.constant 2 : i32
      %dma_wait3A_379 = arith.constant 0 : i32
      %dma_wait3A_380 = arith.constant 0 : i32
      %dma_wait3A_381 = tpu.memref_slice %arg10[%dma_wait3A_378, %dma_wait3A_379, %dma_wait3A_380] : memref<6x128x64xi32, #tpu.memory_space<vmem>> -> memref<1x128x64xi32, #tpu.memory_space<vmem>>
      %dma_wait3A_382 = tpu.memref_squeeze %dma_wait3A_381 : memref<1x128x64xi32, #tpu.memory_space<vmem>> -> memref<128x64xi32, #tpu.memory_space<vmem>>
      %dma_wait3A_383 = tpu.memref_slice %arg8[%mul3A_250] : memref<11520xi32, #tpu.memory_space<vmem>> -> memref<128xi32, #tpu.memory_space<vmem>>
      %dma_wait3A_384 = arith.constant 0 : i32
      %dma_wait3A_385 = arith.constant 0 : i32
      %dma_wait3A_386 = tpu.memref_slice %arg4[%dma_wait3A_384, %dma_wait3A_385] : memref<100000x64xi32, #tpu.memory_space<hbm>> -> memref<100000x64xi32, #tpu.memory_space<hbm>>
      tpu.wait_indirect_dma semaphore(%arg14 : memref<!tpu.dma_semaphore, #tpu.memory_space<semaphore_mem>>) src(%dma_wait3A_386 : memref<100000x64xi32, #tpu.memory_space<hbm>>) dst(%dma_wait3A_382 : memref<128x64xi32, #tpu.memory_space<vmem>>)
      %mul3A_387 = arith.constant 6 : i32
      %mul3A_388 = arith.muli %scan3A_202, %mul3A_387 : i32
      %add3A_389 = arith.constant 2 : i32
      %add3A_390 = arith.addi %mul3A_388, %add3A_389 : i32
      %mul3A_391 = arith.constant 128 : i32
      %mul3A_392 = arith.muli %add3A_390, %mul3A_391 : i32
      %add3A_393 = arith.addi %mul3A_4, %mul3A_392 : i32
      %dma_start3A_394 = arith.constant 2 : i32
      %dma_start3A_395 = arith.constant 0 : i32
      %dma_start3A_396 = arith.constant 0 : i32
      %dma_start3A_397 = tpu.memref_slice %arg10[%dma_start3A_394, %dma_start3A_395, %dma_start3A_396] : memref<6x128x64xi32, #tpu.memory_space<vmem>> -> memref<1x128x64xi32, #tpu.memory_space<vmem>>
      %dma_start3A_398 = tpu.memref_squeeze %dma_start3A_397 : memref<1x128x64xi32, #tpu.memory_space<vmem>> -> memref<128x64xi32, #tpu.memory_space<vmem>>
      %dma_start3A_399 = arith.constant 0 : i32
      %dma_start3A_400 = tpu.memref_slice %arg6[%add3A_393, %dma_start3A_399] : memref<368640x64xi32, #tpu.memory_space<hbm>> -> memref<128x64xi32, #tpu.memory_space<hbm>>
      %dma_start3A_401 = arith.constant 0 : i32
      %dma_start3A_402 = tpu.memref_slice %arg6[%add3A_393, %dma_start3A_401] : memref<368640x64xi32, #tpu.memory_space<hbm>> -> memref<128x64xi32, #tpu.memory_space<hbm>>
      %dma_start3A_403 = arith.constant 0 : i32
      %dma_start3A_404 = arith.constant 0 : i32
      %dma_start3A_405 = tpu.memref_slice %arg10[%dma_start3A_394, %dma_start3A_403, %dma_start3A_404] : memref<6x128x64xi32, #tpu.memory_space<vmem>> -> memref<1x128x64xi32, #tpu.memory_space<vmem>>
      %dma_start3A_406 = tpu.memref_squeeze %dma_start3A_405 : memref<1x128x64xi32, #tpu.memory_space<vmem>> -> memref<128x64xi32, #tpu.memory_space<vmem>>
      tpu.enqueue_dma source(%dma_start3A_406 : memref<128x64xi32, #tpu.memory_space<vmem>>) target(%dma_start3A_402 : memref<128x64xi32, #tpu.memory_space<hbm>>) target_semaphore(%arg20 : memref<!tpu.dma_semaphore, #tpu.memory_space<semaphore_mem>>)
      %dma_wait3A_407 = arith.constant 3 : i32
      %dma_wait3A_408 = arith.constant 0 : i32
      %dma_wait3A_409 = arith.constant 0 : i32
      %dma_wait3A_410 = tpu.memref_slice %arg10[%dma_wait3A_407, %dma_wait3A_408, %dma_wait3A_409] : memref<6x128x64xi32, #tpu.memory_space<vmem>> -> memref<1x128x64xi32, #tpu.memory_space<vmem>>
      %dma_wait3A_411 = tpu.memref_squeeze %dma_wait3A_410 : memref<1x128x64xi32, #tpu.memory_space<vmem>> -> memref<128x64xi32, #tpu.memory_space<vmem>>
      %dma_wait3A_412 = tpu.memref_slice %arg8[%mul3A_270] : memref<11520xi32, #tpu.memory_space<vmem>> -> memref<128xi32, #tpu.memory_space<vmem>>
      %dma_wait3A_413 = arith.constant 0 : i32
      %dma_wait3A_414 = arith.constant 0 : i32
      %dma_wait3A_415 = tpu.memref_slice %arg4[%dma_wait3A_413, %dma_wait3A_414] : memref<100000x64xi32, #tpu.memory_space<hbm>> -> memref<100000x64xi32, #tpu.memory_space<hbm>>
      tpu.wait_indirect_dma semaphore(%arg15 : memref<!tpu.dma_semaphore, #tpu.memory_space<semaphore_mem>>) src(%dma_wait3A_415 : memref<100000x64xi32, #tpu.memory_space<hbm>>) dst(%dma_wait3A_411 : memref<128x64xi32, #tpu.memory_space<vmem>>)
      %mul3A_416 = arith.constant 6 : i32
      %mul3A_417 = arith.muli %scan3A_202, %mul3A_416 : i32
      %add3A_418 = arith.constant 3 : i32
      %add3A_419 = arith.addi %mul3A_417, %add3A_418 : i32
      %mul3A_420 = arith.constant 128 : i32
      %mul3A_421 = arith.muli %add3A_419, %mul3A_420 : i32
      %add3A_422 = arith.addi %mul3A_4, %mul3A_421 : i32
      %dma_start3A_423 = arith.constant 3 : i32
      %dma_start3A_424 = arith.constant 0 : i32
      %dma_start3A_425 = arith.constant 0 : i32
      %dma_start3A_426 = tpu.memref_slice %arg10[%dma_start3A_423, %dma_start3A_424, %dma_start3A_425] : memref<6x128x64xi32, #tpu.memory_space<vmem>> -> memref<1x128x64xi32, #tpu.memory_space<vmem>>
      %dma_start3A_427 = tpu.memref_squeeze %dma_start3A_426 : memref<1x128x64xi32, #tpu.memory_space<vmem>> -> memref<128x64xi32, #tpu.memory_space<vmem>>
      %dma_start3A_428 = arith.constant 0 : i32
      %dma_start3A_429 = tpu.memref_slice %arg6[%add3A_422, %dma_start3A_428] : memref<368640x64xi32, #tpu.memory_space<hbm>> -> memref<128x64xi32, #tpu.memory_space<hbm>>
      %dma_start3A_430 = arith.constant 0 : i32
      %dma_start3A_431 = tpu.memref_slice %arg6[%add3A_422, %dma_start3A_430] : memref<368640x64xi32, #tpu.memory_space<hbm>> -> memref<128x64xi32, #tpu.memory_space<hbm>>
      %dma_start3A_432 = arith.constant 0 : i32
      %dma_start3A_433 = arith.constant 0 : i32
      %dma_start3A_434 = tpu.memref_slice %arg10[%dma_start3A_423, %dma_start3A_432, %dma_start3A_433] : memref<6x128x64xi32, #tpu.memory_space<vmem>> -> memref<1x128x64xi32, #tpu.memory_space<vmem>>
      %dma_start3A_435 = tpu.memref_squeeze %dma_start3A_434 : memref<1x128x64xi32, #tpu.memory_space<vmem>> -> memref<128x64xi32, #tpu.memory_space<vmem>>
      tpu.enqueue_dma source(%dma_start3A_435 : memref<128x64xi32, #tpu.memory_space<vmem>>) target(%dma_start3A_431 : memref<128x64xi32, #tpu.memory_space<hbm>>) target_semaphore(%arg21 : memref<!tpu.dma_semaphore, #tpu.memory_space<semaphore_mem>>)
      %dma_wait3A_436 = arith.constant 4 : i32
      %dma_wait3A_437 = arith.constant 0 : i32
      %dma_wait3A_438 = arith.constant 0 : i32
      %dma_wait3A_439 = tpu.memref_slice %arg10[%dma_wait3A_436, %dma_wait3A_437, %dma_wait3A_438] : memref<6x128x64xi32, #tpu.memory_space<vmem>> -> memref<1x128x64xi32, #tpu.memory_space<vmem>>
      %dma_wait3A_440 = tpu.memref_squeeze %dma_wait3A_439 : memref<1x128x64xi32, #tpu.memory_space<vmem>> -> memref<128x64xi32, #tpu.memory_space<vmem>>
      %dma_wait3A_441 = tpu.memref_slice %arg8[%mul3A_290] : memref<11520xi32, #tpu.memory_space<vmem>> -> memref<128xi32, #tpu.memory_space<vmem>>
      %dma_wait3A_442 = arith.constant 0 : i32
      %dma_wait3A_443 = arith.constant 0 : i32
      %dma_wait3A_444 = tpu.memref_slice %arg4[%dma_wait3A_442, %dma_wait3A_443] : memref<100000x64xi32, #tpu.memory_space<hbm>> -> memref<100000x64xi32, #tpu.memory_space<hbm>>
      tpu.wait_indirect_dma semaphore(%arg16 : memref<!tpu.dma_semaphore, #tpu.memory_space<semaphore_mem>>) src(%dma_wait3A_444 : memref<100000x64xi32, #tpu.memory_space<hbm>>) dst(%dma_wait3A_440 : memref<128x64xi32, #tpu.memory_space<vmem>>)
      %mul3A_445 = arith.constant 6 : i32
      %mul3A_446 = arith.muli %scan3A_202, %mul3A_445 : i32
      %add3A_447 = arith.constant 4 : i32
      %add3A_448 = arith.addi %mul3A_446, %add3A_447 : i32
      %mul3A_449 = arith.constant 128 : i32
      %mul3A_450 = arith.muli %add3A_448, %mul3A_449 : i32
      %add3A_451 = arith.addi %mul3A_4, %mul3A_450 : i32
      %dma_start3A_452 = arith.constant 4 : i32
      %dma_start3A_453 = arith.constant 0 : i32
      %dma_start3A_454 = arith.constant 0 : i32
      %dma_start3A_455 = tpu.memref_slice %arg10[%dma_start3A_452, %dma_start3A_453, %dma_start3A_454] : memref<6x128x64xi32, #tpu.memory_space<vmem>> -> memref<1x128x64xi32, #tpu.memory_space<vmem>>
      %dma_start3A_456 = tpu.memref_squeeze %dma_start3A_455 : memref<1x128x64xi32, #tpu.memory_space<vmem>> -> memref<128x64xi32, #tpu.memory_space<vmem>>
      %dma_start3A_457 = arith.constant 0 : i32
      %dma_start3A_458 = tpu.memref_slice %arg6[%add3A_451, %dma_start3A_457] : memref<368640x64xi32, #tpu.memory_space<hbm>> -> memref<128x64xi32, #tpu.memory_space<hbm>>
      %dma_start3A_459 = arith.constant 0 : i32
      %dma_start3A_460 = tpu.memref_slice %arg6[%add3A_451, %dma_start3A_459] : memref<368640x64xi32, #tpu.memory_space<hbm>> -> memref<128x64xi32, #tpu.memory_space<hbm>>
      %dma_start3A_461 = arith.constant 0 : i32
      %dma_start3A_462 = arith.constant 0 : i32
      %dma_start3A_463 = tpu.memref_slice %arg10[%dma_start3A_452, %dma_start3A_461, %dma_start3A_462] : memref<6x128x64xi32, #tpu.memory_space<vmem>> -> memref<1x128x64xi32, #tpu.memory_space<vmem>>
      %dma_start3A_464 = tpu.memref_squeeze %dma_start3A_463 : memref<1x128x64xi32, #tpu.memory_space<vmem>> -> memref<128x64xi32, #tpu.memory_space<vmem>>
      tpu.enqueue_dma source(%dma_start3A_464 : memref<128x64xi32, #tpu.memory_space<vmem>>) target(%dma_start3A_460 : memref<128x64xi32, #tpu.memory_space<hbm>>) target_semaphore(%arg22 : memref<!tpu.dma_semaphore, #tpu.memory_space<semaphore_mem>>)
      %dma_wait3A_465 = arith.constant 5 : i32
      %dma_wait3A_466 = arith.constant 0 : i32
      %dma_wait3A_467 = arith.constant 0 : i32
      %dma_wait3A_468 = tpu.memref_slice %arg10[%dma_wait3A_465, %dma_wait3A_466, %dma_wait3A_467] : memref<6x128x64xi32, #tpu.memory_space<vmem>> -> memref<1x128x64xi32, #tpu.memory_space<vmem>>
      %dma_wait3A_469 = tpu.memref_squeeze %dma_wait3A_468 : memref<1x128x64xi32, #tpu.memory_space<vmem>> -> memref<128x64xi32, #tpu.memory_space<vmem>>
      %dma_wait3A_470 = tpu.memref_slice %arg8[%mul3A_310] : memref<11520xi32, #tpu.memory_space<vmem>> -> memref<128xi32, #tpu.memory_space<vmem>>
      %dma_wait3A_471 = arith.constant 0 : i32
      %dma_wait3A_472 = arith.constant 0 : i32
      %dma_wait3A_473 = tpu.memref_slice %arg4[%dma_wait3A_471, %dma_wait3A_472] : memref<100000x64xi32, #tpu.memory_space<hbm>> -> memref<100000x64xi32, #tpu.memory_space<hbm>>
      tpu.wait_indirect_dma semaphore(%arg17 : memref<!tpu.dma_semaphore, #tpu.memory_space<semaphore_mem>>) src(%dma_wait3A_473 : memref<100000x64xi32, #tpu.memory_space<hbm>>) dst(%dma_wait3A_469 : memref<128x64xi32, #tpu.memory_space<vmem>>)
      %mul3A_474 = arith.constant 6 : i32
      %mul3A_475 = arith.muli %scan3A_202, %mul3A_474 : i32
      %add3A_476 = arith.constant 5 : i32
      %add3A_477 = arith.addi %mul3A_475, %add3A_476 : i32
      %mul3A_478 = arith.constant 128 : i32
      %mul3A_479 = arith.muli %add3A_477, %mul3A_478 : i32
      %add3A_480 = arith.addi %mul3A_4, %mul3A_479 : i32
      %dma_start3A_481 = arith.constant 5 : i32
      %dma_start3A_482 = arith.constant 0 : i32
      %dma_start3A_483 = arith.constant 0 : i32
      %dma_start3A_484 = tpu.memref_slice %arg10[%dma_start3A_481, %dma_start3A_482, %dma_start3A_483] : memref<6x128x64xi32, #tpu.memory_space<vmem>> -> memref<1x128x64xi32, #tpu.memory_space<vmem>>
      %dma_start3A_485 = tpu.memref_squeeze %dma_start3A_484 : memref<1x128x64xi32, #tpu.memory_space<vmem>> -> memref<128x64xi32, #tpu.memory_space<vmem>>
      %dma_start3A_486 = arith.constant 0 : i32
      %dma_start3A_487 = tpu.memref_slice %arg6[%add3A_480, %dma_start3A_486] : memref<368640x64xi32, #tpu.memory_space<hbm>> -> memref<128x64xi32, #tpu.memory_space<hbm>>
      %dma_start3A_488 = arith.constant 0 : i32
      %dma_start3A_489 = tpu.memref_slice %arg6[%add3A_480, %dma_start3A_488] : memref<368640x64xi32, #tpu.memory_space<hbm>> -> memref<128x64xi32, #tpu.memory_space<hbm>>
      %dma_start3A_490 = arith.constant 0 : i32
      %dma_start3A_491 = arith.constant 0 : i32
      %dma_start3A_492 = tpu.memref_slice %arg10[%dma_start3A_481, %dma_start3A_490, %dma_start3A_491] : memref<6x128x64xi32, #tpu.memory_space<vmem>> -> memref<1x128x64xi32, #tpu.memory_space<vmem>>
      %dma_start3A_493 = tpu.memref_squeeze %dma_start3A_492 : memref<1x128x64xi32, #tpu.memory_space<vmem>> -> memref<128x64xi32, #tpu.memory_space<vmem>>
      tpu.enqueue_dma source(%dma_start3A_493 : memref<128x64xi32, #tpu.memory_space<vmem>>) target(%dma_start3A_489 : memref<128x64xi32, #tpu.memory_space<hbm>>) target_semaphore(%arg23 : memref<!tpu.dma_semaphore, #tpu.memory_space<semaphore_mem>>)
    }
    %scan3A_13 = arith.constant 15 : i32
    %dma_wait3A = arith.constant 0 : i32
    %dma_wait3A_14 = arith.constant 0 : i32
    %dma_wait3A_15 = arith.constant 0 : i32
    %dma_wait3A_16 = tpu.memref_slice %arg10[%dma_wait3A, %dma_wait3A_14, %dma_wait3A_15] : memref<6x128x64xi32, #tpu.memory_space<vmem>> -> memref<1x128x64xi32, #tpu.memory_space<vmem>>
    %dma_wait3A_17 = tpu.memref_squeeze %dma_wait3A_16 : memref<1x128x64xi32, #tpu.memory_space<vmem>> -> memref<128x64xi32, #tpu.memory_space<vmem>>
    %dma_wait3A_18 = arith.constant 0 : i32
    %dma_wait3A_19 = arith.constant 0 : i32
    %dma_wait3A_20 = tpu.memref_slice %arg6[%dma_wait3A_18, %dma_wait3A_19] : memref<368640x64xi32, #tpu.memory_space<hbm>> -> memref<128x64xi32, #tpu.memory_space<hbm>>
    %dma_wait3A_21 = arith.constant 0 : i32
    %dma_wait3A_22 = arith.constant 0 : i32
    %dma_wait3A_23 = tpu.memref_slice %arg6[%dma_wait3A_21, %dma_wait3A_22] : memref<368640x64xi32, #tpu.memory_space<hbm>> -> memref<128x64xi32, #tpu.memory_space<hbm>>
    %dma_wait3A_24 = arith.constant 0 : i32
    %dma_wait3A_25 = arith.constant 0 : i32
    %dma_wait3A_26 = tpu.memref_slice %arg10[%dma_wait3A, %dma_wait3A_24, %dma_wait3A_25] : memref<6x128x64xi32, #tpu.memory_space<vmem>> -> memref<1x128x64xi32, #tpu.memory_space<vmem>>
    %dma_wait3A_27 = tpu.memref_squeeze %dma_wait3A_26 : memref<1x128x64xi32, #tpu.memory_space<vmem>> -> memref<128x64xi32, #tpu.memory_space<vmem>>
    tpu.wait_dma2 semaphore(%arg18 : memref<!tpu.dma_semaphore, #tpu.memory_space<semaphore_mem>>) src(%dma_wait3A_27 : memref<128x64xi32, #tpu.memory_space<vmem>>) dst(%dma_wait3A_23 : memref<128x64xi32, #tpu.memory_space<hbm>>)
    %dma_wait3A_28 = arith.constant 1 : i32
    %dma_wait3A_29 = arith.constant 0 : i32
    %dma_wait3A_30 = arith.constant 0 : i32
    %dma_wait3A_31 = tpu.memref_slice %arg10[%dma_wait3A_28, %dma_wait3A_29, %dma_wait3A_30] : memref<6x128x64xi32, #tpu.memory_space<vmem>> -> memref<1x128x64xi32, #tpu.memory_space<vmem>>
    %dma_wait3A_32 = tpu.memref_squeeze %dma_wait3A_31 : memref<1x128x64xi32, #tpu.memory_space<vmem>> -> memref<128x64xi32, #tpu.memory_space<vmem>>
    %dma_wait3A_33 = arith.constant 0 : i32
    %dma_wait3A_34 = arith.constant 0 : i32
    %dma_wait3A_35 = tpu.memref_slice %arg6[%dma_wait3A_33, %dma_wait3A_34] : memref<368640x64xi32, #tpu.memory_space<hbm>> -> memref<128x64xi32, #tpu.memory_space<hbm>>
    %dma_wait3A_36 = arith.constant 0 : i32
    %dma_wait3A_37 = arith.constant 0 : i32
    %dma_wait3A_38 = tpu.memref_slice %arg6[%dma_wait3A_36, %dma_wait3A_37] : memref<368640x64xi32, #tpu.memory_space<hbm>> -> memref<128x64xi32, #tpu.memory_space<hbm>>
    %dma_wait3A_39 = arith.constant 0 : i32
    %dma_wait3A_40 = arith.constant 0 : i32
    %dma_wait3A_41 = tpu.memref_slice %arg10[%dma_wait3A_28, %dma_wait3A_39, %dma_wait3A_40] : memref<6x128x64xi32, #tpu.memory_space<vmem>> -> memref<1x128x64xi32, #tpu.memory_space<vmem>>
    %dma_wait3A_42 = tpu.memref_squeeze %dma_wait3A_41 : memref<1x128x64xi32, #tpu.memory_space<vmem>> -> memref<128x64xi32, #tpu.memory_space<vmem>>
    tpu.wait_dma2 semaphore(%arg19 : memref<!tpu.dma_semaphore, #tpu.memory_space<semaphore_mem>>) src(%dma_wait3A_42 : memref<128x64xi32, #tpu.memory_space<vmem>>) dst(%dma_wait3A_38 : memref<128x64xi32, #tpu.memory_space<hbm>>)
    %dma_wait3A_43 = arith.constant 2 : i32
    %dma_wait3A_44 = arith.constant 0 : i32
    %dma_wait3A_45 = arith.constant 0 : i32
    %dma_wait3A_46 = tpu.memref_slice %arg10[%dma_wait3A_43, %dma_wait3A_44, %dma_wait3A_45] : memref<6x128x64xi32, #tpu.memory_space<vmem>> -> memref<1x128x64xi32, #tpu.memory_space<vmem>>
    %dma_wait3A_47 = tpu.memref_squeeze %dma_wait3A_46 : memref<1x128x64xi32, #tpu.memory_space<vmem>> -> memref<128x64xi32, #tpu.memory_space<vmem>>
    %dma_wait3A_48 = arith.constant 0 : i32
    %dma_wait3A_49 = arith.constant 0 : i32
    %dma_wait3A_50 = tpu.memref_slice %arg6[%dma_wait3A_48, %dma_wait3A_49] : memref<368640x64xi32, #tpu.memory_space<hbm>> -> memref<128x64xi32, #tpu.memory_space<hbm>>
    %dma_wait3A_51 = arith.constant 0 : i32
    %dma_wait3A_52 = arith.constant 0 : i32
    %dma_wait3A_53 = tpu.memref_slice %arg6[%dma_wait3A_51, %dma_wait3A_52] : memref<368640x64xi32, #tpu.memory_space<hbm>> -> memref<128x64xi32, #tpu.memory_space<hbm>>
    %dma_wait3A_54 = arith.constant 0 : i32
    %dma_wait3A_55 = arith.constant 0 : i32
    %dma_wait3A_56 = tpu.memref_slice %arg10[%dma_wait3A_43, %dma_wait3A_54, %dma_wait3A_55] : memref<6x128x64xi32, #tpu.memory_space<vmem>> -> memref<1x128x64xi32, #tpu.memory_space<vmem>>
    %dma_wait3A_57 = tpu.memref_squeeze %dma_wait3A_56 : memref<1x128x64xi32, #tpu.memory_space<vmem>> -> memref<128x64xi32, #tpu.memory_space<vmem>>
    tpu.wait_dma2 semaphore(%arg20 : memref<!tpu.dma_semaphore, #tpu.memory_space<semaphore_mem>>) src(%dma_wait3A_57 : memref<128x64xi32, #tpu.memory_space<vmem>>) dst(%dma_wait3A_53 : memref<128x64xi32, #tpu.memory_space<hbm>>)
    %dma_wait3A_58 = arith.constant 3 : i32
    %dma_wait3A_59 = arith.constant 0 : i32
    %dma_wait3A_60 = arith.constant 0 : i32
    %dma_wait3A_61 = tpu.memref_slice %arg10[%dma_wait3A_58, %dma_wait3A_59, %dma_wait3A_60] : memref<6x128x64xi32, #tpu.memory_space<vmem>> -> memref<1x128x64xi32, #tpu.memory_space<vmem>>
    %dma_wait3A_62 = tpu.memref_squeeze %dma_wait3A_61 : memref<1x128x64xi32, #tpu.memory_space<vmem>> -> memref<128x64xi32, #tpu.memory_space<vmem>>
    %dma_wait3A_63 = arith.constant 0 : i32
    %dma_wait3A_64 = arith.constant 0 : i32
    %dma_wait3A_65 = tpu.memref_slice %arg6[%dma_wait3A_63, %dma_wait3A_64] : memref<368640x64xi32, #tpu.memory_space<hbm>> -> memref<128x64xi32, #tpu.memory_space<hbm>>
    %dma_wait3A_66 = arith.constant 0 : i32
    %dma_wait3A_67 = arith.constant 0 : i32
    %dma_wait3A_68 = tpu.memref_slice %arg6[%dma_wait3A_66, %dma_wait3A_67] : memref<368640x64xi32, #tpu.memory_space<hbm>> -> memref<128x64xi32, #tpu.memory_space<hbm>>
    %dma_wait3A_69 = arith.constant 0 : i32
    %dma_wait3A_70 = arith.constant 0 : i32
    %dma_wait3A_71 = tpu.memref_slice %arg10[%dma_wait3A_58, %dma_wait3A_69, %dma_wait3A_70] : memref<6x128x64xi32, #tpu.memory_space<vmem>> -> memref<1x128x64xi32, #tpu.memory_space<vmem>>
    %dma_wait3A_72 = tpu.memref_squeeze %dma_wait3A_71 : memref<1x128x64xi32, #tpu.memory_space<vmem>> -> memref<128x64xi32, #tpu.memory_space<vmem>>
    tpu.wait_dma2 semaphore(%arg21 : memref<!tpu.dma_semaphore, #tpu.memory_space<semaphore_mem>>) src(%dma_wait3A_72 : memref<128x64xi32, #tpu.memory_space<vmem>>) dst(%dma_wait3A_68 : memref<128x64xi32, #tpu.memory_space<hbm>>)
    %dma_wait3A_73 = arith.constant 4 : i32
    %dma_wait3A_74 = arith.constant 0 : i32
    %dma_wait3A_75 = arith.constant 0 : i32
    %dma_wait3A_76 = tpu.memref_slice %arg10[%dma_wait3A_73, %dma_wait3A_74, %dma_wait3A_75] : memref<6x128x64xi32, #tpu.memory_space<vmem>> -> memref<1x128x64xi32, #tpu.memory_space<vmem>>
    %dma_wait3A_77 = tpu.memref_squeeze %dma_wait3A_76 : memref<1x128x64xi32, #tpu.memory_space<vmem>> -> memref<128x64xi32, #tpu.memory_space<vmem>>
    %dma_wait3A_78 = arith.constant 0 : i32
    %dma_wait3A_79 = arith.constant 0 : i32
    %dma_wait3A_80 = tpu.memref_slice %arg6[%dma_wait3A_78, %dma_wait3A_79] : memref<368640x64xi32, #tpu.memory_space<hbm>> -> memref<128x64xi32, #tpu.memory_space<hbm>>
    %dma_wait3A_81 = arith.constant 0 : i32
    %dma_wait3A_82 = arith.constant 0 : i32
    %dma_wait3A_83 = tpu.memref_slice %arg6[%dma_wait3A_81, %dma_wait3A_82] : memref<368640x64xi32, #tpu.memory_space<hbm>> -> memref<128x64xi32, #tpu.memory_space<hbm>>
    %dma_wait3A_84 = arith.constant 0 : i32
    %dma_wait3A_85 = arith.constant 0 : i32
    %dma_wait3A_86 = tpu.memref_slice %arg10[%dma_wait3A_73, %dma_wait3A_84, %dma_wait3A_85] : memref<6x128x64xi32, #tpu.memory_space<vmem>> -> memref<1x128x64xi32, #tpu.memory_space<vmem>>
    %dma_wait3A_87 = tpu.memref_squeeze %dma_wait3A_86 : memref<1x128x64xi32, #tpu.memory_space<vmem>> -> memref<128x64xi32, #tpu.memory_space<vmem>>
    tpu.wait_dma2 semaphore(%arg22 : memref<!tpu.dma_semaphore, #tpu.memory_space<semaphore_mem>>) src(%dma_wait3A_87 : memref<128x64xi32, #tpu.memory_space<vmem>>) dst(%dma_wait3A_83 : memref<128x64xi32, #tpu.memory_space<hbm>>)
    %dma_wait3A_88 = arith.constant 5 : i32
    %dma_wait3A_89 = arith.constant 0 : i32
    %dma_wait3A_90 = arith.constant 0 : i32
    %dma_wait3A_91 = tpu.memref_slice %arg10[%dma_wait3A_88, %dma_wait3A_89, %dma_wait3A_90] : memref<6x128x64xi32, #tpu.memory_space<vmem>> -> memref<1x128x64xi32, #tpu.memory_space<vmem>>
    %dma_wait3A_92 = tpu.memref_squeeze %dma_wait3A_91 : memref<1x128x64xi32, #tpu.memory_space<vmem>> -> memref<128x64xi32, #tpu.memory_space<vmem>>
    %dma_wait3A_93 = arith.constant 0 : i32
    %dma_wait3A_94 = arith.constant 0 : i32
    %dma_wait3A_95 = tpu.memref_slice %arg6[%dma_wait3A_93, %dma_wait3A_94] : memref<368640x64xi32, #tpu.memory_space<hbm>> -> memref<128x64xi32, #tpu.memory_space<hbm>>
    %dma_wait3A_96 = arith.constant 0 : i32
    %dma_wait3A_97 = arith.constant 0 : i32
    %dma_wait3A_98 = tpu.memref_slice %arg6[%dma_wait3A_96, %dma_wait3A_97] : memref<368640x64xi32, #tpu.memory_space<hbm>> -> memref<128x64xi32, #tpu.memory_space<hbm>>
    %dma_wait3A_99 = arith.constant 0 : i32
    %dma_wait3A_100 = arith.constant 0 : i32
    %dma_wait3A_101 = tpu.memref_slice %arg10[%dma_wait3A_88, %dma_wait3A_99, %dma_wait3A_100] : memref<6x128x64xi32, #tpu.memory_space<vmem>> -> memref<1x128x64xi32, #tpu.memory_space<vmem>>
    %dma_wait3A_102 = tpu.memref_squeeze %dma_wait3A_101 : memref<1x128x64xi32, #tpu.memory_space<vmem>> -> memref<128x64xi32, #tpu.memory_space<vmem>>
    tpu.wait_dma2 semaphore(%arg23 : memref<!tpu.dma_semaphore, #tpu.memory_space<semaphore_mem>>) src(%dma_wait3A_102 : memref<128x64xi32, #tpu.memory_space<vmem>>) dst(%dma_wait3A_98 : memref<128x64xi32, #tpu.memory_space<hbm>>)
    %dma_start3A = arith.constant 0 : i32
    %dma_start3A_103 = arith.constant 0 : i32
    %dma_start3A_104 = arith.constant 0 : i32
    %dma_start3A_105 = tpu.memref_slice %arg11[%dma_start3A, %dma_start3A_103, %dma_start3A_104] : memref<2x128x128xf32, #tpu.memory_space<vmem>> -> memref<1x128x128xf32, #tpu.memory_space<vmem>>
    %dma_start3A_106 = tpu.memref_squeeze %dma_start3A_105 : memref<1x128x128xf32, #tpu.memory_space<vmem>> -> memref<128x128xf32, #tpu.memory_space<vmem>>
    %dma_start3A_107 = arith.constant 0 : i32
    %dma_start3A_108 = tpu.memref_slice %arg9[%dma_start3A_107] : memref<256xi32, #tpu.memory_space<vmem>> -> memref<128xi32, #tpu.memory_space<vmem>>
    %dma_start3A_109 = arith.constant 0 : i32
    %dma_start3A_110 = arith.constant 0 : i32
    %dma_start3A_111 = tpu.memref_slice %arg5[%dma_start3A_109, %dma_start3A_110] : memref<100000x128xf32, #tpu.memory_space<hbm>> -> memref<100000x128xf32, #tpu.memory_space<hbm>>
    tpu.enqueue_indirect_dma source(%dma_start3A_111 : memref<100000x128xf32, #tpu.memory_space<hbm>>) target(%dma_start3A_106 : memref<128x128xf32, #tpu.memory_space<vmem>>) offsets(%dma_start3A_108 : memref<128xi32, #tpu.memory_space<vmem>>) semaphore(%arg12 : memref<!tpu.dma_semaphore, #tpu.memory_space<semaphore_mem>>)
    %dma_start3A_112 = arith.constant 1 : i32
    %dma_start3A_113 = arith.constant 0 : i32
    %dma_start3A_114 = arith.constant 0 : i32
    %dma_start3A_115 = tpu.memref_slice %arg11[%dma_start3A_112, %dma_start3A_113, %dma_start3A_114] : memref<2x128x128xf32, #tpu.memory_space<vmem>> -> memref<1x128x128xf32, #tpu.memory_space<vmem>>
    %dma_start3A_116 = tpu.memref_squeeze %dma_start3A_115 : memref<1x128x128xf32, #tpu.memory_space<vmem>> -> memref<128x128xf32, #tpu.memory_space<vmem>>
    %dma_start3A_117 = arith.constant 128 : i32
    %dma_start3A_118 = tpu.memref_slice %arg9[%dma_start3A_117] : memref<256xi32, #tpu.memory_space<vmem>> -> memref<128xi32, #tpu.memory_space<vmem>>
    %dma_start3A_119 = arith.constant 0 : i32
    %dma_start3A_120 = arith.constant 0 : i32
    %dma_start3A_121 = tpu.memref_slice %arg5[%dma_start3A_119, %dma_start3A_120] : memref<100000x128xf32, #tpu.memory_space<hbm>> -> memref<100000x128xf32, #tpu.memory_space<hbm>>
    tpu.enqueue_indirect_dma source(%dma_start3A_121 : memref<100000x128xf32, #tpu.memory_space<hbm>>) target(%dma_start3A_116 : memref<128x128xf32, #tpu.memory_space<vmem>>) offsets(%dma_start3A_118 : memref<128xi32, #tpu.memory_space<vmem>>) semaphore(%arg13 : memref<!tpu.dma_semaphore, #tpu.memory_space<semaphore_mem>>)
    %dma_wait3A_122 = arith.constant 0 : i32
    %dma_wait3A_123 = arith.constant 0 : i32
    %dma_wait3A_124 = arith.constant 0 : i32
    %dma_wait3A_125 = tpu.memref_slice %arg11[%dma_wait3A_122, %dma_wait3A_123, %dma_wait3A_124] : memref<2x128x128xf32, #tpu.memory_space<vmem>> -> memref<1x128x128xf32, #tpu.memory_space<vmem>>
    %dma_wait3A_126 = tpu.memref_squeeze %dma_wait3A_125 : memref<1x128x128xf32, #tpu.memory_space<vmem>> -> memref<128x128xf32, #tpu.memory_space<vmem>>
    %dma_wait3A_127 = arith.constant 0 : i32
    %dma_wait3A_128 = tpu.memref_slice %arg9[%dma_wait3A_127] : memref<256xi32, #tpu.memory_space<vmem>> -> memref<128xi32, #tpu.memory_space<vmem>>
    %dma_wait3A_129 = arith.constant 0 : i32
    %dma_wait3A_130 = arith.constant 0 : i32
    %dma_wait3A_131 = tpu.memref_slice %arg5[%dma_wait3A_129, %dma_wait3A_130] : memref<100000x128xf32, #tpu.memory_space<hbm>> -> memref<100000x128xf32, #tpu.memory_space<hbm>>
    tpu.wait_indirect_dma semaphore(%arg12 : memref<!tpu.dma_semaphore, #tpu.memory_space<semaphore_mem>>) src(%dma_wait3A_131 : memref<100000x128xf32, #tpu.memory_space<hbm>>) dst(%dma_wait3A_126 : memref<128x128xf32, #tpu.memory_space<vmem>>)
    %add3A_132 = arith.constant 0 : i32
    %add3A_133 = arith.addi %mul3A_8, %add3A_132 : i32
    %dma_start3A_134 = arith.constant 0 : i32
    %dma_start3A_135 = arith.constant 0 : i32
    %dma_start3A_136 = arith.constant 0 : i32
    %dma_start3A_137 = tpu.memref_slice %arg11[%dma_start3A_134, %dma_start3A_135, %dma_start3A_136] : memref<2x128x128xf32, #tpu.memory_space<vmem>> -> memref<1x128x128xf32, #tpu.memory_space<vmem>>
    %dma_start3A_138 = tpu.memref_squeeze %dma_start3A_137 : memref<1x128x128xf32, #tpu.memory_space<vmem>> -> memref<128x128xf32, #tpu.memory_space<vmem>>
    %dma_start3A_139 = arith.constant 0 : i32
    %dma_start3A_140 = tpu.memref_slice %arg7[%add3A_133, %dma_start3A_139] : memref<8192x128xf32, #tpu.memory_space<hbm>> -> memref<128x128xf32, #tpu.memory_space<hbm>>
    %dma_start3A_141 = arith.constant 0 : i32
    %dma_start3A_142 = tpu.memref_slice %arg7[%add3A_133, %dma_start3A_141] : memref<8192x128xf32, #tpu.memory_space<hbm>> -> memref<128x128xf32, #tpu.memory_space<hbm>>
    %dma_start3A_143 = arith.constant 0 : i32
    %dma_start3A_144 = arith.constant 0 : i32
    %dma_start3A_145 = tpu.memref_slice %arg11[%dma_start3A_134, %dma_start3A_143, %dma_start3A_144] : memref<2x128x128xf32, #tpu.memory_space<vmem>> -> memref<1x128x128xf32, #tpu.memory_space<vmem>>
    %dma_start3A_146 = tpu.memref_squeeze %dma_start3A_145 : memref<1x128x128xf32, #tpu.memory_space<vmem>> -> memref<128x128xf32, #tpu.memory_space<vmem>>
    tpu.enqueue_dma source(%dma_start3A_146 : memref<128x128xf32, #tpu.memory_space<vmem>>) target(%dma_start3A_142 : memref<128x128xf32, #tpu.memory_space<hbm>>) target_semaphore(%arg18 : memref<!tpu.dma_semaphore, #tpu.memory_space<semaphore_mem>>)
    %dma_wait3A_147 = arith.constant 1 : i32
    %dma_wait3A_148 = arith.constant 0 : i32
    %dma_wait3A_149 = arith.constant 0 : i32
    %dma_wait3A_150 = tpu.memref_slice %arg11[%dma_wait3A_147, %dma_wait3A_148, %dma_wait3A_149] : memref<2x128x128xf32, #tpu.memory_space<vmem>> -> memref<1x128x128xf32, #tpu.memory_space<vmem>>
    %dma_wait3A_151 = tpu.memref_squeeze %dma_wait3A_150 : memref<1x128x128xf32, #tpu.memory_space<vmem>> -> memref<128x128xf32, #tpu.memory_space<vmem>>
    %dma_wait3A_152 = arith.constant 128 : i32
    %dma_wait3A_153 = tpu.memref_slice %arg9[%dma_wait3A_152] : memref<256xi32, #tpu.memory_space<vmem>> -> memref<128xi32, #tpu.memory_space<vmem>>
    %dma_wait3A_154 = arith.constant 0 : i32
    %dma_wait3A_155 = arith.constant 0 : i32
    %dma_wait3A_156 = tpu.memref_slice %arg5[%dma_wait3A_154, %dma_wait3A_155] : memref<100000x128xf32, #tpu.memory_space<hbm>> -> memref<100000x128xf32, #tpu.memory_space<hbm>>
    tpu.wait_indirect_dma semaphore(%arg13 : memref<!tpu.dma_semaphore, #tpu.memory_space<semaphore_mem>>) src(%dma_wait3A_156 : memref<100000x128xf32, #tpu.memory_space<hbm>>) dst(%dma_wait3A_151 : memref<128x128xf32, #tpu.memory_space<vmem>>)
    %add3A_157 = arith.constant 128 : i32
    %add3A_158 = arith.addi %mul3A_8, %add3A_157 : i32
    %dma_start3A_159 = arith.constant 1 : i32
    %dma_start3A_160 = arith.constant 0 : i32
    %dma_start3A_161 = arith.constant 0 : i32
    %dma_start3A_162 = tpu.memref_slice %arg11[%dma_start3A_159, %dma_start3A_160, %dma_start3A_161] : memref<2x128x128xf32, #tpu.memory_space<vmem>> -> memref<1x128x128xf32, #tpu.memory_space<vmem>>
    %dma_start3A_163 = tpu.memref_squeeze %dma_start3A_162 : memref<1x128x128xf32, #tpu.memory_space<vmem>> -> memref<128x128xf32, #tpu.memory_space<vmem>>
    %dma_start3A_164 = arith.constant 0 : i32
    %dma_start3A_165 = tpu.memref_slice %arg7[%add3A_158, %dma_start3A_164] : memref<8192x128xf32, #tpu.memory_space<hbm>> -> memref<128x128xf32, #tpu.memory_space<hbm>>
    %dma_start3A_166 = arith.constant 0 : i32
    %dma_start3A_167 = tpu.memref_slice %arg7[%add3A_158, %dma_start3A_166] : memref<8192x128xf32, #tpu.memory_space<hbm>> -> memref<128x128xf32, #tpu.memory_space<hbm>>
    %dma_start3A_168 = arith.constant 0 : i32
    %dma_start3A_169 = arith.constant 0 : i32
    %dma_start3A_170 = tpu.memref_slice %arg11[%dma_start3A_159, %dma_start3A_168, %dma_start3A_169] : memref<2x128x128xf32, #tpu.memory_space<vmem>> -> memref<1x128x128xf32, #tpu.memory_space<vmem>>
    %dma_start3A_171 = tpu.memref_squeeze %dma_start3A_170 : memref<1x128x128xf32, #tpu.memory_space<vmem>> -> memref<128x128xf32, #tpu.memory_space<vmem>>
    tpu.enqueue_dma source(%dma_start3A_171 : memref<128x128xf32, #tpu.memory_space<vmem>>) target(%dma_start3A_167 : memref<128x128xf32, #tpu.memory_space<hbm>>) target_semaphore(%arg19 : memref<!tpu.dma_semaphore, #tpu.memory_space<semaphore_mem>>)
    %dma_wait3A_172 = arith.constant 0 : i32
    %dma_wait3A_173 = arith.constant 0 : i32
    %dma_wait3A_174 = arith.constant 0 : i32
    %dma_wait3A_175 = tpu.memref_slice %arg11[%dma_wait3A_172, %dma_wait3A_173, %dma_wait3A_174] : memref<2x128x128xf32, #tpu.memory_space<vmem>> -> memref<1x128x128xf32, #tpu.memory_space<vmem>>
    %dma_wait3A_176 = tpu.memref_squeeze %dma_wait3A_175 : memref<1x128x128xf32, #tpu.memory_space<vmem>> -> memref<128x128xf32, #tpu.memory_space<vmem>>
    %dma_wait3A_177 = arith.constant 0 : i32
    %dma_wait3A_178 = arith.constant 0 : i32
    %dma_wait3A_179 = tpu.memref_slice %arg7[%dma_wait3A_177, %dma_wait3A_178] : memref<8192x128xf32, #tpu.memory_space<hbm>> -> memref<128x128xf32, #tpu.memory_space<hbm>>
    %dma_wait3A_180 = arith.constant 0 : i32
    %dma_wait3A_181 = arith.constant 0 : i32
    %dma_wait3A_182 = tpu.memref_slice %arg7[%dma_wait3A_180, %dma_wait3A_181] : memref<8192x128xf32, #tpu.memory_space<hbm>> -> memref<128x128xf32, #tpu.memory_space<hbm>>
    %dma_wait3A_183 = arith.constant 0 : i32
    %dma_wait3A_184 = arith.constant 0 : i32
    %dma_wait3A_185 = tpu.memref_slice %arg11[%dma_wait3A_172, %dma_wait3A_183, %dma_wait3A_184] : memref<2x128x128xf32, #tpu.memory_space<vmem>> -> memref<1x128x128xf32, #tpu.memory_space<vmem>>
    %dma_wait3A_186 = tpu.memref_squeeze %dma_wait3A_185 : memref<1x128x128xf32, #tpu.memory_space<vmem>> -> memref<128x128xf32, #tpu.memory_space<vmem>>
    tpu.wait_dma2 semaphore(%arg18 : memref<!tpu.dma_semaphore, #tpu.memory_space<semaphore_mem>>) src(%dma_wait3A_186 : memref<128x128xf32, #tpu.memory_space<vmem>>) dst(%dma_wait3A_182 : memref<128x128xf32, #tpu.memory_space<hbm>>)
    %dma_wait3A_187 = arith.constant 1 : i32
    %dma_wait3A_188 = arith.constant 0 : i32
    %dma_wait3A_189 = arith.constant 0 : i32
    %dma_wait3A_190 = tpu.memref_slice %arg11[%dma_wait3A_187, %dma_wait3A_188, %dma_wait3A_189] : memref<2x128x128xf32, #tpu.memory_space<vmem>> -> memref<1x128x128xf32, #tpu.memory_space<vmem>>
    %dma_wait3A_191 = tpu.memref_squeeze %dma_wait3A_190 : memref<1x128x128xf32, #tpu.memory_space<vmem>> -> memref<128x128xf32, #tpu.memory_space<vmem>>
    %dma_wait3A_192 = arith.constant 0 : i32
    %dma_wait3A_193 = arith.constant 0 : i32
    %dma_wait3A_194 = tpu.memref_slice %arg7[%dma_wait3A_192, %dma_wait3A_193] : memref<8192x128xf32, #tpu.memory_space<hbm>> -> memref<128x128xf32, #tpu.memory_space<hbm>>
    %dma_wait3A_195 = arith.constant 0 : i32
    %dma_wait3A_196 = arith.constant 0 : i32
    %dma_wait3A_197 = tpu.memref_slice %arg7[%dma_wait3A_195, %dma_wait3A_196] : memref<8192x128xf32, #tpu.memory_space<hbm>> -> memref<128x128xf32, #tpu.memory_space<hbm>>
    %dma_wait3A_198 = arith.constant 0 : i32
    %dma_wait3A_199 = arith.constant 0 : i32
    %dma_wait3A_200 = tpu.memref_slice %arg11[%dma_wait3A_187, %dma_wait3A_198, %dma_wait3A_199] : memref<2x128x128xf32, #tpu.memory_space<vmem>> -> memref<1x128x128xf32, #tpu.memory_space<vmem>>
    %dma_wait3A_201 = tpu.memref_squeeze %dma_wait3A_200 : memref<1x128x128xf32, #tpu.memory_space<vmem>> -> memref<128x128xf32, #tpu.memory_space<vmem>>
    tpu.wait_dma2 semaphore(%arg19 : memref<!tpu.dma_semaphore, #tpu.memory_space<semaphore_mem>>) src(%dma_wait3A_201 : memref<128x128xf32, #tpu.memory_space<vmem>>) dst(%dma_wait3A_197 : memref<128x128xf32, #tpu.memory_space<hbm>>)
    return
  }
}

module attributes {stable_mosaic.version = 14 : i64} {
  func.func @body(%arg0: i32, %arg1: memref<1024x24x128xbf16, #tpu.memory_space<vmem>>, %arg2: memref<256x512xf32, #tpu.memory_space<vmem>>, %arg3: memref<1x512xf32, #tpu.memory_space<vmem>>, %arg4: memref<1024x128xf32, #tpu.memory_space<vmem>>) attributes {dimension_semantics = [#tpu.dimension_semantics<arbitrary>], iteration_bounds = array<i64: 15>, scalar_prefetch = 0 : i64, scratch_operands = 0 : i64, tpu.core_type = #tpu.core_type<tc>, window_params = [{transform_indices = @transform_0, window_bounds = array<i64: 1024, 24, 128>}, {pipeline_mode = #tpu.pipeline_mode<synchronous>, transform_indices = @transform_1, window_bounds = array<i64: 256, 512>}, {pipeline_mode = #tpu.pipeline_mode<synchronous>, transform_indices = @transform_2, window_bounds = array<i64: 1, 512>}, {transform_indices = @transform_3, window_bounds = array<i64: 1024, 128>}]} {
    %get3A = arith.constant 0 : index
    %get3A_0 = arith.constant 0 : index
    %get3A_1 = vector.load %arg2[%get3A, %get3A_0] : memref<256x512xf32, #tpu.memory_space<vmem>>, vector<256x512xf32>
    %get3A_2 = arith.constant 0 : index
    %get3A_3 = arith.constant 0 : index
    %get3A_4 = vector.load %arg3[%get3A_2, %get3A_3] : memref<1x512xf32, #tpu.memory_space<vmem>>, vector<1x512xf32>
    %broadcast_in_dim3A = arith.constant 0.000000e+00 : f32
    %broadcast_in_dim3A_5 = vector.broadcast %broadcast_in_dim3A : f32 to vector<1024x128xf32>
    %broadcast_in_dim3A_6 = arith.constant 0.000000e+00 : f32
    %broadcast_in_dim3A_7 = vector.broadcast %broadcast_in_dim3A_6 : f32 to vector<1024x128xf32>
    %broadcast_in_dim3A_8 = arith.constant 0xFF800000 : f32
    %broadcast_in_dim3A_9 = vector.broadcast %broadcast_in_dim3A_8 : f32 to vector<1024x128xf32>
    %get3A_10 = arith.constant 0 : index
    %get3A_11 = arith.constant 0 : index
    %get3A_12 = arith.constant 0 : index
    %get3A_13 = vector.load %arg1[%get3A_10, %get3A_11, %get3A_12] : memref<1024x24x128xbf16, #tpu.memory_space<vmem>>, vector<1024x1x128xbf16>
    %get3A_14 = vector.shape_cast %get3A_13 : vector<1024x1x128xbf16> to vector<1024x128xbf16>
    %convert_element_type3A = arith.extf %get3A_14 : vector<1024x128xbf16> to vector<1024x128xf32>
    %concatenate3A = tpu.concatenate %convert_element_type3A, %broadcast_in_dim3A_5 in 1 : vector<1024x128xf32>, vector<1024x128xf32> -> vector<1024x256xf32>
    %dot_general3A = arith.constant dense<0.000000e+00> : vector<1024x512xf32>
    %dot_general3A_15 = tpu.matmul %concatenate3A, %get3A_1, %dot_general3A {dimension_numbers = #tpu.dot_dimension_numbers<[1], [0], [0], [1], [0, 0, 1, 1], [], []>, transpose_lhs_hint = false} : vector<1024x256xf32>, vector<256x512xf32>, vector<1024x512xf32> -> vector<1024x512xf32>
    %add3A = vector.broadcast %get3A_4 : vector<1x512xf32> to vector<1024x512xf32>
    %add3A_16 = arith.addf %dot_general3A_15, %add3A : vector<1024x512xf32>
    %slice3A = vector.extract_strided_slice %add3A_16 {offsets = [0, 0], sizes = [1024, 128], strides = [1, 1]} : vector<1024x512xf32> to vector<1024x128xf32>
    %logistic3A = arith.negf %slice3A : vector<1024x128xf32>
    %logistic3A_17 = math.exp %logistic3A : vector<1024x128xf32>
    %logistic3A_18 = arith.constant 1.000000e+00 : f32
    %logistic3A_19 = vector.broadcast %logistic3A_18 : f32 to vector<1024x128xf32>
    %logistic3A_20 = arith.addf %logistic3A_19, %logistic3A_17 : vector<1024x128xf32>
    %logistic3A_21 = arith.divf %logistic3A_19, %logistic3A_20 : vector<1024x128xf32>
    %slice3A_22 = vector.extract_strided_slice %add3A_16 {offsets = [0, 128], sizes = [1024, 128], strides = [1, 1]} : vector<1024x512xf32> to vector<1024x128xf32>
    %logistic3A_23 = arith.negf %slice3A_22 : vector<1024x128xf32>
    %logistic3A_24 = math.exp %logistic3A_23 : vector<1024x128xf32>
    %logistic3A_25 = arith.constant 1.000000e+00 : f32
    %logistic3A_26 = vector.broadcast %logistic3A_25 : f32 to vector<1024x128xf32>
    %logistic3A_27 = arith.addf %logistic3A_26, %logistic3A_24 : vector<1024x128xf32>
    %logistic3A_28 = arith.divf %logistic3A_26, %logistic3A_27 : vector<1024x128xf32>
    %slice3A_29 = vector.extract_strided_slice %add3A_16 {offsets = [0, 256], sizes = [1024, 128], strides = [1, 1]} : vector<1024x512xf32> to vector<1024x128xf32>
    %tanh3A = math.tanh %slice3A_29 : vector<1024x128xf32>
    %slice3A_30 = vector.extract_strided_slice %add3A_16 {offsets = [0, 384], sizes = [1024, 128], strides = [1, 1]} : vector<1024x512xf32> to vector<1024x128xf32>
    %logistic3A_31 = arith.negf %slice3A_30 : vector<1024x128xf32>
    %logistic3A_32 = math.exp %logistic3A_31 : vector<1024x128xf32>
    %logistic3A_33 = arith.constant 1.000000e+00 : f32
    %logistic3A_34 = vector.broadcast %logistic3A_33 : f32 to vector<1024x128xf32>
    %logistic3A_35 = arith.addf %logistic3A_34, %logistic3A_32 : vector<1024x128xf32>
    %logistic3A_36 = arith.divf %logistic3A_34, %logistic3A_35 : vector<1024x128xf32>
    %mul3A = arith.mulf %logistic3A_28, %broadcast_in_dim3A_7 : vector<1024x128xf32>
    %mul3A_37 = arith.mulf %logistic3A_21, %tanh3A : vector<1024x128xf32>
    %add3A_38 = arith.addf %mul3A, %mul3A_37 : vector<1024x128xf32>
    %tanh3A_39 = math.tanh %add3A_38 : vector<1024x128xf32>
    %mul3A_40 = arith.mulf %logistic3A_36, %tanh3A_39 : vector<1024x128xf32>
    %max3A = arith.maximumf %broadcast_in_dim3A_9, %mul3A_40 : vector<1024x128xf32>
    %get3A_41 = arith.constant 0 : index
    %get3A_42 = arith.constant 1 : index
    %get3A_43 = arith.constant 0 : index
    %get3A_44 = vector.load %arg1[%get3A_41, %get3A_42, %get3A_43] : memref<1024x24x128xbf16, #tpu.memory_space<vmem>>, vector<1024x1x128xbf16>
    %get3A_45 = vector.shape_cast %get3A_44 : vector<1024x1x128xbf16> to vector<1024x128xbf16>
    %convert_element_type3A_46 = arith.extf %get3A_45 : vector<1024x128xbf16> to vector<1024x128xf32>
    %concatenate3A_47 = tpu.concatenate %convert_element_type3A_46, %mul3A_40 in 1 : vector<1024x128xf32>, vector<1024x128xf32> -> vector<1024x256xf32>
    %dot_general3A_48 = arith.constant dense<0.000000e+00> : vector<1024x512xf32>
    %dot_general3A_49 = tpu.matmul %concatenate3A_47, %get3A_1, %dot_general3A_48 {dimension_numbers = #tpu.dot_dimension_numbers<[1], [0], [0], [1], [0, 0, 1, 1], [], []>, transpose_lhs_hint = false} : vector<1024x256xf32>, vector<256x512xf32>, vector<1024x512xf32> -> vector<1024x512xf32>
    %add3A_50 = vector.broadcast %get3A_4 : vector<1x512xf32> to vector<1024x512xf32>
    %add3A_51 = arith.addf %dot_general3A_49, %add3A_50 : vector<1024x512xf32>
    %slice3A_52 = vector.extract_strided_slice %add3A_51 {offsets = [0, 0], sizes = [1024, 128], strides = [1, 1]} : vector<1024x512xf32> to vector<1024x128xf32>
    %logistic3A_53 = arith.negf %slice3A_52 : vector<1024x128xf32>
    %logistic3A_54 = math.exp %logistic3A_53 : vector<1024x128xf32>
    %logistic3A_55 = arith.constant 1.000000e+00 : f32
    %logistic3A_56 = vector.broadcast %logistic3A_55 : f32 to vector<1024x128xf32>
    %logistic3A_57 = arith.addf %logistic3A_56, %logistic3A_54 : vector<1024x128xf32>
    %logistic3A_58 = arith.divf %logistic3A_56, %logistic3A_57 : vector<1024x128xf32>
    %slice3A_59 = vector.extract_strided_slice %add3A_51 {offsets = [0, 128], sizes = [1024, 128], strides = [1, 1]} : vector<1024x512xf32> to vector<1024x128xf32>
    %logistic3A_60 = arith.negf %slice3A_59 : vector<1024x128xf32>
    %logistic3A_61 = math.exp %logistic3A_60 : vector<1024x128xf32>
    %logistic3A_62 = arith.constant 1.000000e+00 : f32
    %logistic3A_63 = vector.broadcast %logistic3A_62 : f32 to vector<1024x128xf32>
    %logistic3A_64 = arith.addf %logistic3A_63, %logistic3A_61 : vector<1024x128xf32>
    %logistic3A_65 = arith.divf %logistic3A_63, %logistic3A_64 : vector<1024x128xf32>
    %slice3A_66 = vector.extract_strided_slice %add3A_51 {offsets = [0, 256], sizes = [1024, 128], strides = [1, 1]} : vector<1024x512xf32> to vector<1024x128xf32>
    %tanh3A_67 = math.tanh %slice3A_66 : vector<1024x128xf32>
    %slice3A_68 = vector.extract_strided_slice %add3A_51 {offsets = [0, 384], sizes = [1024, 128], strides = [1, 1]} : vector<1024x512xf32> to vector<1024x128xf32>
    %logistic3A_69 = arith.negf %slice3A_68 : vector<1024x128xf32>
    %logistic3A_70 = math.exp %logistic3A_69 : vector<1024x128xf32>
    %logistic3A_71 = arith.constant 1.000000e+00 : f32
    %logistic3A_72 = vector.broadcast %logistic3A_71 : f32 to vector<1024x128xf32>
    %logistic3A_73 = arith.addf %logistic3A_72, %logistic3A_70 : vector<1024x128xf32>
    %logistic3A_74 = arith.divf %logistic3A_72, %logistic3A_73 : vector<1024x128xf32>
    %mul3A_75 = arith.mulf %logistic3A_65, %add3A_38 : vector<1024x128xf32>
    %mul3A_76 = arith.mulf %logistic3A_58, %tanh3A_67 : vector<1024x128xf32>
    %add3A_77 = arith.addf %mul3A_75, %mul3A_76 : vector<1024x128xf32>
    %tanh3A_78 = math.tanh %add3A_77 : vector<1024x128xf32>
    %mul3A_79 = arith.mulf %logistic3A_74, %tanh3A_78 : vector<1024x128xf32>
    %max3A_80 = arith.maximumf %max3A, %mul3A_79 : vector<1024x128xf32>
    %get3A_81 = arith.constant 0 : index
    %get3A_82 = arith.constant 2 : index
    %get3A_83 = arith.constant 0 : index
    %get3A_84 = vector.load %arg1[%get3A_81, %get3A_82, %get3A_83] : memref<1024x24x128xbf16, #tpu.memory_space<vmem>>, vector<1024x1x128xbf16>
    %get3A_85 = vector.shape_cast %get3A_84 : vector<1024x1x128xbf16> to vector<1024x128xbf16>
    %convert_element_type3A_86 = arith.extf %get3A_85 : vector<1024x128xbf16> to vector<1024x128xf32>
    %concatenate3A_87 = tpu.concatenate %convert_element_type3A_86, %mul3A_79 in 1 : vector<1024x128xf32>, vector<1024x128xf32> -> vector<1024x256xf32>
    %dot_general3A_88 = arith.constant dense<0.000000e+00> : vector<1024x512xf32>
    %dot_general3A_89 = tpu.matmul %concatenate3A_87, %get3A_1, %dot_general3A_88 {dimension_numbers = #tpu.dot_dimension_numbers<[1], [0], [0], [1], [0, 0, 1, 1], [], []>, transpose_lhs_hint = false} : vector<1024x256xf32>, vector<256x512xf32>, vector<1024x512xf32> -> vector<1024x512xf32>
    %add3A_90 = vector.broadcast %get3A_4 : vector<1x512xf32> to vector<1024x512xf32>
    %add3A_91 = arith.addf %dot_general3A_89, %add3A_90 : vector<1024x512xf32>
    %slice3A_92 = vector.extract_strided_slice %add3A_91 {offsets = [0, 0], sizes = [1024, 128], strides = [1, 1]} : vector<1024x512xf32> to vector<1024x128xf32>
    %logistic3A_93 = arith.negf %slice3A_92 : vector<1024x128xf32>
    %logistic3A_94 = math.exp %logistic3A_93 : vector<1024x128xf32>
    %logistic3A_95 = arith.constant 1.000000e+00 : f32
    %logistic3A_96 = vector.broadcast %logistic3A_95 : f32 to vector<1024x128xf32>
    %logistic3A_97 = arith.addf %logistic3A_96, %logistic3A_94 : vector<1024x128xf32>
    %logistic3A_98 = arith.divf %logistic3A_96, %logistic3A_97 : vector<1024x128xf32>
    %slice3A_99 = vector.extract_strided_slice %add3A_91 {offsets = [0, 128], sizes = [1024, 128], strides = [1, 1]} : vector<1024x512xf32> to vector<1024x128xf32>
    %logistic3A_100 = arith.negf %slice3A_99 : vector<1024x128xf32>
    %logistic3A_101 = math.exp %logistic3A_100 : vector<1024x128xf32>
    %logistic3A_102 = arith.constant 1.000000e+00 : f32
    %logistic3A_103 = vector.broadcast %logistic3A_102 : f32 to vector<1024x128xf32>
    %logistic3A_104 = arith.addf %logistic3A_103, %logistic3A_101 : vector<1024x128xf32>
    %logistic3A_105 = arith.divf %logistic3A_103, %logistic3A_104 : vector<1024x128xf32>
    %slice3A_106 = vector.extract_strided_slice %add3A_91 {offsets = [0, 256], sizes = [1024, 128], strides = [1, 1]} : vector<1024x512xf32> to vector<1024x128xf32>
    %tanh3A_107 = math.tanh %slice3A_106 : vector<1024x128xf32>
    %slice3A_108 = vector.extract_strided_slice %add3A_91 {offsets = [0, 384], sizes = [1024, 128], strides = [1, 1]} : vector<1024x512xf32> to vector<1024x128xf32>
    %logistic3A_109 = arith.negf %slice3A_108 : vector<1024x128xf32>
    %logistic3A_110 = math.exp %logistic3A_109 : vector<1024x128xf32>
    %logistic3A_111 = arith.constant 1.000000e+00 : f32
    %logistic3A_112 = vector.broadcast %logistic3A_111 : f32 to vector<1024x128xf32>
    %logistic3A_113 = arith.addf %logistic3A_112, %logistic3A_110 : vector<1024x128xf32>
    %logistic3A_114 = arith.divf %logistic3A_112, %logistic3A_113 : vector<1024x128xf32>
    %mul3A_115 = arith.mulf %logistic3A_105, %add3A_77 : vector<1024x128xf32>
    %mul3A_116 = arith.mulf %logistic3A_98, %tanh3A_107 : vector<1024x128xf32>
    %add3A_117 = arith.addf %mul3A_115, %mul3A_116 : vector<1024x128xf32>
    %tanh3A_118 = math.tanh %add3A_117 : vector<1024x128xf32>
    %mul3A_119 = arith.mulf %logistic3A_114, %tanh3A_118 : vector<1024x128xf32>
    %max3A_120 = arith.maximumf %max3A_80, %mul3A_119 : vector<1024x128xf32>
    %get3A_121 = arith.constant 0 : index
    %get3A_122 = arith.constant 3 : index
    %get3A_123 = arith.constant 0 : index
    %get3A_124 = vector.load %arg1[%get3A_121, %get3A_122, %get3A_123] : memref<1024x24x128xbf16, #tpu.memory_space<vmem>>, vector<1024x1x128xbf16>
    %get3A_125 = vector.shape_cast %get3A_124 : vector<1024x1x128xbf16> to vector<1024x128xbf16>
    %convert_element_type3A_126 = arith.extf %get3A_125 : vector<1024x128xbf16> to vector<1024x128xf32>
    %concatenate3A_127 = tpu.concatenate %convert_element_type3A_126, %mul3A_119 in 1 : vector<1024x128xf32>, vector<1024x128xf32> -> vector<1024x256xf32>
    %dot_general3A_128 = arith.constant dense<0.000000e+00> : vector<1024x512xf32>
    %dot_general3A_129 = tpu.matmul %concatenate3A_127, %get3A_1, %dot_general3A_128 {dimension_numbers = #tpu.dot_dimension_numbers<[1], [0], [0], [1], [0, 0, 1, 1], [], []>, transpose_lhs_hint = false} : vector<1024x256xf32>, vector<256x512xf32>, vector<1024x512xf32> -> vector<1024x512xf32>
    %add3A_130 = vector.broadcast %get3A_4 : vector<1x512xf32> to vector<1024x512xf32>
    %add3A_131 = arith.addf %dot_general3A_129, %add3A_130 : vector<1024x512xf32>
    %slice3A_132 = vector.extract_strided_slice %add3A_131 {offsets = [0, 0], sizes = [1024, 128], strides = [1, 1]} : vector<1024x512xf32> to vector<1024x128xf32>
    %logistic3A_133 = arith.negf %slice3A_132 : vector<1024x128xf32>
    %logistic3A_134 = math.exp %logistic3A_133 : vector<1024x128xf32>
    %logistic3A_135 = arith.constant 1.000000e+00 : f32
    %logistic3A_136 = vector.broadcast %logistic3A_135 : f32 to vector<1024x128xf32>
    %logistic3A_137 = arith.addf %logistic3A_136, %logistic3A_134 : vector<1024x128xf32>
    %logistic3A_138 = arith.divf %logistic3A_136, %logistic3A_137 : vector<1024x128xf32>
    %slice3A_139 = vector.extract_strided_slice %add3A_131 {offsets = [0, 128], sizes = [1024, 128], strides = [1, 1]} : vector<1024x512xf32> to vector<1024x128xf32>
    %logistic3A_140 = arith.negf %slice3A_139 : vector<1024x128xf32>
    %logistic3A_141 = math.exp %logistic3A_140 : vector<1024x128xf32>
    %logistic3A_142 = arith.constant 1.000000e+00 : f32
    %logistic3A_143 = vector.broadcast %logistic3A_142 : f32 to vector<1024x128xf32>
    %logistic3A_144 = arith.addf %logistic3A_143, %logistic3A_141 : vector<1024x128xf32>
    %logistic3A_145 = arith.divf %logistic3A_143, %logistic3A_144 : vector<1024x128xf32>
    %slice3A_146 = vector.extract_strided_slice %add3A_131 {offsets = [0, 256], sizes = [1024, 128], strides = [1, 1]} : vector<1024x512xf32> to vector<1024x128xf32>
    %tanh3A_147 = math.tanh %slice3A_146 : vector<1024x128xf32>
    %slice3A_148 = vector.extract_strided_slice %add3A_131 {offsets = [0, 384], sizes = [1024, 128], strides = [1, 1]} : vector<1024x512xf32> to vector<1024x128xf32>
    %logistic3A_149 = arith.negf %slice3A_148 : vector<1024x128xf32>
    %logistic3A_150 = math.exp %logistic3A_149 : vector<1024x128xf32>
    %logistic3A_151 = arith.constant 1.000000e+00 : f32
    %logistic3A_152 = vector.broadcast %logistic3A_151 : f32 to vector<1024x128xf32>
    %logistic3A_153 = arith.addf %logistic3A_152, %logistic3A_150 : vector<1024x128xf32>
    %logistic3A_154 = arith.divf %logistic3A_152, %logistic3A_153 : vector<1024x128xf32>
    %mul3A_155 = arith.mulf %logistic3A_145, %add3A_117 : vector<1024x128xf32>
    %mul3A_156 = arith.mulf %logistic3A_138, %tanh3A_147 : vector<1024x128xf32>
    %add3A_157 = arith.addf %mul3A_155, %mul3A_156 : vector<1024x128xf32>
    %tanh3A_158 = math.tanh %add3A_157 : vector<1024x128xf32>
    %mul3A_159 = arith.mulf %logistic3A_154, %tanh3A_158 : vector<1024x128xf32>
    %max3A_160 = arith.maximumf %max3A_120, %mul3A_159 : vector<1024x128xf32>
    %get3A_161 = arith.constant 0 : index
    %get3A_162 = arith.constant 4 : index
    %get3A_163 = arith.constant 0 : index
    %get3A_164 = vector.load %arg1[%get3A_161, %get3A_162, %get3A_163] : memref<1024x24x128xbf16, #tpu.memory_space<vmem>>, vector<1024x1x128xbf16>
    %get3A_165 = vector.shape_cast %get3A_164 : vector<1024x1x128xbf16> to vector<1024x128xbf16>
    %convert_element_type3A_166 = arith.extf %get3A_165 : vector<1024x128xbf16> to vector<1024x128xf32>
    %concatenate3A_167 = tpu.concatenate %convert_element_type3A_166, %mul3A_159 in 1 : vector<1024x128xf32>, vector<1024x128xf32> -> vector<1024x256xf32>
    %dot_general3A_168 = arith.constant dense<0.000000e+00> : vector<1024x512xf32>
    %dot_general3A_169 = tpu.matmul %concatenate3A_167, %get3A_1, %dot_general3A_168 {dimension_numbers = #tpu.dot_dimension_numbers<[1], [0], [0], [1], [0, 0, 1, 1], [], []>, transpose_lhs_hint = false} : vector<1024x256xf32>, vector<256x512xf32>, vector<1024x512xf32> -> vector<1024x512xf32>
    %add3A_170 = vector.broadcast %get3A_4 : vector<1x512xf32> to vector<1024x512xf32>
    %add3A_171 = arith.addf %dot_general3A_169, %add3A_170 : vector<1024x512xf32>
    %slice3A_172 = vector.extract_strided_slice %add3A_171 {offsets = [0, 0], sizes = [1024, 128], strides = [1, 1]} : vector<1024x512xf32> to vector<1024x128xf32>
    %logistic3A_173 = arith.negf %slice3A_172 : vector<1024x128xf32>
    %logistic3A_174 = math.exp %logistic3A_173 : vector<1024x128xf32>
    %logistic3A_175 = arith.constant 1.000000e+00 : f32
    %logistic3A_176 = vector.broadcast %logistic3A_175 : f32 to vector<1024x128xf32>
    %logistic3A_177 = arith.addf %logistic3A_176, %logistic3A_174 : vector<1024x128xf32>
    %logistic3A_178 = arith.divf %logistic3A_176, %logistic3A_177 : vector<1024x128xf32>
    %slice3A_179 = vector.extract_strided_slice %add3A_171 {offsets = [0, 128], sizes = [1024, 128], strides = [1, 1]} : vector<1024x512xf32> to vector<1024x128xf32>
    %logistic3A_180 = arith.negf %slice3A_179 : vector<1024x128xf32>
    %logistic3A_181 = math.exp %logistic3A_180 : vector<1024x128xf32>
    %logistic3A_182 = arith.constant 1.000000e+00 : f32
    %logistic3A_183 = vector.broadcast %logistic3A_182 : f32 to vector<1024x128xf32>
    %logistic3A_184 = arith.addf %logistic3A_183, %logistic3A_181 : vector<1024x128xf32>
    %logistic3A_185 = arith.divf %logistic3A_183, %logistic3A_184 : vector<1024x128xf32>
    %slice3A_186 = vector.extract_strided_slice %add3A_171 {offsets = [0, 256], sizes = [1024, 128], strides = [1, 1]} : vector<1024x512xf32> to vector<1024x128xf32>
    %tanh3A_187 = math.tanh %slice3A_186 : vector<1024x128xf32>
    %slice3A_188 = vector.extract_strided_slice %add3A_171 {offsets = [0, 384], sizes = [1024, 128], strides = [1, 1]} : vector<1024x512xf32> to vector<1024x128xf32>
    %logistic3A_189 = arith.negf %slice3A_188 : vector<1024x128xf32>
    %logistic3A_190 = math.exp %logistic3A_189 : vector<1024x128xf32>
    %logistic3A_191 = arith.constant 1.000000e+00 : f32
    %logistic3A_192 = vector.broadcast %logistic3A_191 : f32 to vector<1024x128xf32>
    %logistic3A_193 = arith.addf %logistic3A_192, %logistic3A_190 : vector<1024x128xf32>
    %logistic3A_194 = arith.divf %logistic3A_192, %logistic3A_193 : vector<1024x128xf32>
    %mul3A_195 = arith.mulf %logistic3A_185, %add3A_157 : vector<1024x128xf32>
    %mul3A_196 = arith.mulf %logistic3A_178, %tanh3A_187 : vector<1024x128xf32>
    %add3A_197 = arith.addf %mul3A_195, %mul3A_196 : vector<1024x128xf32>
    %tanh3A_198 = math.tanh %add3A_197 : vector<1024x128xf32>
    %mul3A_199 = arith.mulf %logistic3A_194, %tanh3A_198 : vector<1024x128xf32>
    %max3A_200 = arith.maximumf %max3A_160, %mul3A_199 : vector<1024x128xf32>
    %get3A_201 = arith.constant 0 : index
    %get3A_202 = arith.constant 5 : index
    %get3A_203 = arith.constant 0 : index
    %get3A_204 = vector.load %arg1[%get3A_201, %get3A_202, %get3A_203] : memref<1024x24x128xbf16, #tpu.memory_space<vmem>>, vector<1024x1x128xbf16>
    %get3A_205 = vector.shape_cast %get3A_204 : vector<1024x1x128xbf16> to vector<1024x128xbf16>
    %convert_element_type3A_206 = arith.extf %get3A_205 : vector<1024x128xbf16> to vector<1024x128xf32>
    %concatenate3A_207 = tpu.concatenate %convert_element_type3A_206, %mul3A_199 in 1 : vector<1024x128xf32>, vector<1024x128xf32> -> vector<1024x256xf32>
    %dot_general3A_208 = arith.constant dense<0.000000e+00> : vector<1024x512xf32>
    %dot_general3A_209 = tpu.matmul %concatenate3A_207, %get3A_1, %dot_general3A_208 {dimension_numbers = #tpu.dot_dimension_numbers<[1], [0], [0], [1], [0, 0, 1, 1], [], []>, transpose_lhs_hint = false} : vector<1024x256xf32>, vector<256x512xf32>, vector<1024x512xf32> -> vector<1024x512xf32>
    %add3A_210 = vector.broadcast %get3A_4 : vector<1x512xf32> to vector<1024x512xf32>
    %add3A_211 = arith.addf %dot_general3A_209, %add3A_210 : vector<1024x512xf32>
    %slice3A_212 = vector.extract_strided_slice %add3A_211 {offsets = [0, 0], sizes = [1024, 128], strides = [1, 1]} : vector<1024x512xf32> to vector<1024x128xf32>
    %logistic3A_213 = arith.negf %slice3A_212 : vector<1024x128xf32>
    %logistic3A_214 = math.exp %logistic3A_213 : vector<1024x128xf32>
    %logistic3A_215 = arith.constant 1.000000e+00 : f32
    %logistic3A_216 = vector.broadcast %logistic3A_215 : f32 to vector<1024x128xf32>
    %logistic3A_217 = arith.addf %logistic3A_216, %logistic3A_214 : vector<1024x128xf32>
    %logistic3A_218 = arith.divf %logistic3A_216, %logistic3A_217 : vector<1024x128xf32>
    %slice3A_219 = vector.extract_strided_slice %add3A_211 {offsets = [0, 128], sizes = [1024, 128], strides = [1, 1]} : vector<1024x512xf32> to vector<1024x128xf32>
    %logistic3A_220 = arith.negf %slice3A_219 : vector<1024x128xf32>
    %logistic3A_221 = math.exp %logistic3A_220 : vector<1024x128xf32>
    %logistic3A_222 = arith.constant 1.000000e+00 : f32
    %logistic3A_223 = vector.broadcast %logistic3A_222 : f32 to vector<1024x128xf32>
    %logistic3A_224 = arith.addf %logistic3A_223, %logistic3A_221 : vector<1024x128xf32>
    %logistic3A_225 = arith.divf %logistic3A_223, %logistic3A_224 : vector<1024x128xf32>
    %slice3A_226 = vector.extract_strided_slice %add3A_211 {offsets = [0, 256], sizes = [1024, 128], strides = [1, 1]} : vector<1024x512xf32> to vector<1024x128xf32>
    %tanh3A_227 = math.tanh %slice3A_226 : vector<1024x128xf32>
    %slice3A_228 = vector.extract_strided_slice %add3A_211 {offsets = [0, 384], sizes = [1024, 128], strides = [1, 1]} : vector<1024x512xf32> to vector<1024x128xf32>
    %logistic3A_229 = arith.negf %slice3A_228 : vector<1024x128xf32>
    %logistic3A_230 = math.exp %logistic3A_229 : vector<1024x128xf32>
    %logistic3A_231 = arith.constant 1.000000e+00 : f32
    %logistic3A_232 = vector.broadcast %logistic3A_231 : f32 to vector<1024x128xf32>
    %logistic3A_233 = arith.addf %logistic3A_232, %logistic3A_230 : vector<1024x128xf32>
    %logistic3A_234 = arith.divf %logistic3A_232, %logistic3A_233 : vector<1024x128xf32>
    %mul3A_235 = arith.mulf %logistic3A_225, %add3A_197 : vector<1024x128xf32>
    %mul3A_236 = arith.mulf %logistic3A_218, %tanh3A_227 : vector<1024x128xf32>
    %add3A_237 = arith.addf %mul3A_235, %mul3A_236 : vector<1024x128xf32>
    %tanh3A_238 = math.tanh %add3A_237 : vector<1024x128xf32>
    %mul3A_239 = arith.mulf %logistic3A_234, %tanh3A_238 : vector<1024x128xf32>
    %max3A_240 = arith.maximumf %max3A_200, %mul3A_239 : vector<1024x128xf32>
    %get3A_241 = arith.constant 0 : index
    %get3A_242 = arith.constant 6 : index
    %get3A_243 = arith.constant 0 : index
    %get3A_244 = vector.load %arg1[%get3A_241, %get3A_242, %get3A_243] : memref<1024x24x128xbf16, #tpu.memory_space<vmem>>, vector<1024x1x128xbf16>
    %get3A_245 = vector.shape_cast %get3A_244 : vector<1024x1x128xbf16> to vector<1024x128xbf16>
    %convert_element_type3A_246 = arith.extf %get3A_245 : vector<1024x128xbf16> to vector<1024x128xf32>
    %concatenate3A_247 = tpu.concatenate %convert_element_type3A_246, %mul3A_239 in 1 : vector<1024x128xf32>, vector<1024x128xf32> -> vector<1024x256xf32>
    %dot_general3A_248 = arith.constant dense<0.000000e+00> : vector<1024x512xf32>
    %dot_general3A_249 = tpu.matmul %concatenate3A_247, %get3A_1, %dot_general3A_248 {dimension_numbers = #tpu.dot_dimension_numbers<[1], [0], [0], [1], [0, 0, 1, 1], [], []>, transpose_lhs_hint = false} : vector<1024x256xf32>, vector<256x512xf32>, vector<1024x512xf32> -> vector<1024x512xf32>
    %add3A_250 = vector.broadcast %get3A_4 : vector<1x512xf32> to vector<1024x512xf32>
    %add3A_251 = arith.addf %dot_general3A_249, %add3A_250 : vector<1024x512xf32>
    %slice3A_252 = vector.extract_strided_slice %add3A_251 {offsets = [0, 0], sizes = [1024, 128], strides = [1, 1]} : vector<1024x512xf32> to vector<1024x128xf32>
    %logistic3A_253 = arith.negf %slice3A_252 : vector<1024x128xf32>
    %logistic3A_254 = math.exp %logistic3A_253 : vector<1024x128xf32>
    %logistic3A_255 = arith.constant 1.000000e+00 : f32
    %logistic3A_256 = vector.broadcast %logistic3A_255 : f32 to vector<1024x128xf32>
    %logistic3A_257 = arith.addf %logistic3A_256, %logistic3A_254 : vector<1024x128xf32>
    %logistic3A_258 = arith.divf %logistic3A_256, %logistic3A_257 : vector<1024x128xf32>
    %slice3A_259 = vector.extract_strided_slice %add3A_251 {offsets = [0, 128], sizes = [1024, 128], strides = [1, 1]} : vector<1024x512xf32> to vector<1024x128xf32>
    %logistic3A_260 = arith.negf %slice3A_259 : vector<1024x128xf32>
    %logistic3A_261 = math.exp %logistic3A_260 : vector<1024x128xf32>
    %logistic3A_262 = arith.constant 1.000000e+00 : f32
    %logistic3A_263 = vector.broadcast %logistic3A_262 : f32 to vector<1024x128xf32>
    %logistic3A_264 = arith.addf %logistic3A_263, %logistic3A_261 : vector<1024x128xf32>
    %logistic3A_265 = arith.divf %logistic3A_263, %logistic3A_264 : vector<1024x128xf32>
    %slice3A_266 = vector.extract_strided_slice %add3A_251 {offsets = [0, 256], sizes = [1024, 128], strides = [1, 1]} : vector<1024x512xf32> to vector<1024x128xf32>
    %tanh3A_267 = math.tanh %slice3A_266 : vector<1024x128xf32>
    %slice3A_268 = vector.extract_strided_slice %add3A_251 {offsets = [0, 384], sizes = [1024, 128], strides = [1, 1]} : vector<1024x512xf32> to vector<1024x128xf32>
    %logistic3A_269 = arith.negf %slice3A_268 : vector<1024x128xf32>
    %logistic3A_270 = math.exp %logistic3A_269 : vector<1024x128xf32>
    %logistic3A_271 = arith.constant 1.000000e+00 : f32
    %logistic3A_272 = vector.broadcast %logistic3A_271 : f32 to vector<1024x128xf32>
    %logistic3A_273 = arith.addf %logistic3A_272, %logistic3A_270 : vector<1024x128xf32>
    %logistic3A_274 = arith.divf %logistic3A_272, %logistic3A_273 : vector<1024x128xf32>
    %mul3A_275 = arith.mulf %logistic3A_265, %add3A_237 : vector<1024x128xf32>
    %mul3A_276 = arith.mulf %logistic3A_258, %tanh3A_267 : vector<1024x128xf32>
    %add3A_277 = arith.addf %mul3A_275, %mul3A_276 : vector<1024x128xf32>
    %tanh3A_278 = math.tanh %add3A_277 : vector<1024x128xf32>
    %mul3A_279 = arith.mulf %logistic3A_274, %tanh3A_278 : vector<1024x128xf32>
    %max3A_280 = arith.maximumf %max3A_240, %mul3A_279 : vector<1024x128xf32>
    %get3A_281 = arith.constant 0 : index
    %get3A_282 = arith.constant 7 : index
    %get3A_283 = arith.constant 0 : index
    %get3A_284 = vector.load %arg1[%get3A_281, %get3A_282, %get3A_283] : memref<1024x24x128xbf16, #tpu.memory_space<vmem>>, vector<1024x1x128xbf16>
    %get3A_285 = vector.shape_cast %get3A_284 : vector<1024x1x128xbf16> to vector<1024x128xbf16>
    %convert_element_type3A_286 = arith.extf %get3A_285 : vector<1024x128xbf16> to vector<1024x128xf32>
    %concatenate3A_287 = tpu.concatenate %convert_element_type3A_286, %mul3A_279 in 1 : vector<1024x128xf32>, vector<1024x128xf32> -> vector<1024x256xf32>
    %dot_general3A_288 = arith.constant dense<0.000000e+00> : vector<1024x512xf32>
    %dot_general3A_289 = tpu.matmul %concatenate3A_287, %get3A_1, %dot_general3A_288 {dimension_numbers = #tpu.dot_dimension_numbers<[1], [0], [0], [1], [0, 0, 1, 1], [], []>, transpose_lhs_hint = false} : vector<1024x256xf32>, vector<256x512xf32>, vector<1024x512xf32> -> vector<1024x512xf32>
    %add3A_290 = vector.broadcast %get3A_4 : vector<1x512xf32> to vector<1024x512xf32>
    %add3A_291 = arith.addf %dot_general3A_289, %add3A_290 : vector<1024x512xf32>
    %slice3A_292 = vector.extract_strided_slice %add3A_291 {offsets = [0, 0], sizes = [1024, 128], strides = [1, 1]} : vector<1024x512xf32> to vector<1024x128xf32>
    %logistic3A_293 = arith.negf %slice3A_292 : vector<1024x128xf32>
    %logistic3A_294 = math.exp %logistic3A_293 : vector<1024x128xf32>
    %logistic3A_295 = arith.constant 1.000000e+00 : f32
    %logistic3A_296 = vector.broadcast %logistic3A_295 : f32 to vector<1024x128xf32>
    %logistic3A_297 = arith.addf %logistic3A_296, %logistic3A_294 : vector<1024x128xf32>
    %logistic3A_298 = arith.divf %logistic3A_296, %logistic3A_297 : vector<1024x128xf32>
    %slice3A_299 = vector.extract_strided_slice %add3A_291 {offsets = [0, 128], sizes = [1024, 128], strides = [1, 1]} : vector<1024x512xf32> to vector<1024x128xf32>
    %logistic3A_300 = arith.negf %slice3A_299 : vector<1024x128xf32>
    %logistic3A_301 = math.exp %logistic3A_300 : vector<1024x128xf32>
    %logistic3A_302 = arith.constant 1.000000e+00 : f32
    %logistic3A_303 = vector.broadcast %logistic3A_302 : f32 to vector<1024x128xf32>
    %logistic3A_304 = arith.addf %logistic3A_303, %logistic3A_301 : vector<1024x128xf32>
    %logistic3A_305 = arith.divf %logistic3A_303, %logistic3A_304 : vector<1024x128xf32>
    %slice3A_306 = vector.extract_strided_slice %add3A_291 {offsets = [0, 256], sizes = [1024, 128], strides = [1, 1]} : vector<1024x512xf32> to vector<1024x128xf32>
    %tanh3A_307 = math.tanh %slice3A_306 : vector<1024x128xf32>
    %slice3A_308 = vector.extract_strided_slice %add3A_291 {offsets = [0, 384], sizes = [1024, 128], strides = [1, 1]} : vector<1024x512xf32> to vector<1024x128xf32>
    %logistic3A_309 = arith.negf %slice3A_308 : vector<1024x128xf32>
    %logistic3A_310 = math.exp %logistic3A_309 : vector<1024x128xf32>
    %logistic3A_311 = arith.constant 1.000000e+00 : f32
    %logistic3A_312 = vector.broadcast %logistic3A_311 : f32 to vector<1024x128xf32>
    %logistic3A_313 = arith.addf %logistic3A_312, %logistic3A_310 : vector<1024x128xf32>
    %logistic3A_314 = arith.divf %logistic3A_312, %logistic3A_313 : vector<1024x128xf32>
    %mul3A_315 = arith.mulf %logistic3A_305, %add3A_277 : vector<1024x128xf32>
    %mul3A_316 = arith.mulf %logistic3A_298, %tanh3A_307 : vector<1024x128xf32>
    %add3A_317 = arith.addf %mul3A_315, %mul3A_316 : vector<1024x128xf32>
    %tanh3A_318 = math.tanh %add3A_317 : vector<1024x128xf32>
    %mul3A_319 = arith.mulf %logistic3A_314, %tanh3A_318 : vector<1024x128xf32>
    %max3A_320 = arith.maximumf %max3A_280, %mul3A_319 : vector<1024x128xf32>
    %get3A_321 = arith.constant 0 : index
    %get3A_322 = arith.constant 8 : index
    %get3A_323 = arith.constant 0 : index
    %get3A_324 = vector.load %arg1[%get3A_321, %get3A_322, %get3A_323] : memref<1024x24x128xbf16, #tpu.memory_space<vmem>>, vector<1024x1x128xbf16>
    %get3A_325 = vector.shape_cast %get3A_324 : vector<1024x1x128xbf16> to vector<1024x128xbf16>
    %convert_element_type3A_326 = arith.extf %get3A_325 : vector<1024x128xbf16> to vector<1024x128xf32>
    %concatenate3A_327 = tpu.concatenate %convert_element_type3A_326, %mul3A_319 in 1 : vector<1024x128xf32>, vector<1024x128xf32> -> vector<1024x256xf32>
    %dot_general3A_328 = arith.constant dense<0.000000e+00> : vector<1024x512xf32>
    %dot_general3A_329 = tpu.matmul %concatenate3A_327, %get3A_1, %dot_general3A_328 {dimension_numbers = #tpu.dot_dimension_numbers<[1], [0], [0], [1], [0, 0, 1, 1], [], []>, transpose_lhs_hint = false} : vector<1024x256xf32>, vector<256x512xf32>, vector<1024x512xf32> -> vector<1024x512xf32>
    %add3A_330 = vector.broadcast %get3A_4 : vector<1x512xf32> to vector<1024x512xf32>
    %add3A_331 = arith.addf %dot_general3A_329, %add3A_330 : vector<1024x512xf32>
    %slice3A_332 = vector.extract_strided_slice %add3A_331 {offsets = [0, 0], sizes = [1024, 128], strides = [1, 1]} : vector<1024x512xf32> to vector<1024x128xf32>
    %logistic3A_333 = arith.negf %slice3A_332 : vector<1024x128xf32>
    %logistic3A_334 = math.exp %logistic3A_333 : vector<1024x128xf32>
    %logistic3A_335 = arith.constant 1.000000e+00 : f32
    %logistic3A_336 = vector.broadcast %logistic3A_335 : f32 to vector<1024x128xf32>
    %logistic3A_337 = arith.addf %logistic3A_336, %logistic3A_334 : vector<1024x128xf32>
    %logistic3A_338 = arith.divf %logistic3A_336, %logistic3A_337 : vector<1024x128xf32>
    %slice3A_339 = vector.extract_strided_slice %add3A_331 {offsets = [0, 128], sizes = [1024, 128], strides = [1, 1]} : vector<1024x512xf32> to vector<1024x128xf32>
    %logistic3A_340 = arith.negf %slice3A_339 : vector<1024x128xf32>
    %logistic3A_341 = math.exp %logistic3A_340 : vector<1024x128xf32>
    %logistic3A_342 = arith.constant 1.000000e+00 : f32
    %logistic3A_343 = vector.broadcast %logistic3A_342 : f32 to vector<1024x128xf32>
    %logistic3A_344 = arith.addf %logistic3A_343, %logistic3A_341 : vector<1024x128xf32>
    %logistic3A_345 = arith.divf %logistic3A_343, %logistic3A_344 : vector<1024x128xf32>
    %slice3A_346 = vector.extract_strided_slice %add3A_331 {offsets = [0, 256], sizes = [1024, 128], strides = [1, 1]} : vector<1024x512xf32> to vector<1024x128xf32>
    %tanh3A_347 = math.tanh %slice3A_346 : vector<1024x128xf32>
    %slice3A_348 = vector.extract_strided_slice %add3A_331 {offsets = [0, 384], sizes = [1024, 128], strides = [1, 1]} : vector<1024x512xf32> to vector<1024x128xf32>
    %logistic3A_349 = arith.negf %slice3A_348 : vector<1024x128xf32>
    %logistic3A_350 = math.exp %logistic3A_349 : vector<1024x128xf32>
    %logistic3A_351 = arith.constant 1.000000e+00 : f32
    %logistic3A_352 = vector.broadcast %logistic3A_351 : f32 to vector<1024x128xf32>
    %logistic3A_353 = arith.addf %logistic3A_352, %logistic3A_350 : vector<1024x128xf32>
    %logistic3A_354 = arith.divf %logistic3A_352, %logistic3A_353 : vector<1024x128xf32>
    %mul3A_355 = arith.mulf %logistic3A_345, %add3A_317 : vector<1024x128xf32>
    %mul3A_356 = arith.mulf %logistic3A_338, %tanh3A_347 : vector<1024x128xf32>
    %add3A_357 = arith.addf %mul3A_355, %mul3A_356 : vector<1024x128xf32>
    %tanh3A_358 = math.tanh %add3A_357 : vector<1024x128xf32>
    %mul3A_359 = arith.mulf %logistic3A_354, %tanh3A_358 : vector<1024x128xf32>
    %max3A_360 = arith.maximumf %max3A_320, %mul3A_359 : vector<1024x128xf32>
    %get3A_361 = arith.constant 0 : index
    %get3A_362 = arith.constant 9 : index
    %get3A_363 = arith.constant 0 : index
    %get3A_364 = vector.load %arg1[%get3A_361, %get3A_362, %get3A_363] : memref<1024x24x128xbf16, #tpu.memory_space<vmem>>, vector<1024x1x128xbf16>
    %get3A_365 = vector.shape_cast %get3A_364 : vector<1024x1x128xbf16> to vector<1024x128xbf16>
    %convert_element_type3A_366 = arith.extf %get3A_365 : vector<1024x128xbf16> to vector<1024x128xf32>
    %concatenate3A_367 = tpu.concatenate %convert_element_type3A_366, %mul3A_359 in 1 : vector<1024x128xf32>, vector<1024x128xf32> -> vector<1024x256xf32>
    %dot_general3A_368 = arith.constant dense<0.000000e+00> : vector<1024x512xf32>
    %dot_general3A_369 = tpu.matmul %concatenate3A_367, %get3A_1, %dot_general3A_368 {dimension_numbers = #tpu.dot_dimension_numbers<[1], [0], [0], [1], [0, 0, 1, 1], [], []>, transpose_lhs_hint = false} : vector<1024x256xf32>, vector<256x512xf32>, vector<1024x512xf32> -> vector<1024x512xf32>
    %add3A_370 = vector.broadcast %get3A_4 : vector<1x512xf32> to vector<1024x512xf32>
    %add3A_371 = arith.addf %dot_general3A_369, %add3A_370 : vector<1024x512xf32>
    %slice3A_372 = vector.extract_strided_slice %add3A_371 {offsets = [0, 0], sizes = [1024, 128], strides = [1, 1]} : vector<1024x512xf32> to vector<1024x128xf32>
    %logistic3A_373 = arith.negf %slice3A_372 : vector<1024x128xf32>
    %logistic3A_374 = math.exp %logistic3A_373 : vector<1024x128xf32>
    %logistic3A_375 = arith.constant 1.000000e+00 : f32
    %logistic3A_376 = vector.broadcast %logistic3A_375 : f32 to vector<1024x128xf32>
    %logistic3A_377 = arith.addf %logistic3A_376, %logistic3A_374 : vector<1024x128xf32>
    %logistic3A_378 = arith.divf %logistic3A_376, %logistic3A_377 : vector<1024x128xf32>
    %slice3A_379 = vector.extract_strided_slice %add3A_371 {offsets = [0, 128], sizes = [1024, 128], strides = [1, 1]} : vector<1024x512xf32> to vector<1024x128xf32>
    %logistic3A_380 = arith.negf %slice3A_379 : vector<1024x128xf32>
    %logistic3A_381 = math.exp %logistic3A_380 : vector<1024x128xf32>
    %logistic3A_382 = arith.constant 1.000000e+00 : f32
    %logistic3A_383 = vector.broadcast %logistic3A_382 : f32 to vector<1024x128xf32>
    %logistic3A_384 = arith.addf %logistic3A_383, %logistic3A_381 : vector<1024x128xf32>
    %logistic3A_385 = arith.divf %logistic3A_383, %logistic3A_384 : vector<1024x128xf32>
    %slice3A_386 = vector.extract_strided_slice %add3A_371 {offsets = [0, 256], sizes = [1024, 128], strides = [1, 1]} : vector<1024x512xf32> to vector<1024x128xf32>
    %tanh3A_387 = math.tanh %slice3A_386 : vector<1024x128xf32>
    %slice3A_388 = vector.extract_strided_slice %add3A_371 {offsets = [0, 384], sizes = [1024, 128], strides = [1, 1]} : vector<1024x512xf32> to vector<1024x128xf32>
    %logistic3A_389 = arith.negf %slice3A_388 : vector<1024x128xf32>
    %logistic3A_390 = math.exp %logistic3A_389 : vector<1024x128xf32>
    %logistic3A_391 = arith.constant 1.000000e+00 : f32
    %logistic3A_392 = vector.broadcast %logistic3A_391 : f32 to vector<1024x128xf32>
    %logistic3A_393 = arith.addf %logistic3A_392, %logistic3A_390 : vector<1024x128xf32>
    %logistic3A_394 = arith.divf %logistic3A_392, %logistic3A_393 : vector<1024x128xf32>
    %mul3A_395 = arith.mulf %logistic3A_385, %add3A_357 : vector<1024x128xf32>
    %mul3A_396 = arith.mulf %logistic3A_378, %tanh3A_387 : vector<1024x128xf32>
    %add3A_397 = arith.addf %mul3A_395, %mul3A_396 : vector<1024x128xf32>
    %tanh3A_398 = math.tanh %add3A_397 : vector<1024x128xf32>
    %mul3A_399 = arith.mulf %logistic3A_394, %tanh3A_398 : vector<1024x128xf32>
    %max3A_400 = arith.maximumf %max3A_360, %mul3A_399 : vector<1024x128xf32>
    %get3A_401 = arith.constant 0 : index
    %get3A_402 = arith.constant 10 : index
    %get3A_403 = arith.constant 0 : index
    %get3A_404 = vector.load %arg1[%get3A_401, %get3A_402, %get3A_403] : memref<1024x24x128xbf16, #tpu.memory_space<vmem>>, vector<1024x1x128xbf16>
    %get3A_405 = vector.shape_cast %get3A_404 : vector<1024x1x128xbf16> to vector<1024x128xbf16>
    %convert_element_type3A_406 = arith.extf %get3A_405 : vector<1024x128xbf16> to vector<1024x128xf32>
    %concatenate3A_407 = tpu.concatenate %convert_element_type3A_406, %mul3A_399 in 1 : vector<1024x128xf32>, vector<1024x128xf32> -> vector<1024x256xf32>
    %dot_general3A_408 = arith.constant dense<0.000000e+00> : vector<1024x512xf32>
    %dot_general3A_409 = tpu.matmul %concatenate3A_407, %get3A_1, %dot_general3A_408 {dimension_numbers = #tpu.dot_dimension_numbers<[1], [0], [0], [1], [0, 0, 1, 1], [], []>, transpose_lhs_hint = false} : vector<1024x256xf32>, vector<256x512xf32>, vector<1024x512xf32> -> vector<1024x512xf32>
    %add3A_410 = vector.broadcast %get3A_4 : vector<1x512xf32> to vector<1024x512xf32>
    %add3A_411 = arith.addf %dot_general3A_409, %add3A_410 : vector<1024x512xf32>
    %slice3A_412 = vector.extract_strided_slice %add3A_411 {offsets = [0, 0], sizes = [1024, 128], strides = [1, 1]} : vector<1024x512xf32> to vector<1024x128xf32>
    %logistic3A_413 = arith.negf %slice3A_412 : vector<1024x128xf32>
    %logistic3A_414 = math.exp %logistic3A_413 : vector<1024x128xf32>
    %logistic3A_415 = arith.constant 1.000000e+00 : f32
    %logistic3A_416 = vector.broadcast %logistic3A_415 : f32 to vector<1024x128xf32>
    %logistic3A_417 = arith.addf %logistic3A_416, %logistic3A_414 : vector<1024x128xf32>
    %logistic3A_418 = arith.divf %logistic3A_416, %logistic3A_417 : vector<1024x128xf32>
    %slice3A_419 = vector.extract_strided_slice %add3A_411 {offsets = [0, 128], sizes = [1024, 128], strides = [1, 1]} : vector<1024x512xf32> to vector<1024x128xf32>
    %logistic3A_420 = arith.negf %slice3A_419 : vector<1024x128xf32>
    %logistic3A_421 = math.exp %logistic3A_420 : vector<1024x128xf32>
    %logistic3A_422 = arith.constant 1.000000e+00 : f32
    %logistic3A_423 = vector.broadcast %logistic3A_422 : f32 to vector<1024x128xf32>
    %logistic3A_424 = arith.addf %logistic3A_423, %logistic3A_421 : vector<1024x128xf32>
    %logistic3A_425 = arith.divf %logistic3A_423, %logistic3A_424 : vector<1024x128xf32>
    %slice3A_426 = vector.extract_strided_slice %add3A_411 {offsets = [0, 256], sizes = [1024, 128], strides = [1, 1]} : vector<1024x512xf32> to vector<1024x128xf32>
    %tanh3A_427 = math.tanh %slice3A_426 : vector<1024x128xf32>
    %slice3A_428 = vector.extract_strided_slice %add3A_411 {offsets = [0, 384], sizes = [1024, 128], strides = [1, 1]} : vector<1024x512xf32> to vector<1024x128xf32>
    %logistic3A_429 = arith.negf %slice3A_428 : vector<1024x128xf32>
    %logistic3A_430 = math.exp %logistic3A_429 : vector<1024x128xf32>
    %logistic3A_431 = arith.constant 1.000000e+00 : f32
    %logistic3A_432 = vector.broadcast %logistic3A_431 : f32 to vector<1024x128xf32>
    %logistic3A_433 = arith.addf %logistic3A_432, %logistic3A_430 : vector<1024x128xf32>
    %logistic3A_434 = arith.divf %logistic3A_432, %logistic3A_433 : vector<1024x128xf32>
    %mul3A_435 = arith.mulf %logistic3A_425, %add3A_397 : vector<1024x128xf32>
    %mul3A_436 = arith.mulf %logistic3A_418, %tanh3A_427 : vector<1024x128xf32>
    %add3A_437 = arith.addf %mul3A_435, %mul3A_436 : vector<1024x128xf32>
    %tanh3A_438 = math.tanh %add3A_437 : vector<1024x128xf32>
    %mul3A_439 = arith.mulf %logistic3A_434, %tanh3A_438 : vector<1024x128xf32>
    %max3A_440 = arith.maximumf %max3A_400, %mul3A_439 : vector<1024x128xf32>
    %get3A_441 = arith.constant 0 : index
    %get3A_442 = arith.constant 11 : index
    %get3A_443 = arith.constant 0 : index
    %get3A_444 = vector.load %arg1[%get3A_441, %get3A_442, %get3A_443] : memref<1024x24x128xbf16, #tpu.memory_space<vmem>>, vector<1024x1x128xbf16>
    %get3A_445 = vector.shape_cast %get3A_444 : vector<1024x1x128xbf16> to vector<1024x128xbf16>
    %convert_element_type3A_446 = arith.extf %get3A_445 : vector<1024x128xbf16> to vector<1024x128xf32>
    %concatenate3A_447 = tpu.concatenate %convert_element_type3A_446, %mul3A_439 in 1 : vector<1024x128xf32>, vector<1024x128xf32> -> vector<1024x256xf32>
    %dot_general3A_448 = arith.constant dense<0.000000e+00> : vector<1024x512xf32>
    %dot_general3A_449 = tpu.matmul %concatenate3A_447, %get3A_1, %dot_general3A_448 {dimension_numbers = #tpu.dot_dimension_numbers<[1], [0], [0], [1], [0, 0, 1, 1], [], []>, transpose_lhs_hint = false} : vector<1024x256xf32>, vector<256x512xf32>, vector<1024x512xf32> -> vector<1024x512xf32>
    %add3A_450 = vector.broadcast %get3A_4 : vector<1x512xf32> to vector<1024x512xf32>
    %add3A_451 = arith.addf %dot_general3A_449, %add3A_450 : vector<1024x512xf32>
    %slice3A_452 = vector.extract_strided_slice %add3A_451 {offsets = [0, 0], sizes = [1024, 128], strides = [1, 1]} : vector<1024x512xf32> to vector<1024x128xf32>
    %logistic3A_453 = arith.negf %slice3A_452 : vector<1024x128xf32>
    %logistic3A_454 = math.exp %logistic3A_453 : vector<1024x128xf32>
    %logistic3A_455 = arith.constant 1.000000e+00 : f32
    %logistic3A_456 = vector.broadcast %logistic3A_455 : f32 to vector<1024x128xf32>
    %logistic3A_457 = arith.addf %logistic3A_456, %logistic3A_454 : vector<1024x128xf32>
    %logistic3A_458 = arith.divf %logistic3A_456, %logistic3A_457 : vector<1024x128xf32>
    %slice3A_459 = vector.extract_strided_slice %add3A_451 {offsets = [0, 128], sizes = [1024, 128], strides = [1, 1]} : vector<1024x512xf32> to vector<1024x128xf32>
    %logistic3A_460 = arith.negf %slice3A_459 : vector<1024x128xf32>
    %logistic3A_461 = math.exp %logistic3A_460 : vector<1024x128xf32>
    %logistic3A_462 = arith.constant 1.000000e+00 : f32
    %logistic3A_463 = vector.broadcast %logistic3A_462 : f32 to vector<1024x128xf32>
    %logistic3A_464 = arith.addf %logistic3A_463, %logistic3A_461 : vector<1024x128xf32>
    %logistic3A_465 = arith.divf %logistic3A_463, %logistic3A_464 : vector<1024x128xf32>
    %slice3A_466 = vector.extract_strided_slice %add3A_451 {offsets = [0, 256], sizes = [1024, 128], strides = [1, 1]} : vector<1024x512xf32> to vector<1024x128xf32>
    %tanh3A_467 = math.tanh %slice3A_466 : vector<1024x128xf32>
    %slice3A_468 = vector.extract_strided_slice %add3A_451 {offsets = [0, 384], sizes = [1024, 128], strides = [1, 1]} : vector<1024x512xf32> to vector<1024x128xf32>
    %logistic3A_469 = arith.negf %slice3A_468 : vector<1024x128xf32>
    %logistic3A_470 = math.exp %logistic3A_469 : vector<1024x128xf32>
    %logistic3A_471 = arith.constant 1.000000e+00 : f32
    %logistic3A_472 = vector.broadcast %logistic3A_471 : f32 to vector<1024x128xf32>
    %logistic3A_473 = arith.addf %logistic3A_472, %logistic3A_470 : vector<1024x128xf32>
    %logistic3A_474 = arith.divf %logistic3A_472, %logistic3A_473 : vector<1024x128xf32>
    %mul3A_475 = arith.mulf %logistic3A_465, %add3A_437 : vector<1024x128xf32>
    %mul3A_476 = arith.mulf %logistic3A_458, %tanh3A_467 : vector<1024x128xf32>
    %add3A_477 = arith.addf %mul3A_475, %mul3A_476 : vector<1024x128xf32>
    %tanh3A_478 = math.tanh %add3A_477 : vector<1024x128xf32>
    %mul3A_479 = arith.mulf %logistic3A_474, %tanh3A_478 : vector<1024x128xf32>
    %max3A_480 = arith.maximumf %max3A_440, %mul3A_479 : vector<1024x128xf32>
    %get3A_481 = arith.constant 0 : index
    %get3A_482 = arith.constant 12 : index
    %get3A_483 = arith.constant 0 : index
    %get3A_484 = vector.load %arg1[%get3A_481, %get3A_482, %get3A_483] : memref<1024x24x128xbf16, #tpu.memory_space<vmem>>, vector<1024x1x128xbf16>
    %get3A_485 = vector.shape_cast %get3A_484 : vector<1024x1x128xbf16> to vector<1024x128xbf16>
    %convert_element_type3A_486 = arith.extf %get3A_485 : vector<1024x128xbf16> to vector<1024x128xf32>
    %concatenate3A_487 = tpu.concatenate %convert_element_type3A_486, %mul3A_479 in 1 : vector<1024x128xf32>, vector<1024x128xf32> -> vector<1024x256xf32>
    %dot_general3A_488 = arith.constant dense<0.000000e+00> : vector<1024x512xf32>
    %dot_general3A_489 = tpu.matmul %concatenate3A_487, %get3A_1, %dot_general3A_488 {dimension_numbers = #tpu.dot_dimension_numbers<[1], [0], [0], [1], [0, 0, 1, 1], [], []>, transpose_lhs_hint = false} : vector<1024x256xf32>, vector<256x512xf32>, vector<1024x512xf32> -> vector<1024x512xf32>
    %add3A_490 = vector.broadcast %get3A_4 : vector<1x512xf32> to vector<1024x512xf32>
    %add3A_491 = arith.addf %dot_general3A_489, %add3A_490 : vector<1024x512xf32>
    %slice3A_492 = vector.extract_strided_slice %add3A_491 {offsets = [0, 0], sizes = [1024, 128], strides = [1, 1]} : vector<1024x512xf32> to vector<1024x128xf32>
    %logistic3A_493 = arith.negf %slice3A_492 : vector<1024x128xf32>
    %logistic3A_494 = math.exp %logistic3A_493 : vector<1024x128xf32>
    %logistic3A_495 = arith.constant 1.000000e+00 : f32
    %logistic3A_496 = vector.broadcast %logistic3A_495 : f32 to vector<1024x128xf32>
    %logistic3A_497 = arith.addf %logistic3A_496, %logistic3A_494 : vector<1024x128xf32>
    %logistic3A_498 = arith.divf %logistic3A_496, %logistic3A_497 : vector<1024x128xf32>
    %slice3A_499 = vector.extract_strided_slice %add3A_491 {offsets = [0, 128], sizes = [1024, 128], strides = [1, 1]} : vector<1024x512xf32> to vector<1024x128xf32>
    %logistic3A_500 = arith.negf %slice3A_499 : vector<1024x128xf32>
    %logistic3A_501 = math.exp %logistic3A_500 : vector<1024x128xf32>
    %logistic3A_502 = arith.constant 1.000000e+00 : f32
    %logistic3A_503 = vector.broadcast %logistic3A_502 : f32 to vector<1024x128xf32>
    %logistic3A_504 = arith.addf %logistic3A_503, %logistic3A_501 : vector<1024x128xf32>
    %logistic3A_505 = arith.divf %logistic3A_503, %logistic3A_504 : vector<1024x128xf32>
    %slice3A_506 = vector.extract_strided_slice %add3A_491 {offsets = [0, 256], sizes = [1024, 128], strides = [1, 1]} : vector<1024x512xf32> to vector<1024x128xf32>
    %tanh3A_507 = math.tanh %slice3A_506 : vector<1024x128xf32>
    %slice3A_508 = vector.extract_strided_slice %add3A_491 {offsets = [0, 384], sizes = [1024, 128], strides = [1, 1]} : vector<1024x512xf32> to vector<1024x128xf32>
    %logistic3A_509 = arith.negf %slice3A_508 : vector<1024x128xf32>
    %logistic3A_510 = math.exp %logistic3A_509 : vector<1024x128xf32>
    %logistic3A_511 = arith.constant 1.000000e+00 : f32
    %logistic3A_512 = vector.broadcast %logistic3A_511 : f32 to vector<1024x128xf32>
    %logistic3A_513 = arith.addf %logistic3A_512, %logistic3A_510 : vector<1024x128xf32>
    %logistic3A_514 = arith.divf %logistic3A_512, %logistic3A_513 : vector<1024x128xf32>
    %mul3A_515 = arith.mulf %logistic3A_505, %add3A_477 : vector<1024x128xf32>
    %mul3A_516 = arith.mulf %logistic3A_498, %tanh3A_507 : vector<1024x128xf32>
    %add3A_517 = arith.addf %mul3A_515, %mul3A_516 : vector<1024x128xf32>
    %tanh3A_518 = math.tanh %add3A_517 : vector<1024x128xf32>
    %mul3A_519 = arith.mulf %logistic3A_514, %tanh3A_518 : vector<1024x128xf32>
    %max3A_520 = arith.maximumf %max3A_480, %mul3A_519 : vector<1024x128xf32>
    %get3A_521 = arith.constant 0 : index
    %get3A_522 = arith.constant 13 : index
    %get3A_523 = arith.constant 0 : index
    %get3A_524 = vector.load %arg1[%get3A_521, %get3A_522, %get3A_523] : memref<1024x24x128xbf16, #tpu.memory_space<vmem>>, vector<1024x1x128xbf16>
    %get3A_525 = vector.shape_cast %get3A_524 : vector<1024x1x128xbf16> to vector<1024x128xbf16>
    %convert_element_type3A_526 = arith.extf %get3A_525 : vector<1024x128xbf16> to vector<1024x128xf32>
    %concatenate3A_527 = tpu.concatenate %convert_element_type3A_526, %mul3A_519 in 1 : vector<1024x128xf32>, vector<1024x128xf32> -> vector<1024x256xf32>
    %dot_general3A_528 = arith.constant dense<0.000000e+00> : vector<1024x512xf32>
    %dot_general3A_529 = tpu.matmul %concatenate3A_527, %get3A_1, %dot_general3A_528 {dimension_numbers = #tpu.dot_dimension_numbers<[1], [0], [0], [1], [0, 0, 1, 1], [], []>, transpose_lhs_hint = false} : vector<1024x256xf32>, vector<256x512xf32>, vector<1024x512xf32> -> vector<1024x512xf32>
    %add3A_530 = vector.broadcast %get3A_4 : vector<1x512xf32> to vector<1024x512xf32>
    %add3A_531 = arith.addf %dot_general3A_529, %add3A_530 : vector<1024x512xf32>
    %slice3A_532 = vector.extract_strided_slice %add3A_531 {offsets = [0, 0], sizes = [1024, 128], strides = [1, 1]} : vector<1024x512xf32> to vector<1024x128xf32>
    %logistic3A_533 = arith.negf %slice3A_532 : vector<1024x128xf32>
    %logistic3A_534 = math.exp %logistic3A_533 : vector<1024x128xf32>
    %logistic3A_535 = arith.constant 1.000000e+00 : f32
    %logistic3A_536 = vector.broadcast %logistic3A_535 : f32 to vector<1024x128xf32>
    %logistic3A_537 = arith.addf %logistic3A_536, %logistic3A_534 : vector<1024x128xf32>
    %logistic3A_538 = arith.divf %logistic3A_536, %logistic3A_537 : vector<1024x128xf32>
    %slice3A_539 = vector.extract_strided_slice %add3A_531 {offsets = [0, 128], sizes = [1024, 128], strides = [1, 1]} : vector<1024x512xf32> to vector<1024x128xf32>
    %logistic3A_540 = arith.negf %slice3A_539 : vector<1024x128xf32>
    %logistic3A_541 = math.exp %logistic3A_540 : vector<1024x128xf32>
    %logistic3A_542 = arith.constant 1.000000e+00 : f32
    %logistic3A_543 = vector.broadcast %logistic3A_542 : f32 to vector<1024x128xf32>
    %logistic3A_544 = arith.addf %logistic3A_543, %logistic3A_541 : vector<1024x128xf32>
    %logistic3A_545 = arith.divf %logistic3A_543, %logistic3A_544 : vector<1024x128xf32>
    %slice3A_546 = vector.extract_strided_slice %add3A_531 {offsets = [0, 256], sizes = [1024, 128], strides = [1, 1]} : vector<1024x512xf32> to vector<1024x128xf32>
    %tanh3A_547 = math.tanh %slice3A_546 : vector<1024x128xf32>
    %slice3A_548 = vector.extract_strided_slice %add3A_531 {offsets = [0, 384], sizes = [1024, 128], strides = [1, 1]} : vector<1024x512xf32> to vector<1024x128xf32>
    %logistic3A_549 = arith.negf %slice3A_548 : vector<1024x128xf32>
    %logistic3A_550 = math.exp %logistic3A_549 : vector<1024x128xf32>
    %logistic3A_551 = arith.constant 1.000000e+00 : f32
    %logistic3A_552 = vector.broadcast %logistic3A_551 : f32 to vector<1024x128xf32>
    %logistic3A_553 = arith.addf %logistic3A_552, %logistic3A_550 : vector<1024x128xf32>
    %logistic3A_554 = arith.divf %logistic3A_552, %logistic3A_553 : vector<1024x128xf32>
    %mul3A_555 = arith.mulf %logistic3A_545, %add3A_517 : vector<1024x128xf32>
    %mul3A_556 = arith.mulf %logistic3A_538, %tanh3A_547 : vector<1024x128xf32>
    %add3A_557 = arith.addf %mul3A_555, %mul3A_556 : vector<1024x128xf32>
    %tanh3A_558 = math.tanh %add3A_557 : vector<1024x128xf32>
    %mul3A_559 = arith.mulf %logistic3A_554, %tanh3A_558 : vector<1024x128xf32>
    %max3A_560 = arith.maximumf %max3A_520, %mul3A_559 : vector<1024x128xf32>
    %get3A_561 = arith.constant 0 : index
    %get3A_562 = arith.constant 14 : index
    %get3A_563 = arith.constant 0 : index
    %get3A_564 = vector.load %arg1[%get3A_561, %get3A_562, %get3A_563] : memref<1024x24x128xbf16, #tpu.memory_space<vmem>>, vector<1024x1x128xbf16>
    %get3A_565 = vector.shape_cast %get3A_564 : vector<1024x1x128xbf16> to vector<1024x128xbf16>
    %convert_element_type3A_566 = arith.extf %get3A_565 : vector<1024x128xbf16> to vector<1024x128xf32>
    %concatenate3A_567 = tpu.concatenate %convert_element_type3A_566, %mul3A_559 in 1 : vector<1024x128xf32>, vector<1024x128xf32> -> vector<1024x256xf32>
    %dot_general3A_568 = arith.constant dense<0.000000e+00> : vector<1024x512xf32>
    %dot_general3A_569 = tpu.matmul %concatenate3A_567, %get3A_1, %dot_general3A_568 {dimension_numbers = #tpu.dot_dimension_numbers<[1], [0], [0], [1], [0, 0, 1, 1], [], []>, transpose_lhs_hint = false} : vector<1024x256xf32>, vector<256x512xf32>, vector<1024x512xf32> -> vector<1024x512xf32>
    %add3A_570 = vector.broadcast %get3A_4 : vector<1x512xf32> to vector<1024x512xf32>
    %add3A_571 = arith.addf %dot_general3A_569, %add3A_570 : vector<1024x512xf32>
    %slice3A_572 = vector.extract_strided_slice %add3A_571 {offsets = [0, 0], sizes = [1024, 128], strides = [1, 1]} : vector<1024x512xf32> to vector<1024x128xf32>
    %logistic3A_573 = arith.negf %slice3A_572 : vector<1024x128xf32>
    %logistic3A_574 = math.exp %logistic3A_573 : vector<1024x128xf32>
    %logistic3A_575 = arith.constant 1.000000e+00 : f32
    %logistic3A_576 = vector.broadcast %logistic3A_575 : f32 to vector<1024x128xf32>
    %logistic3A_577 = arith.addf %logistic3A_576, %logistic3A_574 : vector<1024x128xf32>
    %logistic3A_578 = arith.divf %logistic3A_576, %logistic3A_577 : vector<1024x128xf32>
    %slice3A_579 = vector.extract_strided_slice %add3A_571 {offsets = [0, 128], sizes = [1024, 128], strides = [1, 1]} : vector<1024x512xf32> to vector<1024x128xf32>
    %logistic3A_580 = arith.negf %slice3A_579 : vector<1024x128xf32>
    %logistic3A_581 = math.exp %logistic3A_580 : vector<1024x128xf32>
    %logistic3A_582 = arith.constant 1.000000e+00 : f32
    %logistic3A_583 = vector.broadcast %logistic3A_582 : f32 to vector<1024x128xf32>
    %logistic3A_584 = arith.addf %logistic3A_583, %logistic3A_581 : vector<1024x128xf32>
    %logistic3A_585 = arith.divf %logistic3A_583, %logistic3A_584 : vector<1024x128xf32>
    %slice3A_586 = vector.extract_strided_slice %add3A_571 {offsets = [0, 256], sizes = [1024, 128], strides = [1, 1]} : vector<1024x512xf32> to vector<1024x128xf32>
    %tanh3A_587 = math.tanh %slice3A_586 : vector<1024x128xf32>
    %slice3A_588 = vector.extract_strided_slice %add3A_571 {offsets = [0, 384], sizes = [1024, 128], strides = [1, 1]} : vector<1024x512xf32> to vector<1024x128xf32>
    %logistic3A_589 = arith.negf %slice3A_588 : vector<1024x128xf32>
    %logistic3A_590 = math.exp %logistic3A_589 : vector<1024x128xf32>
    %logistic3A_591 = arith.constant 1.000000e+00 : f32
    %logistic3A_592 = vector.broadcast %logistic3A_591 : f32 to vector<1024x128xf32>
    %logistic3A_593 = arith.addf %logistic3A_592, %logistic3A_590 : vector<1024x128xf32>
    %logistic3A_594 = arith.divf %logistic3A_592, %logistic3A_593 : vector<1024x128xf32>
    %mul3A_595 = arith.mulf %logistic3A_585, %add3A_557 : vector<1024x128xf32>
    %mul3A_596 = arith.mulf %logistic3A_578, %tanh3A_587 : vector<1024x128xf32>
    %add3A_597 = arith.addf %mul3A_595, %mul3A_596 : vector<1024x128xf32>
    %tanh3A_598 = math.tanh %add3A_597 : vector<1024x128xf32>
    %mul3A_599 = arith.mulf %logistic3A_594, %tanh3A_598 : vector<1024x128xf32>
    %max3A_600 = arith.maximumf %max3A_560, %mul3A_599 : vector<1024x128xf32>
    %get3A_601 = arith.constant 0 : index
    %get3A_602 = arith.constant 15 : index
    %get3A_603 = arith.constant 0 : index
    %get3A_604 = vector.load %arg1[%get3A_601, %get3A_602, %get3A_603] : memref<1024x24x128xbf16, #tpu.memory_space<vmem>>, vector<1024x1x128xbf16>
    %get3A_605 = vector.shape_cast %get3A_604 : vector<1024x1x128xbf16> to vector<1024x128xbf16>
    %convert_element_type3A_606 = arith.extf %get3A_605 : vector<1024x128xbf16> to vector<1024x128xf32>
    %concatenate3A_607 = tpu.concatenate %convert_element_type3A_606, %mul3A_599 in 1 : vector<1024x128xf32>, vector<1024x128xf32> -> vector<1024x256xf32>
    %dot_general3A_608 = arith.constant dense<0.000000e+00> : vector<1024x512xf32>
    %dot_general3A_609 = tpu.matmul %concatenate3A_607, %get3A_1, %dot_general3A_608 {dimension_numbers = #tpu.dot_dimension_numbers<[1], [0], [0], [1], [0, 0, 1, 1], [], []>, transpose_lhs_hint = false} : vector<1024x256xf32>, vector<256x512xf32>, vector<1024x512xf32> -> vector<1024x512xf32>
    %add3A_610 = vector.broadcast %get3A_4 : vector<1x512xf32> to vector<1024x512xf32>
    %add3A_611 = arith.addf %dot_general3A_609, %add3A_610 : vector<1024x512xf32>
    %slice3A_612 = vector.extract_strided_slice %add3A_611 {offsets = [0, 0], sizes = [1024, 128], strides = [1, 1]} : vector<1024x512xf32> to vector<1024x128xf32>
    %logistic3A_613 = arith.negf %slice3A_612 : vector<1024x128xf32>
    %logistic3A_614 = math.exp %logistic3A_613 : vector<1024x128xf32>
    %logistic3A_615 = arith.constant 1.000000e+00 : f32
    %logistic3A_616 = vector.broadcast %logistic3A_615 : f32 to vector<1024x128xf32>
    %logistic3A_617 = arith.addf %logistic3A_616, %logistic3A_614 : vector<1024x128xf32>
    %logistic3A_618 = arith.divf %logistic3A_616, %logistic3A_617 : vector<1024x128xf32>
    %slice3A_619 = vector.extract_strided_slice %add3A_611 {offsets = [0, 128], sizes = [1024, 128], strides = [1, 1]} : vector<1024x512xf32> to vector<1024x128xf32>
    %logistic3A_620 = arith.negf %slice3A_619 : vector<1024x128xf32>
    %logistic3A_621 = math.exp %logistic3A_620 : vector<1024x128xf32>
    %logistic3A_622 = arith.constant 1.000000e+00 : f32
    %logistic3A_623 = vector.broadcast %logistic3A_622 : f32 to vector<1024x128xf32>
    %logistic3A_624 = arith.addf %logistic3A_623, %logistic3A_621 : vector<1024x128xf32>
    %logistic3A_625 = arith.divf %logistic3A_623, %logistic3A_624 : vector<1024x128xf32>
    %slice3A_626 = vector.extract_strided_slice %add3A_611 {offsets = [0, 256], sizes = [1024, 128], strides = [1, 1]} : vector<1024x512xf32> to vector<1024x128xf32>
    %tanh3A_627 = math.tanh %slice3A_626 : vector<1024x128xf32>
    %slice3A_628 = vector.extract_strided_slice %add3A_611 {offsets = [0, 384], sizes = [1024, 128], strides = [1, 1]} : vector<1024x512xf32> to vector<1024x128xf32>
    %logistic3A_629 = arith.negf %slice3A_628 : vector<1024x128xf32>
    %logistic3A_630 = math.exp %logistic3A_629 : vector<1024x128xf32>
    %logistic3A_631 = arith.constant 1.000000e+00 : f32
    %logistic3A_632 = vector.broadcast %logistic3A_631 : f32 to vector<1024x128xf32>
    %logistic3A_633 = arith.addf %logistic3A_632, %logistic3A_630 : vector<1024x128xf32>
    %logistic3A_634 = arith.divf %logistic3A_632, %logistic3A_633 : vector<1024x128xf32>
    %mul3A_635 = arith.mulf %logistic3A_625, %add3A_597 : vector<1024x128xf32>
    %mul3A_636 = arith.mulf %logistic3A_618, %tanh3A_627 : vector<1024x128xf32>
    %add3A_637 = arith.addf %mul3A_635, %mul3A_636 : vector<1024x128xf32>
    %tanh3A_638 = math.tanh %add3A_637 : vector<1024x128xf32>
    %mul3A_639 = arith.mulf %logistic3A_634, %tanh3A_638 : vector<1024x128xf32>
    %max3A_640 = arith.maximumf %max3A_600, %mul3A_639 : vector<1024x128xf32>
    %get3A_641 = arith.constant 0 : index
    %get3A_642 = arith.constant 16 : index
    %get3A_643 = arith.constant 0 : index
    %get3A_644 = vector.load %arg1[%get3A_641, %get3A_642, %get3A_643] : memref<1024x24x128xbf16, #tpu.memory_space<vmem>>, vector<1024x1x128xbf16>
    %get3A_645 = vector.shape_cast %get3A_644 : vector<1024x1x128xbf16> to vector<1024x128xbf16>
    %convert_element_type3A_646 = arith.extf %get3A_645 : vector<1024x128xbf16> to vector<1024x128xf32>
    %concatenate3A_647 = tpu.concatenate %convert_element_type3A_646, %mul3A_639 in 1 : vector<1024x128xf32>, vector<1024x128xf32> -> vector<1024x256xf32>
    %dot_general3A_648 = arith.constant dense<0.000000e+00> : vector<1024x512xf32>
    %dot_general3A_649 = tpu.matmul %concatenate3A_647, %get3A_1, %dot_general3A_648 {dimension_numbers = #tpu.dot_dimension_numbers<[1], [0], [0], [1], [0, 0, 1, 1], [], []>, transpose_lhs_hint = false} : vector<1024x256xf32>, vector<256x512xf32>, vector<1024x512xf32> -> vector<1024x512xf32>
    %add3A_650 = vector.broadcast %get3A_4 : vector<1x512xf32> to vector<1024x512xf32>
    %add3A_651 = arith.addf %dot_general3A_649, %add3A_650 : vector<1024x512xf32>
    %slice3A_652 = vector.extract_strided_slice %add3A_651 {offsets = [0, 0], sizes = [1024, 128], strides = [1, 1]} : vector<1024x512xf32> to vector<1024x128xf32>
    %logistic3A_653 = arith.negf %slice3A_652 : vector<1024x128xf32>
    %logistic3A_654 = math.exp %logistic3A_653 : vector<1024x128xf32>
    %logistic3A_655 = arith.constant 1.000000e+00 : f32
    %logistic3A_656 = vector.broadcast %logistic3A_655 : f32 to vector<1024x128xf32>
    %logistic3A_657 = arith.addf %logistic3A_656, %logistic3A_654 : vector<1024x128xf32>
    %logistic3A_658 = arith.divf %logistic3A_656, %logistic3A_657 : vector<1024x128xf32>
    %slice3A_659 = vector.extract_strided_slice %add3A_651 {offsets = [0, 128], sizes = [1024, 128], strides = [1, 1]} : vector<1024x512xf32> to vector<1024x128xf32>
    %logistic3A_660 = arith.negf %slice3A_659 : vector<1024x128xf32>
    %logistic3A_661 = math.exp %logistic3A_660 : vector<1024x128xf32>
    %logistic3A_662 = arith.constant 1.000000e+00 : f32
    %logistic3A_663 = vector.broadcast %logistic3A_662 : f32 to vector<1024x128xf32>
    %logistic3A_664 = arith.addf %logistic3A_663, %logistic3A_661 : vector<1024x128xf32>
    %logistic3A_665 = arith.divf %logistic3A_663, %logistic3A_664 : vector<1024x128xf32>
    %slice3A_666 = vector.extract_strided_slice %add3A_651 {offsets = [0, 256], sizes = [1024, 128], strides = [1, 1]} : vector<1024x512xf32> to vector<1024x128xf32>
    %tanh3A_667 = math.tanh %slice3A_666 : vector<1024x128xf32>
    %slice3A_668 = vector.extract_strided_slice %add3A_651 {offsets = [0, 384], sizes = [1024, 128], strides = [1, 1]} : vector<1024x512xf32> to vector<1024x128xf32>
    %logistic3A_669 = arith.negf %slice3A_668 : vector<1024x128xf32>
    %logistic3A_670 = math.exp %logistic3A_669 : vector<1024x128xf32>
    %logistic3A_671 = arith.constant 1.000000e+00 : f32
    %logistic3A_672 = vector.broadcast %logistic3A_671 : f32 to vector<1024x128xf32>
    %logistic3A_673 = arith.addf %logistic3A_672, %logistic3A_670 : vector<1024x128xf32>
    %logistic3A_674 = arith.divf %logistic3A_672, %logistic3A_673 : vector<1024x128xf32>
    %mul3A_675 = arith.mulf %logistic3A_665, %add3A_637 : vector<1024x128xf32>
    %mul3A_676 = arith.mulf %logistic3A_658, %tanh3A_667 : vector<1024x128xf32>
    %add3A_677 = arith.addf %mul3A_675, %mul3A_676 : vector<1024x128xf32>
    %tanh3A_678 = math.tanh %add3A_677 : vector<1024x128xf32>
    %mul3A_679 = arith.mulf %logistic3A_674, %tanh3A_678 : vector<1024x128xf32>
    %max3A_680 = arith.maximumf %max3A_640, %mul3A_679 : vector<1024x128xf32>
    %get3A_681 = arith.constant 0 : index
    %get3A_682 = arith.constant 17 : index
    %get3A_683 = arith.constant 0 : index
    %get3A_684 = vector.load %arg1[%get3A_681, %get3A_682, %get3A_683] : memref<1024x24x128xbf16, #tpu.memory_space<vmem>>, vector<1024x1x128xbf16>
    %get3A_685 = vector.shape_cast %get3A_684 : vector<1024x1x128xbf16> to vector<1024x128xbf16>
    %convert_element_type3A_686 = arith.extf %get3A_685 : vector<1024x128xbf16> to vector<1024x128xf32>
    %concatenate3A_687 = tpu.concatenate %convert_element_type3A_686, %mul3A_679 in 1 : vector<1024x128xf32>, vector<1024x128xf32> -> vector<1024x256xf32>
    %dot_general3A_688 = arith.constant dense<0.000000e+00> : vector<1024x512xf32>
    %dot_general3A_689 = tpu.matmul %concatenate3A_687, %get3A_1, %dot_general3A_688 {dimension_numbers = #tpu.dot_dimension_numbers<[1], [0], [0], [1], [0, 0, 1, 1], [], []>, transpose_lhs_hint = false} : vector<1024x256xf32>, vector<256x512xf32>, vector<1024x512xf32> -> vector<1024x512xf32>
    %add3A_690 = vector.broadcast %get3A_4 : vector<1x512xf32> to vector<1024x512xf32>
    %add3A_691 = arith.addf %dot_general3A_689, %add3A_690 : vector<1024x512xf32>
    %slice3A_692 = vector.extract_strided_slice %add3A_691 {offsets = [0, 0], sizes = [1024, 128], strides = [1, 1]} : vector<1024x512xf32> to vector<1024x128xf32>
    %logistic3A_693 = arith.negf %slice3A_692 : vector<1024x128xf32>
    %logistic3A_694 = math.exp %logistic3A_693 : vector<1024x128xf32>
    %logistic3A_695 = arith.constant 1.000000e+00 : f32
    %logistic3A_696 = vector.broadcast %logistic3A_695 : f32 to vector<1024x128xf32>
    %logistic3A_697 = arith.addf %logistic3A_696, %logistic3A_694 : vector<1024x128xf32>
    %logistic3A_698 = arith.divf %logistic3A_696, %logistic3A_697 : vector<1024x128xf32>
    %slice3A_699 = vector.extract_strided_slice %add3A_691 {offsets = [0, 128], sizes = [1024, 128], strides = [1, 1]} : vector<1024x512xf32> to vector<1024x128xf32>
    %logistic3A_700 = arith.negf %slice3A_699 : vector<1024x128xf32>
    %logistic3A_701 = math.exp %logistic3A_700 : vector<1024x128xf32>
    %logistic3A_702 = arith.constant 1.000000e+00 : f32
    %logistic3A_703 = vector.broadcast %logistic3A_702 : f32 to vector<1024x128xf32>
    %logistic3A_704 = arith.addf %logistic3A_703, %logistic3A_701 : vector<1024x128xf32>
    %logistic3A_705 = arith.divf %logistic3A_703, %logistic3A_704 : vector<1024x128xf32>
    %slice3A_706 = vector.extract_strided_slice %add3A_691 {offsets = [0, 256], sizes = [1024, 128], strides = [1, 1]} : vector<1024x512xf32> to vector<1024x128xf32>
    %tanh3A_707 = math.tanh %slice3A_706 : vector<1024x128xf32>
    %slice3A_708 = vector.extract_strided_slice %add3A_691 {offsets = [0, 384], sizes = [1024, 128], strides = [1, 1]} : vector<1024x512xf32> to vector<1024x128xf32>
    %logistic3A_709 = arith.negf %slice3A_708 : vector<1024x128xf32>
    %logistic3A_710 = math.exp %logistic3A_709 : vector<1024x128xf32>
    %logistic3A_711 = arith.constant 1.000000e+00 : f32
    %logistic3A_712 = vector.broadcast %logistic3A_711 : f32 to vector<1024x128xf32>
    %logistic3A_713 = arith.addf %logistic3A_712, %logistic3A_710 : vector<1024x128xf32>
    %logistic3A_714 = arith.divf %logistic3A_712, %logistic3A_713 : vector<1024x128xf32>
    %mul3A_715 = arith.mulf %logistic3A_705, %add3A_677 : vector<1024x128xf32>
    %mul3A_716 = arith.mulf %logistic3A_698, %tanh3A_707 : vector<1024x128xf32>
    %add3A_717 = arith.addf %mul3A_715, %mul3A_716 : vector<1024x128xf32>
    %tanh3A_718 = math.tanh %add3A_717 : vector<1024x128xf32>
    %mul3A_719 = arith.mulf %logistic3A_714, %tanh3A_718 : vector<1024x128xf32>
    %max3A_720 = arith.maximumf %max3A_680, %mul3A_719 : vector<1024x128xf32>
    %get3A_721 = arith.constant 0 : index
    %get3A_722 = arith.constant 18 : index
    %get3A_723 = arith.constant 0 : index
    %get3A_724 = vector.load %arg1[%get3A_721, %get3A_722, %get3A_723] : memref<1024x24x128xbf16, #tpu.memory_space<vmem>>, vector<1024x1x128xbf16>
    %get3A_725 = vector.shape_cast %get3A_724 : vector<1024x1x128xbf16> to vector<1024x128xbf16>
    %convert_element_type3A_726 = arith.extf %get3A_725 : vector<1024x128xbf16> to vector<1024x128xf32>
    %concatenate3A_727 = tpu.concatenate %convert_element_type3A_726, %mul3A_719 in 1 : vector<1024x128xf32>, vector<1024x128xf32> -> vector<1024x256xf32>
    %dot_general3A_728 = arith.constant dense<0.000000e+00> : vector<1024x512xf32>
    %dot_general3A_729 = tpu.matmul %concatenate3A_727, %get3A_1, %dot_general3A_728 {dimension_numbers = #tpu.dot_dimension_numbers<[1], [0], [0], [1], [0, 0, 1, 1], [], []>, transpose_lhs_hint = false} : vector<1024x256xf32>, vector<256x512xf32>, vector<1024x512xf32> -> vector<1024x512xf32>
    %add3A_730 = vector.broadcast %get3A_4 : vector<1x512xf32> to vector<1024x512xf32>
    %add3A_731 = arith.addf %dot_general3A_729, %add3A_730 : vector<1024x512xf32>
    %slice3A_732 = vector.extract_strided_slice %add3A_731 {offsets = [0, 0], sizes = [1024, 128], strides = [1, 1]} : vector<1024x512xf32> to vector<1024x128xf32>
    %logistic3A_733 = arith.negf %slice3A_732 : vector<1024x128xf32>
    %logistic3A_734 = math.exp %logistic3A_733 : vector<1024x128xf32>
    %logistic3A_735 = arith.constant 1.000000e+00 : f32
    %logistic3A_736 = vector.broadcast %logistic3A_735 : f32 to vector<1024x128xf32>
    %logistic3A_737 = arith.addf %logistic3A_736, %logistic3A_734 : vector<1024x128xf32>
    %logistic3A_738 = arith.divf %logistic3A_736, %logistic3A_737 : vector<1024x128xf32>
    %slice3A_739 = vector.extract_strided_slice %add3A_731 {offsets = [0, 128], sizes = [1024, 128], strides = [1, 1]} : vector<1024x512xf32> to vector<1024x128xf32>
    %logistic3A_740 = arith.negf %slice3A_739 : vector<1024x128xf32>
    %logistic3A_741 = math.exp %logistic3A_740 : vector<1024x128xf32>
    %logistic3A_742 = arith.constant 1.000000e+00 : f32
    %logistic3A_743 = vector.broadcast %logistic3A_742 : f32 to vector<1024x128xf32>
    %logistic3A_744 = arith.addf %logistic3A_743, %logistic3A_741 : vector<1024x128xf32>
    %logistic3A_745 = arith.divf %logistic3A_743, %logistic3A_744 : vector<1024x128xf32>
    %slice3A_746 = vector.extract_strided_slice %add3A_731 {offsets = [0, 256], sizes = [1024, 128], strides = [1, 1]} : vector<1024x512xf32> to vector<1024x128xf32>
    %tanh3A_747 = math.tanh %slice3A_746 : vector<1024x128xf32>
    %slice3A_748 = vector.extract_strided_slice %add3A_731 {offsets = [0, 384], sizes = [1024, 128], strides = [1, 1]} : vector<1024x512xf32> to vector<1024x128xf32>
    %logistic3A_749 = arith.negf %slice3A_748 : vector<1024x128xf32>
    %logistic3A_750 = math.exp %logistic3A_749 : vector<1024x128xf32>
    %logistic3A_751 = arith.constant 1.000000e+00 : f32
    %logistic3A_752 = vector.broadcast %logistic3A_751 : f32 to vector<1024x128xf32>
    %logistic3A_753 = arith.addf %logistic3A_752, %logistic3A_750 : vector<1024x128xf32>
    %logistic3A_754 = arith.divf %logistic3A_752, %logistic3A_753 : vector<1024x128xf32>
    %mul3A_755 = arith.mulf %logistic3A_745, %add3A_717 : vector<1024x128xf32>
    %mul3A_756 = arith.mulf %logistic3A_738, %tanh3A_747 : vector<1024x128xf32>
    %add3A_757 = arith.addf %mul3A_755, %mul3A_756 : vector<1024x128xf32>
    %tanh3A_758 = math.tanh %add3A_757 : vector<1024x128xf32>
    %mul3A_759 = arith.mulf %logistic3A_754, %tanh3A_758 : vector<1024x128xf32>
    %max3A_760 = arith.maximumf %max3A_720, %mul3A_759 : vector<1024x128xf32>
    %get3A_761 = arith.constant 0 : index
    %get3A_762 = arith.constant 19 : index
    %get3A_763 = arith.constant 0 : index
    %get3A_764 = vector.load %arg1[%get3A_761, %get3A_762, %get3A_763] : memref<1024x24x128xbf16, #tpu.memory_space<vmem>>, vector<1024x1x128xbf16>
    %get3A_765 = vector.shape_cast %get3A_764 : vector<1024x1x128xbf16> to vector<1024x128xbf16>
    %convert_element_type3A_766 = arith.extf %get3A_765 : vector<1024x128xbf16> to vector<1024x128xf32>
    %concatenate3A_767 = tpu.concatenate %convert_element_type3A_766, %mul3A_759 in 1 : vector<1024x128xf32>, vector<1024x128xf32> -> vector<1024x256xf32>
    %dot_general3A_768 = arith.constant dense<0.000000e+00> : vector<1024x512xf32>
    %dot_general3A_769 = tpu.matmul %concatenate3A_767, %get3A_1, %dot_general3A_768 {dimension_numbers = #tpu.dot_dimension_numbers<[1], [0], [0], [1], [0, 0, 1, 1], [], []>, transpose_lhs_hint = false} : vector<1024x256xf32>, vector<256x512xf32>, vector<1024x512xf32> -> vector<1024x512xf32>
    %add3A_770 = vector.broadcast %get3A_4 : vector<1x512xf32> to vector<1024x512xf32>
    %add3A_771 = arith.addf %dot_general3A_769, %add3A_770 : vector<1024x512xf32>
    %slice3A_772 = vector.extract_strided_slice %add3A_771 {offsets = [0, 0], sizes = [1024, 128], strides = [1, 1]} : vector<1024x512xf32> to vector<1024x128xf32>
    %logistic3A_773 = arith.negf %slice3A_772 : vector<1024x128xf32>
    %logistic3A_774 = math.exp %logistic3A_773 : vector<1024x128xf32>
    %logistic3A_775 = arith.constant 1.000000e+00 : f32
    %logistic3A_776 = vector.broadcast %logistic3A_775 : f32 to vector<1024x128xf32>
    %logistic3A_777 = arith.addf %logistic3A_776, %logistic3A_774 : vector<1024x128xf32>
    %logistic3A_778 = arith.divf %logistic3A_776, %logistic3A_777 : vector<1024x128xf32>
    %slice3A_779 = vector.extract_strided_slice %add3A_771 {offsets = [0, 128], sizes = [1024, 128], strides = [1, 1]} : vector<1024x512xf32> to vector<1024x128xf32>
    %logistic3A_780 = arith.negf %slice3A_779 : vector<1024x128xf32>
    %logistic3A_781 = math.exp %logistic3A_780 : vector<1024x128xf32>
    %logistic3A_782 = arith.constant 1.000000e+00 : f32
    %logistic3A_783 = vector.broadcast %logistic3A_782 : f32 to vector<1024x128xf32>
    %logistic3A_784 = arith.addf %logistic3A_783, %logistic3A_781 : vector<1024x128xf32>
    %logistic3A_785 = arith.divf %logistic3A_783, %logistic3A_784 : vector<1024x128xf32>
    %slice3A_786 = vector.extract_strided_slice %add3A_771 {offsets = [0, 256], sizes = [1024, 128], strides = [1, 1]} : vector<1024x512xf32> to vector<1024x128xf32>
    %tanh3A_787 = math.tanh %slice3A_786 : vector<1024x128xf32>
    %slice3A_788 = vector.extract_strided_slice %add3A_771 {offsets = [0, 384], sizes = [1024, 128], strides = [1, 1]} : vector<1024x512xf32> to vector<1024x128xf32>
    %logistic3A_789 = arith.negf %slice3A_788 : vector<1024x128xf32>
    %logistic3A_790 = math.exp %logistic3A_789 : vector<1024x128xf32>
    %logistic3A_791 = arith.constant 1.000000e+00 : f32
    %logistic3A_792 = vector.broadcast %logistic3A_791 : f32 to vector<1024x128xf32>
    %logistic3A_793 = arith.addf %logistic3A_792, %logistic3A_790 : vector<1024x128xf32>
    %logistic3A_794 = arith.divf %logistic3A_792, %logistic3A_793 : vector<1024x128xf32>
    %mul3A_795 = arith.mulf %logistic3A_785, %add3A_757 : vector<1024x128xf32>
    %mul3A_796 = arith.mulf %logistic3A_778, %tanh3A_787 : vector<1024x128xf32>
    %add3A_797 = arith.addf %mul3A_795, %mul3A_796 : vector<1024x128xf32>
    %tanh3A_798 = math.tanh %add3A_797 : vector<1024x128xf32>
    %mul3A_799 = arith.mulf %logistic3A_794, %tanh3A_798 : vector<1024x128xf32>
    %max3A_800 = arith.maximumf %max3A_760, %mul3A_799 : vector<1024x128xf32>
    %get3A_801 = arith.constant 0 : index
    %get3A_802 = arith.constant 20 : index
    %get3A_803 = arith.constant 0 : index
    %get3A_804 = vector.load %arg1[%get3A_801, %get3A_802, %get3A_803] : memref<1024x24x128xbf16, #tpu.memory_space<vmem>>, vector<1024x1x128xbf16>
    %get3A_805 = vector.shape_cast %get3A_804 : vector<1024x1x128xbf16> to vector<1024x128xbf16>
    %convert_element_type3A_806 = arith.extf %get3A_805 : vector<1024x128xbf16> to vector<1024x128xf32>
    %concatenate3A_807 = tpu.concatenate %convert_element_type3A_806, %mul3A_799 in 1 : vector<1024x128xf32>, vector<1024x128xf32> -> vector<1024x256xf32>
    %dot_general3A_808 = arith.constant dense<0.000000e+00> : vector<1024x512xf32>
    %dot_general3A_809 = tpu.matmul %concatenate3A_807, %get3A_1, %dot_general3A_808 {dimension_numbers = #tpu.dot_dimension_numbers<[1], [0], [0], [1], [0, 0, 1, 1], [], []>, transpose_lhs_hint = false} : vector<1024x256xf32>, vector<256x512xf32>, vector<1024x512xf32> -> vector<1024x512xf32>
    %add3A_810 = vector.broadcast %get3A_4 : vector<1x512xf32> to vector<1024x512xf32>
    %add3A_811 = arith.addf %dot_general3A_809, %add3A_810 : vector<1024x512xf32>
    %slice3A_812 = vector.extract_strided_slice %add3A_811 {offsets = [0, 0], sizes = [1024, 128], strides = [1, 1]} : vector<1024x512xf32> to vector<1024x128xf32>
    %logistic3A_813 = arith.negf %slice3A_812 : vector<1024x128xf32>
    %logistic3A_814 = math.exp %logistic3A_813 : vector<1024x128xf32>
    %logistic3A_815 = arith.constant 1.000000e+00 : f32
    %logistic3A_816 = vector.broadcast %logistic3A_815 : f32 to vector<1024x128xf32>
    %logistic3A_817 = arith.addf %logistic3A_816, %logistic3A_814 : vector<1024x128xf32>
    %logistic3A_818 = arith.divf %logistic3A_816, %logistic3A_817 : vector<1024x128xf32>
    %slice3A_819 = vector.extract_strided_slice %add3A_811 {offsets = [0, 128], sizes = [1024, 128], strides = [1, 1]} : vector<1024x512xf32> to vector<1024x128xf32>
    %logistic3A_820 = arith.negf %slice3A_819 : vector<1024x128xf32>
    %logistic3A_821 = math.exp %logistic3A_820 : vector<1024x128xf32>
    %logistic3A_822 = arith.constant 1.000000e+00 : f32
    %logistic3A_823 = vector.broadcast %logistic3A_822 : f32 to vector<1024x128xf32>
    %logistic3A_824 = arith.addf %logistic3A_823, %logistic3A_821 : vector<1024x128xf32>
    %logistic3A_825 = arith.divf %logistic3A_823, %logistic3A_824 : vector<1024x128xf32>
    %slice3A_826 = vector.extract_strided_slice %add3A_811 {offsets = [0, 256], sizes = [1024, 128], strides = [1, 1]} : vector<1024x512xf32> to vector<1024x128xf32>
    %tanh3A_827 = math.tanh %slice3A_826 : vector<1024x128xf32>
    %slice3A_828 = vector.extract_strided_slice %add3A_811 {offsets = [0, 384], sizes = [1024, 128], strides = [1, 1]} : vector<1024x512xf32> to vector<1024x128xf32>
    %logistic3A_829 = arith.negf %slice3A_828 : vector<1024x128xf32>
    %logistic3A_830 = math.exp %logistic3A_829 : vector<1024x128xf32>
    %logistic3A_831 = arith.constant 1.000000e+00 : f32
    %logistic3A_832 = vector.broadcast %logistic3A_831 : f32 to vector<1024x128xf32>
    %logistic3A_833 = arith.addf %logistic3A_832, %logistic3A_830 : vector<1024x128xf32>
    %logistic3A_834 = arith.divf %logistic3A_832, %logistic3A_833 : vector<1024x128xf32>
    %mul3A_835 = arith.mulf %logistic3A_825, %add3A_797 : vector<1024x128xf32>
    %mul3A_836 = arith.mulf %logistic3A_818, %tanh3A_827 : vector<1024x128xf32>
    %add3A_837 = arith.addf %mul3A_835, %mul3A_836 : vector<1024x128xf32>
    %tanh3A_838 = math.tanh %add3A_837 : vector<1024x128xf32>
    %mul3A_839 = arith.mulf %logistic3A_834, %tanh3A_838 : vector<1024x128xf32>
    %max3A_840 = arith.maximumf %max3A_800, %mul3A_839 : vector<1024x128xf32>
    %get3A_841 = arith.constant 0 : index
    %get3A_842 = arith.constant 21 : index
    %get3A_843 = arith.constant 0 : index
    %get3A_844 = vector.load %arg1[%get3A_841, %get3A_842, %get3A_843] : memref<1024x24x128xbf16, #tpu.memory_space<vmem>>, vector<1024x1x128xbf16>
    %get3A_845 = vector.shape_cast %get3A_844 : vector<1024x1x128xbf16> to vector<1024x128xbf16>
    %convert_element_type3A_846 = arith.extf %get3A_845 : vector<1024x128xbf16> to vector<1024x128xf32>
    %concatenate3A_847 = tpu.concatenate %convert_element_type3A_846, %mul3A_839 in 1 : vector<1024x128xf32>, vector<1024x128xf32> -> vector<1024x256xf32>
    %dot_general3A_848 = arith.constant dense<0.000000e+00> : vector<1024x512xf32>
    %dot_general3A_849 = tpu.matmul %concatenate3A_847, %get3A_1, %dot_general3A_848 {dimension_numbers = #tpu.dot_dimension_numbers<[1], [0], [0], [1], [0, 0, 1, 1], [], []>, transpose_lhs_hint = false} : vector<1024x256xf32>, vector<256x512xf32>, vector<1024x512xf32> -> vector<1024x512xf32>
    %add3A_850 = vector.broadcast %get3A_4 : vector<1x512xf32> to vector<1024x512xf32>
    %add3A_851 = arith.addf %dot_general3A_849, %add3A_850 : vector<1024x512xf32>
    %slice3A_852 = vector.extract_strided_slice %add3A_851 {offsets = [0, 0], sizes = [1024, 128], strides = [1, 1]} : vector<1024x512xf32> to vector<1024x128xf32>
    %logistic3A_853 = arith.negf %slice3A_852 : vector<1024x128xf32>
    %logistic3A_854 = math.exp %logistic3A_853 : vector<1024x128xf32>
    %logistic3A_855 = arith.constant 1.000000e+00 : f32
    %logistic3A_856 = vector.broadcast %logistic3A_855 : f32 to vector<1024x128xf32>
    %logistic3A_857 = arith.addf %logistic3A_856, %logistic3A_854 : vector<1024x128xf32>
    %logistic3A_858 = arith.divf %logistic3A_856, %logistic3A_857 : vector<1024x128xf32>
    %slice3A_859 = vector.extract_strided_slice %add3A_851 {offsets = [0, 128], sizes = [1024, 128], strides = [1, 1]} : vector<1024x512xf32> to vector<1024x128xf32>
    %logistic3A_860 = arith.negf %slice3A_859 : vector<1024x128xf32>
    %logistic3A_861 = math.exp %logistic3A_860 : vector<1024x128xf32>
    %logistic3A_862 = arith.constant 1.000000e+00 : f32
    %logistic3A_863 = vector.broadcast %logistic3A_862 : f32 to vector<1024x128xf32>
    %logistic3A_864 = arith.addf %logistic3A_863, %logistic3A_861 : vector<1024x128xf32>
    %logistic3A_865 = arith.divf %logistic3A_863, %logistic3A_864 : vector<1024x128xf32>
    %slice3A_866 = vector.extract_strided_slice %add3A_851 {offsets = [0, 256], sizes = [1024, 128], strides = [1, 1]} : vector<1024x512xf32> to vector<1024x128xf32>
    %tanh3A_867 = math.tanh %slice3A_866 : vector<1024x128xf32>
    %slice3A_868 = vector.extract_strided_slice %add3A_851 {offsets = [0, 384], sizes = [1024, 128], strides = [1, 1]} : vector<1024x512xf32> to vector<1024x128xf32>
    %logistic3A_869 = arith.negf %slice3A_868 : vector<1024x128xf32>
    %logistic3A_870 = math.exp %logistic3A_869 : vector<1024x128xf32>
    %logistic3A_871 = arith.constant 1.000000e+00 : f32
    %logistic3A_872 = vector.broadcast %logistic3A_871 : f32 to vector<1024x128xf32>
    %logistic3A_873 = arith.addf %logistic3A_872, %logistic3A_870 : vector<1024x128xf32>
    %logistic3A_874 = arith.divf %logistic3A_872, %logistic3A_873 : vector<1024x128xf32>
    %mul3A_875 = arith.mulf %logistic3A_865, %add3A_837 : vector<1024x128xf32>
    %mul3A_876 = arith.mulf %logistic3A_858, %tanh3A_867 : vector<1024x128xf32>
    %add3A_877 = arith.addf %mul3A_875, %mul3A_876 : vector<1024x128xf32>
    %tanh3A_878 = math.tanh %add3A_877 : vector<1024x128xf32>
    %mul3A_879 = arith.mulf %logistic3A_874, %tanh3A_878 : vector<1024x128xf32>
    %max3A_880 = arith.maximumf %max3A_840, %mul3A_879 : vector<1024x128xf32>
    %get3A_881 = arith.constant 0 : index
    %get3A_882 = arith.constant 22 : index
    %get3A_883 = arith.constant 0 : index
    %get3A_884 = vector.load %arg1[%get3A_881, %get3A_882, %get3A_883] : memref<1024x24x128xbf16, #tpu.memory_space<vmem>>, vector<1024x1x128xbf16>
    %get3A_885 = vector.shape_cast %get3A_884 : vector<1024x1x128xbf16> to vector<1024x128xbf16>
    %convert_element_type3A_886 = arith.extf %get3A_885 : vector<1024x128xbf16> to vector<1024x128xf32>
    %concatenate3A_887 = tpu.concatenate %convert_element_type3A_886, %mul3A_879 in 1 : vector<1024x128xf32>, vector<1024x128xf32> -> vector<1024x256xf32>
    %dot_general3A_888 = arith.constant dense<0.000000e+00> : vector<1024x512xf32>
    %dot_general3A_889 = tpu.matmul %concatenate3A_887, %get3A_1, %dot_general3A_888 {dimension_numbers = #tpu.dot_dimension_numbers<[1], [0], [0], [1], [0, 0, 1, 1], [], []>, transpose_lhs_hint = false} : vector<1024x256xf32>, vector<256x512xf32>, vector<1024x512xf32> -> vector<1024x512xf32>
    %add3A_890 = vector.broadcast %get3A_4 : vector<1x512xf32> to vector<1024x512xf32>
    %add3A_891 = arith.addf %dot_general3A_889, %add3A_890 : vector<1024x512xf32>
    %slice3A_892 = vector.extract_strided_slice %add3A_891 {offsets = [0, 0], sizes = [1024, 128], strides = [1, 1]} : vector<1024x512xf32> to vector<1024x128xf32>
    %logistic3A_893 = arith.negf %slice3A_892 : vector<1024x128xf32>
    %logistic3A_894 = math.exp %logistic3A_893 : vector<1024x128xf32>
    %logistic3A_895 = arith.constant 1.000000e+00 : f32
    %logistic3A_896 = vector.broadcast %logistic3A_895 : f32 to vector<1024x128xf32>
    %logistic3A_897 = arith.addf %logistic3A_896, %logistic3A_894 : vector<1024x128xf32>
    %logistic3A_898 = arith.divf %logistic3A_896, %logistic3A_897 : vector<1024x128xf32>
    %slice3A_899 = vector.extract_strided_slice %add3A_891 {offsets = [0, 128], sizes = [1024, 128], strides = [1, 1]} : vector<1024x512xf32> to vector<1024x128xf32>
    %logistic3A_900 = arith.negf %slice3A_899 : vector<1024x128xf32>
    %logistic3A_901 = math.exp %logistic3A_900 : vector<1024x128xf32>
    %logistic3A_902 = arith.constant 1.000000e+00 : f32
    %logistic3A_903 = vector.broadcast %logistic3A_902 : f32 to vector<1024x128xf32>
    %logistic3A_904 = arith.addf %logistic3A_903, %logistic3A_901 : vector<1024x128xf32>
    %logistic3A_905 = arith.divf %logistic3A_903, %logistic3A_904 : vector<1024x128xf32>
    %slice3A_906 = vector.extract_strided_slice %add3A_891 {offsets = [0, 256], sizes = [1024, 128], strides = [1, 1]} : vector<1024x512xf32> to vector<1024x128xf32>
    %tanh3A_907 = math.tanh %slice3A_906 : vector<1024x128xf32>
    %slice3A_908 = vector.extract_strided_slice %add3A_891 {offsets = [0, 384], sizes = [1024, 128], strides = [1, 1]} : vector<1024x512xf32> to vector<1024x128xf32>
    %logistic3A_909 = arith.negf %slice3A_908 : vector<1024x128xf32>
    %logistic3A_910 = math.exp %logistic3A_909 : vector<1024x128xf32>
    %logistic3A_911 = arith.constant 1.000000e+00 : f32
    %logistic3A_912 = vector.broadcast %logistic3A_911 : f32 to vector<1024x128xf32>
    %logistic3A_913 = arith.addf %logistic3A_912, %logistic3A_910 : vector<1024x128xf32>
    %logistic3A_914 = arith.divf %logistic3A_912, %logistic3A_913 : vector<1024x128xf32>
    %mul3A_915 = arith.mulf %logistic3A_905, %add3A_877 : vector<1024x128xf32>
    %mul3A_916 = arith.mulf %logistic3A_898, %tanh3A_907 : vector<1024x128xf32>
    %add3A_917 = arith.addf %mul3A_915, %mul3A_916 : vector<1024x128xf32>
    %tanh3A_918 = math.tanh %add3A_917 : vector<1024x128xf32>
    %mul3A_919 = arith.mulf %logistic3A_914, %tanh3A_918 : vector<1024x128xf32>
    %max3A_920 = arith.maximumf %max3A_880, %mul3A_919 : vector<1024x128xf32>
    %get3A_921 = arith.constant 0 : index
    %get3A_922 = arith.constant 23 : index
    %get3A_923 = arith.constant 0 : index
    %get3A_924 = vector.load %arg1[%get3A_921, %get3A_922, %get3A_923] : memref<1024x24x128xbf16, #tpu.memory_space<vmem>>, vector<1024x1x128xbf16>
    %get3A_925 = vector.shape_cast %get3A_924 : vector<1024x1x128xbf16> to vector<1024x128xbf16>
    %convert_element_type3A_926 = arith.extf %get3A_925 : vector<1024x128xbf16> to vector<1024x128xf32>
    %concatenate3A_927 = tpu.concatenate %convert_element_type3A_926, %mul3A_919 in 1 : vector<1024x128xf32>, vector<1024x128xf32> -> vector<1024x256xf32>
    %dot_general3A_928 = arith.constant dense<0.000000e+00> : vector<1024x512xf32>
    %dot_general3A_929 = tpu.matmul %concatenate3A_927, %get3A_1, %dot_general3A_928 {dimension_numbers = #tpu.dot_dimension_numbers<[1], [0], [0], [1], [0, 0, 1, 1], [], []>, transpose_lhs_hint = false} : vector<1024x256xf32>, vector<256x512xf32>, vector<1024x512xf32> -> vector<1024x512xf32>
    %add3A_930 = vector.broadcast %get3A_4 : vector<1x512xf32> to vector<1024x512xf32>
    %add3A_931 = arith.addf %dot_general3A_929, %add3A_930 : vector<1024x512xf32>
    %slice3A_932 = vector.extract_strided_slice %add3A_931 {offsets = [0, 0], sizes = [1024, 128], strides = [1, 1]} : vector<1024x512xf32> to vector<1024x128xf32>
    %logistic3A_933 = arith.negf %slice3A_932 : vector<1024x128xf32>
    %logistic3A_934 = math.exp %logistic3A_933 : vector<1024x128xf32>
    %logistic3A_935 = arith.constant 1.000000e+00 : f32
    %logistic3A_936 = vector.broadcast %logistic3A_935 : f32 to vector<1024x128xf32>
    %logistic3A_937 = arith.addf %logistic3A_936, %logistic3A_934 : vector<1024x128xf32>
    %logistic3A_938 = arith.divf %logistic3A_936, %logistic3A_937 : vector<1024x128xf32>
    %slice3A_939 = vector.extract_strided_slice %add3A_931 {offsets = [0, 128], sizes = [1024, 128], strides = [1, 1]} : vector<1024x512xf32> to vector<1024x128xf32>
    %logistic3A_940 = arith.negf %slice3A_939 : vector<1024x128xf32>
    %logistic3A_941 = math.exp %logistic3A_940 : vector<1024x128xf32>
    %logistic3A_942 = arith.constant 1.000000e+00 : f32
    %logistic3A_943 = vector.broadcast %logistic3A_942 : f32 to vector<1024x128xf32>
    %logistic3A_944 = arith.addf %logistic3A_943, %logistic3A_941 : vector<1024x128xf32>
    %logistic3A_945 = arith.divf %logistic3A_943, %logistic3A_944 : vector<1024x128xf32>
    %slice3A_946 = vector.extract_strided_slice %add3A_931 {offsets = [0, 256], sizes = [1024, 128], strides = [1, 1]} : vector<1024x512xf32> to vector<1024x128xf32>
    %tanh3A_947 = math.tanh %slice3A_946 : vector<1024x128xf32>
    %slice3A_948 = vector.extract_strided_slice %add3A_931 {offsets = [0, 384], sizes = [1024, 128], strides = [1, 1]} : vector<1024x512xf32> to vector<1024x128xf32>
    %logistic3A_949 = arith.negf %slice3A_948 : vector<1024x128xf32>
    %logistic3A_950 = math.exp %logistic3A_949 : vector<1024x128xf32>
    %logistic3A_951 = arith.constant 1.000000e+00 : f32
    %logistic3A_952 = vector.broadcast %logistic3A_951 : f32 to vector<1024x128xf32>
    %logistic3A_953 = arith.addf %logistic3A_952, %logistic3A_950 : vector<1024x128xf32>
    %logistic3A_954 = arith.divf %logistic3A_952, %logistic3A_953 : vector<1024x128xf32>
    %mul3A_955 = arith.mulf %logistic3A_945, %add3A_917 : vector<1024x128xf32>
    %mul3A_956 = arith.mulf %logistic3A_938, %tanh3A_947 : vector<1024x128xf32>
    %add3A_957 = arith.addf %mul3A_955, %mul3A_956 : vector<1024x128xf32>
    %tanh3A_958 = math.tanh %add3A_957 : vector<1024x128xf32>
    %mul3A_959 = arith.mulf %logistic3A_954, %tanh3A_958 : vector<1024x128xf32>
    %max3A_960 = arith.maximumf %max3A_920, %mul3A_959 : vector<1024x128xf32>
    %swap3A = arith.constant 0 : index
    %swap3A_961 = arith.constant 0 : index
    %swap3A_962 = vector.load %arg4[%swap3A, %swap3A_961] : memref<1024x128xf32, #tpu.memory_space<vmem>>, vector<1024x128xf32>
    tpu.vector_store %arg4[%swap3A, %swap3A_961], %max3A_960 {strides = array<i32>} : memref<1024x128xf32, #tpu.memory_space<vmem>>, vector<1024x128xf32>,
    return
  }
  func.func @transform_0(%arg0: i32) -> (i32, i32, i32) {
    %c0_i32 = arith.constant 0 : i32
    %c0_i32_0 = arith.constant 0 : i32
    %c0_i32_1 = arith.constant 0 : i32
    return %arg0, %c0_i32, %c0_i32_0 : i32, i32, i32
  }
  func.func @transform_1(%arg0: i32) -> (i32, i32) {
    %c0_i32 = arith.constant 0 : i32
    %c0_i32_0 = arith.constant 0 : i32
    %c0_i32_1 = arith.constant 0 : i32
    return %c0_i32, %c0_i32_0 : i32, i32
  }
  func.func @transform_2(%arg0: i32) -> (i32, i32) {
    %c0_i32 = arith.constant 0 : i32
    %c0_i32_0 = arith.constant 0 : i32
    %c0_i32_1 = arith.constant 0 : i32
    return %c0_i32, %c0_i32_0 : i32, i32
  }
  func.func @transform_3(%arg0: i32) -> (i32, i32) {
    %c0_i32 = arith.constant 0 : i32
    %c0_i32_0 = arith.constant 0 : i32
    return %arg0, %c0_i32 : i32, i32
  }
}

module attributes {stable_mosaic.version = 14 : i64} {
  func.func @body(%arg0: memref<384x12x128xf32, #tpu.memory_space<vmem>>, %arg1: memref<384x12x128xf32, #tpu.memory_space<vmem>>, %arg2: memref<384x12x128xf32, #tpu.memory_space<vmem>>, %arg3: memref<384x12x128xf32, #tpu.memory_space<vmem>>, %arg4: memref<384x128xf32, #tpu.memory_space<vmem>>, %arg5: memref<384x128xf32, #tpu.memory_space<vmem>>, %arg6: memref<128x128xf32, #tpu.memory_space<vmem>>, %arg7: memref<128x128xf32, #tpu.memory_space<vmem>>, %arg8: memref<128x128xf32, #tpu.memory_space<vmem>>, %arg9: memref<1x128xf32, #tpu.memory_space<vmem>>, %arg10: memref<128x128xf32, #tpu.memory_space<vmem>>, %arg11: memref<128x128xf32, #tpu.memory_space<vmem>>, %arg12: memref<128x128xf32, #tpu.memory_space<vmem>>, %arg13: memref<1x128xf32, #tpu.memory_space<vmem>>, %arg14: memref<128x128xf32, #tpu.memory_space<vmem>>, %arg15: memref<128x128xf32, #tpu.memory_space<vmem>>, %arg16: memref<128x128xf32, #tpu.memory_space<vmem>>, %arg17: memref<1x128xf32, #tpu.memory_space<vmem>>, %arg18: memref<384x128xf32, #tpu.memory_space<vmem>>, %arg19: memref<384x128xf32, #tpu.memory_space<vmem>>, %arg20: memref<384x12x128xf32, #tpu.memory_space<vmem>>, %arg21: memref<384x12x128xf32, #tpu.memory_space<vmem>>) attributes {dimension_semantics = [], scalar_prefetch = 0 : i64, scratch_operands = 2 : i64, tpu.core_type = #tpu.core_type<tc>} {
    %get3A = arith.constant 0 : index
    %get3A_0 = arith.constant 0 : index
    %get3A_1 = vector.load %arg4[%get3A, %get3A_0] : memref<384x128xf32, #tpu.memory_space<vmem>>, vector<384x128xf32>
    %get3A_2 = arith.constant 0 : index
    %get3A_3 = arith.constant 0 : index
    %get3A_4 = vector.load %arg5[%get3A_2, %get3A_3] : memref<384x128xf32, #tpu.memory_space<vmem>>, vector<384x128xf32>
    %get3A_5 = arith.constant 0 : index
    %get3A_6 = arith.constant 0 : index
    %get3A_7 = vector.load %arg6[%get3A_5, %get3A_6] : memref<128x128xf32, #tpu.memory_space<vmem>>, vector<128x128xf32>
    %get3A_8 = arith.constant 0 : index
    %get3A_9 = arith.constant 0 : index
    %get3A_10 = vector.load %arg7[%get3A_8, %get3A_9] : memref<128x128xf32, #tpu.memory_space<vmem>>, vector<128x128xf32>
    %get3A_11 = arith.constant 0 : index
    %get3A_12 = arith.constant 0 : index
    %get3A_13 = vector.load %arg8[%get3A_11, %get3A_12] : memref<128x128xf32, #tpu.memory_space<vmem>>, vector<128x128xf32>
    %get3A_14 = arith.constant 0 : index
    %get3A_15 = arith.constant 0 : index
    %get3A_16 = vector.load %arg9[%get3A_14, %get3A_15] : memref<1x128xf32, #tpu.memory_space<vmem>>, vector<1x128xf32>
    %dot_general3A = arith.constant dense<0.000000e+00> : vector<384x128xf32>
    %dot_general3A_17 = tpu.matmul %get3A_4, %get3A_13, %dot_general3A {dimension_numbers = #tpu.dot_dimension_numbers<[1], [0], [0], [1], [0, 0, 1, 1], [], []>, transpose_lhs_hint = false} : vector<384x128xf32>, vector<128x128xf32>, vector<384x128xf32> -> vector<384x128xf32>
    %add3A = vector.broadcast %get3A_16 : vector<1x128xf32> to vector<384x128xf32>
    %add3A_18 = arith.addf %dot_general3A_17, %add3A : vector<384x128xf32>
    %dot_general3A_19 = arith.constant dense<0.000000e+00> : vector<384x128xf32>
    %dot_general3A_20 = tpu.matmul %get3A_1, %get3A_10, %dot_general3A_19 {dimension_numbers = #tpu.dot_dimension_numbers<[1], [0], [0], [1], [0, 0, 1, 1], [], []>, transpose_lhs_hint = false} : vector<384x128xf32>, vector<128x128xf32>, vector<384x128xf32> -> vector<384x128xf32>
    %add3A_21 = vector.broadcast %get3A_16 : vector<1x128xf32> to vector<384x128xf32>
    %add3A_22 = arith.addf %dot_general3A_20, %add3A_21 : vector<384x128xf32>
    %add3A_23 = arith.addf %get3A_7, %get3A_13 : vector<128x128xf32>
    %get3A_24 = arith.constant 0 : index
    %get3A_25 = arith.constant 0 : index
    %get3A_26 = arith.constant 0 : index
    %get3A_27 = vector.load %arg1[%get3A_24, %get3A_25, %get3A_26] : memref<384x12x128xf32, #tpu.memory_space<vmem>>, vector<384x1x128xf32>
    %get3A_28 = vector.shape_cast %get3A_27 : vector<384x1x128xf32> to vector<384x128xf32>
    %dot_general3A_29 = arith.constant dense<0.000000e+00> : vector<384x128xf32>
    %dot_general3A_30 = tpu.matmul %get3A_28, %get3A_7, %dot_general3A_29 {dimension_numbers = #tpu.dot_dimension_numbers<[1], [0], [0], [1], [0, 0, 1, 1], [], []>, transpose_lhs_hint = false} : vector<384x128xf32>, vector<128x128xf32>, vector<384x128xf32> -> vector<384x128xf32>
    %get3A_31 = arith.constant 0 : index
    %get3A_32 = arith.constant 0 : index
    %get3A_33 = arith.constant 0 : index
    %get3A_34 = vector.load %arg0[%get3A_31, %get3A_32, %get3A_33] : memref<384x12x128xf32, #tpu.memory_space<vmem>>, vector<384x1x128xf32>
    %get3A_35 = vector.shape_cast %get3A_34 : vector<384x1x128xf32> to vector<384x128xf32>
    %dot_general3A_36 = arith.constant dense<0.000000e+00> : vector<384x128xf32>
    %dot_general3A_37 = tpu.matmul %get3A_35, %get3A_10, %dot_general3A_36 {dimension_numbers = #tpu.dot_dimension_numbers<[1], [0], [0], [1], [0, 0, 1, 1], [], []>, transpose_lhs_hint = false} : vector<384x128xf32>, vector<128x128xf32>, vector<384x128xf32> -> vector<384x128xf32>
    %add3A_38 = arith.addf %dot_general3A_30, %dot_general3A_37 : vector<384x128xf32>
    %add3A_39 = arith.addf %add3A_38, %add3A_18 : vector<384x128xf32>
    %tanh3A = math.tanh %add3A_39 : vector<384x128xf32>
    %get3A_40 = arith.constant 0 : index
    %get3A_41 = arith.constant 0 : index
    %get3A_42 = arith.constant 0 : index
    %get3A_43 = vector.load %arg3[%get3A_40, %get3A_41, %get3A_42] : memref<384x12x128xf32, #tpu.memory_space<vmem>>, vector<384x1x128xf32>
    %get3A_44 = vector.shape_cast %get3A_43 : vector<384x1x128xf32> to vector<384x128xf32>
    %dot_general3A_45 = arith.constant dense<0.000000e+00> : vector<384x128xf32>
    %dot_general3A_46 = tpu.matmul %get3A_44, %add3A_23, %dot_general3A_45 {dimension_numbers = #tpu.dot_dimension_numbers<[1], [0], [0], [1], [0, 0, 1, 1], [], []>, transpose_lhs_hint = false} : vector<384x128xf32>, vector<128x128xf32>, vector<384x128xf32> -> vector<384x128xf32>
    %add3A_47 = arith.addf %dot_general3A_46, %add3A_22 : vector<384x128xf32>
    %tanh3A_48 = math.tanh %add3A_47 : vector<384x128xf32>
    %get3A_49 = arith.constant 0 : index
    %get3A_50 = arith.constant 0 : index
    %get3A_51 = arith.constant 0 : index
    %get3A_52 = vector.load %arg2[%get3A_49, %get3A_50, %get3A_51] : memref<384x12x128xf32, #tpu.memory_space<vmem>>, vector<384x1x128xf32>
    %get3A_53 = vector.shape_cast %get3A_52 : vector<384x1x128xf32> to vector<384x128xf32>
    %get3A_54 = arith.constant 0 : index
    %get3A_55 = arith.constant 0 : index
    %get3A_56 = vector.load %arg10[%get3A_54, %get3A_55] : memref<128x128xf32, #tpu.memory_space<vmem>>, vector<128x128xf32>
    %dot_general3A_57 = arith.constant dense<0.000000e+00> : vector<384x128xf32>
    %dot_general3A_58 = tpu.matmul %get3A_53, %get3A_56, %dot_general3A_57 {dimension_numbers = #tpu.dot_dimension_numbers<[1], [0], [0], [1], [0, 0, 1, 1], [], []>, transpose_lhs_hint = false} : vector<384x128xf32>, vector<128x128xf32>, vector<384x128xf32> -> vector<384x128xf32>
    %get3A_59 = arith.constant 0 : index
    %get3A_60 = arith.constant 0 : index
    %get3A_61 = vector.load %arg11[%get3A_59, %get3A_60] : memref<128x128xf32, #tpu.memory_space<vmem>>, vector<128x128xf32>
    %dot_general3A_62 = arith.constant dense<0.000000e+00> : vector<384x128xf32>
    %dot_general3A_63 = tpu.matmul %tanh3A, %get3A_61, %dot_general3A_62 {dimension_numbers = #tpu.dot_dimension_numbers<[1], [0], [0], [1], [0, 0, 1, 1], [], []>, transpose_lhs_hint = false} : vector<384x128xf32>, vector<128x128xf32>, vector<384x128xf32> -> vector<384x128xf32>
    %add3A_64 = arith.addf %dot_general3A_58, %dot_general3A_63 : vector<384x128xf32>
    %tanh3A_65 = math.tanh %add3A_64 : vector<384x128xf32>
    %get3A_66 = arith.constant 0 : index
    %get3A_67 = arith.constant 0 : index
    %get3A_68 = arith.constant 0 : index
    %get3A_69 = vector.load %arg0[%get3A_66, %get3A_67, %get3A_68] : memref<384x12x128xf32, #tpu.memory_space<vmem>>, vector<384x1x128xf32>
    %get3A_70 = vector.shape_cast %get3A_69 : vector<384x1x128xf32> to vector<384x128xf32>
    %get3A_71 = arith.constant 0 : index
    %get3A_72 = arith.constant 0 : index
    %get3A_73 = vector.load %arg14[%get3A_71, %get3A_72] : memref<128x128xf32, #tpu.memory_space<vmem>>, vector<128x128xf32>
    %dot_general3A_74 = arith.constant dense<0.000000e+00> : vector<384x128xf32>
    %dot_general3A_75 = tpu.matmul %get3A_70, %get3A_73, %dot_general3A_74 {dimension_numbers = #tpu.dot_dimension_numbers<[1], [0], [0], [1], [0, 0, 1, 1], [], []>, transpose_lhs_hint = false} : vector<384x128xf32>, vector<128x128xf32>, vector<384x128xf32> -> vector<384x128xf32>
    %get3A_76 = arith.constant 0 : index
    %get3A_77 = arith.constant 0 : index
    %get3A_78 = vector.load %arg15[%get3A_76, %get3A_77] : memref<128x128xf32, #tpu.memory_space<vmem>>, vector<128x128xf32>
    %dot_general3A_79 = arith.constant dense<0.000000e+00> : vector<384x128xf32>
    %dot_general3A_80 = tpu.matmul %tanh3A_48, %get3A_78, %dot_general3A_79 {dimension_numbers = #tpu.dot_dimension_numbers<[1], [0], [0], [1], [0, 0, 1, 1], [], []>, transpose_lhs_hint = false} : vector<384x128xf32>, vector<128x128xf32>, vector<384x128xf32> -> vector<384x128xf32>
    %add3A_81 = arith.addf %dot_general3A_75, %dot_general3A_80 : vector<384x128xf32>
    %tanh3A_82 = math.tanh %add3A_81 : vector<384x128xf32>
    %swap3A = arith.constant 0 : index
    %swap3A_83 = arith.constant 0 : index
    %swap3A_84 = arith.constant 0 : index
    %swap3A_85 = vector.load %arg20[%swap3A, %swap3A_83, %swap3A_84] : memref<384x12x128xf32, #tpu.memory_space<vmem>>, vector<384x1x128xf32>
    %swap3A_86 = vector.shape_cast %swap3A_85 : vector<384x1x128xf32> to vector<384x128xf32>
    %swap3A_87 = vector.shape_cast %tanh3A_65 : vector<384x128xf32> to vector<384x1x128xf32>
    tpu.vector_store %arg20[%swap3A, %swap3A_83, %swap3A_84], %swap3A_87 {strides = array<i32>} : memref<384x12x128xf32, #tpu.memory_space<vmem>>, vector<384x1x128xf32>,
    %swap3A_88 = arith.constant 0 : index
    %swap3A_89 = arith.constant 0 : index
    %swap3A_90 = arith.constant 0 : index
    %swap3A_91 = vector.load %arg21[%swap3A_88, %swap3A_89, %swap3A_90] : memref<384x12x128xf32, #tpu.memory_space<vmem>>, vector<384x1x128xf32>
    %swap3A_92 = vector.shape_cast %swap3A_91 : vector<384x1x128xf32> to vector<384x128xf32>
    %swap3A_93 = vector.shape_cast %tanh3A_82 : vector<384x128xf32> to vector<384x1x128xf32>
    tpu.vector_store %arg21[%swap3A_88, %swap3A_89, %swap3A_90], %swap3A_93 {strides = array<i32>} : memref<384x12x128xf32, #tpu.memory_space<vmem>>, vector<384x1x128xf32>,
    %mul3A = arith.mulf %get3A_1, %tanh3A_65 : vector<384x128xf32>
    %reduce_sum3A = arith.constant dense<0.000000e+00> : vector<384xf32>
    %reduce_sum3A_94 = vector.multi_reduction <add>, %mul3A, %reduce_sum3A [1] : vector<384x128xf32> to vector<384xf32>
    %broadcast_in_dim3A = vector.shape_cast %reduce_sum3A_94 : vector<384xf32> to vector<384x1xf32>
    %mul3A_95 = arith.mulf %get3A_4, %tanh3A_82 : vector<384x128xf32>
    %reduce_sum3A_96 = arith.constant dense<0.000000e+00> : vector<384xf32>
    %reduce_sum3A_97 = vector.multi_reduction <add>, %mul3A_95, %reduce_sum3A_96 [1] : vector<384x128xf32> to vector<384xf32>
    %broadcast_in_dim3A_98 = vector.shape_cast %reduce_sum3A_97 : vector<384xf32> to vector<384x1xf32>
    %get3A_99 = arith.constant 0 : index
    %get3A_100 = arith.constant 1 : index
    %get3A_101 = arith.constant 0 : index
    %get3A_102 = vector.load %arg1[%get3A_99, %get3A_100, %get3A_101] : memref<384x12x128xf32, #tpu.memory_space<vmem>>, vector<384x1x128xf32>
    %get3A_103 = vector.shape_cast %get3A_102 : vector<384x1x128xf32> to vector<384x128xf32>
    %dot_general3A_104 = arith.constant dense<0.000000e+00> : vector<384x128xf32>
    %dot_general3A_105 = tpu.matmul %get3A_103, %get3A_7, %dot_general3A_104 {dimension_numbers = #tpu.dot_dimension_numbers<[1], [0], [0], [1], [0, 0, 1, 1], [], []>, transpose_lhs_hint = false} : vector<384x128xf32>, vector<128x128xf32>, vector<384x128xf32> -> vector<384x128xf32>
    %get3A_106 = arith.constant 0 : index
    %get3A_107 = arith.constant 1 : index
    %get3A_108 = arith.constant 0 : index
    %get3A_109 = vector.load %arg0[%get3A_106, %get3A_107, %get3A_108] : memref<384x12x128xf32, #tpu.memory_space<vmem>>, vector<384x1x128xf32>
    %get3A_110 = vector.shape_cast %get3A_109 : vector<384x1x128xf32> to vector<384x128xf32>
    %dot_general3A_111 = arith.constant dense<0.000000e+00> : vector<384x128xf32>
    %dot_general3A_112 = tpu.matmul %get3A_110, %get3A_10, %dot_general3A_111 {dimension_numbers = #tpu.dot_dimension_numbers<[1], [0], [0], [1], [0, 0, 1, 1], [], []>, transpose_lhs_hint = false} : vector<384x128xf32>, vector<128x128xf32>, vector<384x128xf32> -> vector<384x128xf32>
    %add3A_113 = arith.addf %dot_general3A_105, %dot_general3A_112 : vector<384x128xf32>
    %add3A_114 = arith.addf %add3A_113, %add3A_18 : vector<384x128xf32>
    %tanh3A_115 = math.tanh %add3A_114 : vector<384x128xf32>
    %get3A_116 = arith.constant 0 : index
    %get3A_117 = arith.constant 1 : index
    %get3A_118 = arith.constant 0 : index
    %get3A_119 = vector.load %arg3[%get3A_116, %get3A_117, %get3A_118] : memref<384x12x128xf32, #tpu.memory_space<vmem>>, vector<384x1x128xf32>
    %get3A_120 = vector.shape_cast %get3A_119 : vector<384x1x128xf32> to vector<384x128xf32>
    %dot_general3A_121 = arith.constant dense<0.000000e+00> : vector<384x128xf32>
    %dot_general3A_122 = tpu.matmul %get3A_120, %add3A_23, %dot_general3A_121 {dimension_numbers = #tpu.dot_dimension_numbers<[1], [0], [0], [1], [0, 0, 1, 1], [], []>, transpose_lhs_hint = false} : vector<384x128xf32>, vector<128x128xf32>, vector<384x128xf32> -> vector<384x128xf32>
    %add3A_123 = arith.addf %dot_general3A_122, %add3A_22 : vector<384x128xf32>
    %tanh3A_124 = math.tanh %add3A_123 : vector<384x128xf32>
    %get3A_125 = arith.constant 0 : index
    %get3A_126 = arith.constant 1 : index
    %get3A_127 = arith.constant 0 : index
    %get3A_128 = vector.load %arg2[%get3A_125, %get3A_126, %get3A_127] : memref<384x12x128xf32, #tpu.memory_space<vmem>>, vector<384x1x128xf32>
    %get3A_129 = vector.shape_cast %get3A_128 : vector<384x1x128xf32> to vector<384x128xf32>
    %get3A_130 = arith.constant 0 : index
    %get3A_131 = arith.constant 0 : index
    %get3A_132 = vector.load %arg10[%get3A_130, %get3A_131] : memref<128x128xf32, #tpu.memory_space<vmem>>, vector<128x128xf32>
    %dot_general3A_133 = arith.constant dense<0.000000e+00> : vector<384x128xf32>
    %dot_general3A_134 = tpu.matmul %get3A_129, %get3A_132, %dot_general3A_133 {dimension_numbers = #tpu.dot_dimension_numbers<[1], [0], [0], [1], [0, 0, 1, 1], [], []>, transpose_lhs_hint = false} : vector<384x128xf32>, vector<128x128xf32>, vector<384x128xf32> -> vector<384x128xf32>
    %get3A_135 = arith.constant 0 : index
    %get3A_136 = arith.constant 0 : index
    %get3A_137 = vector.load %arg11[%get3A_135, %get3A_136] : memref<128x128xf32, #tpu.memory_space<vmem>>, vector<128x128xf32>
    %dot_general3A_138 = arith.constant dense<0.000000e+00> : vector<384x128xf32>
    %dot_general3A_139 = tpu.matmul %tanh3A_115, %get3A_137, %dot_general3A_138 {dimension_numbers = #tpu.dot_dimension_numbers<[1], [0], [0], [1], [0, 0, 1, 1], [], []>, transpose_lhs_hint = false} : vector<384x128xf32>, vector<128x128xf32>, vector<384x128xf32> -> vector<384x128xf32>
    %add3A_140 = arith.addf %dot_general3A_134, %dot_general3A_139 : vector<384x128xf32>
    %tanh3A_141 = math.tanh %add3A_140 : vector<384x128xf32>
    %get3A_142 = arith.constant 0 : index
    %get3A_143 = arith.constant 1 : index
    %get3A_144 = arith.constant 0 : index
    %get3A_145 = vector.load %arg0[%get3A_142, %get3A_143, %get3A_144] : memref<384x12x128xf32, #tpu.memory_space<vmem>>, vector<384x1x128xf32>
    %get3A_146 = vector.shape_cast %get3A_145 : vector<384x1x128xf32> to vector<384x128xf32>
    %get3A_147 = arith.constant 0 : index
    %get3A_148 = arith.constant 0 : index
    %get3A_149 = vector.load %arg14[%get3A_147, %get3A_148] : memref<128x128xf32, #tpu.memory_space<vmem>>, vector<128x128xf32>
    %dot_general3A_150 = arith.constant dense<0.000000e+00> : vector<384x128xf32>
    %dot_general3A_151 = tpu.matmul %get3A_146, %get3A_149, %dot_general3A_150 {dimension_numbers = #tpu.dot_dimension_numbers<[1], [0], [0], [1], [0, 0, 1, 1], [], []>, transpose_lhs_hint = false} : vector<384x128xf32>, vector<128x128xf32>, vector<384x128xf32> -> vector<384x128xf32>
    %get3A_152 = arith.constant 0 : index
    %get3A_153 = arith.constant 0 : index
    %get3A_154 = vector.load %arg15[%get3A_152, %get3A_153] : memref<128x128xf32, #tpu.memory_space<vmem>>, vector<128x128xf32>
    %dot_general3A_155 = arith.constant dense<0.000000e+00> : vector<384x128xf32>
    %dot_general3A_156 = tpu.matmul %tanh3A_124, %get3A_154, %dot_general3A_155 {dimension_numbers = #tpu.dot_dimension_numbers<[1], [0], [0], [1], [0, 0, 1, 1], [], []>, transpose_lhs_hint = false} : vector<384x128xf32>, vector<128x128xf32>, vector<384x128xf32> -> vector<384x128xf32>
    %add3A_157 = arith.addf %dot_general3A_151, %dot_general3A_156 : vector<384x128xf32>
    %tanh3A_158 = math.tanh %add3A_157 : vector<384x128xf32>
    %swap3A_159 = arith.constant 0 : index
    %swap3A_160 = arith.constant 1 : index
    %swap3A_161 = arith.constant 0 : index
    %swap3A_162 = vector.load %arg20[%swap3A_159, %swap3A_160, %swap3A_161] : memref<384x12x128xf32, #tpu.memory_space<vmem>>, vector<384x1x128xf32>
    %swap3A_163 = vector.shape_cast %swap3A_162 : vector<384x1x128xf32> to vector<384x128xf32>
    %swap3A_164 = vector.shape_cast %tanh3A_141 : vector<384x128xf32> to vector<384x1x128xf32>
    tpu.vector_store %arg20[%swap3A_159, %swap3A_160, %swap3A_161], %swap3A_164 {strides = array<i32>} : memref<384x12x128xf32, #tpu.memory_space<vmem>>, vector<384x1x128xf32>,
    %swap3A_165 = arith.constant 0 : index
    %swap3A_166 = arith.constant 1 : index
    %swap3A_167 = arith.constant 0 : index
    %swap3A_168 = vector.load %arg21[%swap3A_165, %swap3A_166, %swap3A_167] : memref<384x12x128xf32, #tpu.memory_space<vmem>>, vector<384x1x128xf32>
    %swap3A_169 = vector.shape_cast %swap3A_168 : vector<384x1x128xf32> to vector<384x128xf32>
    %swap3A_170 = vector.shape_cast %tanh3A_158 : vector<384x128xf32> to vector<384x1x128xf32>
    tpu.vector_store %arg21[%swap3A_165, %swap3A_166, %swap3A_167], %swap3A_170 {strides = array<i32>} : memref<384x12x128xf32, #tpu.memory_space<vmem>>, vector<384x1x128xf32>,
    %mul3A_171 = arith.mulf %get3A_1, %tanh3A_141 : vector<384x128xf32>
    %reduce_sum3A_172 = arith.constant dense<0.000000e+00> : vector<384xf32>
    %reduce_sum3A_173 = vector.multi_reduction <add>, %mul3A_171, %reduce_sum3A_172 [1] : vector<384x128xf32> to vector<384xf32>
    %broadcast_in_dim3A_174 = vector.shape_cast %reduce_sum3A_173 : vector<384xf32> to vector<384x1xf32>
    %mul3A_175 = arith.mulf %get3A_4, %tanh3A_158 : vector<384x128xf32>
    %reduce_sum3A_176 = arith.constant dense<0.000000e+00> : vector<384xf32>
    %reduce_sum3A_177 = vector.multi_reduction <add>, %mul3A_175, %reduce_sum3A_176 [1] : vector<384x128xf32> to vector<384xf32>
    %broadcast_in_dim3A_178 = vector.shape_cast %reduce_sum3A_177 : vector<384xf32> to vector<384x1xf32>
    %get3A_179 = arith.constant 0 : index
    %get3A_180 = arith.constant 2 : index
    %get3A_181 = arith.constant 0 : index
    %get3A_182 = vector.load %arg1[%get3A_179, %get3A_180, %get3A_181] : memref<384x12x128xf32, #tpu.memory_space<vmem>>, vector<384x1x128xf32>
    %get3A_183 = vector.shape_cast %get3A_182 : vector<384x1x128xf32> to vector<384x128xf32>
    %dot_general3A_184 = arith.constant dense<0.000000e+00> : vector<384x128xf32>
    %dot_general3A_185 = tpu.matmul %get3A_183, %get3A_7, %dot_general3A_184 {dimension_numbers = #tpu.dot_dimension_numbers<[1], [0], [0], [1], [0, 0, 1, 1], [], []>, transpose_lhs_hint = false} : vector<384x128xf32>, vector<128x128xf32>, vector<384x128xf32> -> vector<384x128xf32>
    %get3A_186 = arith.constant 0 : index
    %get3A_187 = arith.constant 2 : index
    %get3A_188 = arith.constant 0 : index
    %get3A_189 = vector.load %arg0[%get3A_186, %get3A_187, %get3A_188] : memref<384x12x128xf32, #tpu.memory_space<vmem>>, vector<384x1x128xf32>
    %get3A_190 = vector.shape_cast %get3A_189 : vector<384x1x128xf32> to vector<384x128xf32>
    %dot_general3A_191 = arith.constant dense<0.000000e+00> : vector<384x128xf32>
    %dot_general3A_192 = tpu.matmul %get3A_190, %get3A_10, %dot_general3A_191 {dimension_numbers = #tpu.dot_dimension_numbers<[1], [0], [0], [1], [0, 0, 1, 1], [], []>, transpose_lhs_hint = false} : vector<384x128xf32>, vector<128x128xf32>, vector<384x128xf32> -> vector<384x128xf32>
    %add3A_193 = arith.addf %dot_general3A_185, %dot_general3A_192 : vector<384x128xf32>
    %add3A_194 = arith.addf %add3A_193, %add3A_18 : vector<384x128xf32>
    %tanh3A_195 = math.tanh %add3A_194 : vector<384x128xf32>
    %get3A_196 = arith.constant 0 : index
    %get3A_197 = arith.constant 2 : index
    %get3A_198 = arith.constant 0 : index
    %get3A_199 = vector.load %arg3[%get3A_196, %get3A_197, %get3A_198] : memref<384x12x128xf32, #tpu.memory_space<vmem>>, vector<384x1x128xf32>
    %get3A_200 = vector.shape_cast %get3A_199 : vector<384x1x128xf32> to vector<384x128xf32>
    %dot_general3A_201 = arith.constant dense<0.000000e+00> : vector<384x128xf32>
    %dot_general3A_202 = tpu.matmul %get3A_200, %add3A_23, %dot_general3A_201 {dimension_numbers = #tpu.dot_dimension_numbers<[1], [0], [0], [1], [0, 0, 1, 1], [], []>, transpose_lhs_hint = false} : vector<384x128xf32>, vector<128x128xf32>, vector<384x128xf32> -> vector<384x128xf32>
    %add3A_203 = arith.addf %dot_general3A_202, %add3A_22 : vector<384x128xf32>
    %tanh3A_204 = math.tanh %add3A_203 : vector<384x128xf32>
    %get3A_205 = arith.constant 0 : index
    %get3A_206 = arith.constant 2 : index
    %get3A_207 = arith.constant 0 : index
    %get3A_208 = vector.load %arg2[%get3A_205, %get3A_206, %get3A_207] : memref<384x12x128xf32, #tpu.memory_space<vmem>>, vector<384x1x128xf32>
    %get3A_209 = vector.shape_cast %get3A_208 : vector<384x1x128xf32> to vector<384x128xf32>
    %get3A_210 = arith.constant 0 : index
    %get3A_211 = arith.constant 0 : index
    %get3A_212 = vector.load %arg10[%get3A_210, %get3A_211] : memref<128x128xf32, #tpu.memory_space<vmem>>, vector<128x128xf32>
    %dot_general3A_213 = arith.constant dense<0.000000e+00> : vector<384x128xf32>
    %dot_general3A_214 = tpu.matmul %get3A_209, %get3A_212, %dot_general3A_213 {dimension_numbers = #tpu.dot_dimension_numbers<[1], [0], [0], [1], [0, 0, 1, 1], [], []>, transpose_lhs_hint = false} : vector<384x128xf32>, vector<128x128xf32>, vector<384x128xf32> -> vector<384x128xf32>
    %get3A_215 = arith.constant 0 : index
    %get3A_216 = arith.constant 0 : index
    %get3A_217 = vector.load %arg11[%get3A_215, %get3A_216] : memref<128x128xf32, #tpu.memory_space<vmem>>, vector<128x128xf32>
    %dot_general3A_218 = arith.constant dense<0.000000e+00> : vector<384x128xf32>
    %dot_general3A_219 = tpu.matmul %tanh3A_195, %get3A_217, %dot_general3A_218 {dimension_numbers = #tpu.dot_dimension_numbers<[1], [0], [0], [1], [0, 0, 1, 1], [], []>, transpose_lhs_hint = false} : vector<384x128xf32>, vector<128x128xf32>, vector<384x128xf32> -> vector<384x128xf32>
    %add3A_220 = arith.addf %dot_general3A_214, %dot_general3A_219 : vector<384x128xf32>
    %tanh3A_221 = math.tanh %add3A_220 : vector<384x128xf32>
    %get3A_222 = arith.constant 0 : index
    %get3A_223 = arith.constant 2 : index
    %get3A_224 = arith.constant 0 : index
    %get3A_225 = vector.load %arg0[%get3A_222, %get3A_223, %get3A_224] : memref<384x12x128xf32, #tpu.memory_space<vmem>>, vector<384x1x128xf32>
    %get3A_226 = vector.shape_cast %get3A_225 : vector<384x1x128xf32> to vector<384x128xf32>
    %get3A_227 = arith.constant 0 : index
    %get3A_228 = arith.constant 0 : index
    %get3A_229 = vector.load %arg14[%get3A_227, %get3A_228] : memref<128x128xf32, #tpu.memory_space<vmem>>, vector<128x128xf32>
    %dot_general3A_230 = arith.constant dense<0.000000e+00> : vector<384x128xf32>
    %dot_general3A_231 = tpu.matmul %get3A_226, %get3A_229, %dot_general3A_230 {dimension_numbers = #tpu.dot_dimension_numbers<[1], [0], [0], [1], [0, 0, 1, 1], [], []>, transpose_lhs_hint = false} : vector<384x128xf32>, vector<128x128xf32>, vector<384x128xf32> -> vector<384x128xf32>
    %get3A_232 = arith.constant 0 : index
    %get3A_233 = arith.constant 0 : index
    %get3A_234 = vector.load %arg15[%get3A_232, %get3A_233] : memref<128x128xf32, #tpu.memory_space<vmem>>, vector<128x128xf32>
    %dot_general3A_235 = arith.constant dense<0.000000e+00> : vector<384x128xf32>
    %dot_general3A_236 = tpu.matmul %tanh3A_204, %get3A_234, %dot_general3A_235 {dimension_numbers = #tpu.dot_dimension_numbers<[1], [0], [0], [1], [0, 0, 1, 1], [], []>, transpose_lhs_hint = false} : vector<384x128xf32>, vector<128x128xf32>, vector<384x128xf32> -> vector<384x128xf32>
    %add3A_237 = arith.addf %dot_general3A_231, %dot_general3A_236 : vector<384x128xf32>
    %tanh3A_238 = math.tanh %add3A_237 : vector<384x128xf32>
    %swap3A_239 = arith.constant 0 : index
    %swap3A_240 = arith.constant 2 : index
    %swap3A_241 = arith.constant 0 : index
    %swap3A_242 = vector.load %arg20[%swap3A_239, %swap3A_240, %swap3A_241] : memref<384x12x128xf32, #tpu.memory_space<vmem>>, vector<384x1x128xf32>
    %swap3A_243 = vector.shape_cast %swap3A_242 : vector<384x1x128xf32> to vector<384x128xf32>
    %swap3A_244 = vector.shape_cast %tanh3A_221 : vector<384x128xf32> to vector<384x1x128xf32>
    tpu.vector_store %arg20[%swap3A_239, %swap3A_240, %swap3A_241], %swap3A_244 {strides = array<i32>} : memref<384x12x128xf32, #tpu.memory_space<vmem>>, vector<384x1x128xf32>,
    %swap3A_245 = arith.constant 0 : index
    %swap3A_246 = arith.constant 2 : index
    %swap3A_247 = arith.constant 0 : index
    %swap3A_248 = vector.load %arg21[%swap3A_245, %swap3A_246, %swap3A_247] : memref<384x12x128xf32, #tpu.memory_space<vmem>>, vector<384x1x128xf32>
    %swap3A_249 = vector.shape_cast %swap3A_248 : vector<384x1x128xf32> to vector<384x128xf32>
    %swap3A_250 = vector.shape_cast %tanh3A_238 : vector<384x128xf32> to vector<384x1x128xf32>
    tpu.vector_store %arg21[%swap3A_245, %swap3A_246, %swap3A_247], %swap3A_250 {strides = array<i32>} : memref<384x12x128xf32, #tpu.memory_space<vmem>>, vector<384x1x128xf32>,
    %mul3A_251 = arith.mulf %get3A_1, %tanh3A_221 : vector<384x128xf32>
    %reduce_sum3A_252 = arith.constant dense<0.000000e+00> : vector<384xf32>
    %reduce_sum3A_253 = vector.multi_reduction <add>, %mul3A_251, %reduce_sum3A_252 [1] : vector<384x128xf32> to vector<384xf32>
    %broadcast_in_dim3A_254 = vector.shape_cast %reduce_sum3A_253 : vector<384xf32> to vector<384x1xf32>
    %mul3A_255 = arith.mulf %get3A_4, %tanh3A_238 : vector<384x128xf32>
    %reduce_sum3A_256 = arith.constant dense<0.000000e+00> : vector<384xf32>
    %reduce_sum3A_257 = vector.multi_reduction <add>, %mul3A_255, %reduce_sum3A_256 [1] : vector<384x128xf32> to vector<384xf32>
    %broadcast_in_dim3A_258 = vector.shape_cast %reduce_sum3A_257 : vector<384xf32> to vector<384x1xf32>
    %get3A_259 = arith.constant 0 : index
    %get3A_260 = arith.constant 3 : index
    %get3A_261 = arith.constant 0 : index
    %get3A_262 = vector.load %arg1[%get3A_259, %get3A_260, %get3A_261] : memref<384x12x128xf32, #tpu.memory_space<vmem>>, vector<384x1x128xf32>
    %get3A_263 = vector.shape_cast %get3A_262 : vector<384x1x128xf32> to vector<384x128xf32>
    %dot_general3A_264 = arith.constant dense<0.000000e+00> : vector<384x128xf32>
    %dot_general3A_265 = tpu.matmul %get3A_263, %get3A_7, %dot_general3A_264 {dimension_numbers = #tpu.dot_dimension_numbers<[1], [0], [0], [1], [0, 0, 1, 1], [], []>, transpose_lhs_hint = false} : vector<384x128xf32>, vector<128x128xf32>, vector<384x128xf32> -> vector<384x128xf32>
    %get3A_266 = arith.constant 0 : index
    %get3A_267 = arith.constant 3 : index
    %get3A_268 = arith.constant 0 : index
    %get3A_269 = vector.load %arg0[%get3A_266, %get3A_267, %get3A_268] : memref<384x12x128xf32, #tpu.memory_space<vmem>>, vector<384x1x128xf32>
    %get3A_270 = vector.shape_cast %get3A_269 : vector<384x1x128xf32> to vector<384x128xf32>
    %dot_general3A_271 = arith.constant dense<0.000000e+00> : vector<384x128xf32>
    %dot_general3A_272 = tpu.matmul %get3A_270, %get3A_10, %dot_general3A_271 {dimension_numbers = #tpu.dot_dimension_numbers<[1], [0], [0], [1], [0, 0, 1, 1], [], []>, transpose_lhs_hint = false} : vector<384x128xf32>, vector<128x128xf32>, vector<384x128xf32> -> vector<384x128xf32>
    %add3A_273 = arith.addf %dot_general3A_265, %dot_general3A_272 : vector<384x128xf32>
    %add3A_274 = arith.addf %add3A_273, %add3A_18 : vector<384x128xf32>
    %tanh3A_275 = math.tanh %add3A_274 : vector<384x128xf32>
    %get3A_276 = arith.constant 0 : index
    %get3A_277 = arith.constant 3 : index
    %get3A_278 = arith.constant 0 : index
    %get3A_279 = vector.load %arg3[%get3A_276, %get3A_277, %get3A_278] : memref<384x12x128xf32, #tpu.memory_space<vmem>>, vector<384x1x128xf32>
    %get3A_280 = vector.shape_cast %get3A_279 : vector<384x1x128xf32> to vector<384x128xf32>
    %dot_general3A_281 = arith.constant dense<0.000000e+00> : vector<384x128xf32>
    %dot_general3A_282 = tpu.matmul %get3A_280, %add3A_23, %dot_general3A_281 {dimension_numbers = #tpu.dot_dimension_numbers<[1], [0], [0], [1], [0, 0, 1, 1], [], []>, transpose_lhs_hint = false} : vector<384x128xf32>, vector<128x128xf32>, vector<384x128xf32> -> vector<384x128xf32>
    %add3A_283 = arith.addf %dot_general3A_282, %add3A_22 : vector<384x128xf32>
    %tanh3A_284 = math.tanh %add3A_283 : vector<384x128xf32>
    %get3A_285 = arith.constant 0 : index
    %get3A_286 = arith.constant 3 : index
    %get3A_287 = arith.constant 0 : index
    %get3A_288 = vector.load %arg2[%get3A_285, %get3A_286, %get3A_287] : memref<384x12x128xf32, #tpu.memory_space<vmem>>, vector<384x1x128xf32>
    %get3A_289 = vector.shape_cast %get3A_288 : vector<384x1x128xf32> to vector<384x128xf32>
    %get3A_290 = arith.constant 0 : index
    %get3A_291 = arith.constant 0 : index
    %get3A_292 = vector.load %arg10[%get3A_290, %get3A_291] : memref<128x128xf32, #tpu.memory_space<vmem>>, vector<128x128xf32>
    %dot_general3A_293 = arith.constant dense<0.000000e+00> : vector<384x128xf32>
    %dot_general3A_294 = tpu.matmul %get3A_289, %get3A_292, %dot_general3A_293 {dimension_numbers = #tpu.dot_dimension_numbers<[1], [0], [0], [1], [0, 0, 1, 1], [], []>, transpose_lhs_hint = false} : vector<384x128xf32>, vector<128x128xf32>, vector<384x128xf32> -> vector<384x128xf32>
    %get3A_295 = arith.constant 0 : index
    %get3A_296 = arith.constant 0 : index
    %get3A_297 = vector.load %arg11[%get3A_295, %get3A_296] : memref<128x128xf32, #tpu.memory_space<vmem>>, vector<128x128xf32>
    %dot_general3A_298 = arith.constant dense<0.000000e+00> : vector<384x128xf32>
    %dot_general3A_299 = tpu.matmul %tanh3A_275, %get3A_297, %dot_general3A_298 {dimension_numbers = #tpu.dot_dimension_numbers<[1], [0], [0], [1], [0, 0, 1, 1], [], []>, transpose_lhs_hint = false} : vector<384x128xf32>, vector<128x128xf32>, vector<384x128xf32> -> vector<384x128xf32>
    %add3A_300 = arith.addf %dot_general3A_294, %dot_general3A_299 : vector<384x128xf32>
    %tanh3A_301 = math.tanh %add3A_300 : vector<384x128xf32>
    %get3A_302 = arith.constant 0 : index
    %get3A_303 = arith.constant 3 : index
    %get3A_304 = arith.constant 0 : index
    %get3A_305 = vector.load %arg0[%get3A_302, %get3A_303, %get3A_304] : memref<384x12x128xf32, #tpu.memory_space<vmem>>, vector<384x1x128xf32>
    %get3A_306 = vector.shape_cast %get3A_305 : vector<384x1x128xf32> to vector<384x128xf32>
    %get3A_307 = arith.constant 0 : index
    %get3A_308 = arith.constant 0 : index
    %get3A_309 = vector.load %arg14[%get3A_307, %get3A_308] : memref<128x128xf32, #tpu.memory_space<vmem>>, vector<128x128xf32>
    %dot_general3A_310 = arith.constant dense<0.000000e+00> : vector<384x128xf32>
    %dot_general3A_311 = tpu.matmul %get3A_306, %get3A_309, %dot_general3A_310 {dimension_numbers = #tpu.dot_dimension_numbers<[1], [0], [0], [1], [0, 0, 1, 1], [], []>, transpose_lhs_hint = false} : vector<384x128xf32>, vector<128x128xf32>, vector<384x128xf32> -> vector<384x128xf32>
    %get3A_312 = arith.constant 0 : index
    %get3A_313 = arith.constant 0 : index
    %get3A_314 = vector.load %arg15[%get3A_312, %get3A_313] : memref<128x128xf32, #tpu.memory_space<vmem>>, vector<128x128xf32>
    %dot_general3A_315 = arith.constant dense<0.000000e+00> : vector<384x128xf32>
    %dot_general3A_316 = tpu.matmul %tanh3A_284, %get3A_314, %dot_general3A_315 {dimension_numbers = #tpu.dot_dimension_numbers<[1], [0], [0], [1], [0, 0, 1, 1], [], []>, transpose_lhs_hint = false} : vector<384x128xf32>, vector<128x128xf32>, vector<384x128xf32> -> vector<384x128xf32>
    %add3A_317 = arith.addf %dot_general3A_311, %dot_general3A_316 : vector<384x128xf32>
    %tanh3A_318 = math.tanh %add3A_317 : vector<384x128xf32>
    %swap3A_319 = arith.constant 0 : index
    %swap3A_320 = arith.constant 3 : index
    %swap3A_321 = arith.constant 0 : index
    %swap3A_322 = vector.load %arg20[%swap3A_319, %swap3A_320, %swap3A_321] : memref<384x12x128xf32, #tpu.memory_space<vmem>>, vector<384x1x128xf32>
    %swap3A_323 = vector.shape_cast %swap3A_322 : vector<384x1x128xf32> to vector<384x128xf32>
    %swap3A_324 = vector.shape_cast %tanh3A_301 : vector<384x128xf32> to vector<384x1x128xf32>
    tpu.vector_store %arg20[%swap3A_319, %swap3A_320, %swap3A_321], %swap3A_324 {strides = array<i32>} : memref<384x12x128xf32, #tpu.memory_space<vmem>>, vector<384x1x128xf32>,
    %swap3A_325 = arith.constant 0 : index
    %swap3A_326 = arith.constant 3 : index
    %swap3A_327 = arith.constant 0 : index
    %swap3A_328 = vector.load %arg21[%swap3A_325, %swap3A_326, %swap3A_327] : memref<384x12x128xf32, #tpu.memory_space<vmem>>, vector<384x1x128xf32>
    %swap3A_329 = vector.shape_cast %swap3A_328 : vector<384x1x128xf32> to vector<384x128xf32>
    %swap3A_330 = vector.shape_cast %tanh3A_318 : vector<384x128xf32> to vector<384x1x128xf32>
    tpu.vector_store %arg21[%swap3A_325, %swap3A_326, %swap3A_327], %swap3A_330 {strides = array<i32>} : memref<384x12x128xf32, #tpu.memory_space<vmem>>, vector<384x1x128xf32>,
    %mul3A_331 = arith.mulf %get3A_1, %tanh3A_301 : vector<384x128xf32>
    %reduce_sum3A_332 = arith.constant dense<0.000000e+00> : vector<384xf32>
    %reduce_sum3A_333 = vector.multi_reduction <add>, %mul3A_331, %reduce_sum3A_332 [1] : vector<384x128xf32> to vector<384xf32>
    %broadcast_in_dim3A_334 = vector.shape_cast %reduce_sum3A_333 : vector<384xf32> to vector<384x1xf32>
    %mul3A_335 = arith.mulf %get3A_4, %tanh3A_318 : vector<384x128xf32>
    %reduce_sum3A_336 = arith.constant dense<0.000000e+00> : vector<384xf32>
    %reduce_sum3A_337 = vector.multi_reduction <add>, %mul3A_335, %reduce_sum3A_336 [1] : vector<384x128xf32> to vector<384xf32>
    %broadcast_in_dim3A_338 = vector.shape_cast %reduce_sum3A_337 : vector<384xf32> to vector<384x1xf32>
    %get3A_339 = arith.constant 0 : index
    %get3A_340 = arith.constant 4 : index
    %get3A_341 = arith.constant 0 : index
    %get3A_342 = vector.load %arg1[%get3A_339, %get3A_340, %get3A_341] : memref<384x12x128xf32, #tpu.memory_space<vmem>>, vector<384x1x128xf32>
    %get3A_343 = vector.shape_cast %get3A_342 : vector<384x1x128xf32> to vector<384x128xf32>
    %dot_general3A_344 = arith.constant dense<0.000000e+00> : vector<384x128xf32>
    %dot_general3A_345 = tpu.matmul %get3A_343, %get3A_7, %dot_general3A_344 {dimension_numbers = #tpu.dot_dimension_numbers<[1], [0], [0], [1], [0, 0, 1, 1], [], []>, transpose_lhs_hint = false} : vector<384x128xf32>, vector<128x128xf32>, vector<384x128xf32> -> vector<384x128xf32>
    %get3A_346 = arith.constant 0 : index
    %get3A_347 = arith.constant 4 : index
    %get3A_348 = arith.constant 0 : index
    %get3A_349 = vector.load %arg0[%get3A_346, %get3A_347, %get3A_348] : memref<384x12x128xf32, #tpu.memory_space<vmem>>, vector<384x1x128xf32>
    %get3A_350 = vector.shape_cast %get3A_349 : vector<384x1x128xf32> to vector<384x128xf32>
    %dot_general3A_351 = arith.constant dense<0.000000e+00> : vector<384x128xf32>
    %dot_general3A_352 = tpu.matmul %get3A_350, %get3A_10, %dot_general3A_351 {dimension_numbers = #tpu.dot_dimension_numbers<[1], [0], [0], [1], [0, 0, 1, 1], [], []>, transpose_lhs_hint = false} : vector<384x128xf32>, vector<128x128xf32>, vector<384x128xf32> -> vector<384x128xf32>
    %add3A_353 = arith.addf %dot_general3A_345, %dot_general3A_352 : vector<384x128xf32>
    %add3A_354 = arith.addf %add3A_353, %add3A_18 : vector<384x128xf32>
    %tanh3A_355 = math.tanh %add3A_354 : vector<384x128xf32>
    %get3A_356 = arith.constant 0 : index
    %get3A_357 = arith.constant 4 : index
    %get3A_358 = arith.constant 0 : index
    %get3A_359 = vector.load %arg3[%get3A_356, %get3A_357, %get3A_358] : memref<384x12x128xf32, #tpu.memory_space<vmem>>, vector<384x1x128xf32>
    %get3A_360 = vector.shape_cast %get3A_359 : vector<384x1x128xf32> to vector<384x128xf32>
    %dot_general3A_361 = arith.constant dense<0.000000e+00> : vector<384x128xf32>
    %dot_general3A_362 = tpu.matmul %get3A_360, %add3A_23, %dot_general3A_361 {dimension_numbers = #tpu.dot_dimension_numbers<[1], [0], [0], [1], [0, 0, 1, 1], [], []>, transpose_lhs_hint = false} : vector<384x128xf32>, vector<128x128xf32>, vector<384x128xf32> -> vector<384x128xf32>
    %add3A_363 = arith.addf %dot_general3A_362, %add3A_22 : vector<384x128xf32>
    %tanh3A_364 = math.tanh %add3A_363 : vector<384x128xf32>
    %get3A_365 = arith.constant 0 : index
    %get3A_366 = arith.constant 4 : index
    %get3A_367 = arith.constant 0 : index
    %get3A_368 = vector.load %arg2[%get3A_365, %get3A_366, %get3A_367] : memref<384x12x128xf32, #tpu.memory_space<vmem>>, vector<384x1x128xf32>
    %get3A_369 = vector.shape_cast %get3A_368 : vector<384x1x128xf32> to vector<384x128xf32>
    %get3A_370 = arith.constant 0 : index
    %get3A_371 = arith.constant 0 : index
    %get3A_372 = vector.load %arg10[%get3A_370, %get3A_371] : memref<128x128xf32, #tpu.memory_space<vmem>>, vector<128x128xf32>
    %dot_general3A_373 = arith.constant dense<0.000000e+00> : vector<384x128xf32>
    %dot_general3A_374 = tpu.matmul %get3A_369, %get3A_372, %dot_general3A_373 {dimension_numbers = #tpu.dot_dimension_numbers<[1], [0], [0], [1], [0, 0, 1, 1], [], []>, transpose_lhs_hint = false} : vector<384x128xf32>, vector<128x128xf32>, vector<384x128xf32> -> vector<384x128xf32>
    %get3A_375 = arith.constant 0 : index
    %get3A_376 = arith.constant 0 : index
    %get3A_377 = vector.load %arg11[%get3A_375, %get3A_376] : memref<128x128xf32, #tpu.memory_space<vmem>>, vector<128x128xf32>
    %dot_general3A_378 = arith.constant dense<0.000000e+00> : vector<384x128xf32>
    %dot_general3A_379 = tpu.matmul %tanh3A_355, %get3A_377, %dot_general3A_378 {dimension_numbers = #tpu.dot_dimension_numbers<[1], [0], [0], [1], [0, 0, 1, 1], [], []>, transpose_lhs_hint = false} : vector<384x128xf32>, vector<128x128xf32>, vector<384x128xf32> -> vector<384x128xf32>
    %add3A_380 = arith.addf %dot_general3A_374, %dot_general3A_379 : vector<384x128xf32>
    %tanh3A_381 = math.tanh %add3A_380 : vector<384x128xf32>
    %get3A_382 = arith.constant 0 : index
    %get3A_383 = arith.constant 4 : index
    %get3A_384 = arith.constant 0 : index
    %get3A_385 = vector.load %arg0[%get3A_382, %get3A_383, %get3A_384] : memref<384x12x128xf32, #tpu.memory_space<vmem>>, vector<384x1x128xf32>
    %get3A_386 = vector.shape_cast %get3A_385 : vector<384x1x128xf32> to vector<384x128xf32>
    %get3A_387 = arith.constant 0 : index
    %get3A_388 = arith.constant 0 : index
    %get3A_389 = vector.load %arg14[%get3A_387, %get3A_388] : memref<128x128xf32, #tpu.memory_space<vmem>>, vector<128x128xf32>
    %dot_general3A_390 = arith.constant dense<0.000000e+00> : vector<384x128xf32>
    %dot_general3A_391 = tpu.matmul %get3A_386, %get3A_389, %dot_general3A_390 {dimension_numbers = #tpu.dot_dimension_numbers<[1], [0], [0], [1], [0, 0, 1, 1], [], []>, transpose_lhs_hint = false} : vector<384x128xf32>, vector<128x128xf32>, vector<384x128xf32> -> vector<384x128xf32>
    %get3A_392 = arith.constant 0 : index
    %get3A_393 = arith.constant 0 : index
    %get3A_394 = vector.load %arg15[%get3A_392, %get3A_393] : memref<128x128xf32, #tpu.memory_space<vmem>>, vector<128x128xf32>
    %dot_general3A_395 = arith.constant dense<0.000000e+00> : vector<384x128xf32>
    %dot_general3A_396 = tpu.matmul %tanh3A_364, %get3A_394, %dot_general3A_395 {dimension_numbers = #tpu.dot_dimension_numbers<[1], [0], [0], [1], [0, 0, 1, 1], [], []>, transpose_lhs_hint = false} : vector<384x128xf32>, vector<128x128xf32>, vector<384x128xf32> -> vector<384x128xf32>
    %add3A_397 = arith.addf %dot_general3A_391, %dot_general3A_396 : vector<384x128xf32>
    %tanh3A_398 = math.tanh %add3A_397 : vector<384x128xf32>
    %swap3A_399 = arith.constant 0 : index
    %swap3A_400 = arith.constant 4 : index
    %swap3A_401 = arith.constant 0 : index
    %swap3A_402 = vector.load %arg20[%swap3A_399, %swap3A_400, %swap3A_401] : memref<384x12x128xf32, #tpu.memory_space<vmem>>, vector<384x1x128xf32>
    %swap3A_403 = vector.shape_cast %swap3A_402 : vector<384x1x128xf32> to vector<384x128xf32>
    %swap3A_404 = vector.shape_cast %tanh3A_381 : vector<384x128xf32> to vector<384x1x128xf32>
    tpu.vector_store %arg20[%swap3A_399, %swap3A_400, %swap3A_401], %swap3A_404 {strides = array<i32>} : memref<384x12x128xf32, #tpu.memory_space<vmem>>, vector<384x1x128xf32>,
    %swap3A_405 = arith.constant 0 : index
    %swap3A_406 = arith.constant 4 : index
    %swap3A_407 = arith.constant 0 : index
    %swap3A_408 = vector.load %arg21[%swap3A_405, %swap3A_406, %swap3A_407] : memref<384x12x128xf32, #tpu.memory_space<vmem>>, vector<384x1x128xf32>
    %swap3A_409 = vector.shape_cast %swap3A_408 : vector<384x1x128xf32> to vector<384x128xf32>
    %swap3A_410 = vector.shape_cast %tanh3A_398 : vector<384x128xf32> to vector<384x1x128xf32>
    tpu.vector_store %arg21[%swap3A_405, %swap3A_406, %swap3A_407], %swap3A_410 {strides = array<i32>} : memref<384x12x128xf32, #tpu.memory_space<vmem>>, vector<384x1x128xf32>,
    %mul3A_411 = arith.mulf %get3A_1, %tanh3A_381 : vector<384x128xf32>
    %reduce_sum3A_412 = arith.constant dense<0.000000e+00> : vector<384xf32>
    %reduce_sum3A_413 = vector.multi_reduction <add>, %mul3A_411, %reduce_sum3A_412 [1] : vector<384x128xf32> to vector<384xf32>
    %broadcast_in_dim3A_414 = vector.shape_cast %reduce_sum3A_413 : vector<384xf32> to vector<384x1xf32>
    %mul3A_415 = arith.mulf %get3A_4, %tanh3A_398 : vector<384x128xf32>
    %reduce_sum3A_416 = arith.constant dense<0.000000e+00> : vector<384xf32>
    %reduce_sum3A_417 = vector.multi_reduction <add>, %mul3A_415, %reduce_sum3A_416 [1] : vector<384x128xf32> to vector<384xf32>
    %broadcast_in_dim3A_418 = vector.shape_cast %reduce_sum3A_417 : vector<384xf32> to vector<384x1xf32>
    %get3A_419 = arith.constant 0 : index
    %get3A_420 = arith.constant 5 : index
    %get3A_421 = arith.constant 0 : index
    %get3A_422 = vector.load %arg1[%get3A_419, %get3A_420, %get3A_421] : memref<384x12x128xf32, #tpu.memory_space<vmem>>, vector<384x1x128xf32>
    %get3A_423 = vector.shape_cast %get3A_422 : vector<384x1x128xf32> to vector<384x128xf32>
    %dot_general3A_424 = arith.constant dense<0.000000e+00> : vector<384x128xf32>
    %dot_general3A_425 = tpu.matmul %get3A_423, %get3A_7, %dot_general3A_424 {dimension_numbers = #tpu.dot_dimension_numbers<[1], [0], [0], [1], [0, 0, 1, 1], [], []>, transpose_lhs_hint = false} : vector<384x128xf32>, vector<128x128xf32>, vector<384x128xf32> -> vector<384x128xf32>
    %get3A_426 = arith.constant 0 : index
    %get3A_427 = arith.constant 5 : index
    %get3A_428 = arith.constant 0 : index
    %get3A_429 = vector.load %arg0[%get3A_426, %get3A_427, %get3A_428] : memref<384x12x128xf32, #tpu.memory_space<vmem>>, vector<384x1x128xf32>
    %get3A_430 = vector.shape_cast %get3A_429 : vector<384x1x128xf32> to vector<384x128xf32>
    %dot_general3A_431 = arith.constant dense<0.000000e+00> : vector<384x128xf32>
    %dot_general3A_432 = tpu.matmul %get3A_430, %get3A_10, %dot_general3A_431 {dimension_numbers = #tpu.dot_dimension_numbers<[1], [0], [0], [1], [0, 0, 1, 1], [], []>, transpose_lhs_hint = false} : vector<384x128xf32>, vector<128x128xf32>, vector<384x128xf32> -> vector<384x128xf32>
    %add3A_433 = arith.addf %dot_general3A_425, %dot_general3A_432 : vector<384x128xf32>
    %add3A_434 = arith.addf %add3A_433, %add3A_18 : vector<384x128xf32>
    %tanh3A_435 = math.tanh %add3A_434 : vector<384x128xf32>
    %get3A_436 = arith.constant 0 : index
    %get3A_437 = arith.constant 5 : index
    %get3A_438 = arith.constant 0 : index
    %get3A_439 = vector.load %arg3[%get3A_436, %get3A_437, %get3A_438] : memref<384x12x128xf32, #tpu.memory_space<vmem>>, vector<384x1x128xf32>
    %get3A_440 = vector.shape_cast %get3A_439 : vector<384x1x128xf32> to vector<384x128xf32>
    %dot_general3A_441 = arith.constant dense<0.000000e+00> : vector<384x128xf32>
    %dot_general3A_442 = tpu.matmul %get3A_440, %add3A_23, %dot_general3A_441 {dimension_numbers = #tpu.dot_dimension_numbers<[1], [0], [0], [1], [0, 0, 1, 1], [], []>, transpose_lhs_hint = false} : vector<384x128xf32>, vector<128x128xf32>, vector<384x128xf32> -> vector<384x128xf32>
    %add3A_443 = arith.addf %dot_general3A_442, %add3A_22 : vector<384x128xf32>
    %tanh3A_444 = math.tanh %add3A_443 : vector<384x128xf32>
    %get3A_445 = arith.constant 0 : index
    %get3A_446 = arith.constant 5 : index
    %get3A_447 = arith.constant 0 : index
    %get3A_448 = vector.load %arg2[%get3A_445, %get3A_446, %get3A_447] : memref<384x12x128xf32, #tpu.memory_space<vmem>>, vector<384x1x128xf32>
    %get3A_449 = vector.shape_cast %get3A_448 : vector<384x1x128xf32> to vector<384x128xf32>
    %get3A_450 = arith.constant 0 : index
    %get3A_451 = arith.constant 0 : index
    %get3A_452 = vector.load %arg10[%get3A_450, %get3A_451] : memref<128x128xf32, #tpu.memory_space<vmem>>, vector<128x128xf32>
    %dot_general3A_453 = arith.constant dense<0.000000e+00> : vector<384x128xf32>
    %dot_general3A_454 = tpu.matmul %get3A_449, %get3A_452, %dot_general3A_453 {dimension_numbers = #tpu.dot_dimension_numbers<[1], [0], [0], [1], [0, 0, 1, 1], [], []>, transpose_lhs_hint = false} : vector<384x128xf32>, vector<128x128xf32>, vector<384x128xf32> -> vector<384x128xf32>
    %get3A_455 = arith.constant 0 : index
    %get3A_456 = arith.constant 0 : index
    %get3A_457 = vector.load %arg11[%get3A_455, %get3A_456] : memref<128x128xf32, #tpu.memory_space<vmem>>, vector<128x128xf32>
    %dot_general3A_458 = arith.constant dense<0.000000e+00> : vector<384x128xf32>
    %dot_general3A_459 = tpu.matmul %tanh3A_435, %get3A_457, %dot_general3A_458 {dimension_numbers = #tpu.dot_dimension_numbers<[1], [0], [0], [1], [0, 0, 1, 1], [], []>, transpose_lhs_hint = false} : vector<384x128xf32>, vector<128x128xf32>, vector<384x128xf32> -> vector<384x128xf32>
    %add3A_460 = arith.addf %dot_general3A_454, %dot_general3A_459 : vector<384x128xf32>
    %tanh3A_461 = math.tanh %add3A_460 : vector<384x128xf32>
    %get3A_462 = arith.constant 0 : index
    %get3A_463 = arith.constant 5 : index
    %get3A_464 = arith.constant 0 : index
    %get3A_465 = vector.load %arg0[%get3A_462, %get3A_463, %get3A_464] : memref<384x12x128xf32, #tpu.memory_space<vmem>>, vector<384x1x128xf32>
    %get3A_466 = vector.shape_cast %get3A_465 : vector<384x1x128xf32> to vector<384x128xf32>
    %get3A_467 = arith.constant 0 : index
    %get3A_468 = arith.constant 0 : index
    %get3A_469 = vector.load %arg14[%get3A_467, %get3A_468] : memref<128x128xf32, #tpu.memory_space<vmem>>, vector<128x128xf32>
    %dot_general3A_470 = arith.constant dense<0.000000e+00> : vector<384x128xf32>
    %dot_general3A_471 = tpu.matmul %get3A_466, %get3A_469, %dot_general3A_470 {dimension_numbers = #tpu.dot_dimension_numbers<[1], [0], [0], [1], [0, 0, 1, 1], [], []>, transpose_lhs_hint = false} : vector<384x128xf32>, vector<128x128xf32>, vector<384x128xf32> -> vector<384x128xf32>
    %get3A_472 = arith.constant 0 : index
    %get3A_473 = arith.constant 0 : index
    %get3A_474 = vector.load %arg15[%get3A_472, %get3A_473] : memref<128x128xf32, #tpu.memory_space<vmem>>, vector<128x128xf32>
    %dot_general3A_475 = arith.constant dense<0.000000e+00> : vector<384x128xf32>
    %dot_general3A_476 = tpu.matmul %tanh3A_444, %get3A_474, %dot_general3A_475 {dimension_numbers = #tpu.dot_dimension_numbers<[1], [0], [0], [1], [0, 0, 1, 1], [], []>, transpose_lhs_hint = false} : vector<384x128xf32>, vector<128x128xf32>, vector<384x128xf32> -> vector<384x128xf32>
    %add3A_477 = arith.addf %dot_general3A_471, %dot_general3A_476 : vector<384x128xf32>
    %tanh3A_478 = math.tanh %add3A_477 : vector<384x128xf32>
    %swap3A_479 = arith.constant 0 : index
    %swap3A_480 = arith.constant 5 : index
    %swap3A_481 = arith.constant 0 : index
    %swap3A_482 = vector.load %arg20[%swap3A_479, %swap3A_480, %swap3A_481] : memref<384x12x128xf32, #tpu.memory_space<vmem>>, vector<384x1x128xf32>
    %swap3A_483 = vector.shape_cast %swap3A_482 : vector<384x1x128xf32> to vector<384x128xf32>
    %swap3A_484 = vector.shape_cast %tanh3A_461 : vector<384x128xf32> to vector<384x1x128xf32>
    tpu.vector_store %arg20[%swap3A_479, %swap3A_480, %swap3A_481], %swap3A_484 {strides = array<i32>} : memref<384x12x128xf32, #tpu.memory_space<vmem>>, vector<384x1x128xf32>,
    %swap3A_485 = arith.constant 0 : index
    %swap3A_486 = arith.constant 5 : index
    %swap3A_487 = arith.constant 0 : index
    %swap3A_488 = vector.load %arg21[%swap3A_485, %swap3A_486, %swap3A_487] : memref<384x12x128xf32, #tpu.memory_space<vmem>>, vector<384x1x128xf32>
    %swap3A_489 = vector.shape_cast %swap3A_488 : vector<384x1x128xf32> to vector<384x128xf32>
    %swap3A_490 = vector.shape_cast %tanh3A_478 : vector<384x128xf32> to vector<384x1x128xf32>
    tpu.vector_store %arg21[%swap3A_485, %swap3A_486, %swap3A_487], %swap3A_490 {strides = array<i32>} : memref<384x12x128xf32, #tpu.memory_space<vmem>>, vector<384x1x128xf32>,
    %mul3A_491 = arith.mulf %get3A_1, %tanh3A_461 : vector<384x128xf32>
    %reduce_sum3A_492 = arith.constant dense<0.000000e+00> : vector<384xf32>
    %reduce_sum3A_493 = vector.multi_reduction <add>, %mul3A_491, %reduce_sum3A_492 [1] : vector<384x128xf32> to vector<384xf32>
    %broadcast_in_dim3A_494 = vector.shape_cast %reduce_sum3A_493 : vector<384xf32> to vector<384x1xf32>
    %mul3A_495 = arith.mulf %get3A_4, %tanh3A_478 : vector<384x128xf32>
    %reduce_sum3A_496 = arith.constant dense<0.000000e+00> : vector<384xf32>
    %reduce_sum3A_497 = vector.multi_reduction <add>, %mul3A_495, %reduce_sum3A_496 [1] : vector<384x128xf32> to vector<384xf32>
    %broadcast_in_dim3A_498 = vector.shape_cast %reduce_sum3A_497 : vector<384xf32> to vector<384x1xf32>
    %get3A_499 = arith.constant 0 : index
    %get3A_500 = arith.constant 6 : index
    %get3A_501 = arith.constant 0 : index
    %get3A_502 = vector.load %arg1[%get3A_499, %get3A_500, %get3A_501] : memref<384x12x128xf32, #tpu.memory_space<vmem>>, vector<384x1x128xf32>
    %get3A_503 = vector.shape_cast %get3A_502 : vector<384x1x128xf32> to vector<384x128xf32>
    %dot_general3A_504 = arith.constant dense<0.000000e+00> : vector<384x128xf32>
    %dot_general3A_505 = tpu.matmul %get3A_503, %get3A_7, %dot_general3A_504 {dimension_numbers = #tpu.dot_dimension_numbers<[1], [0], [0], [1], [0, 0, 1, 1], [], []>, transpose_lhs_hint = false} : vector<384x128xf32>, vector<128x128xf32>, vector<384x128xf32> -> vector<384x128xf32>
    %get3A_506 = arith.constant 0 : index
    %get3A_507 = arith.constant 6 : index
    %get3A_508 = arith.constant 0 : index
    %get3A_509 = vector.load %arg0[%get3A_506, %get3A_507, %get3A_508] : memref<384x12x128xf32, #tpu.memory_space<vmem>>, vector<384x1x128xf32>
    %get3A_510 = vector.shape_cast %get3A_509 : vector<384x1x128xf32> to vector<384x128xf32>
    %dot_general3A_511 = arith.constant dense<0.000000e+00> : vector<384x128xf32>
    %dot_general3A_512 = tpu.matmul %get3A_510, %get3A_10, %dot_general3A_511 {dimension_numbers = #tpu.dot_dimension_numbers<[1], [0], [0], [1], [0, 0, 1, 1], [], []>, transpose_lhs_hint = false} : vector<384x128xf32>, vector<128x128xf32>, vector<384x128xf32> -> vector<384x128xf32>
    %add3A_513 = arith.addf %dot_general3A_505, %dot_general3A_512 : vector<384x128xf32>
    %add3A_514 = arith.addf %add3A_513, %add3A_18 : vector<384x128xf32>
    %tanh3A_515 = math.tanh %add3A_514 : vector<384x128xf32>
    %get3A_516 = arith.constant 0 : index
    %get3A_517 = arith.constant 6 : index
    %get3A_518 = arith.constant 0 : index
    %get3A_519 = vector.load %arg3[%get3A_516, %get3A_517, %get3A_518] : memref<384x12x128xf32, #tpu.memory_space<vmem>>, vector<384x1x128xf32>
    %get3A_520 = vector.shape_cast %get3A_519 : vector<384x1x128xf32> to vector<384x128xf32>
    %dot_general3A_521 = arith.constant dense<0.000000e+00> : vector<384x128xf32>
    %dot_general3A_522 = tpu.matmul %get3A_520, %add3A_23, %dot_general3A_521 {dimension_numbers = #tpu.dot_dimension_numbers<[1], [0], [0], [1], [0, 0, 1, 1], [], []>, transpose_lhs_hint = false} : vector<384x128xf32>, vector<128x128xf32>, vector<384x128xf32> -> vector<384x128xf32>
    %add3A_523 = arith.addf %dot_general3A_522, %add3A_22 : vector<384x128xf32>
    %tanh3A_524 = math.tanh %add3A_523 : vector<384x128xf32>
    %get3A_525 = arith.constant 0 : index
    %get3A_526 = arith.constant 6 : index
    %get3A_527 = arith.constant 0 : index
    %get3A_528 = vector.load %arg2[%get3A_525, %get3A_526, %get3A_527] : memref<384x12x128xf32, #tpu.memory_space<vmem>>, vector<384x1x128xf32>
    %get3A_529 = vector.shape_cast %get3A_528 : vector<384x1x128xf32> to vector<384x128xf32>
    %get3A_530 = arith.constant 0 : index
    %get3A_531 = arith.constant 0 : index
    %get3A_532 = vector.load %arg10[%get3A_530, %get3A_531] : memref<128x128xf32, #tpu.memory_space<vmem>>, vector<128x128xf32>
    %dot_general3A_533 = arith.constant dense<0.000000e+00> : vector<384x128xf32>
    %dot_general3A_534 = tpu.matmul %get3A_529, %get3A_532, %dot_general3A_533 {dimension_numbers = #tpu.dot_dimension_numbers<[1], [0], [0], [1], [0, 0, 1, 1], [], []>, transpose_lhs_hint = false} : vector<384x128xf32>, vector<128x128xf32>, vector<384x128xf32> -> vector<384x128xf32>
    %get3A_535 = arith.constant 0 : index
    %get3A_536 = arith.constant 0 : index
    %get3A_537 = vector.load %arg11[%get3A_535, %get3A_536] : memref<128x128xf32, #tpu.memory_space<vmem>>, vector<128x128xf32>
    %dot_general3A_538 = arith.constant dense<0.000000e+00> : vector<384x128xf32>
    %dot_general3A_539 = tpu.matmul %tanh3A_515, %get3A_537, %dot_general3A_538 {dimension_numbers = #tpu.dot_dimension_numbers<[1], [0], [0], [1], [0, 0, 1, 1], [], []>, transpose_lhs_hint = false} : vector<384x128xf32>, vector<128x128xf32>, vector<384x128xf32> -> vector<384x128xf32>
    %add3A_540 = arith.addf %dot_general3A_534, %dot_general3A_539 : vector<384x128xf32>
    %tanh3A_541 = math.tanh %add3A_540 : vector<384x128xf32>
    %get3A_542 = arith.constant 0 : index
    %get3A_543 = arith.constant 6 : index
    %get3A_544 = arith.constant 0 : index
    %get3A_545 = vector.load %arg0[%get3A_542, %get3A_543, %get3A_544] : memref<384x12x128xf32, #tpu.memory_space<vmem>>, vector<384x1x128xf32>
    %get3A_546 = vector.shape_cast %get3A_545 : vector<384x1x128xf32> to vector<384x128xf32>
    %get3A_547 = arith.constant 0 : index
    %get3A_548 = arith.constant 0 : index
    %get3A_549 = vector.load %arg14[%get3A_547, %get3A_548] : memref<128x128xf32, #tpu.memory_space<vmem>>, vector<128x128xf32>
    %dot_general3A_550 = arith.constant dense<0.000000e+00> : vector<384x128xf32>
    %dot_general3A_551 = tpu.matmul %get3A_546, %get3A_549, %dot_general3A_550 {dimension_numbers = #tpu.dot_dimension_numbers<[1], [0], [0], [1], [0, 0, 1, 1], [], []>, transpose_lhs_hint = false} : vector<384x128xf32>, vector<128x128xf32>, vector<384x128xf32> -> vector<384x128xf32>
    %get3A_552 = arith.constant 0 : index
    %get3A_553 = arith.constant 0 : index
    %get3A_554 = vector.load %arg15[%get3A_552, %get3A_553] : memref<128x128xf32, #tpu.memory_space<vmem>>, vector<128x128xf32>
    %dot_general3A_555 = arith.constant dense<0.000000e+00> : vector<384x128xf32>
    %dot_general3A_556 = tpu.matmul %tanh3A_524, %get3A_554, %dot_general3A_555 {dimension_numbers = #tpu.dot_dimension_numbers<[1], [0], [0], [1], [0, 0, 1, 1], [], []>, transpose_lhs_hint = false} : vector<384x128xf32>, vector<128x128xf32>, vector<384x128xf32> -> vector<384x128xf32>
    %add3A_557 = arith.addf %dot_general3A_551, %dot_general3A_556 : vector<384x128xf32>
    %tanh3A_558 = math.tanh %add3A_557 : vector<384x128xf32>
    %swap3A_559 = arith.constant 0 : index
    %swap3A_560 = arith.constant 6 : index
    %swap3A_561 = arith.constant 0 : index
    %swap3A_562 = vector.load %arg20[%swap3A_559, %swap3A_560, %swap3A_561] : memref<384x12x128xf32, #tpu.memory_space<vmem>>, vector<384x1x128xf32>
    %swap3A_563 = vector.shape_cast %swap3A_562 : vector<384x1x128xf32> to vector<384x128xf32>
    %swap3A_564 = vector.shape_cast %tanh3A_541 : vector<384x128xf32> to vector<384x1x128xf32>
    tpu.vector_store %arg20[%swap3A_559, %swap3A_560, %swap3A_561], %swap3A_564 {strides = array<i32>} : memref<384x12x128xf32, #tpu.memory_space<vmem>>, vector<384x1x128xf32>,
    %swap3A_565 = arith.constant 0 : index
    %swap3A_566 = arith.constant 6 : index
    %swap3A_567 = arith.constant 0 : index
    %swap3A_568 = vector.load %arg21[%swap3A_565, %swap3A_566, %swap3A_567] : memref<384x12x128xf32, #tpu.memory_space<vmem>>, vector<384x1x128xf32>
    %swap3A_569 = vector.shape_cast %swap3A_568 : vector<384x1x128xf32> to vector<384x128xf32>
    %swap3A_570 = vector.shape_cast %tanh3A_558 : vector<384x128xf32> to vector<384x1x128xf32>
    tpu.vector_store %arg21[%swap3A_565, %swap3A_566, %swap3A_567], %swap3A_570 {strides = array<i32>} : memref<384x12x128xf32, #tpu.memory_space<vmem>>, vector<384x1x128xf32>,
    %mul3A_571 = arith.mulf %get3A_1, %tanh3A_541 : vector<384x128xf32>
    %reduce_sum3A_572 = arith.constant dense<0.000000e+00> : vector<384xf32>
    %reduce_sum3A_573 = vector.multi_reduction <add>, %mul3A_571, %reduce_sum3A_572 [1] : vector<384x128xf32> to vector<384xf32>
    %broadcast_in_dim3A_574 = vector.shape_cast %reduce_sum3A_573 : vector<384xf32> to vector<384x1xf32>
    %mul3A_575 = arith.mulf %get3A_4, %tanh3A_558 : vector<384x128xf32>
    %reduce_sum3A_576 = arith.constant dense<0.000000e+00> : vector<384xf32>
    %reduce_sum3A_577 = vector.multi_reduction <add>, %mul3A_575, %reduce_sum3A_576 [1] : vector<384x128xf32> to vector<384xf32>
    %broadcast_in_dim3A_578 = vector.shape_cast %reduce_sum3A_577 : vector<384xf32> to vector<384x1xf32>
    %get3A_579 = arith.constant 0 : index
    %get3A_580 = arith.constant 7 : index
    %get3A_581 = arith.constant 0 : index
    %get3A_582 = vector.load %arg1[%get3A_579, %get3A_580, %get3A_581] : memref<384x12x128xf32, #tpu.memory_space<vmem>>, vector<384x1x128xf32>
    %get3A_583 = vector.shape_cast %get3A_582 : vector<384x1x128xf32> to vector<384x128xf32>
    %dot_general3A_584 = arith.constant dense<0.000000e+00> : vector<384x128xf32>
    %dot_general3A_585 = tpu.matmul %get3A_583, %get3A_7, %dot_general3A_584 {dimension_numbers = #tpu.dot_dimension_numbers<[1], [0], [0], [1], [0, 0, 1, 1], [], []>, transpose_lhs_hint = false} : vector<384x128xf32>, vector<128x128xf32>, vector<384x128xf32> -> vector<384x128xf32>
    %get3A_586 = arith.constant 0 : index
    %get3A_587 = arith.constant 7 : index
    %get3A_588 = arith.constant 0 : index
    %get3A_589 = vector.load %arg0[%get3A_586, %get3A_587, %get3A_588] : memref<384x12x128xf32, #tpu.memory_space<vmem>>, vector<384x1x128xf32>
    %get3A_590 = vector.shape_cast %get3A_589 : vector<384x1x128xf32> to vector<384x128xf32>
    %dot_general3A_591 = arith.constant dense<0.000000e+00> : vector<384x128xf32>
    %dot_general3A_592 = tpu.matmul %get3A_590, %get3A_10, %dot_general3A_591 {dimension_numbers = #tpu.dot_dimension_numbers<[1], [0], [0], [1], [0, 0, 1, 1], [], []>, transpose_lhs_hint = false} : vector<384x128xf32>, vector<128x128xf32>, vector<384x128xf32> -> vector<384x128xf32>
    %add3A_593 = arith.addf %dot_general3A_585, %dot_general3A_592 : vector<384x128xf32>
    %add3A_594 = arith.addf %add3A_593, %add3A_18 : vector<384x128xf32>
    %tanh3A_595 = math.tanh %add3A_594 : vector<384x128xf32>
    %get3A_596 = arith.constant 0 : index
    %get3A_597 = arith.constant 7 : index
    %get3A_598 = arith.constant 0 : index
    %get3A_599 = vector.load %arg3[%get3A_596, %get3A_597, %get3A_598] : memref<384x12x128xf32, #tpu.memory_space<vmem>>, vector<384x1x128xf32>
    %get3A_600 = vector.shape_cast %get3A_599 : vector<384x1x128xf32> to vector<384x128xf32>
    %dot_general3A_601 = arith.constant dense<0.000000e+00> : vector<384x128xf32>
    %dot_general3A_602 = tpu.matmul %get3A_600, %add3A_23, %dot_general3A_601 {dimension_numbers = #tpu.dot_dimension_numbers<[1], [0], [0], [1], [0, 0, 1, 1], [], []>, transpose_lhs_hint = false} : vector<384x128xf32>, vector<128x128xf32>, vector<384x128xf32> -> vector<384x128xf32>
    %add3A_603 = arith.addf %dot_general3A_602, %add3A_22 : vector<384x128xf32>
    %tanh3A_604 = math.tanh %add3A_603 : vector<384x128xf32>
    %get3A_605 = arith.constant 0 : index
    %get3A_606 = arith.constant 7 : index
    %get3A_607 = arith.constant 0 : index
    %get3A_608 = vector.load %arg2[%get3A_605, %get3A_606, %get3A_607] : memref<384x12x128xf32, #tpu.memory_space<vmem>>, vector<384x1x128xf32>
    %get3A_609 = vector.shape_cast %get3A_608 : vector<384x1x128xf32> to vector<384x128xf32>
    %get3A_610 = arith.constant 0 : index
    %get3A_611 = arith.constant 0 : index
    %get3A_612 = vector.load %arg10[%get3A_610, %get3A_611] : memref<128x128xf32, #tpu.memory_space<vmem>>, vector<128x128xf32>
    %dot_general3A_613 = arith.constant dense<0.000000e+00> : vector<384x128xf32>
    %dot_general3A_614 = tpu.matmul %get3A_609, %get3A_612, %dot_general3A_613 {dimension_numbers = #tpu.dot_dimension_numbers<[1], [0], [0], [1], [0, 0, 1, 1], [], []>, transpose_lhs_hint = false} : vector<384x128xf32>, vector<128x128xf32>, vector<384x128xf32> -> vector<384x128xf32>
    %get3A_615 = arith.constant 0 : index
    %get3A_616 = arith.constant 0 : index
    %get3A_617 = vector.load %arg11[%get3A_615, %get3A_616] : memref<128x128xf32, #tpu.memory_space<vmem>>, vector<128x128xf32>
    %dot_general3A_618 = arith.constant dense<0.000000e+00> : vector<384x128xf32>
    %dot_general3A_619 = tpu.matmul %tanh3A_595, %get3A_617, %dot_general3A_618 {dimension_numbers = #tpu.dot_dimension_numbers<[1], [0], [0], [1], [0, 0, 1, 1], [], []>, transpose_lhs_hint = false} : vector<384x128xf32>, vector<128x128xf32>, vector<384x128xf32> -> vector<384x128xf32>
    %add3A_620 = arith.addf %dot_general3A_614, %dot_general3A_619 : vector<384x128xf32>
    %tanh3A_621 = math.tanh %add3A_620 : vector<384x128xf32>
    %get3A_622 = arith.constant 0 : index
    %get3A_623 = arith.constant 7 : index
    %get3A_624 = arith.constant 0 : index
    %get3A_625 = vector.load %arg0[%get3A_622, %get3A_623, %get3A_624] : memref<384x12x128xf32, #tpu.memory_space<vmem>>, vector<384x1x128xf32>
    %get3A_626 = vector.shape_cast %get3A_625 : vector<384x1x128xf32> to vector<384x128xf32>
    %get3A_627 = arith.constant 0 : index
    %get3A_628 = arith.constant 0 : index
    %get3A_629 = vector.load %arg14[%get3A_627, %get3A_628] : memref<128x128xf32, #tpu.memory_space<vmem>>, vector<128x128xf32>
    %dot_general3A_630 = arith.constant dense<0.000000e+00> : vector<384x128xf32>
    %dot_general3A_631 = tpu.matmul %get3A_626, %get3A_629, %dot_general3A_630 {dimension_numbers = #tpu.dot_dimension_numbers<[1], [0], [0], [1], [0, 0, 1, 1], [], []>, transpose_lhs_hint = false} : vector<384x128xf32>, vector<128x128xf32>, vector<384x128xf32> -> vector<384x128xf32>
    %get3A_632 = arith.constant 0 : index
    %get3A_633 = arith.constant 0 : index
    %get3A_634 = vector.load %arg15[%get3A_632, %get3A_633] : memref<128x128xf32, #tpu.memory_space<vmem>>, vector<128x128xf32>
    %dot_general3A_635 = arith.constant dense<0.000000e+00> : vector<384x128xf32>
    %dot_general3A_636 = tpu.matmul %tanh3A_604, %get3A_634, %dot_general3A_635 {dimension_numbers = #tpu.dot_dimension_numbers<[1], [0], [0], [1], [0, 0, 1, 1], [], []>, transpose_lhs_hint = false} : vector<384x128xf32>, vector<128x128xf32>, vector<384x128xf32> -> vector<384x128xf32>
    %add3A_637 = arith.addf %dot_general3A_631, %dot_general3A_636 : vector<384x128xf32>
    %tanh3A_638 = math.tanh %add3A_637 : vector<384x128xf32>
    %swap3A_639 = arith.constant 0 : index
    %swap3A_640 = arith.constant 7 : index
    %swap3A_641 = arith.constant 0 : index
    %swap3A_642 = vector.load %arg20[%swap3A_639, %swap3A_640, %swap3A_641] : memref<384x12x128xf32, #tpu.memory_space<vmem>>, vector<384x1x128xf32>
    %swap3A_643 = vector.shape_cast %swap3A_642 : vector<384x1x128xf32> to vector<384x128xf32>
    %swap3A_644 = vector.shape_cast %tanh3A_621 : vector<384x128xf32> to vector<384x1x128xf32>
    tpu.vector_store %arg20[%swap3A_639, %swap3A_640, %swap3A_641], %swap3A_644 {strides = array<i32>} : memref<384x12x128xf32, #tpu.memory_space<vmem>>, vector<384x1x128xf32>,
    %swap3A_645 = arith.constant 0 : index
    %swap3A_646 = arith.constant 7 : index
    %swap3A_647 = arith.constant 0 : index
    %swap3A_648 = vector.load %arg21[%swap3A_645, %swap3A_646, %swap3A_647] : memref<384x12x128xf32, #tpu.memory_space<vmem>>, vector<384x1x128xf32>
    %swap3A_649 = vector.shape_cast %swap3A_648 : vector<384x1x128xf32> to vector<384x128xf32>
    %swap3A_650 = vector.shape_cast %tanh3A_638 : vector<384x128xf32> to vector<384x1x128xf32>
    tpu.vector_store %arg21[%swap3A_645, %swap3A_646, %swap3A_647], %swap3A_650 {strides = array<i32>} : memref<384x12x128xf32, #tpu.memory_space<vmem>>, vector<384x1x128xf32>,
    %mul3A_651 = arith.mulf %get3A_1, %tanh3A_621 : vector<384x128xf32>
    %reduce_sum3A_652 = arith.constant dense<0.000000e+00> : vector<384xf32>
    %reduce_sum3A_653 = vector.multi_reduction <add>, %mul3A_651, %reduce_sum3A_652 [1] : vector<384x128xf32> to vector<384xf32>
    %broadcast_in_dim3A_654 = vector.shape_cast %reduce_sum3A_653 : vector<384xf32> to vector<384x1xf32>
    %mul3A_655 = arith.mulf %get3A_4, %tanh3A_638 : vector<384x128xf32>
    %reduce_sum3A_656 = arith.constant dense<0.000000e+00> : vector<384xf32>
    %reduce_sum3A_657 = vector.multi_reduction <add>, %mul3A_655, %reduce_sum3A_656 [1] : vector<384x128xf32> to vector<384xf32>
    %broadcast_in_dim3A_658 = vector.shape_cast %reduce_sum3A_657 : vector<384xf32> to vector<384x1xf32>
    %get3A_659 = arith.constant 0 : index
    %get3A_660 = arith.constant 8 : index
    %get3A_661 = arith.constant 0 : index
    %get3A_662 = vector.load %arg1[%get3A_659, %get3A_660, %get3A_661] : memref<384x12x128xf32, #tpu.memory_space<vmem>>, vector<384x1x128xf32>
    %get3A_663 = vector.shape_cast %get3A_662 : vector<384x1x128xf32> to vector<384x128xf32>
    %dot_general3A_664 = arith.constant dense<0.000000e+00> : vector<384x128xf32>
    %dot_general3A_665 = tpu.matmul %get3A_663, %get3A_7, %dot_general3A_664 {dimension_numbers = #tpu.dot_dimension_numbers<[1], [0], [0], [1], [0, 0, 1, 1], [], []>, transpose_lhs_hint = false} : vector<384x128xf32>, vector<128x128xf32>, vector<384x128xf32> -> vector<384x128xf32>
    %get3A_666 = arith.constant 0 : index
    %get3A_667 = arith.constant 8 : index
    %get3A_668 = arith.constant 0 : index
    %get3A_669 = vector.load %arg0[%get3A_666, %get3A_667, %get3A_668] : memref<384x12x128xf32, #tpu.memory_space<vmem>>, vector<384x1x128xf32>
    %get3A_670 = vector.shape_cast %get3A_669 : vector<384x1x128xf32> to vector<384x128xf32>
    %dot_general3A_671 = arith.constant dense<0.000000e+00> : vector<384x128xf32>
    %dot_general3A_672 = tpu.matmul %get3A_670, %get3A_10, %dot_general3A_671 {dimension_numbers = #tpu.dot_dimension_numbers<[1], [0], [0], [1], [0, 0, 1, 1], [], []>, transpose_lhs_hint = false} : vector<384x128xf32>, vector<128x128xf32>, vector<384x128xf32> -> vector<384x128xf32>
    %add3A_673 = arith.addf %dot_general3A_665, %dot_general3A_672 : vector<384x128xf32>
    %add3A_674 = arith.addf %add3A_673, %add3A_18 : vector<384x128xf32>
    %tanh3A_675 = math.tanh %add3A_674 : vector<384x128xf32>
    %get3A_676 = arith.constant 0 : index
    %get3A_677 = arith.constant 8 : index
    %get3A_678 = arith.constant 0 : index
    %get3A_679 = vector.load %arg3[%get3A_676, %get3A_677, %get3A_678] : memref<384x12x128xf32, #tpu.memory_space<vmem>>, vector<384x1x128xf32>
    %get3A_680 = vector.shape_cast %get3A_679 : vector<384x1x128xf32> to vector<384x128xf32>
    %dot_general3A_681 = arith.constant dense<0.000000e+00> : vector<384x128xf32>
    %dot_general3A_682 = tpu.matmul %get3A_680, %add3A_23, %dot_general3A_681 {dimension_numbers = #tpu.dot_dimension_numbers<[1], [0], [0], [1], [0, 0, 1, 1], [], []>, transpose_lhs_hint = false} : vector<384x128xf32>, vector<128x128xf32>, vector<384x128xf32> -> vector<384x128xf32>
    %add3A_683 = arith.addf %dot_general3A_682, %add3A_22 : vector<384x128xf32>
    %tanh3A_684 = math.tanh %add3A_683 : vector<384x128xf32>
    %get3A_685 = arith.constant 0 : index
    %get3A_686 = arith.constant 8 : index
    %get3A_687 = arith.constant 0 : index
    %get3A_688 = vector.load %arg2[%get3A_685, %get3A_686, %get3A_687] : memref<384x12x128xf32, #tpu.memory_space<vmem>>, vector<384x1x128xf32>
    %get3A_689 = vector.shape_cast %get3A_688 : vector<384x1x128xf32> to vector<384x128xf32>
    %get3A_690 = arith.constant 0 : index
    %get3A_691 = arith.constant 0 : index
    %get3A_692 = vector.load %arg10[%get3A_690, %get3A_691] : memref<128x128xf32, #tpu.memory_space<vmem>>, vector<128x128xf32>
    %dot_general3A_693 = arith.constant dense<0.000000e+00> : vector<384x128xf32>
    %dot_general3A_694 = tpu.matmul %get3A_689, %get3A_692, %dot_general3A_693 {dimension_numbers = #tpu.dot_dimension_numbers<[1], [0], [0], [1], [0, 0, 1, 1], [], []>, transpose_lhs_hint = false} : vector<384x128xf32>, vector<128x128xf32>, vector<384x128xf32> -> vector<384x128xf32>
    %get3A_695 = arith.constant 0 : index
    %get3A_696 = arith.constant 0 : index
    %get3A_697 = vector.load %arg11[%get3A_695, %get3A_696] : memref<128x128xf32, #tpu.memory_space<vmem>>, vector<128x128xf32>
    %dot_general3A_698 = arith.constant dense<0.000000e+00> : vector<384x128xf32>
    %dot_general3A_699 = tpu.matmul %tanh3A_675, %get3A_697, %dot_general3A_698 {dimension_numbers = #tpu.dot_dimension_numbers<[1], [0], [0], [1], [0, 0, 1, 1], [], []>, transpose_lhs_hint = false} : vector<384x128xf32>, vector<128x128xf32>, vector<384x128xf32> -> vector<384x128xf32>
    %add3A_700 = arith.addf %dot_general3A_694, %dot_general3A_699 : vector<384x128xf32>
    %tanh3A_701 = math.tanh %add3A_700 : vector<384x128xf32>
    %get3A_702 = arith.constant 0 : index
    %get3A_703 = arith.constant 8 : index
    %get3A_704 = arith.constant 0 : index
    %get3A_705 = vector.load %arg0[%get3A_702, %get3A_703, %get3A_704] : memref<384x12x128xf32, #tpu.memory_space<vmem>>, vector<384x1x128xf32>
    %get3A_706 = vector.shape_cast %get3A_705 : vector<384x1x128xf32> to vector<384x128xf32>
    %get3A_707 = arith.constant 0 : index
    %get3A_708 = arith.constant 0 : index
    %get3A_709 = vector.load %arg14[%get3A_707, %get3A_708] : memref<128x128xf32, #tpu.memory_space<vmem>>, vector<128x128xf32>
    %dot_general3A_710 = arith.constant dense<0.000000e+00> : vector<384x128xf32>
    %dot_general3A_711 = tpu.matmul %get3A_706, %get3A_709, %dot_general3A_710 {dimension_numbers = #tpu.dot_dimension_numbers<[1], [0], [0], [1], [0, 0, 1, 1], [], []>, transpose_lhs_hint = false} : vector<384x128xf32>, vector<128x128xf32>, vector<384x128xf32> -> vector<384x128xf32>
    %get3A_712 = arith.constant 0 : index
    %get3A_713 = arith.constant 0 : index
    %get3A_714 = vector.load %arg15[%get3A_712, %get3A_713] : memref<128x128xf32, #tpu.memory_space<vmem>>, vector<128x128xf32>
    %dot_general3A_715 = arith.constant dense<0.000000e+00> : vector<384x128xf32>
    %dot_general3A_716 = tpu.matmul %tanh3A_684, %get3A_714, %dot_general3A_715 {dimension_numbers = #tpu.dot_dimension_numbers<[1], [0], [0], [1], [0, 0, 1, 1], [], []>, transpose_lhs_hint = false} : vector<384x128xf32>, vector<128x128xf32>, vector<384x128xf32> -> vector<384x128xf32>
    %add3A_717 = arith.addf %dot_general3A_711, %dot_general3A_716 : vector<384x128xf32>
    %tanh3A_718 = math.tanh %add3A_717 : vector<384x128xf32>
    %swap3A_719 = arith.constant 0 : index
    %swap3A_720 = arith.constant 8 : index
    %swap3A_721 = arith.constant 0 : index
    %swap3A_722 = vector.load %arg20[%swap3A_719, %swap3A_720, %swap3A_721] : memref<384x12x128xf32, #tpu.memory_space<vmem>>, vector<384x1x128xf32>
    %swap3A_723 = vector.shape_cast %swap3A_722 : vector<384x1x128xf32> to vector<384x128xf32>
    %swap3A_724 = vector.shape_cast %tanh3A_701 : vector<384x128xf32> to vector<384x1x128xf32>
    tpu.vector_store %arg20[%swap3A_719, %swap3A_720, %swap3A_721], %swap3A_724 {strides = array<i32>} : memref<384x12x128xf32, #tpu.memory_space<vmem>>, vector<384x1x128xf32>,
    %swap3A_725 = arith.constant 0 : index
    %swap3A_726 = arith.constant 8 : index
    %swap3A_727 = arith.constant 0 : index
    %swap3A_728 = vector.load %arg21[%swap3A_725, %swap3A_726, %swap3A_727] : memref<384x12x128xf32, #tpu.memory_space<vmem>>, vector<384x1x128xf32>
    %swap3A_729 = vector.shape_cast %swap3A_728 : vector<384x1x128xf32> to vector<384x128xf32>
    %swap3A_730 = vector.shape_cast %tanh3A_718 : vector<384x128xf32> to vector<384x1x128xf32>
    tpu.vector_store %arg21[%swap3A_725, %swap3A_726, %swap3A_727], %swap3A_730 {strides = array<i32>} : memref<384x12x128xf32, #tpu.memory_space<vmem>>, vector<384x1x128xf32>,
    %mul3A_731 = arith.mulf %get3A_1, %tanh3A_701 : vector<384x128xf32>
    %reduce_sum3A_732 = arith.constant dense<0.000000e+00> : vector<384xf32>
    %reduce_sum3A_733 = vector.multi_reduction <add>, %mul3A_731, %reduce_sum3A_732 [1] : vector<384x128xf32> to vector<384xf32>
    %broadcast_in_dim3A_734 = vector.shape_cast %reduce_sum3A_733 : vector<384xf32> to vector<384x1xf32>
    %mul3A_735 = arith.mulf %get3A_4, %tanh3A_718 : vector<384x128xf32>
    %reduce_sum3A_736 = arith.constant dense<0.000000e+00> : vector<384xf32>
    %reduce_sum3A_737 = vector.multi_reduction <add>, %mul3A_735, %reduce_sum3A_736 [1] : vector<384x128xf32> to vector<384xf32>
    %broadcast_in_dim3A_738 = vector.shape_cast %reduce_sum3A_737 : vector<384xf32> to vector<384x1xf32>
    %get3A_739 = arith.constant 0 : index
    %get3A_740 = arith.constant 9 : index
    %get3A_741 = arith.constant 0 : index
    %get3A_742 = vector.load %arg1[%get3A_739, %get3A_740, %get3A_741] : memref<384x12x128xf32, #tpu.memory_space<vmem>>, vector<384x1x128xf32>
    %get3A_743 = vector.shape_cast %get3A_742 : vector<384x1x128xf32> to vector<384x128xf32>
    %dot_general3A_744 = arith.constant dense<0.000000e+00> : vector<384x128xf32>
    %dot_general3A_745 = tpu.matmul %get3A_743, %get3A_7, %dot_general3A_744 {dimension_numbers = #tpu.dot_dimension_numbers<[1], [0], [0], [1], [0, 0, 1, 1], [], []>, transpose_lhs_hint = false} : vector<384x128xf32>, vector<128x128xf32>, vector<384x128xf32> -> vector<384x128xf32>
    %get3A_746 = arith.constant 0 : index
    %get3A_747 = arith.constant 9 : index
    %get3A_748 = arith.constant 0 : index
    %get3A_749 = vector.load %arg0[%get3A_746, %get3A_747, %get3A_748] : memref<384x12x128xf32, #tpu.memory_space<vmem>>, vector<384x1x128xf32>
    %get3A_750 = vector.shape_cast %get3A_749 : vector<384x1x128xf32> to vector<384x128xf32>
    %dot_general3A_751 = arith.constant dense<0.000000e+00> : vector<384x128xf32>
    %dot_general3A_752 = tpu.matmul %get3A_750, %get3A_10, %dot_general3A_751 {dimension_numbers = #tpu.dot_dimension_numbers<[1], [0], [0], [1], [0, 0, 1, 1], [], []>, transpose_lhs_hint = false} : vector<384x128xf32>, vector<128x128xf32>, vector<384x128xf32> -> vector<384x128xf32>
    %add3A_753 = arith.addf %dot_general3A_745, %dot_general3A_752 : vector<384x128xf32>
    %add3A_754 = arith.addf %add3A_753, %add3A_18 : vector<384x128xf32>
    %tanh3A_755 = math.tanh %add3A_754 : vector<384x128xf32>
    %get3A_756 = arith.constant 0 : index
    %get3A_757 = arith.constant 9 : index
    %get3A_758 = arith.constant 0 : index
    %get3A_759 = vector.load %arg3[%get3A_756, %get3A_757, %get3A_758] : memref<384x12x128xf32, #tpu.memory_space<vmem>>, vector<384x1x128xf32>
    %get3A_760 = vector.shape_cast %get3A_759 : vector<384x1x128xf32> to vector<384x128xf32>
    %dot_general3A_761 = arith.constant dense<0.000000e+00> : vector<384x128xf32>
    %dot_general3A_762 = tpu.matmul %get3A_760, %add3A_23, %dot_general3A_761 {dimension_numbers = #tpu.dot_dimension_numbers<[1], [0], [0], [1], [0, 0, 1, 1], [], []>, transpose_lhs_hint = false} : vector<384x128xf32>, vector<128x128xf32>, vector<384x128xf32> -> vector<384x128xf32>
    %add3A_763 = arith.addf %dot_general3A_762, %add3A_22 : vector<384x128xf32>
    %tanh3A_764 = math.tanh %add3A_763 : vector<384x128xf32>
    %get3A_765 = arith.constant 0 : index
    %get3A_766 = arith.constant 9 : index
    %get3A_767 = arith.constant 0 : index
    %get3A_768 = vector.load %arg2[%get3A_765, %get3A_766, %get3A_767] : memref<384x12x128xf32, #tpu.memory_space<vmem>>, vector<384x1x128xf32>
    %get3A_769 = vector.shape_cast %get3A_768 : vector<384x1x128xf32> to vector<384x128xf32>
    %get3A_770 = arith.constant 0 : index
    %get3A_771 = arith.constant 0 : index
    %get3A_772 = vector.load %arg10[%get3A_770, %get3A_771] : memref<128x128xf32, #tpu.memory_space<vmem>>, vector<128x128xf32>
    %dot_general3A_773 = arith.constant dense<0.000000e+00> : vector<384x128xf32>
    %dot_general3A_774 = tpu.matmul %get3A_769, %get3A_772, %dot_general3A_773 {dimension_numbers = #tpu.dot_dimension_numbers<[1], [0], [0], [1], [0, 0, 1, 1], [], []>, transpose_lhs_hint = false} : vector<384x128xf32>, vector<128x128xf32>, vector<384x128xf32> -> vector<384x128xf32>
    %get3A_775 = arith.constant 0 : index
    %get3A_776 = arith.constant 0 : index
    %get3A_777 = vector.load %arg11[%get3A_775, %get3A_776] : memref<128x128xf32, #tpu.memory_space<vmem>>, vector<128x128xf32>
    %dot_general3A_778 = arith.constant dense<0.000000e+00> : vector<384x128xf32>
    %dot_general3A_779 = tpu.matmul %tanh3A_755, %get3A_777, %dot_general3A_778 {dimension_numbers = #tpu.dot_dimension_numbers<[1], [0], [0], [1], [0, 0, 1, 1], [], []>, transpose_lhs_hint = false} : vector<384x128xf32>, vector<128x128xf32>, vector<384x128xf32> -> vector<384x128xf32>
    %add3A_780 = arith.addf %dot_general3A_774, %dot_general3A_779 : vector<384x128xf32>
    %tanh3A_781 = math.tanh %add3A_780 : vector<384x128xf32>
    %get3A_782 = arith.constant 0 : index
    %get3A_783 = arith.constant 9 : index
    %get3A_784 = arith.constant 0 : index
    %get3A_785 = vector.load %arg0[%get3A_782, %get3A_783, %get3A_784] : memref<384x12x128xf32, #tpu.memory_space<vmem>>, vector<384x1x128xf32>
    %get3A_786 = vector.shape_cast %get3A_785 : vector<384x1x128xf32> to vector<384x128xf32>
    %get3A_787 = arith.constant 0 : index
    %get3A_788 = arith.constant 0 : index
    %get3A_789 = vector.load %arg14[%get3A_787, %get3A_788] : memref<128x128xf32, #tpu.memory_space<vmem>>, vector<128x128xf32>
    %dot_general3A_790 = arith.constant dense<0.000000e+00> : vector<384x128xf32>
    %dot_general3A_791 = tpu.matmul %get3A_786, %get3A_789, %dot_general3A_790 {dimension_numbers = #tpu.dot_dimension_numbers<[1], [0], [0], [1], [0, 0, 1, 1], [], []>, transpose_lhs_hint = false} : vector<384x128xf32>, vector<128x128xf32>, vector<384x128xf32> -> vector<384x128xf32>
    %get3A_792 = arith.constant 0 : index
    %get3A_793 = arith.constant 0 : index
    %get3A_794 = vector.load %arg15[%get3A_792, %get3A_793] : memref<128x128xf32, #tpu.memory_space<vmem>>, vector<128x128xf32>
    %dot_general3A_795 = arith.constant dense<0.000000e+00> : vector<384x128xf32>
    %dot_general3A_796 = tpu.matmul %tanh3A_764, %get3A_794, %dot_general3A_795 {dimension_numbers = #tpu.dot_dimension_numbers<[1], [0], [0], [1], [0, 0, 1, 1], [], []>, transpose_lhs_hint = false} : vector<384x128xf32>, vector<128x128xf32>, vector<384x128xf32> -> vector<384x128xf32>
    %add3A_797 = arith.addf %dot_general3A_791, %dot_general3A_796 : vector<384x128xf32>
    %tanh3A_798 = math.tanh %add3A_797 : vector<384x128xf32>
    %swap3A_799 = arith.constant 0 : index
    %swap3A_800 = arith.constant 9 : index
    %swap3A_801 = arith.constant 0 : index
    %swap3A_802 = vector.load %arg20[%swap3A_799, %swap3A_800, %swap3A_801] : memref<384x12x128xf32, #tpu.memory_space<vmem>>, vector<384x1x128xf32>
    %swap3A_803 = vector.shape_cast %swap3A_802 : vector<384x1x128xf32> to vector<384x128xf32>
    %swap3A_804 = vector.shape_cast %tanh3A_781 : vector<384x128xf32> to vector<384x1x128xf32>
    tpu.vector_store %arg20[%swap3A_799, %swap3A_800, %swap3A_801], %swap3A_804 {strides = array<i32>} : memref<384x12x128xf32, #tpu.memory_space<vmem>>, vector<384x1x128xf32>,
    %swap3A_805 = arith.constant 0 : index
    %swap3A_806 = arith.constant 9 : index
    %swap3A_807 = arith.constant 0 : index
    %swap3A_808 = vector.load %arg21[%swap3A_805, %swap3A_806, %swap3A_807] : memref<384x12x128xf32, #tpu.memory_space<vmem>>, vector<384x1x128xf32>
    %swap3A_809 = vector.shape_cast %swap3A_808 : vector<384x1x128xf32> to vector<384x128xf32>
    %swap3A_810 = vector.shape_cast %tanh3A_798 : vector<384x128xf32> to vector<384x1x128xf32>
    tpu.vector_store %arg21[%swap3A_805, %swap3A_806, %swap3A_807], %swap3A_810 {strides = array<i32>} : memref<384x12x128xf32, #tpu.memory_space<vmem>>, vector<384x1x128xf32>,
    %mul3A_811 = arith.mulf %get3A_1, %tanh3A_781 : vector<384x128xf32>
    %reduce_sum3A_812 = arith.constant dense<0.000000e+00> : vector<384xf32>
    %reduce_sum3A_813 = vector.multi_reduction <add>, %mul3A_811, %reduce_sum3A_812 [1] : vector<384x128xf32> to vector<384xf32>
    %broadcast_in_dim3A_814 = vector.shape_cast %reduce_sum3A_813 : vector<384xf32> to vector<384x1xf32>
    %mul3A_815 = arith.mulf %get3A_4, %tanh3A_798 : vector<384x128xf32>
    %reduce_sum3A_816 = arith.constant dense<0.000000e+00> : vector<384xf32>
    %reduce_sum3A_817 = vector.multi_reduction <add>, %mul3A_815, %reduce_sum3A_816 [1] : vector<384x128xf32> to vector<384xf32>
    %broadcast_in_dim3A_818 = vector.shape_cast %reduce_sum3A_817 : vector<384xf32> to vector<384x1xf32>
    %get3A_819 = arith.constant 0 : index
    %get3A_820 = arith.constant 10 : index
    %get3A_821 = arith.constant 0 : index
    %get3A_822 = vector.load %arg1[%get3A_819, %get3A_820, %get3A_821] : memref<384x12x128xf32, #tpu.memory_space<vmem>>, vector<384x1x128xf32>
    %get3A_823 = vector.shape_cast %get3A_822 : vector<384x1x128xf32> to vector<384x128xf32>
    %dot_general3A_824 = arith.constant dense<0.000000e+00> : vector<384x128xf32>
    %dot_general3A_825 = tpu.matmul %get3A_823, %get3A_7, %dot_general3A_824 {dimension_numbers = #tpu.dot_dimension_numbers<[1], [0], [0], [1], [0, 0, 1, 1], [], []>, transpose_lhs_hint = false} : vector<384x128xf32>, vector<128x128xf32>, vector<384x128xf32> -> vector<384x128xf32>
    %get3A_826 = arith.constant 0 : index
    %get3A_827 = arith.constant 10 : index
    %get3A_828 = arith.constant 0 : index
    %get3A_829 = vector.load %arg0[%get3A_826, %get3A_827, %get3A_828] : memref<384x12x128xf32, #tpu.memory_space<vmem>>, vector<384x1x128xf32>
    %get3A_830 = vector.shape_cast %get3A_829 : vector<384x1x128xf32> to vector<384x128xf32>
    %dot_general3A_831 = arith.constant dense<0.000000e+00> : vector<384x128xf32>
    %dot_general3A_832 = tpu.matmul %get3A_830, %get3A_10, %dot_general3A_831 {dimension_numbers = #tpu.dot_dimension_numbers<[1], [0], [0], [1], [0, 0, 1, 1], [], []>, transpose_lhs_hint = false} : vector<384x128xf32>, vector<128x128xf32>, vector<384x128xf32> -> vector<384x128xf32>
    %add3A_833 = arith.addf %dot_general3A_825, %dot_general3A_832 : vector<384x128xf32>
    %add3A_834 = arith.addf %add3A_833, %add3A_18 : vector<384x128xf32>
    %tanh3A_835 = math.tanh %add3A_834 : vector<384x128xf32>
    %get3A_836 = arith.constant 0 : index
    %get3A_837 = arith.constant 10 : index
    %get3A_838 = arith.constant 0 : index
    %get3A_839 = vector.load %arg3[%get3A_836, %get3A_837, %get3A_838] : memref<384x12x128xf32, #tpu.memory_space<vmem>>, vector<384x1x128xf32>
    %get3A_840 = vector.shape_cast %get3A_839 : vector<384x1x128xf32> to vector<384x128xf32>
    %dot_general3A_841 = arith.constant dense<0.000000e+00> : vector<384x128xf32>
    %dot_general3A_842 = tpu.matmul %get3A_840, %add3A_23, %dot_general3A_841 {dimension_numbers = #tpu.dot_dimension_numbers<[1], [0], [0], [1], [0, 0, 1, 1], [], []>, transpose_lhs_hint = false} : vector<384x128xf32>, vector<128x128xf32>, vector<384x128xf32> -> vector<384x128xf32>
    %add3A_843 = arith.addf %dot_general3A_842, %add3A_22 : vector<384x128xf32>
    %tanh3A_844 = math.tanh %add3A_843 : vector<384x128xf32>
    %get3A_845 = arith.constant 0 : index
    %get3A_846 = arith.constant 10 : index
    %get3A_847 = arith.constant 0 : index
    %get3A_848 = vector.load %arg2[%get3A_845, %get3A_846, %get3A_847] : memref<384x12x128xf32, #tpu.memory_space<vmem>>, vector<384x1x128xf32>
    %get3A_849 = vector.shape_cast %get3A_848 : vector<384x1x128xf32> to vector<384x128xf32>
    %get3A_850 = arith.constant 0 : index
    %get3A_851 = arith.constant 0 : index
    %get3A_852 = vector.load %arg10[%get3A_850, %get3A_851] : memref<128x128xf32, #tpu.memory_space<vmem>>, vector<128x128xf32>
    %dot_general3A_853 = arith.constant dense<0.000000e+00> : vector<384x128xf32>
    %dot_general3A_854 = tpu.matmul %get3A_849, %get3A_852, %dot_general3A_853 {dimension_numbers = #tpu.dot_dimension_numbers<[1], [0], [0], [1], [0, 0, 1, 1], [], []>, transpose_lhs_hint = false} : vector<384x128xf32>, vector<128x128xf32>, vector<384x128xf32> -> vector<384x128xf32>
    %get3A_855 = arith.constant 0 : index
    %get3A_856 = arith.constant 0 : index
    %get3A_857 = vector.load %arg11[%get3A_855, %get3A_856] : memref<128x128xf32, #tpu.memory_space<vmem>>, vector<128x128xf32>
    %dot_general3A_858 = arith.constant dense<0.000000e+00> : vector<384x128xf32>
    %dot_general3A_859 = tpu.matmul %tanh3A_835, %get3A_857, %dot_general3A_858 {dimension_numbers = #tpu.dot_dimension_numbers<[1], [0], [0], [1], [0, 0, 1, 1], [], []>, transpose_lhs_hint = false} : vector<384x128xf32>, vector<128x128xf32>, vector<384x128xf32> -> vector<384x128xf32>
    %add3A_860 = arith.addf %dot_general3A_854, %dot_general3A_859 : vector<384x128xf32>
    %tanh3A_861 = math.tanh %add3A_860 : vector<384x128xf32>
    %get3A_862 = arith.constant 0 : index
    %get3A_863 = arith.constant 10 : index
    %get3A_864 = arith.constant 0 : index
    %get3A_865 = vector.load %arg0[%get3A_862, %get3A_863, %get3A_864] : memref<384x12x128xf32, #tpu.memory_space<vmem>>, vector<384x1x128xf32>
    %get3A_866 = vector.shape_cast %get3A_865 : vector<384x1x128xf32> to vector<384x128xf32>
    %get3A_867 = arith.constant 0 : index
    %get3A_868 = arith.constant 0 : index
    %get3A_869 = vector.load %arg14[%get3A_867, %get3A_868] : memref<128x128xf32, #tpu.memory_space<vmem>>, vector<128x128xf32>
    %dot_general3A_870 = arith.constant dense<0.000000e+00> : vector<384x128xf32>
    %dot_general3A_871 = tpu.matmul %get3A_866, %get3A_869, %dot_general3A_870 {dimension_numbers = #tpu.dot_dimension_numbers<[1], [0], [0], [1], [0, 0, 1, 1], [], []>, transpose_lhs_hint = false} : vector<384x128xf32>, vector<128x128xf32>, vector<384x128xf32> -> vector<384x128xf32>
    %get3A_872 = arith.constant 0 : index
    %get3A_873 = arith.constant 0 : index
    %get3A_874 = vector.load %arg15[%get3A_872, %get3A_873] : memref<128x128xf32, #tpu.memory_space<vmem>>, vector<128x128xf32>
    %dot_general3A_875 = arith.constant dense<0.000000e+00> : vector<384x128xf32>
    %dot_general3A_876 = tpu.matmul %tanh3A_844, %get3A_874, %dot_general3A_875 {dimension_numbers = #tpu.dot_dimension_numbers<[1], [0], [0], [1], [0, 0, 1, 1], [], []>, transpose_lhs_hint = false} : vector<384x128xf32>, vector<128x128xf32>, vector<384x128xf32> -> vector<384x128xf32>
    %add3A_877 = arith.addf %dot_general3A_871, %dot_general3A_876 : vector<384x128xf32>
    %tanh3A_878 = math.tanh %add3A_877 : vector<384x128xf32>
    %swap3A_879 = arith.constant 0 : index
    %swap3A_880 = arith.constant 10 : index
    %swap3A_881 = arith.constant 0 : index
    %swap3A_882 = vector.load %arg20[%swap3A_879, %swap3A_880, %swap3A_881] : memref<384x12x128xf32, #tpu.memory_space<vmem>>, vector<384x1x128xf32>
    %swap3A_883 = vector.shape_cast %swap3A_882 : vector<384x1x128xf32> to vector<384x128xf32>
    %swap3A_884 = vector.shape_cast %tanh3A_861 : vector<384x128xf32> to vector<384x1x128xf32>
    tpu.vector_store %arg20[%swap3A_879, %swap3A_880, %swap3A_881], %swap3A_884 {strides = array<i32>} : memref<384x12x128xf32, #tpu.memory_space<vmem>>, vector<384x1x128xf32>,
    %swap3A_885 = arith.constant 0 : index
    %swap3A_886 = arith.constant 10 : index
    %swap3A_887 = arith.constant 0 : index
    %swap3A_888 = vector.load %arg21[%swap3A_885, %swap3A_886, %swap3A_887] : memref<384x12x128xf32, #tpu.memory_space<vmem>>, vector<384x1x128xf32>
    %swap3A_889 = vector.shape_cast %swap3A_888 : vector<384x1x128xf32> to vector<384x128xf32>
    %swap3A_890 = vector.shape_cast %tanh3A_878 : vector<384x128xf32> to vector<384x1x128xf32>
    tpu.vector_store %arg21[%swap3A_885, %swap3A_886, %swap3A_887], %swap3A_890 {strides = array<i32>} : memref<384x12x128xf32, #tpu.memory_space<vmem>>, vector<384x1x128xf32>,
    %mul3A_891 = arith.mulf %get3A_1, %tanh3A_861 : vector<384x128xf32>
    %reduce_sum3A_892 = arith.constant dense<0.000000e+00> : vector<384xf32>
    %reduce_sum3A_893 = vector.multi_reduction <add>, %mul3A_891, %reduce_sum3A_892 [1] : vector<384x128xf32> to vector<384xf32>
    %broadcast_in_dim3A_894 = vector.shape_cast %reduce_sum3A_893 : vector<384xf32> to vector<384x1xf32>
    %mul3A_895 = arith.mulf %get3A_4, %tanh3A_878 : vector<384x128xf32>
    %reduce_sum3A_896 = arith.constant dense<0.000000e+00> : vector<384xf32>
    %reduce_sum3A_897 = vector.multi_reduction <add>, %mul3A_895, %reduce_sum3A_896 [1] : vector<384x128xf32> to vector<384xf32>
    %broadcast_in_dim3A_898 = vector.shape_cast %reduce_sum3A_897 : vector<384xf32> to vector<384x1xf32>
    %get3A_899 = arith.constant 0 : index
    %get3A_900 = arith.constant 11 : index
    %get3A_901 = arith.constant 0 : index
    %get3A_902 = vector.load %arg1[%get3A_899, %get3A_900, %get3A_901] : memref<384x12x128xf32, #tpu.memory_space<vmem>>, vector<384x1x128xf32>
    %get3A_903 = vector.shape_cast %get3A_902 : vector<384x1x128xf32> to vector<384x128xf32>
    %dot_general3A_904 = arith.constant dense<0.000000e+00> : vector<384x128xf32>
    %dot_general3A_905 = tpu.matmul %get3A_903, %get3A_7, %dot_general3A_904 {dimension_numbers = #tpu.dot_dimension_numbers<[1], [0], [0], [1], [0, 0, 1, 1], [], []>, transpose_lhs_hint = false} : vector<384x128xf32>, vector<128x128xf32>, vector<384x128xf32> -> vector<384x128xf32>
    %get3A_906 = arith.constant 0 : index
    %get3A_907 = arith.constant 11 : index
    %get3A_908 = arith.constant 0 : index
    %get3A_909 = vector.load %arg0[%get3A_906, %get3A_907, %get3A_908] : memref<384x12x128xf32, #tpu.memory_space<vmem>>, vector<384x1x128xf32>
    %get3A_910 = vector.shape_cast %get3A_909 : vector<384x1x128xf32> to vector<384x128xf32>
    %dot_general3A_911 = arith.constant dense<0.000000e+00> : vector<384x128xf32>
    %dot_general3A_912 = tpu.matmul %get3A_910, %get3A_10, %dot_general3A_911 {dimension_numbers = #tpu.dot_dimension_numbers<[1], [0], [0], [1], [0, 0, 1, 1], [], []>, transpose_lhs_hint = false} : vector<384x128xf32>, vector<128x128xf32>, vector<384x128xf32> -> vector<384x128xf32>
    %add3A_913 = arith.addf %dot_general3A_905, %dot_general3A_912 : vector<384x128xf32>
    %add3A_914 = arith.addf %add3A_913, %add3A_18 : vector<384x128xf32>
    %tanh3A_915 = math.tanh %add3A_914 : vector<384x128xf32>
    %get3A_916 = arith.constant 0 : index
    %get3A_917 = arith.constant 11 : index
    %get3A_918 = arith.constant 0 : index
    %get3A_919 = vector.load %arg3[%get3A_916, %get3A_917, %get3A_918] : memref<384x12x128xf32, #tpu.memory_space<vmem>>, vector<384x1x128xf32>
    %get3A_920 = vector.shape_cast %get3A_919 : vector<384x1x128xf32> to vector<384x128xf32>
    %dot_general3A_921 = arith.constant dense<0.000000e+00> : vector<384x128xf32>
    %dot_general3A_922 = tpu.matmul %get3A_920, %add3A_23, %dot_general3A_921 {dimension_numbers = #tpu.dot_dimension_numbers<[1], [0], [0], [1], [0, 0, 1, 1], [], []>, transpose_lhs_hint = false} : vector<384x128xf32>, vector<128x128xf32>, vector<384x128xf32> -> vector<384x128xf32>
    %add3A_923 = arith.addf %dot_general3A_922, %add3A_22 : vector<384x128xf32>
    %tanh3A_924 = math.tanh %add3A_923 : vector<384x128xf32>
    %get3A_925 = arith.constant 0 : index
    %get3A_926 = arith.constant 11 : index
    %get3A_927 = arith.constant 0 : index
    %get3A_928 = vector.load %arg2[%get3A_925, %get3A_926, %get3A_927] : memref<384x12x128xf32, #tpu.memory_space<vmem>>, vector<384x1x128xf32>
    %get3A_929 = vector.shape_cast %get3A_928 : vector<384x1x128xf32> to vector<384x128xf32>
    %get3A_930 = arith.constant 0 : index
    %get3A_931 = arith.constant 0 : index
    %get3A_932 = vector.load %arg10[%get3A_930, %get3A_931] : memref<128x128xf32, #tpu.memory_space<vmem>>, vector<128x128xf32>
    %dot_general3A_933 = arith.constant dense<0.000000e+00> : vector<384x128xf32>
    %dot_general3A_934 = tpu.matmul %get3A_929, %get3A_932, %dot_general3A_933 {dimension_numbers = #tpu.dot_dimension_numbers<[1], [0], [0], [1], [0, 0, 1, 1], [], []>, transpose_lhs_hint = false} : vector<384x128xf32>, vector<128x128xf32>, vector<384x128xf32> -> vector<384x128xf32>
    %get3A_935 = arith.constant 0 : index
    %get3A_936 = arith.constant 0 : index
    %get3A_937 = vector.load %arg11[%get3A_935, %get3A_936] : memref<128x128xf32, #tpu.memory_space<vmem>>, vector<128x128xf32>
    %dot_general3A_938 = arith.constant dense<0.000000e+00> : vector<384x128xf32>
    %dot_general3A_939 = tpu.matmul %tanh3A_915, %get3A_937, %dot_general3A_938 {dimension_numbers = #tpu.dot_dimension_numbers<[1], [0], [0], [1], [0, 0, 1, 1], [], []>, transpose_lhs_hint = false} : vector<384x128xf32>, vector<128x128xf32>, vector<384x128xf32> -> vector<384x128xf32>
    %add3A_940 = arith.addf %dot_general3A_934, %dot_general3A_939 : vector<384x128xf32>
    %tanh3A_941 = math.tanh %add3A_940 : vector<384x128xf32>
    %get3A_942 = arith.constant 0 : index
    %get3A_943 = arith.constant 11 : index
    %get3A_944 = arith.constant 0 : index
    %get3A_945 = vector.load %arg0[%get3A_942, %get3A_943, %get3A_944] : memref<384x12x128xf32, #tpu.memory_space<vmem>>, vector<384x1x128xf32>
    %get3A_946 = vector.shape_cast %get3A_945 : vector<384x1x128xf32> to vector<384x128xf32>
    %get3A_947 = arith.constant 0 : index
    %get3A_948 = arith.constant 0 : index
    %get3A_949 = vector.load %arg14[%get3A_947, %get3A_948] : memref<128x128xf32, #tpu.memory_space<vmem>>, vector<128x128xf32>
    %dot_general3A_950 = arith.constant dense<0.000000e+00> : vector<384x128xf32>
    %dot_general3A_951 = tpu.matmul %get3A_946, %get3A_949, %dot_general3A_950 {dimension_numbers = #tpu.dot_dimension_numbers<[1], [0], [0], [1], [0, 0, 1, 1], [], []>, transpose_lhs_hint = false} : vector<384x128xf32>, vector<128x128xf32>, vector<384x128xf32> -> vector<384x128xf32>
    %get3A_952 = arith.constant 0 : index
    %get3A_953 = arith.constant 0 : index
    %get3A_954 = vector.load %arg15[%get3A_952, %get3A_953] : memref<128x128xf32, #tpu.memory_space<vmem>>, vector<128x128xf32>
    %dot_general3A_955 = arith.constant dense<0.000000e+00> : vector<384x128xf32>
    %dot_general3A_956 = tpu.matmul %tanh3A_924, %get3A_954, %dot_general3A_955 {dimension_numbers = #tpu.dot_dimension_numbers<[1], [0], [0], [1], [0, 0, 1, 1], [], []>, transpose_lhs_hint = false} : vector<384x128xf32>, vector<128x128xf32>, vector<384x128xf32> -> vector<384x128xf32>
    %add3A_957 = arith.addf %dot_general3A_951, %dot_general3A_956 : vector<384x128xf32>
    %tanh3A_958 = math.tanh %add3A_957 : vector<384x128xf32>
    %swap3A_959 = arith.constant 0 : index
    %swap3A_960 = arith.constant 11 : index
    %swap3A_961 = arith.constant 0 : index
    %swap3A_962 = vector.load %arg20[%swap3A_959, %swap3A_960, %swap3A_961] : memref<384x12x128xf32, #tpu.memory_space<vmem>>, vector<384x1x128xf32>
    %swap3A_963 = vector.shape_cast %swap3A_962 : vector<384x1x128xf32> to vector<384x128xf32>
    %swap3A_964 = vector.shape_cast %tanh3A_941 : vector<384x128xf32> to vector<384x1x128xf32>
    tpu.vector_store %arg20[%swap3A_959, %swap3A_960, %swap3A_961], %swap3A_964 {strides = array<i32>} : memref<384x12x128xf32, #tpu.memory_space<vmem>>, vector<384x1x128xf32>,
    %swap3A_965 = arith.constant 0 : index
    %swap3A_966 = arith.constant 11 : index
    %swap3A_967 = arith.constant 0 : index
    %swap3A_968 = vector.load %arg21[%swap3A_965, %swap3A_966, %swap3A_967] : memref<384x12x128xf32, #tpu.memory_space<vmem>>, vector<384x1x128xf32>
    %swap3A_969 = vector.shape_cast %swap3A_968 : vector<384x1x128xf32> to vector<384x128xf32>
    %swap3A_970 = vector.shape_cast %tanh3A_958 : vector<384x128xf32> to vector<384x1x128xf32>
    tpu.vector_store %arg21[%swap3A_965, %swap3A_966, %swap3A_967], %swap3A_970 {strides = array<i32>} : memref<384x12x128xf32, #tpu.memory_space<vmem>>, vector<384x1x128xf32>,
    %mul3A_971 = arith.mulf %get3A_1, %tanh3A_941 : vector<384x128xf32>
    %reduce_sum3A_972 = arith.constant dense<0.000000e+00> : vector<384xf32>
    %reduce_sum3A_973 = vector.multi_reduction <add>, %mul3A_971, %reduce_sum3A_972 [1] : vector<384x128xf32> to vector<384xf32>
    %broadcast_in_dim3A_974 = vector.shape_cast %reduce_sum3A_973 : vector<384xf32> to vector<384x1xf32>
    %mul3A_975 = arith.mulf %get3A_4, %tanh3A_958 : vector<384x128xf32>
    %reduce_sum3A_976 = arith.constant dense<0.000000e+00> : vector<384xf32>
    %reduce_sum3A_977 = vector.multi_reduction <add>, %mul3A_975, %reduce_sum3A_976 [1] : vector<384x128xf32> to vector<384xf32>
    %broadcast_in_dim3A_978 = vector.shape_cast %reduce_sum3A_977 : vector<384xf32> to vector<384x1xf32>
    %concatenate3A = tpu.concatenate %broadcast_in_dim3A, %broadcast_in_dim3A_174, %broadcast_in_dim3A_254, %broadcast_in_dim3A_334, %broadcast_in_dim3A_414, %broadcast_in_dim3A_494, %broadcast_in_dim3A_574, %broadcast_in_dim3A_654, %broadcast_in_dim3A_734, %broadcast_in_dim3A_814, %broadcast_in_dim3A_894, %broadcast_in_dim3A_974 in 1 : vector<384x1xf32>, vector<384x1xf32>, vector<384x1xf32>, vector<384x1xf32>, vector<384x1xf32>, vector<384x1xf32>, vector<384x1xf32>, vector<384x1xf32>, vector<384x1xf32>, vector<384x1xf32>, vector<384x1xf32>, vector<384x1xf32> -> vector<384x12xf32>
    %mul3A_979 = arith.constant 0.0883883461 : f32
    %mul3A_980 = vector.broadcast %mul3A_979 : f32 to vector<384x12xf32>
    %mul3A_981 = arith.mulf %concatenate3A, %mul3A_980 : vector<384x12xf32>
    %reduce_max3A = arith.constant dense<0xFF800000> : vector<384xf32>
    %reduce_max3A_982 = vector.multi_reduction <maximumf>, %mul3A_981, %reduce_max3A [1] : vector<384x12xf32> to vector<384xf32>
    %broadcast_in_dim3A_983 = vector.shape_cast %reduce_max3A_982 : vector<384xf32> to vector<384x1xf32>
    %sub3A = vector.broadcast %broadcast_in_dim3A_983 : vector<384x1xf32> to vector<384x12xf32>
    %sub3A_984 = arith.subf %mul3A_981, %sub3A : vector<384x12xf32>
    %exp3A = math.exp %sub3A_984 : vector<384x12xf32>
    %reduce_sum3A_985 = arith.constant dense<0.000000e+00> : vector<384xf32>
    %reduce_sum3A_986 = vector.multi_reduction <add>, %exp3A, %reduce_sum3A_985 [1] : vector<384x12xf32> to vector<384xf32>
    %broadcast_in_dim3A_987 = vector.shape_cast %reduce_sum3A_986 : vector<384xf32> to vector<384x1xf32>
    %div3A = vector.broadcast %broadcast_in_dim3A_987 : vector<384x1xf32> to vector<384x12xf32>
    %div3A_988 = arith.divf %exp3A, %div3A : vector<384x12xf32>
    %concatenate3A_989 = tpu.concatenate %broadcast_in_dim3A_98, %broadcast_in_dim3A_178, %broadcast_in_dim3A_258, %broadcast_in_dim3A_338, %broadcast_in_dim3A_418, %broadcast_in_dim3A_498, %broadcast_in_dim3A_578, %broadcast_in_dim3A_658, %broadcast_in_dim3A_738, %broadcast_in_dim3A_818, %broadcast_in_dim3A_898, %broadcast_in_dim3A_978 in 1 : vector<384x1xf32>, vector<384x1xf32>, vector<384x1xf32>, vector<384x1xf32>, vector<384x1xf32>, vector<384x1xf32>, vector<384x1xf32>, vector<384x1xf32>, vector<384x1xf32>, vector<384x1xf32>, vector<384x1xf32>, vector<384x1xf32> -> vector<384x12xf32>
    %mul3A_990 = arith.constant 0.0883883461 : f32
    %mul3A_991 = vector.broadcast %mul3A_990 : f32 to vector<384x12xf32>
    %mul3A_992 = arith.mulf %concatenate3A_989, %mul3A_991 : vector<384x12xf32>
    %reduce_max3A_993 = arith.constant dense<0xFF800000> : vector<384xf32>
    %reduce_max3A_994 = vector.multi_reduction <maximumf>, %mul3A_992, %reduce_max3A_993 [1] : vector<384x12xf32> to vector<384xf32>
    %broadcast_in_dim3A_995 = vector.shape_cast %reduce_max3A_994 : vector<384xf32> to vector<384x1xf32>
    %sub3A_996 = vector.broadcast %broadcast_in_dim3A_995 : vector<384x1xf32> to vector<384x12xf32>
    %sub3A_997 = arith.subf %mul3A_992, %sub3A_996 : vector<384x12xf32>
    %exp3A_998 = math.exp %sub3A_997 : vector<384x12xf32>
    %reduce_sum3A_999 = arith.constant dense<0.000000e+00> : vector<384xf32>
    %reduce_sum3A_1000 = vector.multi_reduction <add>, %exp3A_998, %reduce_sum3A_999 [1] : vector<384x12xf32> to vector<384xf32>
    %broadcast_in_dim3A_1001 = vector.shape_cast %reduce_sum3A_1000 : vector<384xf32> to vector<384x1xf32>
    %div3A_1002 = vector.broadcast %broadcast_in_dim3A_1001 : vector<384x1xf32> to vector<384x12xf32>
    %div3A_1003 = arith.divf %exp3A_998, %div3A_1002 : vector<384x12xf32>
    %broadcast_in_dim3A_1004 = arith.constant 0.000000e+00 : f32
    %broadcast_in_dim3A_1005 = vector.broadcast %broadcast_in_dim3A_1004 : f32 to vector<384x128xf32>
    %broadcast_in_dim3A_1006 = arith.constant 0.000000e+00 : f32
    %broadcast_in_dim3A_1007 = vector.broadcast %broadcast_in_dim3A_1006 : f32 to vector<384x128xf32>
    %slice3A = vector.extract_strided_slice %div3A_988 {offsets = [0, 0], sizes = [384, 1], strides = [1, 1]} : vector<384x12xf32> to vector<384x1xf32>
    %get3A_1008 = arith.constant 0 : index
    %get3A_1009 = arith.constant 0 : index
    %get3A_1010 = arith.constant 0 : index
    %get3A_1011 = vector.load %arg20[%get3A_1008, %get3A_1009, %get3A_1010] : memref<384x12x128xf32, #tpu.memory_space<vmem>>, vector<384x1x128xf32>
    %get3A_1012 = vector.shape_cast %get3A_1011 : vector<384x1x128xf32> to vector<384x128xf32>
    %mul3A_1013 = vector.broadcast %slice3A : vector<384x1xf32> to vector<384x128xf32>
    %mul3A_1014 = arith.mulf %mul3A_1013, %get3A_1012 : vector<384x128xf32>
    %add3A_1015 = arith.addf %broadcast_in_dim3A_1005, %mul3A_1014 : vector<384x128xf32>
    %slice3A_1016 = vector.extract_strided_slice %div3A_1003 {offsets = [0, 0], sizes = [384, 1], strides = [1, 1]} : vector<384x12xf32> to vector<384x1xf32>
    %get3A_1017 = arith.constant 0 : index
    %get3A_1018 = arith.constant 0 : index
    %get3A_1019 = arith.constant 0 : index
    %get3A_1020 = vector.load %arg21[%get3A_1017, %get3A_1018, %get3A_1019] : memref<384x12x128xf32, #tpu.memory_space<vmem>>, vector<384x1x128xf32>
    %get3A_1021 = vector.shape_cast %get3A_1020 : vector<384x1x128xf32> to vector<384x128xf32>
    %mul3A_1022 = vector.broadcast %slice3A_1016 : vector<384x1xf32> to vector<384x128xf32>
    %mul3A_1023 = arith.mulf %mul3A_1022, %get3A_1021 : vector<384x128xf32>
    %add3A_1024 = arith.addf %broadcast_in_dim3A_1007, %mul3A_1023 : vector<384x128xf32>
    %slice3A_1025 = vector.extract_strided_slice %div3A_988 {offsets = [0, 1], sizes = [384, 1], strides = [1, 1]} : vector<384x12xf32> to vector<384x1xf32>
    %get3A_1026 = arith.constant 0 : index
    %get3A_1027 = arith.constant 1 : index
    %get3A_1028 = arith.constant 0 : index
    %get3A_1029 = vector.load %arg20[%get3A_1026, %get3A_1027, %get3A_1028] : memref<384x12x128xf32, #tpu.memory_space<vmem>>, vector<384x1x128xf32>
    %get3A_1030 = vector.shape_cast %get3A_1029 : vector<384x1x128xf32> to vector<384x128xf32>
    %mul3A_1031 = vector.broadcast %slice3A_1025 : vector<384x1xf32> to vector<384x128xf32>
    %mul3A_1032 = arith.mulf %mul3A_1031, %get3A_1030 : vector<384x128xf32>
    %add3A_1033 = arith.addf %add3A_1015, %mul3A_1032 : vector<384x128xf32>
    %slice3A_1034 = vector.extract_strided_slice %div3A_1003 {offsets = [0, 1], sizes = [384, 1], strides = [1, 1]} : vector<384x12xf32> to vector<384x1xf32>
    %get3A_1035 = arith.constant 0 : index
    %get3A_1036 = arith.constant 1 : index
    %get3A_1037 = arith.constant 0 : index
    %get3A_1038 = vector.load %arg21[%get3A_1035, %get3A_1036, %get3A_1037] : memref<384x12x128xf32, #tpu.memory_space<vmem>>, vector<384x1x128xf32>
    %get3A_1039 = vector.shape_cast %get3A_1038 : vector<384x1x128xf32> to vector<384x128xf32>
    %mul3A_1040 = vector.broadcast %slice3A_1034 : vector<384x1xf32> to vector<384x128xf32>
    %mul3A_1041 = arith.mulf %mul3A_1040, %get3A_1039 : vector<384x128xf32>
    %add3A_1042 = arith.addf %add3A_1024, %mul3A_1041 : vector<384x128xf32>
    %slice3A_1043 = vector.extract_strided_slice %div3A_988 {offsets = [0, 2], sizes = [384, 1], strides = [1, 1]} : vector<384x12xf32> to vector<384x1xf32>
    %get3A_1044 = arith.constant 0 : index
    %get3A_1045 = arith.constant 2 : index
    %get3A_1046 = arith.constant 0 : index
    %get3A_1047 = vector.load %arg20[%get3A_1044, %get3A_1045, %get3A_1046] : memref<384x12x128xf32, #tpu.memory_space<vmem>>, vector<384x1x128xf32>
    %get3A_1048 = vector.shape_cast %get3A_1047 : vector<384x1x128xf32> to vector<384x128xf32>
    %mul3A_1049 = vector.broadcast %slice3A_1043 : vector<384x1xf32> to vector<384x128xf32>
    %mul3A_1050 = arith.mulf %mul3A_1049, %get3A_1048 : vector<384x128xf32>
    %add3A_1051 = arith.addf %add3A_1033, %mul3A_1050 : vector<384x128xf32>
    %slice3A_1052 = vector.extract_strided_slice %div3A_1003 {offsets = [0, 2], sizes = [384, 1], strides = [1, 1]} : vector<384x12xf32> to vector<384x1xf32>
    %get3A_1053 = arith.constant 0 : index
    %get3A_1054 = arith.constant 2 : index
    %get3A_1055 = arith.constant 0 : index
    %get3A_1056 = vector.load %arg21[%get3A_1053, %get3A_1054, %get3A_1055] : memref<384x12x128xf32, #tpu.memory_space<vmem>>, vector<384x1x128xf32>
    %get3A_1057 = vector.shape_cast %get3A_1056 : vector<384x1x128xf32> to vector<384x128xf32>
    %mul3A_1058 = vector.broadcast %slice3A_1052 : vector<384x1xf32> to vector<384x128xf32>
    %mul3A_1059 = arith.mulf %mul3A_1058, %get3A_1057 : vector<384x128xf32>
    %add3A_1060 = arith.addf %add3A_1042, %mul3A_1059 : vector<384x128xf32>
    %slice3A_1061 = vector.extract_strided_slice %div3A_988 {offsets = [0, 3], sizes = [384, 1], strides = [1, 1]} : vector<384x12xf32> to vector<384x1xf32>
    %get3A_1062 = arith.constant 0 : index
    %get3A_1063 = arith.constant 3 : index
    %get3A_1064 = arith.constant 0 : index
    %get3A_1065 = vector.load %arg20[%get3A_1062, %get3A_1063, %get3A_1064] : memref<384x12x128xf32, #tpu.memory_space<vmem>>, vector<384x1x128xf32>
    %get3A_1066 = vector.shape_cast %get3A_1065 : vector<384x1x128xf32> to vector<384x128xf32>
    %mul3A_1067 = vector.broadcast %slice3A_1061 : vector<384x1xf32> to vector<384x128xf32>
    %mul3A_1068 = arith.mulf %mul3A_1067, %get3A_1066 : vector<384x128xf32>
    %add3A_1069 = arith.addf %add3A_1051, %mul3A_1068 : vector<384x128xf32>
    %slice3A_1070 = vector.extract_strided_slice %div3A_1003 {offsets = [0, 3], sizes = [384, 1], strides = [1, 1]} : vector<384x12xf32> to vector<384x1xf32>
    %get3A_1071 = arith.constant 0 : index
    %get3A_1072 = arith.constant 3 : index
    %get3A_1073 = arith.constant 0 : index
    %get3A_1074 = vector.load %arg21[%get3A_1071, %get3A_1072, %get3A_1073] : memref<384x12x128xf32, #tpu.memory_space<vmem>>, vector<384x1x128xf32>
    %get3A_1075 = vector.shape_cast %get3A_1074 : vector<384x1x128xf32> to vector<384x128xf32>
    %mul3A_1076 = vector.broadcast %slice3A_1070 : vector<384x1xf32> to vector<384x128xf32>
    %mul3A_1077 = arith.mulf %mul3A_1076, %get3A_1075 : vector<384x128xf32>
    %add3A_1078 = arith.addf %add3A_1060, %mul3A_1077 : vector<384x128xf32>
    %slice3A_1079 = vector.extract_strided_slice %div3A_988 {offsets = [0, 4], sizes = [384, 1], strides = [1, 1]} : vector<384x12xf32> to vector<384x1xf32>
    %get3A_1080 = arith.constant 0 : index
    %get3A_1081 = arith.constant 4 : index
    %get3A_1082 = arith.constant 0 : index
    %get3A_1083 = vector.load %arg20[%get3A_1080, %get3A_1081, %get3A_1082] : memref<384x12x128xf32, #tpu.memory_space<vmem>>, vector<384x1x128xf32>
    %get3A_1084 = vector.shape_cast %get3A_1083 : vector<384x1x128xf32> to vector<384x128xf32>
    %mul3A_1085 = vector.broadcast %slice3A_1079 : vector<384x1xf32> to vector<384x128xf32>
    %mul3A_1086 = arith.mulf %mul3A_1085, %get3A_1084 : vector<384x128xf32>
    %add3A_1087 = arith.addf %add3A_1069, %mul3A_1086 : vector<384x128xf32>
    %slice3A_1088 = vector.extract_strided_slice %div3A_1003 {offsets = [0, 4], sizes = [384, 1], strides = [1, 1]} : vector<384x12xf32> to vector<384x1xf32>
    %get3A_1089 = arith.constant 0 : index
    %get3A_1090 = arith.constant 4 : index
    %get3A_1091 = arith.constant 0 : index
    %get3A_1092 = vector.load %arg21[%get3A_1089, %get3A_1090, %get3A_1091] : memref<384x12x128xf32, #tpu.memory_space<vmem>>, vector<384x1x128xf32>
    %get3A_1093 = vector.shape_cast %get3A_1092 : vector<384x1x128xf32> to vector<384x128xf32>
    %mul3A_1094 = vector.broadcast %slice3A_1088 : vector<384x1xf32> to vector<384x128xf32>
    %mul3A_1095 = arith.mulf %mul3A_1094, %get3A_1093 : vector<384x128xf32>
    %add3A_1096 = arith.addf %add3A_1078, %mul3A_1095 : vector<384x128xf32>
    %slice3A_1097 = vector.extract_strided_slice %div3A_988 {offsets = [0, 5], sizes = [384, 1], strides = [1, 1]} : vector<384x12xf32> to vector<384x1xf32>
    %get3A_1098 = arith.constant 0 : index
    %get3A_1099 = arith.constant 5 : index
    %get3A_1100 = arith.constant 0 : index
    %get3A_1101 = vector.load %arg20[%get3A_1098, %get3A_1099, %get3A_1100] : memref<384x12x128xf32, #tpu.memory_space<vmem>>, vector<384x1x128xf32>
    %get3A_1102 = vector.shape_cast %get3A_1101 : vector<384x1x128xf32> to vector<384x128xf32>
    %mul3A_1103 = vector.broadcast %slice3A_1097 : vector<384x1xf32> to vector<384x128xf32>
    %mul3A_1104 = arith.mulf %mul3A_1103, %get3A_1102 : vector<384x128xf32>
    %add3A_1105 = arith.addf %add3A_1087, %mul3A_1104 : vector<384x128xf32>
    %slice3A_1106 = vector.extract_strided_slice %div3A_1003 {offsets = [0, 5], sizes = [384, 1], strides = [1, 1]} : vector<384x12xf32> to vector<384x1xf32>
    %get3A_1107 = arith.constant 0 : index
    %get3A_1108 = arith.constant 5 : index
    %get3A_1109 = arith.constant 0 : index
    %get3A_1110 = vector.load %arg21[%get3A_1107, %get3A_1108, %get3A_1109] : memref<384x12x128xf32, #tpu.memory_space<vmem>>, vector<384x1x128xf32>
    %get3A_1111 = vector.shape_cast %get3A_1110 : vector<384x1x128xf32> to vector<384x128xf32>
    %mul3A_1112 = vector.broadcast %slice3A_1106 : vector<384x1xf32> to vector<384x128xf32>
    %mul3A_1113 = arith.mulf %mul3A_1112, %get3A_1111 : vector<384x128xf32>
    %add3A_1114 = arith.addf %add3A_1096, %mul3A_1113 : vector<384x128xf32>
    %slice3A_1115 = vector.extract_strided_slice %div3A_988 {offsets = [0, 6], sizes = [384, 1], strides = [1, 1]} : vector<384x12xf32> to vector<384x1xf32>
    %get3A_1116 = arith.constant 0 : index
    %get3A_1117 = arith.constant 6 : index
    %get3A_1118 = arith.constant 0 : index
    %get3A_1119 = vector.load %arg20[%get3A_1116, %get3A_1117, %get3A_1118] : memref<384x12x128xf32, #tpu.memory_space<vmem>>, vector<384x1x128xf32>
    %get3A_1120 = vector.shape_cast %get3A_1119 : vector<384x1x128xf32> to vector<384x128xf32>
    %mul3A_1121 = vector.broadcast %slice3A_1115 : vector<384x1xf32> to vector<384x128xf32>
    %mul3A_1122 = arith.mulf %mul3A_1121, %get3A_1120 : vector<384x128xf32>
    %add3A_1123 = arith.addf %add3A_1105, %mul3A_1122 : vector<384x128xf32>
    %slice3A_1124 = vector.extract_strided_slice %div3A_1003 {offsets = [0, 6], sizes = [384, 1], strides = [1, 1]} : vector<384x12xf32> to vector<384x1xf32>
    %get3A_1125 = arith.constant 0 : index
    %get3A_1126 = arith.constant 6 : index
    %get3A_1127 = arith.constant 0 : index
    %get3A_1128 = vector.load %arg21[%get3A_1125, %get3A_1126, %get3A_1127] : memref<384x12x128xf32, #tpu.memory_space<vmem>>, vector<384x1x128xf32>
    %get3A_1129 = vector.shape_cast %get3A_1128 : vector<384x1x128xf32> to vector<384x128xf32>
    %mul3A_1130 = vector.broadcast %slice3A_1124 : vector<384x1xf32> to vector<384x128xf32>
    %mul3A_1131 = arith.mulf %mul3A_1130, %get3A_1129 : vector<384x128xf32>
    %add3A_1132 = arith.addf %add3A_1114, %mul3A_1131 : vector<384x128xf32>
    %slice3A_1133 = vector.extract_strided_slice %div3A_988 {offsets = [0, 7], sizes = [384, 1], strides = [1, 1]} : vector<384x12xf32> to vector<384x1xf32>
    %get3A_1134 = arith.constant 0 : index
    %get3A_1135 = arith.constant 7 : index
    %get3A_1136 = arith.constant 0 : index
    %get3A_1137 = vector.load %arg20[%get3A_1134, %get3A_1135, %get3A_1136] : memref<384x12x128xf32, #tpu.memory_space<vmem>>, vector<384x1x128xf32>
    %get3A_1138 = vector.shape_cast %get3A_1137 : vector<384x1x128xf32> to vector<384x128xf32>
    %mul3A_1139 = vector.broadcast %slice3A_1133 : vector<384x1xf32> to vector<384x128xf32>
    %mul3A_1140 = arith.mulf %mul3A_1139, %get3A_1138 : vector<384x128xf32>
    %add3A_1141 = arith.addf %add3A_1123, %mul3A_1140 : vector<384x128xf32>
    %slice3A_1142 = vector.extract_strided_slice %div3A_1003 {offsets = [0, 7], sizes = [384, 1], strides = [1, 1]} : vector<384x12xf32> to vector<384x1xf32>
    %get3A_1143 = arith.constant 0 : index
    %get3A_1144 = arith.constant 7 : index
    %get3A_1145 = arith.constant 0 : index
    %get3A_1146 = vector.load %arg21[%get3A_1143, %get3A_1144, %get3A_1145] : memref<384x12x128xf32, #tpu.memory_space<vmem>>, vector<384x1x128xf32>
    %get3A_1147 = vector.shape_cast %get3A_1146 : vector<384x1x128xf32> to vector<384x128xf32>
    %mul3A_1148 = vector.broadcast %slice3A_1142 : vector<384x1xf32> to vector<384x128xf32>
    %mul3A_1149 = arith.mulf %mul3A_1148, %get3A_1147 : vector<384x128xf32>
    %add3A_1150 = arith.addf %add3A_1132, %mul3A_1149 : vector<384x128xf32>
    %slice3A_1151 = vector.extract_strided_slice %div3A_988 {offsets = [0, 8], sizes = [384, 1], strides = [1, 1]} : vector<384x12xf32> to vector<384x1xf32>
    %get3A_1152 = arith.constant 0 : index
    %get3A_1153 = arith.constant 8 : index
    %get3A_1154 = arith.constant 0 : index
    %get3A_1155 = vector.load %arg20[%get3A_1152, %get3A_1153, %get3A_1154] : memref<384x12x128xf32, #tpu.memory_space<vmem>>, vector<384x1x128xf32>
    %get3A_1156 = vector.shape_cast %get3A_1155 : vector<384x1x128xf32> to vector<384x128xf32>
    %mul3A_1157 = vector.broadcast %slice3A_1151 : vector<384x1xf32> to vector<384x128xf32>
    %mul3A_1158 = arith.mulf %mul3A_1157, %get3A_1156 : vector<384x128xf32>
    %add3A_1159 = arith.addf %add3A_1141, %mul3A_1158 : vector<384x128xf32>
    %slice3A_1160 = vector.extract_strided_slice %div3A_1003 {offsets = [0, 8], sizes = [384, 1], strides = [1, 1]} : vector<384x12xf32> to vector<384x1xf32>
    %get3A_1161 = arith.constant 0 : index
    %get3A_1162 = arith.constant 8 : index
    %get3A_1163 = arith.constant 0 : index
    %get3A_1164 = vector.load %arg21[%get3A_1161, %get3A_1162, %get3A_1163] : memref<384x12x128xf32, #tpu.memory_space<vmem>>, vector<384x1x128xf32>
    %get3A_1165 = vector.shape_cast %get3A_1164 : vector<384x1x128xf32> to vector<384x128xf32>
    %mul3A_1166 = vector.broadcast %slice3A_1160 : vector<384x1xf32> to vector<384x128xf32>
    %mul3A_1167 = arith.mulf %mul3A_1166, %get3A_1165 : vector<384x128xf32>
    %add3A_1168 = arith.addf %add3A_1150, %mul3A_1167 : vector<384x128xf32>
    %slice3A_1169 = vector.extract_strided_slice %div3A_988 {offsets = [0, 9], sizes = [384, 1], strides = [1, 1]} : vector<384x12xf32> to vector<384x1xf32>
    %get3A_1170 = arith.constant 0 : index
    %get3A_1171 = arith.constant 9 : index
    %get3A_1172 = arith.constant 0 : index
    %get3A_1173 = vector.load %arg20[%get3A_1170, %get3A_1171, %get3A_1172] : memref<384x12x128xf32, #tpu.memory_space<vmem>>, vector<384x1x128xf32>
    %get3A_1174 = vector.shape_cast %get3A_1173 : vector<384x1x128xf32> to vector<384x128xf32>
    %mul3A_1175 = vector.broadcast %slice3A_1169 : vector<384x1xf32> to vector<384x128xf32>
    %mul3A_1176 = arith.mulf %mul3A_1175, %get3A_1174 : vector<384x128xf32>
    %add3A_1177 = arith.addf %add3A_1159, %mul3A_1176 : vector<384x128xf32>
    %slice3A_1178 = vector.extract_strided_slice %div3A_1003 {offsets = [0, 9], sizes = [384, 1], strides = [1, 1]} : vector<384x12xf32> to vector<384x1xf32>
    %get3A_1179 = arith.constant 0 : index
    %get3A_1180 = arith.constant 9 : index
    %get3A_1181 = arith.constant 0 : index
    %get3A_1182 = vector.load %arg21[%get3A_1179, %get3A_1180, %get3A_1181] : memref<384x12x128xf32, #tpu.memory_space<vmem>>, vector<384x1x128xf32>
    %get3A_1183 = vector.shape_cast %get3A_1182 : vector<384x1x128xf32> to vector<384x128xf32>
    %mul3A_1184 = vector.broadcast %slice3A_1178 : vector<384x1xf32> to vector<384x128xf32>
    %mul3A_1185 = arith.mulf %mul3A_1184, %get3A_1183 : vector<384x128xf32>
    %add3A_1186 = arith.addf %add3A_1168, %mul3A_1185 : vector<384x128xf32>
    %slice3A_1187 = vector.extract_strided_slice %div3A_988 {offsets = [0, 10], sizes = [384, 1], strides = [1, 1]} : vector<384x12xf32> to vector<384x1xf32>
    %get3A_1188 = arith.constant 0 : index
    %get3A_1189 = arith.constant 10 : index
    %get3A_1190 = arith.constant 0 : index
    %get3A_1191 = vector.load %arg20[%get3A_1188, %get3A_1189, %get3A_1190] : memref<384x12x128xf32, #tpu.memory_space<vmem>>, vector<384x1x128xf32>
    %get3A_1192 = vector.shape_cast %get3A_1191 : vector<384x1x128xf32> to vector<384x128xf32>
    %mul3A_1193 = vector.broadcast %slice3A_1187 : vector<384x1xf32> to vector<384x128xf32>
    %mul3A_1194 = arith.mulf %mul3A_1193, %get3A_1192 : vector<384x128xf32>
    %add3A_1195 = arith.addf %add3A_1177, %mul3A_1194 : vector<384x128xf32>
    %slice3A_1196 = vector.extract_strided_slice %div3A_1003 {offsets = [0, 10], sizes = [384, 1], strides = [1, 1]} : vector<384x12xf32> to vector<384x1xf32>
    %get3A_1197 = arith.constant 0 : index
    %get3A_1198 = arith.constant 10 : index
    %get3A_1199 = arith.constant 0 : index
    %get3A_1200 = vector.load %arg21[%get3A_1197, %get3A_1198, %get3A_1199] : memref<384x12x128xf32, #tpu.memory_space<vmem>>, vector<384x1x128xf32>
    %get3A_1201 = vector.shape_cast %get3A_1200 : vector<384x1x128xf32> to vector<384x128xf32>
    %mul3A_1202 = vector.broadcast %slice3A_1196 : vector<384x1xf32> to vector<384x128xf32>
    %mul3A_1203 = arith.mulf %mul3A_1202, %get3A_1201 : vector<384x128xf32>
    %add3A_1204 = arith.addf %add3A_1186, %mul3A_1203 : vector<384x128xf32>
    %slice3A_1205 = vector.extract_strided_slice %div3A_988 {offsets = [0, 11], sizes = [384, 1], strides = [1, 1]} : vector<384x12xf32> to vector<384x1xf32>
    %get3A_1206 = arith.constant 0 : index
    %get3A_1207 = arith.constant 11 : index
    %get3A_1208 = arith.constant 0 : index
    %get3A_1209 = vector.load %arg20[%get3A_1206, %get3A_1207, %get3A_1208] : memref<384x12x128xf32, #tpu.memory_space<vmem>>, vector<384x1x128xf32>
    %get3A_1210 = vector.shape_cast %get3A_1209 : vector<384x1x128xf32> to vector<384x128xf32>
    %mul3A_1211 = vector.broadcast %slice3A_1205 : vector<384x1xf32> to vector<384x128xf32>
    %mul3A_1212 = arith.mulf %mul3A_1211, %get3A_1210 : vector<384x128xf32>
    %add3A_1213 = arith.addf %add3A_1195, %mul3A_1212 : vector<384x128xf32>
    %slice3A_1214 = vector.extract_strided_slice %div3A_1003 {offsets = [0, 11], sizes = [384, 1], strides = [1, 1]} : vector<384x12xf32> to vector<384x1xf32>
    %get3A_1215 = arith.constant 0 : index
    %get3A_1216 = arith.constant 11 : index
    %get3A_1217 = arith.constant 0 : index
    %get3A_1218 = vector.load %arg21[%get3A_1215, %get3A_1216, %get3A_1217] : memref<384x12x128xf32, #tpu.memory_space<vmem>>, vector<384x1x128xf32>
    %get3A_1219 = vector.shape_cast %get3A_1218 : vector<384x1x128xf32> to vector<384x128xf32>
    %mul3A_1220 = vector.broadcast %slice3A_1214 : vector<384x1xf32> to vector<384x128xf32>
    %mul3A_1221 = arith.mulf %mul3A_1220, %get3A_1219 : vector<384x128xf32>
    %add3A_1222 = arith.addf %add3A_1204, %mul3A_1221 : vector<384x128xf32>
    %get3A_1223 = arith.constant 0 : index
    %get3A_1224 = arith.constant 0 : index
    %get3A_1225 = vector.load %arg12[%get3A_1223, %get3A_1224] : memref<128x128xf32, #tpu.memory_space<vmem>>, vector<128x128xf32>
    %dot_general3A_1226 = arith.constant dense<0.000000e+00> : vector<384x128xf32>
    %dot_general3A_1227 = tpu.matmul %get3A_1, %get3A_1225, %dot_general3A_1226 {dimension_numbers = #tpu.dot_dimension_numbers<[1], [0], [0], [1], [0, 0, 1, 1], [], []>, transpose_lhs_hint = false} : vector<384x128xf32>, vector<128x128xf32>, vector<384x128xf32> -> vector<384x128xf32>
    %add3A_1228 = arith.addf %dot_general3A_1227, %add3A_1213 : vector<384x128xf32>
    %get3A_1229 = arith.constant 0 : index
    %get3A_1230 = arith.constant 0 : index
    %get3A_1231 = vector.load %arg13[%get3A_1229, %get3A_1230] : memref<1x128xf32, #tpu.memory_space<vmem>>, vector<1x128xf32>
    %add3A_1232 = vector.broadcast %get3A_1231 : vector<1x128xf32> to vector<384x128xf32>
    %add3A_1233 = arith.addf %add3A_1228, %add3A_1232 : vector<384x128xf32>
    %tanh3A_1234 = math.tanh %add3A_1233 : vector<384x128xf32>
    %swap3A_1235 = arith.constant 0 : index
    %swap3A_1236 = arith.constant 0 : index
    %swap3A_1237 = vector.load %arg18[%swap3A_1235, %swap3A_1236] : memref<384x128xf32, #tpu.memory_space<vmem>>, vector<384x128xf32>
    tpu.vector_store %arg18[%swap3A_1235, %swap3A_1236], %tanh3A_1234 {strides = array<i32>} : memref<384x128xf32, #tpu.memory_space<vmem>>, vector<384x128xf32>,
    %get3A_1238 = arith.constant 0 : index
    %get3A_1239 = arith.constant 0 : index
    %get3A_1240 = vector.load %arg16[%get3A_1238, %get3A_1239] : memref<128x128xf32, #tpu.memory_space<vmem>>, vector<128x128xf32>
    %dot_general3A_1241 = arith.constant dense<0.000000e+00> : vector<384x128xf32>
    %dot_general3A_1242 = tpu.matmul %get3A_4, %get3A_1240, %dot_general3A_1241 {dimension_numbers = #tpu.dot_dimension_numbers<[1], [0], [0], [1], [0, 0, 1, 1], [], []>, transpose_lhs_hint = false} : vector<384x128xf32>, vector<128x128xf32>, vector<384x128xf32> -> vector<384x128xf32>
    %add3A_1243 = arith.addf %dot_general3A_1242, %add3A_1222 : vector<384x128xf32>
    %get3A_1244 = arith.constant 0 : index
    %get3A_1245 = arith.constant 0 : index
    %get3A_1246 = vector.load %arg17[%get3A_1244, %get3A_1245] : memref<1x128xf32, #tpu.memory_space<vmem>>, vector<1x128xf32>
    %add3A_1247 = vector.broadcast %get3A_1246 : vector<1x128xf32> to vector<384x128xf32>
    %add3A_1248 = arith.addf %add3A_1243, %add3A_1247 : vector<384x128xf32>
    %tanh3A_1249 = math.tanh %add3A_1248 : vector<384x128xf32>
    %swap3A_1250 = arith.constant 0 : index
    %swap3A_1251 = arith.constant 0 : index
    %swap3A_1252 = vector.load %arg19[%swap3A_1250, %swap3A_1251] : memref<384x128xf32, #tpu.memory_space<vmem>>, vector<384x128xf32>
    tpu.vector_store %arg19[%swap3A_1250, %swap3A_1251], %tanh3A_1249 {strides = array<i32>} : memref<384x128xf32, #tpu.memory_space<vmem>>, vector<384x128xf32>,
    return
  }
}

module attributes {stable_mosaic.version = 14 : i64} {
  func.func @body(%arg0: memref<32x12x128xf32, #tpu.memory_space<vmem>>, %arg1: memref<32x12x128xf32, #tpu.memory_space<vmem>>, %arg2: memref<32x12x128xf32, #tpu.memory_space<vmem>>, %arg3: memref<32x12x128xf32, #tpu.memory_space<vmem>>, %arg4: memref<32x128xf32, #tpu.memory_space<vmem>>, %arg5: memref<32x128xf32, #tpu.memory_space<vmem>>, %arg6: memref<32x128xf32, #tpu.memory_space<vmem>>, %arg7: memref<128x128xf32, #tpu.memory_space<vmem>>, %arg8: memref<128x128xf32, #tpu.memory_space<vmem>>, %arg9: memref<128x128xf32, #tpu.memory_space<vmem>>, %arg10: memref<1x128xf32, #tpu.memory_space<vmem>>, %arg11: memref<128x128xf32, #tpu.memory_space<vmem>>, %arg12: memref<128x128xf32, #tpu.memory_space<vmem>>, %arg13: memref<128x128xf32, #tpu.memory_space<vmem>>, %arg14: memref<1x128xf32, #tpu.memory_space<vmem>>, %arg15: memref<128x128xf32, #tpu.memory_space<vmem>>, %arg16: memref<128x128xf32, #tpu.memory_space<vmem>>, %arg17: memref<128x128xf32, #tpu.memory_space<vmem>>, %arg18: memref<1x128xf32, #tpu.memory_space<vmem>>, %arg19: memref<128x128xf32, #tpu.memory_space<vmem>>, %arg20: memref<128x128xf32, #tpu.memory_space<vmem>>, %arg21: memref<128x128xf32, #tpu.memory_space<vmem>>, %arg22: memref<1x128xf32, #tpu.memory_space<vmem>>, %arg23: memref<1x128xf32, #tpu.memory_space<vmem>>, %arg24: memref<1x128xf32, #tpu.memory_space<vmem>>, %arg25: memref<128x2xf32, #tpu.memory_space<vmem>>, %arg26: memref<1x2xf32, #tpu.memory_space<vmem>>, %arg27: memref<32x2xf32, #tpu.memory_space<vmem>>, %arg28: memref<32x1xi32, #tpu.memory_space<vmem>>, %arg29: memref<32x12x128xf32, #tpu.memory_space<vmem>>, %arg30: memref<32x12x128xf32, #tpu.memory_space<vmem>>) attributes {dimension_semantics = [], scalar_prefetch = 0 : i64, scratch_operands = 2 : i64, tpu.core_type = #tpu.core_type<tc>} {
    %get3A = arith.constant 0 : index
    %get3A_0 = arith.constant 0 : index
    %get3A_1 = vector.load %arg4[%get3A, %get3A_0] : memref<32x128xf32, #tpu.memory_space<vmem>>, vector<32x128xf32>
    %get3A_2 = arith.constant 0 : index
    %get3A_3 = arith.constant 0 : index
    %get3A_4 = vector.load %arg5[%get3A_2, %get3A_3] : memref<32x128xf32, #tpu.memory_space<vmem>>, vector<32x128xf32>
    %get3A_5 = arith.constant 0 : index
    %get3A_6 = arith.constant 0 : index
    %get3A_7 = vector.load %arg6[%get3A_5, %get3A_6] : memref<32x128xf32, #tpu.memory_space<vmem>>, vector<32x128xf32>
    %get3A_8 = arith.constant 0 : index
    %get3A_9 = arith.constant 0 : index
    %get3A_10 = vector.load %arg7[%get3A_8, %get3A_9] : memref<128x128xf32, #tpu.memory_space<vmem>>, vector<128x128xf32>
    %get3A_11 = arith.constant 0 : index
    %get3A_12 = arith.constant 0 : index
    %get3A_13 = vector.load %arg8[%get3A_11, %get3A_12] : memref<128x128xf32, #tpu.memory_space<vmem>>, vector<128x128xf32>
    %get3A_14 = arith.constant 0 : index
    %get3A_15 = arith.constant 0 : index
    %get3A_16 = vector.load %arg9[%get3A_14, %get3A_15] : memref<128x128xf32, #tpu.memory_space<vmem>>, vector<128x128xf32>
    %get3A_17 = arith.constant 0 : index
    %get3A_18 = arith.constant 0 : index
    %get3A_19 = vector.load %arg10[%get3A_17, %get3A_18] : memref<1x128xf32, #tpu.memory_space<vmem>>, vector<1x128xf32>
    %dot_general3A = arith.constant dense<0.000000e+00> : vector<32x128xf32>
    %dot_general3A_20 = tpu.matmul %get3A_1, %get3A_13, %dot_general3A {dimension_numbers = #tpu.dot_dimension_numbers<[1], [0], [0], [1], [0, 0, 1, 1], [], []>, transpose_lhs_hint = false} : vector<32x128xf32>, vector<128x128xf32>, vector<32x128xf32> -> vector<32x128xf32>
    %add3A = vector.broadcast %get3A_19 : vector<1x128xf32> to vector<32x128xf32>
    %add3A_21 = arith.addf %dot_general3A_20, %add3A : vector<32x128xf32>
    %dot_general3A_22 = arith.constant dense<0.000000e+00> : vector<32x128xf32>
    %dot_general3A_23 = tpu.matmul %get3A_7, %get3A_16, %dot_general3A_22 {dimension_numbers = #tpu.dot_dimension_numbers<[1], [0], [0], [1], [0, 0, 1, 1], [], []>, transpose_lhs_hint = false} : vector<32x128xf32>, vector<128x128xf32>, vector<32x128xf32> -> vector<32x128xf32>
    %add3A_24 = vector.broadcast %get3A_19 : vector<1x128xf32> to vector<32x128xf32>
    %add3A_25 = arith.addf %dot_general3A_23, %add3A_24 : vector<32x128xf32>
    %get3A_26 = arith.constant 0 : index
    %get3A_27 = arith.constant 0 : index
    %get3A_28 = arith.constant 0 : index
    %get3A_29 = vector.load %arg2[%get3A_26, %get3A_27, %get3A_28] : memref<32x12x128xf32, #tpu.memory_space<vmem>>, vector<32x1x128xf32>
    %get3A_30 = vector.shape_cast %get3A_29 : vector<32x1x128xf32> to vector<32x128xf32>
    %get3A_31 = arith.constant 0 : index
    %get3A_32 = arith.constant 0 : index
    %get3A_33 = arith.constant 0 : index
    %get3A_34 = vector.load %arg3[%get3A_31, %get3A_32, %get3A_33] : memref<32x12x128xf32, #tpu.memory_space<vmem>>, vector<32x1x128xf32>
    %get3A_35 = vector.shape_cast %get3A_34 : vector<32x1x128xf32> to vector<32x128xf32>
    %get3A_36 = arith.constant 0 : index
    %get3A_37 = arith.constant 0 : index
    %get3A_38 = arith.constant 0 : index
    %get3A_39 = vector.load %arg0[%get3A_36, %get3A_37, %get3A_38] : memref<32x12x128xf32, #tpu.memory_space<vmem>>, vector<32x1x128xf32>
    %get3A_40 = vector.shape_cast %get3A_39 : vector<32x1x128xf32> to vector<32x128xf32>
    %dot_general3A_41 = arith.constant dense<0.000000e+00> : vector<32x128xf32>
    %dot_general3A_42 = tpu.matmul %get3A_40, %get3A_10, %dot_general3A_41 {dimension_numbers = #tpu.dot_dimension_numbers<[1], [0], [0], [1], [0, 0, 1, 1], [], []>, transpose_lhs_hint = false} : vector<32x128xf32>, vector<128x128xf32>, vector<32x128xf32> -> vector<32x128xf32>
    %add3A_43 = arith.addf %dot_general3A_42, %add3A_21 : vector<32x128xf32>
    %dot_general3A_44 = arith.constant dense<0.000000e+00> : vector<32x128xf32>
    %dot_general3A_45 = tpu.matmul %get3A_30, %get3A_16, %dot_general3A_44 {dimension_numbers = #tpu.dot_dimension_numbers<[1], [0], [0], [1], [0, 0, 1, 1], [], []>, transpose_lhs_hint = false} : vector<32x128xf32>, vector<128x128xf32>, vector<32x128xf32> -> vector<32x128xf32>
    %add3A_46 = arith.addf %add3A_43, %dot_general3A_45 : vector<32x128xf32>
    %tanh3A = math.tanh %add3A_46 : vector<32x128xf32>
    %get3A_47 = arith.constant 0 : index
    %get3A_48 = arith.constant 0 : index
    %get3A_49 = arith.constant 0 : index
    %get3A_50 = vector.load %arg1[%get3A_47, %get3A_48, %get3A_49] : memref<32x12x128xf32, #tpu.memory_space<vmem>>, vector<32x1x128xf32>
    %get3A_51 = vector.shape_cast %get3A_50 : vector<32x1x128xf32> to vector<32x128xf32>
    %dot_general3A_52 = arith.constant dense<0.000000e+00> : vector<32x128xf32>
    %dot_general3A_53 = tpu.matmul %get3A_51, %get3A_10, %dot_general3A_52 {dimension_numbers = #tpu.dot_dimension_numbers<[1], [0], [0], [1], [0, 0, 1, 1], [], []>, transpose_lhs_hint = false} : vector<32x128xf32>, vector<128x128xf32>, vector<32x128xf32> -> vector<32x128xf32>
    %dot_general3A_54 = arith.constant dense<0.000000e+00> : vector<32x128xf32>
    %dot_general3A_55 = tpu.matmul %get3A_35, %get3A_13, %dot_general3A_54 {dimension_numbers = #tpu.dot_dimension_numbers<[1], [0], [0], [1], [0, 0, 1, 1], [], []>, transpose_lhs_hint = false} : vector<32x128xf32>, vector<128x128xf32>, vector<32x128xf32> -> vector<32x128xf32>
    %add3A_56 = arith.addf %dot_general3A_53, %dot_general3A_55 : vector<32x128xf32>
    %add3A_57 = arith.addf %add3A_56, %add3A_25 : vector<32x128xf32>
    %tanh3A_58 = math.tanh %add3A_57 : vector<32x128xf32>
    %get3A_59 = arith.constant 0 : index
    %get3A_60 = arith.constant 0 : index
    %get3A_61 = vector.load %arg11[%get3A_59, %get3A_60] : memref<128x128xf32, #tpu.memory_space<vmem>>, vector<128x128xf32>
    %dot_general3A_62 = arith.constant dense<0.000000e+00> : vector<32x128xf32>
    %dot_general3A_63 = tpu.matmul %get3A_30, %get3A_61, %dot_general3A_62 {dimension_numbers = #tpu.dot_dimension_numbers<[1], [0], [0], [1], [0, 0, 1, 1], [], []>, transpose_lhs_hint = false} : vector<32x128xf32>, vector<128x128xf32>, vector<32x128xf32> -> vector<32x128xf32>
    %get3A_64 = arith.constant 0 : index
    %get3A_65 = arith.constant 0 : index
    %get3A_66 = vector.load %arg12[%get3A_64, %get3A_65] : memref<128x128xf32, #tpu.memory_space<vmem>>, vector<128x128xf32>
    %dot_general3A_67 = arith.constant dense<0.000000e+00> : vector<32x128xf32>
    %dot_general3A_68 = tpu.matmul %tanh3A, %get3A_66, %dot_general3A_67 {dimension_numbers = #tpu.dot_dimension_numbers<[1], [0], [0], [1], [0, 0, 1, 1], [], []>, transpose_lhs_hint = false} : vector<32x128xf32>, vector<128x128xf32>, vector<32x128xf32> -> vector<32x128xf32>
    %add3A_69 = arith.addf %dot_general3A_63, %dot_general3A_68 : vector<32x128xf32>
    %tanh3A_70 = math.tanh %add3A_69 : vector<32x128xf32>
    %get3A_71 = arith.constant 0 : index
    %get3A_72 = arith.constant 0 : index
    %get3A_73 = vector.load %arg15[%get3A_71, %get3A_72] : memref<128x128xf32, #tpu.memory_space<vmem>>, vector<128x128xf32>
    %dot_general3A_74 = arith.constant dense<0.000000e+00> : vector<32x128xf32>
    %dot_general3A_75 = tpu.matmul %get3A_35, %get3A_73, %dot_general3A_74 {dimension_numbers = #tpu.dot_dimension_numbers<[1], [0], [0], [1], [0, 0, 1, 1], [], []>, transpose_lhs_hint = false} : vector<32x128xf32>, vector<128x128xf32>, vector<32x128xf32> -> vector<32x128xf32>
    %get3A_76 = arith.constant 0 : index
    %get3A_77 = arith.constant 0 : index
    %get3A_78 = vector.load %arg16[%get3A_76, %get3A_77] : memref<128x128xf32, #tpu.memory_space<vmem>>, vector<128x128xf32>
    %dot_general3A_79 = arith.constant dense<0.000000e+00> : vector<32x128xf32>
    %dot_general3A_80 = tpu.matmul %tanh3A_58, %get3A_78, %dot_general3A_79 {dimension_numbers = #tpu.dot_dimension_numbers<[1], [0], [0], [1], [0, 0, 1, 1], [], []>, transpose_lhs_hint = false} : vector<32x128xf32>, vector<128x128xf32>, vector<32x128xf32> -> vector<32x128xf32>
    %add3A_81 = arith.addf %dot_general3A_75, %dot_general3A_80 : vector<32x128xf32>
    %tanh3A_82 = math.tanh %add3A_81 : vector<32x128xf32>
    %swap3A = arith.constant 0 : index
    %swap3A_83 = arith.constant 0 : index
    %swap3A_84 = arith.constant 0 : index
    %swap3A_85 = vector.load %arg29[%swap3A, %swap3A_83, %swap3A_84] : memref<32x12x128xf32, #tpu.memory_space<vmem>>, vector<32x1x128xf32>
    %swap3A_86 = vector.shape_cast %swap3A_85 : vector<32x1x128xf32> to vector<32x128xf32>
    %swap3A_87 = vector.shape_cast %tanh3A_70 : vector<32x128xf32> to vector<32x1x128xf32>
    tpu.vector_store %arg29[%swap3A, %swap3A_83, %swap3A_84], %swap3A_87 {strides = array<i32>} : memref<32x12x128xf32, #tpu.memory_space<vmem>>, vector<32x1x128xf32>,
    %swap3A_88 = arith.constant 0 : index
    %swap3A_89 = arith.constant 0 : index
    %swap3A_90 = arith.constant 0 : index
    %swap3A_91 = vector.load %arg30[%swap3A_88, %swap3A_89, %swap3A_90] : memref<32x12x128xf32, #tpu.memory_space<vmem>>, vector<32x1x128xf32>
    %swap3A_92 = vector.shape_cast %swap3A_91 : vector<32x1x128xf32> to vector<32x128xf32>
    %swap3A_93 = vector.shape_cast %tanh3A_82 : vector<32x128xf32> to vector<32x1x128xf32>
    tpu.vector_store %arg30[%swap3A_88, %swap3A_89, %swap3A_90], %swap3A_93 {strides = array<i32>} : memref<32x12x128xf32, #tpu.memory_space<vmem>>, vector<32x1x128xf32>,
    %mul3A = arith.mulf %get3A_1, %tanh3A_70 : vector<32x128xf32>
    %reduce_sum3A = arith.constant dense<0.000000e+00> : vector<32xf32>
    %reduce_sum3A_94 = vector.multi_reduction <add>, %mul3A, %reduce_sum3A [1] : vector<32x128xf32> to vector<32xf32>
    %broadcast_in_dim3A = vector.shape_cast %reduce_sum3A_94 : vector<32xf32> to vector<32x1xf32>
    %mul3A_95 = arith.mulf %get3A_7, %tanh3A_82 : vector<32x128xf32>
    %reduce_sum3A_96 = arith.constant dense<0.000000e+00> : vector<32xf32>
    %reduce_sum3A_97 = vector.multi_reduction <add>, %mul3A_95, %reduce_sum3A_96 [1] : vector<32x128xf32> to vector<32xf32>
    %broadcast_in_dim3A_98 = vector.shape_cast %reduce_sum3A_97 : vector<32xf32> to vector<32x1xf32>
    %get3A_99 = arith.constant 0 : index
    %get3A_100 = arith.constant 1 : index
    %get3A_101 = arith.constant 0 : index
    %get3A_102 = vector.load %arg2[%get3A_99, %get3A_100, %get3A_101] : memref<32x12x128xf32, #tpu.memory_space<vmem>>, vector<32x1x128xf32>
    %get3A_103 = vector.shape_cast %get3A_102 : vector<32x1x128xf32> to vector<32x128xf32>
    %get3A_104 = arith.constant 0 : index
    %get3A_105 = arith.constant 1 : index
    %get3A_106 = arith.constant 0 : index
    %get3A_107 = vector.load %arg3[%get3A_104, %get3A_105, %get3A_106] : memref<32x12x128xf32, #tpu.memory_space<vmem>>, vector<32x1x128xf32>
    %get3A_108 = vector.shape_cast %get3A_107 : vector<32x1x128xf32> to vector<32x128xf32>
    %get3A_109 = arith.constant 0 : index
    %get3A_110 = arith.constant 1 : index
    %get3A_111 = arith.constant 0 : index
    %get3A_112 = vector.load %arg0[%get3A_109, %get3A_110, %get3A_111] : memref<32x12x128xf32, #tpu.memory_space<vmem>>, vector<32x1x128xf32>
    %get3A_113 = vector.shape_cast %get3A_112 : vector<32x1x128xf32> to vector<32x128xf32>
    %dot_general3A_114 = arith.constant dense<0.000000e+00> : vector<32x128xf32>
    %dot_general3A_115 = tpu.matmul %get3A_113, %get3A_10, %dot_general3A_114 {dimension_numbers = #tpu.dot_dimension_numbers<[1], [0], [0], [1], [0, 0, 1, 1], [], []>, transpose_lhs_hint = false} : vector<32x128xf32>, vector<128x128xf32>, vector<32x128xf32> -> vector<32x128xf32>
    %add3A_116 = arith.addf %dot_general3A_115, %add3A_21 : vector<32x128xf32>
    %dot_general3A_117 = arith.constant dense<0.000000e+00> : vector<32x128xf32>
    %dot_general3A_118 = tpu.matmul %get3A_103, %get3A_16, %dot_general3A_117 {dimension_numbers = #tpu.dot_dimension_numbers<[1], [0], [0], [1], [0, 0, 1, 1], [], []>, transpose_lhs_hint = false} : vector<32x128xf32>, vector<128x128xf32>, vector<32x128xf32> -> vector<32x128xf32>
    %add3A_119 = arith.addf %add3A_116, %dot_general3A_118 : vector<32x128xf32>
    %tanh3A_120 = math.tanh %add3A_119 : vector<32x128xf32>
    %get3A_121 = arith.constant 0 : index
    %get3A_122 = arith.constant 1 : index
    %get3A_123 = arith.constant 0 : index
    %get3A_124 = vector.load %arg1[%get3A_121, %get3A_122, %get3A_123] : memref<32x12x128xf32, #tpu.memory_space<vmem>>, vector<32x1x128xf32>
    %get3A_125 = vector.shape_cast %get3A_124 : vector<32x1x128xf32> to vector<32x128xf32>
    %dot_general3A_126 = arith.constant dense<0.000000e+00> : vector<32x128xf32>
    %dot_general3A_127 = tpu.matmul %get3A_125, %get3A_10, %dot_general3A_126 {dimension_numbers = #tpu.dot_dimension_numbers<[1], [0], [0], [1], [0, 0, 1, 1], [], []>, transpose_lhs_hint = false} : vector<32x128xf32>, vector<128x128xf32>, vector<32x128xf32> -> vector<32x128xf32>
    %dot_general3A_128 = arith.constant dense<0.000000e+00> : vector<32x128xf32>
    %dot_general3A_129 = tpu.matmul %get3A_108, %get3A_13, %dot_general3A_128 {dimension_numbers = #tpu.dot_dimension_numbers<[1], [0], [0], [1], [0, 0, 1, 1], [], []>, transpose_lhs_hint = false} : vector<32x128xf32>, vector<128x128xf32>, vector<32x128xf32> -> vector<32x128xf32>
    %add3A_130 = arith.addf %dot_general3A_127, %dot_general3A_129 : vector<32x128xf32>
    %add3A_131 = arith.addf %add3A_130, %add3A_25 : vector<32x128xf32>
    %tanh3A_132 = math.tanh %add3A_131 : vector<32x128xf32>
    %get3A_133 = arith.constant 0 : index
    %get3A_134 = arith.constant 0 : index
    %get3A_135 = vector.load %arg11[%get3A_133, %get3A_134] : memref<128x128xf32, #tpu.memory_space<vmem>>, vector<128x128xf32>
    %dot_general3A_136 = arith.constant dense<0.000000e+00> : vector<32x128xf32>
    %dot_general3A_137 = tpu.matmul %get3A_103, %get3A_135, %dot_general3A_136 {dimension_numbers = #tpu.dot_dimension_numbers<[1], [0], [0], [1], [0, 0, 1, 1], [], []>, transpose_lhs_hint = false} : vector<32x128xf32>, vector<128x128xf32>, vector<32x128xf32> -> vector<32x128xf32>
    %get3A_138 = arith.constant 0 : index
    %get3A_139 = arith.constant 0 : index
    %get3A_140 = vector.load %arg12[%get3A_138, %get3A_139] : memref<128x128xf32, #tpu.memory_space<vmem>>, vector<128x128xf32>
    %dot_general3A_141 = arith.constant dense<0.000000e+00> : vector<32x128xf32>
    %dot_general3A_142 = tpu.matmul %tanh3A_120, %get3A_140, %dot_general3A_141 {dimension_numbers = #tpu.dot_dimension_numbers<[1], [0], [0], [1], [0, 0, 1, 1], [], []>, transpose_lhs_hint = false} : vector<32x128xf32>, vector<128x128xf32>, vector<32x128xf32> -> vector<32x128xf32>
    %add3A_143 = arith.addf %dot_general3A_137, %dot_general3A_142 : vector<32x128xf32>
    %tanh3A_144 = math.tanh %add3A_143 : vector<32x128xf32>
    %get3A_145 = arith.constant 0 : index
    %get3A_146 = arith.constant 0 : index
    %get3A_147 = vector.load %arg15[%get3A_145, %get3A_146] : memref<128x128xf32, #tpu.memory_space<vmem>>, vector<128x128xf32>
    %dot_general3A_148 = arith.constant dense<0.000000e+00> : vector<32x128xf32>
    %dot_general3A_149 = tpu.matmul %get3A_108, %get3A_147, %dot_general3A_148 {dimension_numbers = #tpu.dot_dimension_numbers<[1], [0], [0], [1], [0, 0, 1, 1], [], []>, transpose_lhs_hint = false} : vector<32x128xf32>, vector<128x128xf32>, vector<32x128xf32> -> vector<32x128xf32>
    %get3A_150 = arith.constant 0 : index
    %get3A_151 = arith.constant 0 : index
    %get3A_152 = vector.load %arg16[%get3A_150, %get3A_151] : memref<128x128xf32, #tpu.memory_space<vmem>>, vector<128x128xf32>
    %dot_general3A_153 = arith.constant dense<0.000000e+00> : vector<32x128xf32>
    %dot_general3A_154 = tpu.matmul %tanh3A_132, %get3A_152, %dot_general3A_153 {dimension_numbers = #tpu.dot_dimension_numbers<[1], [0], [0], [1], [0, 0, 1, 1], [], []>, transpose_lhs_hint = false} : vector<32x128xf32>, vector<128x128xf32>, vector<32x128xf32> -> vector<32x128xf32>
    %add3A_155 = arith.addf %dot_general3A_149, %dot_general3A_154 : vector<32x128xf32>
    %tanh3A_156 = math.tanh %add3A_155 : vector<32x128xf32>
    %swap3A_157 = arith.constant 0 : index
    %swap3A_158 = arith.constant 1 : index
    %swap3A_159 = arith.constant 0 : index
    %swap3A_160 = vector.load %arg29[%swap3A_157, %swap3A_158, %swap3A_159] : memref<32x12x128xf32, #tpu.memory_space<vmem>>, vector<32x1x128xf32>
    %swap3A_161 = vector.shape_cast %swap3A_160 : vector<32x1x128xf32> to vector<32x128xf32>
    %swap3A_162 = vector.shape_cast %tanh3A_144 : vector<32x128xf32> to vector<32x1x128xf32>
    tpu.vector_store %arg29[%swap3A_157, %swap3A_158, %swap3A_159], %swap3A_162 {strides = array<i32>} : memref<32x12x128xf32, #tpu.memory_space<vmem>>, vector<32x1x128xf32>,
    %swap3A_163 = arith.constant 0 : index
    %swap3A_164 = arith.constant 1 : index
    %swap3A_165 = arith.constant 0 : index
    %swap3A_166 = vector.load %arg30[%swap3A_163, %swap3A_164, %swap3A_165] : memref<32x12x128xf32, #tpu.memory_space<vmem>>, vector<32x1x128xf32>
    %swap3A_167 = vector.shape_cast %swap3A_166 : vector<32x1x128xf32> to vector<32x128xf32>
    %swap3A_168 = vector.shape_cast %tanh3A_156 : vector<32x128xf32> to vector<32x1x128xf32>
    tpu.vector_store %arg30[%swap3A_163, %swap3A_164, %swap3A_165], %swap3A_168 {strides = array<i32>} : memref<32x12x128xf32, #tpu.memory_space<vmem>>, vector<32x1x128xf32>,
    %mul3A_169 = arith.mulf %get3A_1, %tanh3A_144 : vector<32x128xf32>
    %reduce_sum3A_170 = arith.constant dense<0.000000e+00> : vector<32xf32>
    %reduce_sum3A_171 = vector.multi_reduction <add>, %mul3A_169, %reduce_sum3A_170 [1] : vector<32x128xf32> to vector<32xf32>
    %broadcast_in_dim3A_172 = vector.shape_cast %reduce_sum3A_171 : vector<32xf32> to vector<32x1xf32>
    %mul3A_173 = arith.mulf %get3A_7, %tanh3A_156 : vector<32x128xf32>
    %reduce_sum3A_174 = arith.constant dense<0.000000e+00> : vector<32xf32>
    %reduce_sum3A_175 = vector.multi_reduction <add>, %mul3A_173, %reduce_sum3A_174 [1] : vector<32x128xf32> to vector<32xf32>
    %broadcast_in_dim3A_176 = vector.shape_cast %reduce_sum3A_175 : vector<32xf32> to vector<32x1xf32>
    %get3A_177 = arith.constant 0 : index
    %get3A_178 = arith.constant 2 : index
    %get3A_179 = arith.constant 0 : index
    %get3A_180 = vector.load %arg2[%get3A_177, %get3A_178, %get3A_179] : memref<32x12x128xf32, #tpu.memory_space<vmem>>, vector<32x1x128xf32>
    %get3A_181 = vector.shape_cast %get3A_180 : vector<32x1x128xf32> to vector<32x128xf32>
    %get3A_182 = arith.constant 0 : index
    %get3A_183 = arith.constant 2 : index
    %get3A_184 = arith.constant 0 : index
    %get3A_185 = vector.load %arg3[%get3A_182, %get3A_183, %get3A_184] : memref<32x12x128xf32, #tpu.memory_space<vmem>>, vector<32x1x128xf32>
    %get3A_186 = vector.shape_cast %get3A_185 : vector<32x1x128xf32> to vector<32x128xf32>
    %get3A_187 = arith.constant 0 : index
    %get3A_188 = arith.constant 2 : index
    %get3A_189 = arith.constant 0 : index
    %get3A_190 = vector.load %arg0[%get3A_187, %get3A_188, %get3A_189] : memref<32x12x128xf32, #tpu.memory_space<vmem>>, vector<32x1x128xf32>
    %get3A_191 = vector.shape_cast %get3A_190 : vector<32x1x128xf32> to vector<32x128xf32>
    %dot_general3A_192 = arith.constant dense<0.000000e+00> : vector<32x128xf32>
    %dot_general3A_193 = tpu.matmul %get3A_191, %get3A_10, %dot_general3A_192 {dimension_numbers = #tpu.dot_dimension_numbers<[1], [0], [0], [1], [0, 0, 1, 1], [], []>, transpose_lhs_hint = false} : vector<32x128xf32>, vector<128x128xf32>, vector<32x128xf32> -> vector<32x128xf32>
    %add3A_194 = arith.addf %dot_general3A_193, %add3A_21 : vector<32x128xf32>
    %dot_general3A_195 = arith.constant dense<0.000000e+00> : vector<32x128xf32>
    %dot_general3A_196 = tpu.matmul %get3A_181, %get3A_16, %dot_general3A_195 {dimension_numbers = #tpu.dot_dimension_numbers<[1], [0], [0], [1], [0, 0, 1, 1], [], []>, transpose_lhs_hint = false} : vector<32x128xf32>, vector<128x128xf32>, vector<32x128xf32> -> vector<32x128xf32>
    %add3A_197 = arith.addf %add3A_194, %dot_general3A_196 : vector<32x128xf32>
    %tanh3A_198 = math.tanh %add3A_197 : vector<32x128xf32>
    %get3A_199 = arith.constant 0 : index
    %get3A_200 = arith.constant 2 : index
    %get3A_201 = arith.constant 0 : index
    %get3A_202 = vector.load %arg1[%get3A_199, %get3A_200, %get3A_201] : memref<32x12x128xf32, #tpu.memory_space<vmem>>, vector<32x1x128xf32>
    %get3A_203 = vector.shape_cast %get3A_202 : vector<32x1x128xf32> to vector<32x128xf32>
    %dot_general3A_204 = arith.constant dense<0.000000e+00> : vector<32x128xf32>
    %dot_general3A_205 = tpu.matmul %get3A_203, %get3A_10, %dot_general3A_204 {dimension_numbers = #tpu.dot_dimension_numbers<[1], [0], [0], [1], [0, 0, 1, 1], [], []>, transpose_lhs_hint = false} : vector<32x128xf32>, vector<128x128xf32>, vector<32x128xf32> -> vector<32x128xf32>
    %dot_general3A_206 = arith.constant dense<0.000000e+00> : vector<32x128xf32>
    %dot_general3A_207 = tpu.matmul %get3A_186, %get3A_13, %dot_general3A_206 {dimension_numbers = #tpu.dot_dimension_numbers<[1], [0], [0], [1], [0, 0, 1, 1], [], []>, transpose_lhs_hint = false} : vector<32x128xf32>, vector<128x128xf32>, vector<32x128xf32> -> vector<32x128xf32>
    %add3A_208 = arith.addf %dot_general3A_205, %dot_general3A_207 : vector<32x128xf32>
    %add3A_209 = arith.addf %add3A_208, %add3A_25 : vector<32x128xf32>
    %tanh3A_210 = math.tanh %add3A_209 : vector<32x128xf32>
    %get3A_211 = arith.constant 0 : index
    %get3A_212 = arith.constant 0 : index
    %get3A_213 = vector.load %arg11[%get3A_211, %get3A_212] : memref<128x128xf32, #tpu.memory_space<vmem>>, vector<128x128xf32>
    %dot_general3A_214 = arith.constant dense<0.000000e+00> : vector<32x128xf32>
    %dot_general3A_215 = tpu.matmul %get3A_181, %get3A_213, %dot_general3A_214 {dimension_numbers = #tpu.dot_dimension_numbers<[1], [0], [0], [1], [0, 0, 1, 1], [], []>, transpose_lhs_hint = false} : vector<32x128xf32>, vector<128x128xf32>, vector<32x128xf32> -> vector<32x128xf32>
    %get3A_216 = arith.constant 0 : index
    %get3A_217 = arith.constant 0 : index
    %get3A_218 = vector.load %arg12[%get3A_216, %get3A_217] : memref<128x128xf32, #tpu.memory_space<vmem>>, vector<128x128xf32>
    %dot_general3A_219 = arith.constant dense<0.000000e+00> : vector<32x128xf32>
    %dot_general3A_220 = tpu.matmul %tanh3A_198, %get3A_218, %dot_general3A_219 {dimension_numbers = #tpu.dot_dimension_numbers<[1], [0], [0], [1], [0, 0, 1, 1], [], []>, transpose_lhs_hint = false} : vector<32x128xf32>, vector<128x128xf32>, vector<32x128xf32> -> vector<32x128xf32>
    %add3A_221 = arith.addf %dot_general3A_215, %dot_general3A_220 : vector<32x128xf32>
    %tanh3A_222 = math.tanh %add3A_221 : vector<32x128xf32>
    %get3A_223 = arith.constant 0 : index
    %get3A_224 = arith.constant 0 : index
    %get3A_225 = vector.load %arg15[%get3A_223, %get3A_224] : memref<128x128xf32, #tpu.memory_space<vmem>>, vector<128x128xf32>
    %dot_general3A_226 = arith.constant dense<0.000000e+00> : vector<32x128xf32>
    %dot_general3A_227 = tpu.matmul %get3A_186, %get3A_225, %dot_general3A_226 {dimension_numbers = #tpu.dot_dimension_numbers<[1], [0], [0], [1], [0, 0, 1, 1], [], []>, transpose_lhs_hint = false} : vector<32x128xf32>, vector<128x128xf32>, vector<32x128xf32> -> vector<32x128xf32>
    %get3A_228 = arith.constant 0 : index
    %get3A_229 = arith.constant 0 : index
    %get3A_230 = vector.load %arg16[%get3A_228, %get3A_229] : memref<128x128xf32, #tpu.memory_space<vmem>>, vector<128x128xf32>
    %dot_general3A_231 = arith.constant dense<0.000000e+00> : vector<32x128xf32>
    %dot_general3A_232 = tpu.matmul %tanh3A_210, %get3A_230, %dot_general3A_231 {dimension_numbers = #tpu.dot_dimension_numbers<[1], [0], [0], [1], [0, 0, 1, 1], [], []>, transpose_lhs_hint = false} : vector<32x128xf32>, vector<128x128xf32>, vector<32x128xf32> -> vector<32x128xf32>
    %add3A_233 = arith.addf %dot_general3A_227, %dot_general3A_232 : vector<32x128xf32>
    %tanh3A_234 = math.tanh %add3A_233 : vector<32x128xf32>
    %swap3A_235 = arith.constant 0 : index
    %swap3A_236 = arith.constant 2 : index
    %swap3A_237 = arith.constant 0 : index
    %swap3A_238 = vector.load %arg29[%swap3A_235, %swap3A_236, %swap3A_237] : memref<32x12x128xf32, #tpu.memory_space<vmem>>, vector<32x1x128xf32>
    %swap3A_239 = vector.shape_cast %swap3A_238 : vector<32x1x128xf32> to vector<32x128xf32>
    %swap3A_240 = vector.shape_cast %tanh3A_222 : vector<32x128xf32> to vector<32x1x128xf32>
    tpu.vector_store %arg29[%swap3A_235, %swap3A_236, %swap3A_237], %swap3A_240 {strides = array<i32>} : memref<32x12x128xf32, #tpu.memory_space<vmem>>, vector<32x1x128xf32>,
    %swap3A_241 = arith.constant 0 : index
    %swap3A_242 = arith.constant 2 : index
    %swap3A_243 = arith.constant 0 : index
    %swap3A_244 = vector.load %arg30[%swap3A_241, %swap3A_242, %swap3A_243] : memref<32x12x128xf32, #tpu.memory_space<vmem>>, vector<32x1x128xf32>
    %swap3A_245 = vector.shape_cast %swap3A_244 : vector<32x1x128xf32> to vector<32x128xf32>
    %swap3A_246 = vector.shape_cast %tanh3A_234 : vector<32x128xf32> to vector<32x1x128xf32>
    tpu.vector_store %arg30[%swap3A_241, %swap3A_242, %swap3A_243], %swap3A_246 {strides = array<i32>} : memref<32x12x128xf32, #tpu.memory_space<vmem>>, vector<32x1x128xf32>,
    %mul3A_247 = arith.mulf %get3A_1, %tanh3A_222 : vector<32x128xf32>
    %reduce_sum3A_248 = arith.constant dense<0.000000e+00> : vector<32xf32>
    %reduce_sum3A_249 = vector.multi_reduction <add>, %mul3A_247, %reduce_sum3A_248 [1] : vector<32x128xf32> to vector<32xf32>
    %broadcast_in_dim3A_250 = vector.shape_cast %reduce_sum3A_249 : vector<32xf32> to vector<32x1xf32>
    %mul3A_251 = arith.mulf %get3A_7, %tanh3A_234 : vector<32x128xf32>
    %reduce_sum3A_252 = arith.constant dense<0.000000e+00> : vector<32xf32>
    %reduce_sum3A_253 = vector.multi_reduction <add>, %mul3A_251, %reduce_sum3A_252 [1] : vector<32x128xf32> to vector<32xf32>
    %broadcast_in_dim3A_254 = vector.shape_cast %reduce_sum3A_253 : vector<32xf32> to vector<32x1xf32>
    %get3A_255 = arith.constant 0 : index
    %get3A_256 = arith.constant 3 : index
    %get3A_257 = arith.constant 0 : index
    %get3A_258 = vector.load %arg2[%get3A_255, %get3A_256, %get3A_257] : memref<32x12x128xf32, #tpu.memory_space<vmem>>, vector<32x1x128xf32>
    %get3A_259 = vector.shape_cast %get3A_258 : vector<32x1x128xf32> to vector<32x128xf32>
    %get3A_260 = arith.constant 0 : index
    %get3A_261 = arith.constant 3 : index
    %get3A_262 = arith.constant 0 : index
    %get3A_263 = vector.load %arg3[%get3A_260, %get3A_261, %get3A_262] : memref<32x12x128xf32, #tpu.memory_space<vmem>>, vector<32x1x128xf32>
    %get3A_264 = vector.shape_cast %get3A_263 : vector<32x1x128xf32> to vector<32x128xf32>
    %get3A_265 = arith.constant 0 : index
    %get3A_266 = arith.constant 3 : index
    %get3A_267 = arith.constant 0 : index
    %get3A_268 = vector.load %arg0[%get3A_265, %get3A_266, %get3A_267] : memref<32x12x128xf32, #tpu.memory_space<vmem>>, vector<32x1x128xf32>
    %get3A_269 = vector.shape_cast %get3A_268 : vector<32x1x128xf32> to vector<32x128xf32>
    %dot_general3A_270 = arith.constant dense<0.000000e+00> : vector<32x128xf32>
    %dot_general3A_271 = tpu.matmul %get3A_269, %get3A_10, %dot_general3A_270 {dimension_numbers = #tpu.dot_dimension_numbers<[1], [0], [0], [1], [0, 0, 1, 1], [], []>, transpose_lhs_hint = false} : vector<32x128xf32>, vector<128x128xf32>, vector<32x128xf32> -> vector<32x128xf32>
    %add3A_272 = arith.addf %dot_general3A_271, %add3A_21 : vector<32x128xf32>
    %dot_general3A_273 = arith.constant dense<0.000000e+00> : vector<32x128xf32>
    %dot_general3A_274 = tpu.matmul %get3A_259, %get3A_16, %dot_general3A_273 {dimension_numbers = #tpu.dot_dimension_numbers<[1], [0], [0], [1], [0, 0, 1, 1], [], []>, transpose_lhs_hint = false} : vector<32x128xf32>, vector<128x128xf32>, vector<32x128xf32> -> vector<32x128xf32>
    %add3A_275 = arith.addf %add3A_272, %dot_general3A_274 : vector<32x128xf32>
    %tanh3A_276 = math.tanh %add3A_275 : vector<32x128xf32>
    %get3A_277 = arith.constant 0 : index
    %get3A_278 = arith.constant 3 : index
    %get3A_279 = arith.constant 0 : index
    %get3A_280 = vector.load %arg1[%get3A_277, %get3A_278, %get3A_279] : memref<32x12x128xf32, #tpu.memory_space<vmem>>, vector<32x1x128xf32>
    %get3A_281 = vector.shape_cast %get3A_280 : vector<32x1x128xf32> to vector<32x128xf32>
    %dot_general3A_282 = arith.constant dense<0.000000e+00> : vector<32x128xf32>
    %dot_general3A_283 = tpu.matmul %get3A_281, %get3A_10, %dot_general3A_282 {dimension_numbers = #tpu.dot_dimension_numbers<[1], [0], [0], [1], [0, 0, 1, 1], [], []>, transpose_lhs_hint = false} : vector<32x128xf32>, vector<128x128xf32>, vector<32x128xf32> -> vector<32x128xf32>
    %dot_general3A_284 = arith.constant dense<0.000000e+00> : vector<32x128xf32>
    %dot_general3A_285 = tpu.matmul %get3A_264, %get3A_13, %dot_general3A_284 {dimension_numbers = #tpu.dot_dimension_numbers<[1], [0], [0], [1], [0, 0, 1, 1], [], []>, transpose_lhs_hint = false} : vector<32x128xf32>, vector<128x128xf32>, vector<32x128xf32> -> vector<32x128xf32>
    %add3A_286 = arith.addf %dot_general3A_283, %dot_general3A_285 : vector<32x128xf32>
    %add3A_287 = arith.addf %add3A_286, %add3A_25 : vector<32x128xf32>
    %tanh3A_288 = math.tanh %add3A_287 : vector<32x128xf32>
    %get3A_289 = arith.constant 0 : index
    %get3A_290 = arith.constant 0 : index
    %get3A_291 = vector.load %arg11[%get3A_289, %get3A_290] : memref<128x128xf32, #tpu.memory_space<vmem>>, vector<128x128xf32>
    %dot_general3A_292 = arith.constant dense<0.000000e+00> : vector<32x128xf32>
    %dot_general3A_293 = tpu.matmul %get3A_259, %get3A_291, %dot_general3A_292 {dimension_numbers = #tpu.dot_dimension_numbers<[1], [0], [0], [1], [0, 0, 1, 1], [], []>, transpose_lhs_hint = false} : vector<32x128xf32>, vector<128x128xf32>, vector<32x128xf32> -> vector<32x128xf32>
    %get3A_294 = arith.constant 0 : index
    %get3A_295 = arith.constant 0 : index
    %get3A_296 = vector.load %arg12[%get3A_294, %get3A_295] : memref<128x128xf32, #tpu.memory_space<vmem>>, vector<128x128xf32>
    %dot_general3A_297 = arith.constant dense<0.000000e+00> : vector<32x128xf32>
    %dot_general3A_298 = tpu.matmul %tanh3A_276, %get3A_296, %dot_general3A_297 {dimension_numbers = #tpu.dot_dimension_numbers<[1], [0], [0], [1], [0, 0, 1, 1], [], []>, transpose_lhs_hint = false} : vector<32x128xf32>, vector<128x128xf32>, vector<32x128xf32> -> vector<32x128xf32>
    %add3A_299 = arith.addf %dot_general3A_293, %dot_general3A_298 : vector<32x128xf32>
    %tanh3A_300 = math.tanh %add3A_299 : vector<32x128xf32>
    %get3A_301 = arith.constant 0 : index
    %get3A_302 = arith.constant 0 : index
    %get3A_303 = vector.load %arg15[%get3A_301, %get3A_302] : memref<128x128xf32, #tpu.memory_space<vmem>>, vector<128x128xf32>
    %dot_general3A_304 = arith.constant dense<0.000000e+00> : vector<32x128xf32>
    %dot_general3A_305 = tpu.matmul %get3A_264, %get3A_303, %dot_general3A_304 {dimension_numbers = #tpu.dot_dimension_numbers<[1], [0], [0], [1], [0, 0, 1, 1], [], []>, transpose_lhs_hint = false} : vector<32x128xf32>, vector<128x128xf32>, vector<32x128xf32> -> vector<32x128xf32>
    %get3A_306 = arith.constant 0 : index
    %get3A_307 = arith.constant 0 : index
    %get3A_308 = vector.load %arg16[%get3A_306, %get3A_307] : memref<128x128xf32, #tpu.memory_space<vmem>>, vector<128x128xf32>
    %dot_general3A_309 = arith.constant dense<0.000000e+00> : vector<32x128xf32>
    %dot_general3A_310 = tpu.matmul %tanh3A_288, %get3A_308, %dot_general3A_309 {dimension_numbers = #tpu.dot_dimension_numbers<[1], [0], [0], [1], [0, 0, 1, 1], [], []>, transpose_lhs_hint = false} : vector<32x128xf32>, vector<128x128xf32>, vector<32x128xf32> -> vector<32x128xf32>
    %add3A_311 = arith.addf %dot_general3A_305, %dot_general3A_310 : vector<32x128xf32>
    %tanh3A_312 = math.tanh %add3A_311 : vector<32x128xf32>
    %swap3A_313 = arith.constant 0 : index
    %swap3A_314 = arith.constant 3 : index
    %swap3A_315 = arith.constant 0 : index
    %swap3A_316 = vector.load %arg29[%swap3A_313, %swap3A_314, %swap3A_315] : memref<32x12x128xf32, #tpu.memory_space<vmem>>, vector<32x1x128xf32>
    %swap3A_317 = vector.shape_cast %swap3A_316 : vector<32x1x128xf32> to vector<32x128xf32>
    %swap3A_318 = vector.shape_cast %tanh3A_300 : vector<32x128xf32> to vector<32x1x128xf32>
    tpu.vector_store %arg29[%swap3A_313, %swap3A_314, %swap3A_315], %swap3A_318 {strides = array<i32>} : memref<32x12x128xf32, #tpu.memory_space<vmem>>, vector<32x1x128xf32>,
    %swap3A_319 = arith.constant 0 : index
    %swap3A_320 = arith.constant 3 : index
    %swap3A_321 = arith.constant 0 : index
    %swap3A_322 = vector.load %arg30[%swap3A_319, %swap3A_320, %swap3A_321] : memref<32x12x128xf32, #tpu.memory_space<vmem>>, vector<32x1x128xf32>
    %swap3A_323 = vector.shape_cast %swap3A_322 : vector<32x1x128xf32> to vector<32x128xf32>
    %swap3A_324 = vector.shape_cast %tanh3A_312 : vector<32x128xf32> to vector<32x1x128xf32>
    tpu.vector_store %arg30[%swap3A_319, %swap3A_320, %swap3A_321], %swap3A_324 {strides = array<i32>} : memref<32x12x128xf32, #tpu.memory_space<vmem>>, vector<32x1x128xf32>,
    %mul3A_325 = arith.mulf %get3A_1, %tanh3A_300 : vector<32x128xf32>
    %reduce_sum3A_326 = arith.constant dense<0.000000e+00> : vector<32xf32>
    %reduce_sum3A_327 = vector.multi_reduction <add>, %mul3A_325, %reduce_sum3A_326 [1] : vector<32x128xf32> to vector<32xf32>
    %broadcast_in_dim3A_328 = vector.shape_cast %reduce_sum3A_327 : vector<32xf32> to vector<32x1xf32>
    %mul3A_329 = arith.mulf %get3A_7, %tanh3A_312 : vector<32x128xf32>
    %reduce_sum3A_330 = arith.constant dense<0.000000e+00> : vector<32xf32>
    %reduce_sum3A_331 = vector.multi_reduction <add>, %mul3A_329, %reduce_sum3A_330 [1] : vector<32x128xf32> to vector<32xf32>
    %broadcast_in_dim3A_332 = vector.shape_cast %reduce_sum3A_331 : vector<32xf32> to vector<32x1xf32>
    %get3A_333 = arith.constant 0 : index
    %get3A_334 = arith.constant 4 : index
    %get3A_335 = arith.constant 0 : index
    %get3A_336 = vector.load %arg2[%get3A_333, %get3A_334, %get3A_335] : memref<32x12x128xf32, #tpu.memory_space<vmem>>, vector<32x1x128xf32>
    %get3A_337 = vector.shape_cast %get3A_336 : vector<32x1x128xf32> to vector<32x128xf32>
    %get3A_338 = arith.constant 0 : index
    %get3A_339 = arith.constant 4 : index
    %get3A_340 = arith.constant 0 : index
    %get3A_341 = vector.load %arg3[%get3A_338, %get3A_339, %get3A_340] : memref<32x12x128xf32, #tpu.memory_space<vmem>>, vector<32x1x128xf32>
    %get3A_342 = vector.shape_cast %get3A_341 : vector<32x1x128xf32> to vector<32x128xf32>
    %get3A_343 = arith.constant 0 : index
    %get3A_344 = arith.constant 4 : index
    %get3A_345 = arith.constant 0 : index
    %get3A_346 = vector.load %arg0[%get3A_343, %get3A_344, %get3A_345] : memref<32x12x128xf32, #tpu.memory_space<vmem>>, vector<32x1x128xf32>
    %get3A_347 = vector.shape_cast %get3A_346 : vector<32x1x128xf32> to vector<32x128xf32>
    %dot_general3A_348 = arith.constant dense<0.000000e+00> : vector<32x128xf32>
    %dot_general3A_349 = tpu.matmul %get3A_347, %get3A_10, %dot_general3A_348 {dimension_numbers = #tpu.dot_dimension_numbers<[1], [0], [0], [1], [0, 0, 1, 1], [], []>, transpose_lhs_hint = false} : vector<32x128xf32>, vector<128x128xf32>, vector<32x128xf32> -> vector<32x128xf32>
    %add3A_350 = arith.addf %dot_general3A_349, %add3A_21 : vector<32x128xf32>
    %dot_general3A_351 = arith.constant dense<0.000000e+00> : vector<32x128xf32>
    %dot_general3A_352 = tpu.matmul %get3A_337, %get3A_16, %dot_general3A_351 {dimension_numbers = #tpu.dot_dimension_numbers<[1], [0], [0], [1], [0, 0, 1, 1], [], []>, transpose_lhs_hint = false} : vector<32x128xf32>, vector<128x128xf32>, vector<32x128xf32> -> vector<32x128xf32>
    %add3A_353 = arith.addf %add3A_350, %dot_general3A_352 : vector<32x128xf32>
    %tanh3A_354 = math.tanh %add3A_353 : vector<32x128xf32>
    %get3A_355 = arith.constant 0 : index
    %get3A_356 = arith.constant 4 : index
    %get3A_357 = arith.constant 0 : index
    %get3A_358 = vector.load %arg1[%get3A_355, %get3A_356, %get3A_357] : memref<32x12x128xf32, #tpu.memory_space<vmem>>, vector<32x1x128xf32>
    %get3A_359 = vector.shape_cast %get3A_358 : vector<32x1x128xf32> to vector<32x128xf32>
    %dot_general3A_360 = arith.constant dense<0.000000e+00> : vector<32x128xf32>
    %dot_general3A_361 = tpu.matmul %get3A_359, %get3A_10, %dot_general3A_360 {dimension_numbers = #tpu.dot_dimension_numbers<[1], [0], [0], [1], [0, 0, 1, 1], [], []>, transpose_lhs_hint = false} : vector<32x128xf32>, vector<128x128xf32>, vector<32x128xf32> -> vector<32x128xf32>
    %dot_general3A_362 = arith.constant dense<0.000000e+00> : vector<32x128xf32>
    %dot_general3A_363 = tpu.matmul %get3A_342, %get3A_13, %dot_general3A_362 {dimension_numbers = #tpu.dot_dimension_numbers<[1], [0], [0], [1], [0, 0, 1, 1], [], []>, transpose_lhs_hint = false} : vector<32x128xf32>, vector<128x128xf32>, vector<32x128xf32> -> vector<32x128xf32>
    %add3A_364 = arith.addf %dot_general3A_361, %dot_general3A_363 : vector<32x128xf32>
    %add3A_365 = arith.addf %add3A_364, %add3A_25 : vector<32x128xf32>
    %tanh3A_366 = math.tanh %add3A_365 : vector<32x128xf32>
    %get3A_367 = arith.constant 0 : index
    %get3A_368 = arith.constant 0 : index
    %get3A_369 = vector.load %arg11[%get3A_367, %get3A_368] : memref<128x128xf32, #tpu.memory_space<vmem>>, vector<128x128xf32>
    %dot_general3A_370 = arith.constant dense<0.000000e+00> : vector<32x128xf32>
    %dot_general3A_371 = tpu.matmul %get3A_337, %get3A_369, %dot_general3A_370 {dimension_numbers = #tpu.dot_dimension_numbers<[1], [0], [0], [1], [0, 0, 1, 1], [], []>, transpose_lhs_hint = false} : vector<32x128xf32>, vector<128x128xf32>, vector<32x128xf32> -> vector<32x128xf32>
    %get3A_372 = arith.constant 0 : index
    %get3A_373 = arith.constant 0 : index
    %get3A_374 = vector.load %arg12[%get3A_372, %get3A_373] : memref<128x128xf32, #tpu.memory_space<vmem>>, vector<128x128xf32>
    %dot_general3A_375 = arith.constant dense<0.000000e+00> : vector<32x128xf32>
    %dot_general3A_376 = tpu.matmul %tanh3A_354, %get3A_374, %dot_general3A_375 {dimension_numbers = #tpu.dot_dimension_numbers<[1], [0], [0], [1], [0, 0, 1, 1], [], []>, transpose_lhs_hint = false} : vector<32x128xf32>, vector<128x128xf32>, vector<32x128xf32> -> vector<32x128xf32>
    %add3A_377 = arith.addf %dot_general3A_371, %dot_general3A_376 : vector<32x128xf32>
    %tanh3A_378 = math.tanh %add3A_377 : vector<32x128xf32>
    %get3A_379 = arith.constant 0 : index
    %get3A_380 = arith.constant 0 : index
    %get3A_381 = vector.load %arg15[%get3A_379, %get3A_380] : memref<128x128xf32, #tpu.memory_space<vmem>>, vector<128x128xf32>
    %dot_general3A_382 = arith.constant dense<0.000000e+00> : vector<32x128xf32>
    %dot_general3A_383 = tpu.matmul %get3A_342, %get3A_381, %dot_general3A_382 {dimension_numbers = #tpu.dot_dimension_numbers<[1], [0], [0], [1], [0, 0, 1, 1], [], []>, transpose_lhs_hint = false} : vector<32x128xf32>, vector<128x128xf32>, vector<32x128xf32> -> vector<32x128xf32>
    %get3A_384 = arith.constant 0 : index
    %get3A_385 = arith.constant 0 : index
    %get3A_386 = vector.load %arg16[%get3A_384, %get3A_385] : memref<128x128xf32, #tpu.memory_space<vmem>>, vector<128x128xf32>
    %dot_general3A_387 = arith.constant dense<0.000000e+00> : vector<32x128xf32>
    %dot_general3A_388 = tpu.matmul %tanh3A_366, %get3A_386, %dot_general3A_387 {dimension_numbers = #tpu.dot_dimension_numbers<[1], [0], [0], [1], [0, 0, 1, 1], [], []>, transpose_lhs_hint = false} : vector<32x128xf32>, vector<128x128xf32>, vector<32x128xf32> -> vector<32x128xf32>
    %add3A_389 = arith.addf %dot_general3A_383, %dot_general3A_388 : vector<32x128xf32>
    %tanh3A_390 = math.tanh %add3A_389 : vector<32x128xf32>
    %swap3A_391 = arith.constant 0 : index
    %swap3A_392 = arith.constant 4 : index
    %swap3A_393 = arith.constant 0 : index
    %swap3A_394 = vector.load %arg29[%swap3A_391, %swap3A_392, %swap3A_393] : memref<32x12x128xf32, #tpu.memory_space<vmem>>, vector<32x1x128xf32>
    %swap3A_395 = vector.shape_cast %swap3A_394 : vector<32x1x128xf32> to vector<32x128xf32>
    %swap3A_396 = vector.shape_cast %tanh3A_378 : vector<32x128xf32> to vector<32x1x128xf32>
    tpu.vector_store %arg29[%swap3A_391, %swap3A_392, %swap3A_393], %swap3A_396 {strides = array<i32>} : memref<32x12x128xf32, #tpu.memory_space<vmem>>, vector<32x1x128xf32>,
    %swap3A_397 = arith.constant 0 : index
    %swap3A_398 = arith.constant 4 : index
    %swap3A_399 = arith.constant 0 : index
    %swap3A_400 = vector.load %arg30[%swap3A_397, %swap3A_398, %swap3A_399] : memref<32x12x128xf32, #tpu.memory_space<vmem>>, vector<32x1x128xf32>
    %swap3A_401 = vector.shape_cast %swap3A_400 : vector<32x1x128xf32> to vector<32x128xf32>
    %swap3A_402 = vector.shape_cast %tanh3A_390 : vector<32x128xf32> to vector<32x1x128xf32>
    tpu.vector_store %arg30[%swap3A_397, %swap3A_398, %swap3A_399], %swap3A_402 {strides = array<i32>} : memref<32x12x128xf32, #tpu.memory_space<vmem>>, vector<32x1x128xf32>,
    %mul3A_403 = arith.mulf %get3A_1, %tanh3A_378 : vector<32x128xf32>
    %reduce_sum3A_404 = arith.constant dense<0.000000e+00> : vector<32xf32>
    %reduce_sum3A_405 = vector.multi_reduction <add>, %mul3A_403, %reduce_sum3A_404 [1] : vector<32x128xf32> to vector<32xf32>
    %broadcast_in_dim3A_406 = vector.shape_cast %reduce_sum3A_405 : vector<32xf32> to vector<32x1xf32>
    %mul3A_407 = arith.mulf %get3A_7, %tanh3A_390 : vector<32x128xf32>
    %reduce_sum3A_408 = arith.constant dense<0.000000e+00> : vector<32xf32>
    %reduce_sum3A_409 = vector.multi_reduction <add>, %mul3A_407, %reduce_sum3A_408 [1] : vector<32x128xf32> to vector<32xf32>
    %broadcast_in_dim3A_410 = vector.shape_cast %reduce_sum3A_409 : vector<32xf32> to vector<32x1xf32>
    %get3A_411 = arith.constant 0 : index
    %get3A_412 = arith.constant 5 : index
    %get3A_413 = arith.constant 0 : index
    %get3A_414 = vector.load %arg2[%get3A_411, %get3A_412, %get3A_413] : memref<32x12x128xf32, #tpu.memory_space<vmem>>, vector<32x1x128xf32>
    %get3A_415 = vector.shape_cast %get3A_414 : vector<32x1x128xf32> to vector<32x128xf32>
    %get3A_416 = arith.constant 0 : index
    %get3A_417 = arith.constant 5 : index
    %get3A_418 = arith.constant 0 : index
    %get3A_419 = vector.load %arg3[%get3A_416, %get3A_417, %get3A_418] : memref<32x12x128xf32, #tpu.memory_space<vmem>>, vector<32x1x128xf32>
    %get3A_420 = vector.shape_cast %get3A_419 : vector<32x1x128xf32> to vector<32x128xf32>
    %get3A_421 = arith.constant 0 : index
    %get3A_422 = arith.constant 5 : index
    %get3A_423 = arith.constant 0 : index
    %get3A_424 = vector.load %arg0[%get3A_421, %get3A_422, %get3A_423] : memref<32x12x128xf32, #tpu.memory_space<vmem>>, vector<32x1x128xf32>
    %get3A_425 = vector.shape_cast %get3A_424 : vector<32x1x128xf32> to vector<32x128xf32>
    %dot_general3A_426 = arith.constant dense<0.000000e+00> : vector<32x128xf32>
    %dot_general3A_427 = tpu.matmul %get3A_425, %get3A_10, %dot_general3A_426 {dimension_numbers = #tpu.dot_dimension_numbers<[1], [0], [0], [1], [0, 0, 1, 1], [], []>, transpose_lhs_hint = false} : vector<32x128xf32>, vector<128x128xf32>, vector<32x128xf32> -> vector<32x128xf32>
    %add3A_428 = arith.addf %dot_general3A_427, %add3A_21 : vector<32x128xf32>
    %dot_general3A_429 = arith.constant dense<0.000000e+00> : vector<32x128xf32>
    %dot_general3A_430 = tpu.matmul %get3A_415, %get3A_16, %dot_general3A_429 {dimension_numbers = #tpu.dot_dimension_numbers<[1], [0], [0], [1], [0, 0, 1, 1], [], []>, transpose_lhs_hint = false} : vector<32x128xf32>, vector<128x128xf32>, vector<32x128xf32> -> vector<32x128xf32>
    %add3A_431 = arith.addf %add3A_428, %dot_general3A_430 : vector<32x128xf32>
    %tanh3A_432 = math.tanh %add3A_431 : vector<32x128xf32>
    %get3A_433 = arith.constant 0 : index
    %get3A_434 = arith.constant 5 : index
    %get3A_435 = arith.constant 0 : index
    %get3A_436 = vector.load %arg1[%get3A_433, %get3A_434, %get3A_435] : memref<32x12x128xf32, #tpu.memory_space<vmem>>, vector<32x1x128xf32>
    %get3A_437 = vector.shape_cast %get3A_436 : vector<32x1x128xf32> to vector<32x128xf32>
    %dot_general3A_438 = arith.constant dense<0.000000e+00> : vector<32x128xf32>
    %dot_general3A_439 = tpu.matmul %get3A_437, %get3A_10, %dot_general3A_438 {dimension_numbers = #tpu.dot_dimension_numbers<[1], [0], [0], [1], [0, 0, 1, 1], [], []>, transpose_lhs_hint = false} : vector<32x128xf32>, vector<128x128xf32>, vector<32x128xf32> -> vector<32x128xf32>
    %dot_general3A_440 = arith.constant dense<0.000000e+00> : vector<32x128xf32>
    %dot_general3A_441 = tpu.matmul %get3A_420, %get3A_13, %dot_general3A_440 {dimension_numbers = #tpu.dot_dimension_numbers<[1], [0], [0], [1], [0, 0, 1, 1], [], []>, transpose_lhs_hint = false} : vector<32x128xf32>, vector<128x128xf32>, vector<32x128xf32> -> vector<32x128xf32>
    %add3A_442 = arith.addf %dot_general3A_439, %dot_general3A_441 : vector<32x128xf32>
    %add3A_443 = arith.addf %add3A_442, %add3A_25 : vector<32x128xf32>
    %tanh3A_444 = math.tanh %add3A_443 : vector<32x128xf32>
    %get3A_445 = arith.constant 0 : index
    %get3A_446 = arith.constant 0 : index
    %get3A_447 = vector.load %arg11[%get3A_445, %get3A_446] : memref<128x128xf32, #tpu.memory_space<vmem>>, vector<128x128xf32>
    %dot_general3A_448 = arith.constant dense<0.000000e+00> : vector<32x128xf32>
    %dot_general3A_449 = tpu.matmul %get3A_415, %get3A_447, %dot_general3A_448 {dimension_numbers = #tpu.dot_dimension_numbers<[1], [0], [0], [1], [0, 0, 1, 1], [], []>, transpose_lhs_hint = false} : vector<32x128xf32>, vector<128x128xf32>, vector<32x128xf32> -> vector<32x128xf32>
    %get3A_450 = arith.constant 0 : index
    %get3A_451 = arith.constant 0 : index
    %get3A_452 = vector.load %arg12[%get3A_450, %get3A_451] : memref<128x128xf32, #tpu.memory_space<vmem>>, vector<128x128xf32>
    %dot_general3A_453 = arith.constant dense<0.000000e+00> : vector<32x128xf32>
    %dot_general3A_454 = tpu.matmul %tanh3A_432, %get3A_452, %dot_general3A_453 {dimension_numbers = #tpu.dot_dimension_numbers<[1], [0], [0], [1], [0, 0, 1, 1], [], []>, transpose_lhs_hint = false} : vector<32x128xf32>, vector<128x128xf32>, vector<32x128xf32> -> vector<32x128xf32>
    %add3A_455 = arith.addf %dot_general3A_449, %dot_general3A_454 : vector<32x128xf32>
    %tanh3A_456 = math.tanh %add3A_455 : vector<32x128xf32>
    %get3A_457 = arith.constant 0 : index
    %get3A_458 = arith.constant 0 : index
    %get3A_459 = vector.load %arg15[%get3A_457, %get3A_458] : memref<128x128xf32, #tpu.memory_space<vmem>>, vector<128x128xf32>
    %dot_general3A_460 = arith.constant dense<0.000000e+00> : vector<32x128xf32>
    %dot_general3A_461 = tpu.matmul %get3A_420, %get3A_459, %dot_general3A_460 {dimension_numbers = #tpu.dot_dimension_numbers<[1], [0], [0], [1], [0, 0, 1, 1], [], []>, transpose_lhs_hint = false} : vector<32x128xf32>, vector<128x128xf32>, vector<32x128xf32> -> vector<32x128xf32>
    %get3A_462 = arith.constant 0 : index
    %get3A_463 = arith.constant 0 : index
    %get3A_464 = vector.load %arg16[%get3A_462, %get3A_463] : memref<128x128xf32, #tpu.memory_space<vmem>>, vector<128x128xf32>
    %dot_general3A_465 = arith.constant dense<0.000000e+00> : vector<32x128xf32>
    %dot_general3A_466 = tpu.matmul %tanh3A_444, %get3A_464, %dot_general3A_465 {dimension_numbers = #tpu.dot_dimension_numbers<[1], [0], [0], [1], [0, 0, 1, 1], [], []>, transpose_lhs_hint = false} : vector<32x128xf32>, vector<128x128xf32>, vector<32x128xf32> -> vector<32x128xf32>
    %add3A_467 = arith.addf %dot_general3A_461, %dot_general3A_466 : vector<32x128xf32>
    %tanh3A_468 = math.tanh %add3A_467 : vector<32x128xf32>
    %swap3A_469 = arith.constant 0 : index
    %swap3A_470 = arith.constant 5 : index
    %swap3A_471 = arith.constant 0 : index
    %swap3A_472 = vector.load %arg29[%swap3A_469, %swap3A_470, %swap3A_471] : memref<32x12x128xf32, #tpu.memory_space<vmem>>, vector<32x1x128xf32>
    %swap3A_473 = vector.shape_cast %swap3A_472 : vector<32x1x128xf32> to vector<32x128xf32>
    %swap3A_474 = vector.shape_cast %tanh3A_456 : vector<32x128xf32> to vector<32x1x128xf32>
    tpu.vector_store %arg29[%swap3A_469, %swap3A_470, %swap3A_471], %swap3A_474 {strides = array<i32>} : memref<32x12x128xf32, #tpu.memory_space<vmem>>, vector<32x1x128xf32>,
    %swap3A_475 = arith.constant 0 : index
    %swap3A_476 = arith.constant 5 : index
    %swap3A_477 = arith.constant 0 : index
    %swap3A_478 = vector.load %arg30[%swap3A_475, %swap3A_476, %swap3A_477] : memref<32x12x128xf32, #tpu.memory_space<vmem>>, vector<32x1x128xf32>
    %swap3A_479 = vector.shape_cast %swap3A_478 : vector<32x1x128xf32> to vector<32x128xf32>
    %swap3A_480 = vector.shape_cast %tanh3A_468 : vector<32x128xf32> to vector<32x1x128xf32>
    tpu.vector_store %arg30[%swap3A_475, %swap3A_476, %swap3A_477], %swap3A_480 {strides = array<i32>} : memref<32x12x128xf32, #tpu.memory_space<vmem>>, vector<32x1x128xf32>,
    %mul3A_481 = arith.mulf %get3A_1, %tanh3A_456 : vector<32x128xf32>
    %reduce_sum3A_482 = arith.constant dense<0.000000e+00> : vector<32xf32>
    %reduce_sum3A_483 = vector.multi_reduction <add>, %mul3A_481, %reduce_sum3A_482 [1] : vector<32x128xf32> to vector<32xf32>
    %broadcast_in_dim3A_484 = vector.shape_cast %reduce_sum3A_483 : vector<32xf32> to vector<32x1xf32>
    %mul3A_485 = arith.mulf %get3A_7, %tanh3A_468 : vector<32x128xf32>
    %reduce_sum3A_486 = arith.constant dense<0.000000e+00> : vector<32xf32>
    %reduce_sum3A_487 = vector.multi_reduction <add>, %mul3A_485, %reduce_sum3A_486 [1] : vector<32x128xf32> to vector<32xf32>
    %broadcast_in_dim3A_488 = vector.shape_cast %reduce_sum3A_487 : vector<32xf32> to vector<32x1xf32>
    %get3A_489 = arith.constant 0 : index
    %get3A_490 = arith.constant 6 : index
    %get3A_491 = arith.constant 0 : index
    %get3A_492 = vector.load %arg2[%get3A_489, %get3A_490, %get3A_491] : memref<32x12x128xf32, #tpu.memory_space<vmem>>, vector<32x1x128xf32>
    %get3A_493 = vector.shape_cast %get3A_492 : vector<32x1x128xf32> to vector<32x128xf32>
    %get3A_494 = arith.constant 0 : index
    %get3A_495 = arith.constant 6 : index
    %get3A_496 = arith.constant 0 : index
    %get3A_497 = vector.load %arg3[%get3A_494, %get3A_495, %get3A_496] : memref<32x12x128xf32, #tpu.memory_space<vmem>>, vector<32x1x128xf32>
    %get3A_498 = vector.shape_cast %get3A_497 : vector<32x1x128xf32> to vector<32x128xf32>
    %get3A_499 = arith.constant 0 : index
    %get3A_500 = arith.constant 6 : index
    %get3A_501 = arith.constant 0 : index
    %get3A_502 = vector.load %arg0[%get3A_499, %get3A_500, %get3A_501] : memref<32x12x128xf32, #tpu.memory_space<vmem>>, vector<32x1x128xf32>
    %get3A_503 = vector.shape_cast %get3A_502 : vector<32x1x128xf32> to vector<32x128xf32>
    %dot_general3A_504 = arith.constant dense<0.000000e+00> : vector<32x128xf32>
    %dot_general3A_505 = tpu.matmul %get3A_503, %get3A_10, %dot_general3A_504 {dimension_numbers = #tpu.dot_dimension_numbers<[1], [0], [0], [1], [0, 0, 1, 1], [], []>, transpose_lhs_hint = false} : vector<32x128xf32>, vector<128x128xf32>, vector<32x128xf32> -> vector<32x128xf32>
    %add3A_506 = arith.addf %dot_general3A_505, %add3A_21 : vector<32x128xf32>
    %dot_general3A_507 = arith.constant dense<0.000000e+00> : vector<32x128xf32>
    %dot_general3A_508 = tpu.matmul %get3A_493, %get3A_16, %dot_general3A_507 {dimension_numbers = #tpu.dot_dimension_numbers<[1], [0], [0], [1], [0, 0, 1, 1], [], []>, transpose_lhs_hint = false} : vector<32x128xf32>, vector<128x128xf32>, vector<32x128xf32> -> vector<32x128xf32>
    %add3A_509 = arith.addf %add3A_506, %dot_general3A_508 : vector<32x128xf32>
    %tanh3A_510 = math.tanh %add3A_509 : vector<32x128xf32>
    %get3A_511 = arith.constant 0 : index
    %get3A_512 = arith.constant 6 : index
    %get3A_513 = arith.constant 0 : index
    %get3A_514 = vector.load %arg1[%get3A_511, %get3A_512, %get3A_513] : memref<32x12x128xf32, #tpu.memory_space<vmem>>, vector<32x1x128xf32>
    %get3A_515 = vector.shape_cast %get3A_514 : vector<32x1x128xf32> to vector<32x128xf32>
    %dot_general3A_516 = arith.constant dense<0.000000e+00> : vector<32x128xf32>
    %dot_general3A_517 = tpu.matmul %get3A_515, %get3A_10, %dot_general3A_516 {dimension_numbers = #tpu.dot_dimension_numbers<[1], [0], [0], [1], [0, 0, 1, 1], [], []>, transpose_lhs_hint = false} : vector<32x128xf32>, vector<128x128xf32>, vector<32x128xf32> -> vector<32x128xf32>
    %dot_general3A_518 = arith.constant dense<0.000000e+00> : vector<32x128xf32>
    %dot_general3A_519 = tpu.matmul %get3A_498, %get3A_13, %dot_general3A_518 {dimension_numbers = #tpu.dot_dimension_numbers<[1], [0], [0], [1], [0, 0, 1, 1], [], []>, transpose_lhs_hint = false} : vector<32x128xf32>, vector<128x128xf32>, vector<32x128xf32> -> vector<32x128xf32>
    %add3A_520 = arith.addf %dot_general3A_517, %dot_general3A_519 : vector<32x128xf32>
    %add3A_521 = arith.addf %add3A_520, %add3A_25 : vector<32x128xf32>
    %tanh3A_522 = math.tanh %add3A_521 : vector<32x128xf32>
    %get3A_523 = arith.constant 0 : index
    %get3A_524 = arith.constant 0 : index
    %get3A_525 = vector.load %arg11[%get3A_523, %get3A_524] : memref<128x128xf32, #tpu.memory_space<vmem>>, vector<128x128xf32>
    %dot_general3A_526 = arith.constant dense<0.000000e+00> : vector<32x128xf32>
    %dot_general3A_527 = tpu.matmul %get3A_493, %get3A_525, %dot_general3A_526 {dimension_numbers = #tpu.dot_dimension_numbers<[1], [0], [0], [1], [0, 0, 1, 1], [], []>, transpose_lhs_hint = false} : vector<32x128xf32>, vector<128x128xf32>, vector<32x128xf32> -> vector<32x128xf32>
    %get3A_528 = arith.constant 0 : index
    %get3A_529 = arith.constant 0 : index
    %get3A_530 = vector.load %arg12[%get3A_528, %get3A_529] : memref<128x128xf32, #tpu.memory_space<vmem>>, vector<128x128xf32>
    %dot_general3A_531 = arith.constant dense<0.000000e+00> : vector<32x128xf32>
    %dot_general3A_532 = tpu.matmul %tanh3A_510, %get3A_530, %dot_general3A_531 {dimension_numbers = #tpu.dot_dimension_numbers<[1], [0], [0], [1], [0, 0, 1, 1], [], []>, transpose_lhs_hint = false} : vector<32x128xf32>, vector<128x128xf32>, vector<32x128xf32> -> vector<32x128xf32>
    %add3A_533 = arith.addf %dot_general3A_527, %dot_general3A_532 : vector<32x128xf32>
    %tanh3A_534 = math.tanh %add3A_533 : vector<32x128xf32>
    %get3A_535 = arith.constant 0 : index
    %get3A_536 = arith.constant 0 : index
    %get3A_537 = vector.load %arg15[%get3A_535, %get3A_536] : memref<128x128xf32, #tpu.memory_space<vmem>>, vector<128x128xf32>
    %dot_general3A_538 = arith.constant dense<0.000000e+00> : vector<32x128xf32>
    %dot_general3A_539 = tpu.matmul %get3A_498, %get3A_537, %dot_general3A_538 {dimension_numbers = #tpu.dot_dimension_numbers<[1], [0], [0], [1], [0, 0, 1, 1], [], []>, transpose_lhs_hint = false} : vector<32x128xf32>, vector<128x128xf32>, vector<32x128xf32> -> vector<32x128xf32>
    %get3A_540 = arith.constant 0 : index
    %get3A_541 = arith.constant 0 : index
    %get3A_542 = vector.load %arg16[%get3A_540, %get3A_541] : memref<128x128xf32, #tpu.memory_space<vmem>>, vector<128x128xf32>
    %dot_general3A_543 = arith.constant dense<0.000000e+00> : vector<32x128xf32>
    %dot_general3A_544 = tpu.matmul %tanh3A_522, %get3A_542, %dot_general3A_543 {dimension_numbers = #tpu.dot_dimension_numbers<[1], [0], [0], [1], [0, 0, 1, 1], [], []>, transpose_lhs_hint = false} : vector<32x128xf32>, vector<128x128xf32>, vector<32x128xf32> -> vector<32x128xf32>
    %add3A_545 = arith.addf %dot_general3A_539, %dot_general3A_544 : vector<32x128xf32>
    %tanh3A_546 = math.tanh %add3A_545 : vector<32x128xf32>
    %swap3A_547 = arith.constant 0 : index
    %swap3A_548 = arith.constant 6 : index
    %swap3A_549 = arith.constant 0 : index
    %swap3A_550 = vector.load %arg29[%swap3A_547, %swap3A_548, %swap3A_549] : memref<32x12x128xf32, #tpu.memory_space<vmem>>, vector<32x1x128xf32>
    %swap3A_551 = vector.shape_cast %swap3A_550 : vector<32x1x128xf32> to vector<32x128xf32>
    %swap3A_552 = vector.shape_cast %tanh3A_534 : vector<32x128xf32> to vector<32x1x128xf32>
    tpu.vector_store %arg29[%swap3A_547, %swap3A_548, %swap3A_549], %swap3A_552 {strides = array<i32>} : memref<32x12x128xf32, #tpu.memory_space<vmem>>, vector<32x1x128xf32>,
    %swap3A_553 = arith.constant 0 : index
    %swap3A_554 = arith.constant 6 : index
    %swap3A_555 = arith.constant 0 : index
    %swap3A_556 = vector.load %arg30[%swap3A_553, %swap3A_554, %swap3A_555] : memref<32x12x128xf32, #tpu.memory_space<vmem>>, vector<32x1x128xf32>
    %swap3A_557 = vector.shape_cast %swap3A_556 : vector<32x1x128xf32> to vector<32x128xf32>
    %swap3A_558 = vector.shape_cast %tanh3A_546 : vector<32x128xf32> to vector<32x1x128xf32>
    tpu.vector_store %arg30[%swap3A_553, %swap3A_554, %swap3A_555], %swap3A_558 {strides = array<i32>} : memref<32x12x128xf32, #tpu.memory_space<vmem>>, vector<32x1x128xf32>,
    %mul3A_559 = arith.mulf %get3A_1, %tanh3A_534 : vector<32x128xf32>
    %reduce_sum3A_560 = arith.constant dense<0.000000e+00> : vector<32xf32>
    %reduce_sum3A_561 = vector.multi_reduction <add>, %mul3A_559, %reduce_sum3A_560 [1] : vector<32x128xf32> to vector<32xf32>
    %broadcast_in_dim3A_562 = vector.shape_cast %reduce_sum3A_561 : vector<32xf32> to vector<32x1xf32>
    %mul3A_563 = arith.mulf %get3A_7, %tanh3A_546 : vector<32x128xf32>
    %reduce_sum3A_564 = arith.constant dense<0.000000e+00> : vector<32xf32>
    %reduce_sum3A_565 = vector.multi_reduction <add>, %mul3A_563, %reduce_sum3A_564 [1] : vector<32x128xf32> to vector<32xf32>
    %broadcast_in_dim3A_566 = vector.shape_cast %reduce_sum3A_565 : vector<32xf32> to vector<32x1xf32>
    %get3A_567 = arith.constant 0 : index
    %get3A_568 = arith.constant 7 : index
    %get3A_569 = arith.constant 0 : index
    %get3A_570 = vector.load %arg2[%get3A_567, %get3A_568, %get3A_569] : memref<32x12x128xf32, #tpu.memory_space<vmem>>, vector<32x1x128xf32>
    %get3A_571 = vector.shape_cast %get3A_570 : vector<32x1x128xf32> to vector<32x128xf32>
    %get3A_572 = arith.constant 0 : index
    %get3A_573 = arith.constant 7 : index
    %get3A_574 = arith.constant 0 : index
    %get3A_575 = vector.load %arg3[%get3A_572, %get3A_573, %get3A_574] : memref<32x12x128xf32, #tpu.memory_space<vmem>>, vector<32x1x128xf32>
    %get3A_576 = vector.shape_cast %get3A_575 : vector<32x1x128xf32> to vector<32x128xf32>
    %get3A_577 = arith.constant 0 : index
    %get3A_578 = arith.constant 7 : index
    %get3A_579 = arith.constant 0 : index
    %get3A_580 = vector.load %arg0[%get3A_577, %get3A_578, %get3A_579] : memref<32x12x128xf32, #tpu.memory_space<vmem>>, vector<32x1x128xf32>
    %get3A_581 = vector.shape_cast %get3A_580 : vector<32x1x128xf32> to vector<32x128xf32>
    %dot_general3A_582 = arith.constant dense<0.000000e+00> : vector<32x128xf32>
    %dot_general3A_583 = tpu.matmul %get3A_581, %get3A_10, %dot_general3A_582 {dimension_numbers = #tpu.dot_dimension_numbers<[1], [0], [0], [1], [0, 0, 1, 1], [], []>, transpose_lhs_hint = false} : vector<32x128xf32>, vector<128x128xf32>, vector<32x128xf32> -> vector<32x128xf32>
    %add3A_584 = arith.addf %dot_general3A_583, %add3A_21 : vector<32x128xf32>
    %dot_general3A_585 = arith.constant dense<0.000000e+00> : vector<32x128xf32>
    %dot_general3A_586 = tpu.matmul %get3A_571, %get3A_16, %dot_general3A_585 {dimension_numbers = #tpu.dot_dimension_numbers<[1], [0], [0], [1], [0, 0, 1, 1], [], []>, transpose_lhs_hint = false} : vector<32x128xf32>, vector<128x128xf32>, vector<32x128xf32> -> vector<32x128xf32>
    %add3A_587 = arith.addf %add3A_584, %dot_general3A_586 : vector<32x128xf32>
    %tanh3A_588 = math.tanh %add3A_587 : vector<32x128xf32>
    %get3A_589 = arith.constant 0 : index
    %get3A_590 = arith.constant 7 : index
    %get3A_591 = arith.constant 0 : index
    %get3A_592 = vector.load %arg1[%get3A_589, %get3A_590, %get3A_591] : memref<32x12x128xf32, #tpu.memory_space<vmem>>, vector<32x1x128xf32>
    %get3A_593 = vector.shape_cast %get3A_592 : vector<32x1x128xf32> to vector<32x128xf32>
    %dot_general3A_594 = arith.constant dense<0.000000e+00> : vector<32x128xf32>
    %dot_general3A_595 = tpu.matmul %get3A_593, %get3A_10, %dot_general3A_594 {dimension_numbers = #tpu.dot_dimension_numbers<[1], [0], [0], [1], [0, 0, 1, 1], [], []>, transpose_lhs_hint = false} : vector<32x128xf32>, vector<128x128xf32>, vector<32x128xf32> -> vector<32x128xf32>
    %dot_general3A_596 = arith.constant dense<0.000000e+00> : vector<32x128xf32>
    %dot_general3A_597 = tpu.matmul %get3A_576, %get3A_13, %dot_general3A_596 {dimension_numbers = #tpu.dot_dimension_numbers<[1], [0], [0], [1], [0, 0, 1, 1], [], []>, transpose_lhs_hint = false} : vector<32x128xf32>, vector<128x128xf32>, vector<32x128xf32> -> vector<32x128xf32>
    %add3A_598 = arith.addf %dot_general3A_595, %dot_general3A_597 : vector<32x128xf32>
    %add3A_599 = arith.addf %add3A_598, %add3A_25 : vector<32x128xf32>
    %tanh3A_600 = math.tanh %add3A_599 : vector<32x128xf32>
    %get3A_601 = arith.constant 0 : index
    %get3A_602 = arith.constant 0 : index
    %get3A_603 = vector.load %arg11[%get3A_601, %get3A_602] : memref<128x128xf32, #tpu.memory_space<vmem>>, vector<128x128xf32>
    %dot_general3A_604 = arith.constant dense<0.000000e+00> : vector<32x128xf32>
    %dot_general3A_605 = tpu.matmul %get3A_571, %get3A_603, %dot_general3A_604 {dimension_numbers = #tpu.dot_dimension_numbers<[1], [0], [0], [1], [0, 0, 1, 1], [], []>, transpose_lhs_hint = false} : vector<32x128xf32>, vector<128x128xf32>, vector<32x128xf32> -> vector<32x128xf32>
    %get3A_606 = arith.constant 0 : index
    %get3A_607 = arith.constant 0 : index
    %get3A_608 = vector.load %arg12[%get3A_606, %get3A_607] : memref<128x128xf32, #tpu.memory_space<vmem>>, vector<128x128xf32>
    %dot_general3A_609 = arith.constant dense<0.000000e+00> : vector<32x128xf32>
    %dot_general3A_610 = tpu.matmul %tanh3A_588, %get3A_608, %dot_general3A_609 {dimension_numbers = #tpu.dot_dimension_numbers<[1], [0], [0], [1], [0, 0, 1, 1], [], []>, transpose_lhs_hint = false} : vector<32x128xf32>, vector<128x128xf32>, vector<32x128xf32> -> vector<32x128xf32>
    %add3A_611 = arith.addf %dot_general3A_605, %dot_general3A_610 : vector<32x128xf32>
    %tanh3A_612 = math.tanh %add3A_611 : vector<32x128xf32>
    %get3A_613 = arith.constant 0 : index
    %get3A_614 = arith.constant 0 : index
    %get3A_615 = vector.load %arg15[%get3A_613, %get3A_614] : memref<128x128xf32, #tpu.memory_space<vmem>>, vector<128x128xf32>
    %dot_general3A_616 = arith.constant dense<0.000000e+00> : vector<32x128xf32>
    %dot_general3A_617 = tpu.matmul %get3A_576, %get3A_615, %dot_general3A_616 {dimension_numbers = #tpu.dot_dimension_numbers<[1], [0], [0], [1], [0, 0, 1, 1], [], []>, transpose_lhs_hint = false} : vector<32x128xf32>, vector<128x128xf32>, vector<32x128xf32> -> vector<32x128xf32>
    %get3A_618 = arith.constant 0 : index
    %get3A_619 = arith.constant 0 : index
    %get3A_620 = vector.load %arg16[%get3A_618, %get3A_619] : memref<128x128xf32, #tpu.memory_space<vmem>>, vector<128x128xf32>
    %dot_general3A_621 = arith.constant dense<0.000000e+00> : vector<32x128xf32>
    %dot_general3A_622 = tpu.matmul %tanh3A_600, %get3A_620, %dot_general3A_621 {dimension_numbers = #tpu.dot_dimension_numbers<[1], [0], [0], [1], [0, 0, 1, 1], [], []>, transpose_lhs_hint = false} : vector<32x128xf32>, vector<128x128xf32>, vector<32x128xf32> -> vector<32x128xf32>
    %add3A_623 = arith.addf %dot_general3A_617, %dot_general3A_622 : vector<32x128xf32>
    %tanh3A_624 = math.tanh %add3A_623 : vector<32x128xf32>
    %swap3A_625 = arith.constant 0 : index
    %swap3A_626 = arith.constant 7 : index
    %swap3A_627 = arith.constant 0 : index
    %swap3A_628 = vector.load %arg29[%swap3A_625, %swap3A_626, %swap3A_627] : memref<32x12x128xf32, #tpu.memory_space<vmem>>, vector<32x1x128xf32>
    %swap3A_629 = vector.shape_cast %swap3A_628 : vector<32x1x128xf32> to vector<32x128xf32>
    %swap3A_630 = vector.shape_cast %tanh3A_612 : vector<32x128xf32> to vector<32x1x128xf32>
    tpu.vector_store %arg29[%swap3A_625, %swap3A_626, %swap3A_627], %swap3A_630 {strides = array<i32>} : memref<32x12x128xf32, #tpu.memory_space<vmem>>, vector<32x1x128xf32>,
    %swap3A_631 = arith.constant 0 : index
    %swap3A_632 = arith.constant 7 : index
    %swap3A_633 = arith.constant 0 : index
    %swap3A_634 = vector.load %arg30[%swap3A_631, %swap3A_632, %swap3A_633] : memref<32x12x128xf32, #tpu.memory_space<vmem>>, vector<32x1x128xf32>
    %swap3A_635 = vector.shape_cast %swap3A_634 : vector<32x1x128xf32> to vector<32x128xf32>
    %swap3A_636 = vector.shape_cast %tanh3A_624 : vector<32x128xf32> to vector<32x1x128xf32>
    tpu.vector_store %arg30[%swap3A_631, %swap3A_632, %swap3A_633], %swap3A_636 {strides = array<i32>} : memref<32x12x128xf32, #tpu.memory_space<vmem>>, vector<32x1x128xf32>,
    %mul3A_637 = arith.mulf %get3A_1, %tanh3A_612 : vector<32x128xf32>
    %reduce_sum3A_638 = arith.constant dense<0.000000e+00> : vector<32xf32>
    %reduce_sum3A_639 = vector.multi_reduction <add>, %mul3A_637, %reduce_sum3A_638 [1] : vector<32x128xf32> to vector<32xf32>
    %broadcast_in_dim3A_640 = vector.shape_cast %reduce_sum3A_639 : vector<32xf32> to vector<32x1xf32>
    %mul3A_641 = arith.mulf %get3A_7, %tanh3A_624 : vector<32x128xf32>
    %reduce_sum3A_642 = arith.constant dense<0.000000e+00> : vector<32xf32>
    %reduce_sum3A_643 = vector.multi_reduction <add>, %mul3A_641, %reduce_sum3A_642 [1] : vector<32x128xf32> to vector<32xf32>
    %broadcast_in_dim3A_644 = vector.shape_cast %reduce_sum3A_643 : vector<32xf32> to vector<32x1xf32>
    %get3A_645 = arith.constant 0 : index
    %get3A_646 = arith.constant 8 : index
    %get3A_647 = arith.constant 0 : index
    %get3A_648 = vector.load %arg2[%get3A_645, %get3A_646, %get3A_647] : memref<32x12x128xf32, #tpu.memory_space<vmem>>, vector<32x1x128xf32>
    %get3A_649 = vector.shape_cast %get3A_648 : vector<32x1x128xf32> to vector<32x128xf32>
    %get3A_650 = arith.constant 0 : index
    %get3A_651 = arith.constant 8 : index
    %get3A_652 = arith.constant 0 : index
    %get3A_653 = vector.load %arg3[%get3A_650, %get3A_651, %get3A_652] : memref<32x12x128xf32, #tpu.memory_space<vmem>>, vector<32x1x128xf32>
    %get3A_654 = vector.shape_cast %get3A_653 : vector<32x1x128xf32> to vector<32x128xf32>
    %get3A_655 = arith.constant 0 : index
    %get3A_656 = arith.constant 8 : index
    %get3A_657 = arith.constant 0 : index
    %get3A_658 = vector.load %arg0[%get3A_655, %get3A_656, %get3A_657] : memref<32x12x128xf32, #tpu.memory_space<vmem>>, vector<32x1x128xf32>
    %get3A_659 = vector.shape_cast %get3A_658 : vector<32x1x128xf32> to vector<32x128xf32>
    %dot_general3A_660 = arith.constant dense<0.000000e+00> : vector<32x128xf32>
    %dot_general3A_661 = tpu.matmul %get3A_659, %get3A_10, %dot_general3A_660 {dimension_numbers = #tpu.dot_dimension_numbers<[1], [0], [0], [1], [0, 0, 1, 1], [], []>, transpose_lhs_hint = false} : vector<32x128xf32>, vector<128x128xf32>, vector<32x128xf32> -> vector<32x128xf32>
    %add3A_662 = arith.addf %dot_general3A_661, %add3A_21 : vector<32x128xf32>
    %dot_general3A_663 = arith.constant dense<0.000000e+00> : vector<32x128xf32>
    %dot_general3A_664 = tpu.matmul %get3A_649, %get3A_16, %dot_general3A_663 {dimension_numbers = #tpu.dot_dimension_numbers<[1], [0], [0], [1], [0, 0, 1, 1], [], []>, transpose_lhs_hint = false} : vector<32x128xf32>, vector<128x128xf32>, vector<32x128xf32> -> vector<32x128xf32>
    %add3A_665 = arith.addf %add3A_662, %dot_general3A_664 : vector<32x128xf32>
    %tanh3A_666 = math.tanh %add3A_665 : vector<32x128xf32>
    %get3A_667 = arith.constant 0 : index
    %get3A_668 = arith.constant 8 : index
    %get3A_669 = arith.constant 0 : index
    %get3A_670 = vector.load %arg1[%get3A_667, %get3A_668, %get3A_669] : memref<32x12x128xf32, #tpu.memory_space<vmem>>, vector<32x1x128xf32>
    %get3A_671 = vector.shape_cast %get3A_670 : vector<32x1x128xf32> to vector<32x128xf32>
    %dot_general3A_672 = arith.constant dense<0.000000e+00> : vector<32x128xf32>
    %dot_general3A_673 = tpu.matmul %get3A_671, %get3A_10, %dot_general3A_672 {dimension_numbers = #tpu.dot_dimension_numbers<[1], [0], [0], [1], [0, 0, 1, 1], [], []>, transpose_lhs_hint = false} : vector<32x128xf32>, vector<128x128xf32>, vector<32x128xf32> -> vector<32x128xf32>
    %dot_general3A_674 = arith.constant dense<0.000000e+00> : vector<32x128xf32>
    %dot_general3A_675 = tpu.matmul %get3A_654, %get3A_13, %dot_general3A_674 {dimension_numbers = #tpu.dot_dimension_numbers<[1], [0], [0], [1], [0, 0, 1, 1], [], []>, transpose_lhs_hint = false} : vector<32x128xf32>, vector<128x128xf32>, vector<32x128xf32> -> vector<32x128xf32>
    %add3A_676 = arith.addf %dot_general3A_673, %dot_general3A_675 : vector<32x128xf32>
    %add3A_677 = arith.addf %add3A_676, %add3A_25 : vector<32x128xf32>
    %tanh3A_678 = math.tanh %add3A_677 : vector<32x128xf32>
    %get3A_679 = arith.constant 0 : index
    %get3A_680 = arith.constant 0 : index
    %get3A_681 = vector.load %arg11[%get3A_679, %get3A_680] : memref<128x128xf32, #tpu.memory_space<vmem>>, vector<128x128xf32>
    %dot_general3A_682 = arith.constant dense<0.000000e+00> : vector<32x128xf32>
    %dot_general3A_683 = tpu.matmul %get3A_649, %get3A_681, %dot_general3A_682 {dimension_numbers = #tpu.dot_dimension_numbers<[1], [0], [0], [1], [0, 0, 1, 1], [], []>, transpose_lhs_hint = false} : vector<32x128xf32>, vector<128x128xf32>, vector<32x128xf32> -> vector<32x128xf32>
    %get3A_684 = arith.constant 0 : index
    %get3A_685 = arith.constant 0 : index
    %get3A_686 = vector.load %arg12[%get3A_684, %get3A_685] : memref<128x128xf32, #tpu.memory_space<vmem>>, vector<128x128xf32>
    %dot_general3A_687 = arith.constant dense<0.000000e+00> : vector<32x128xf32>
    %dot_general3A_688 = tpu.matmul %tanh3A_666, %get3A_686, %dot_general3A_687 {dimension_numbers = #tpu.dot_dimension_numbers<[1], [0], [0], [1], [0, 0, 1, 1], [], []>, transpose_lhs_hint = false} : vector<32x128xf32>, vector<128x128xf32>, vector<32x128xf32> -> vector<32x128xf32>
    %add3A_689 = arith.addf %dot_general3A_683, %dot_general3A_688 : vector<32x128xf32>
    %tanh3A_690 = math.tanh %add3A_689 : vector<32x128xf32>
    %get3A_691 = arith.constant 0 : index
    %get3A_692 = arith.constant 0 : index
    %get3A_693 = vector.load %arg15[%get3A_691, %get3A_692] : memref<128x128xf32, #tpu.memory_space<vmem>>, vector<128x128xf32>
    %dot_general3A_694 = arith.constant dense<0.000000e+00> : vector<32x128xf32>
    %dot_general3A_695 = tpu.matmul %get3A_654, %get3A_693, %dot_general3A_694 {dimension_numbers = #tpu.dot_dimension_numbers<[1], [0], [0], [1], [0, 0, 1, 1], [], []>, transpose_lhs_hint = false} : vector<32x128xf32>, vector<128x128xf32>, vector<32x128xf32> -> vector<32x128xf32>
    %get3A_696 = arith.constant 0 : index
    %get3A_697 = arith.constant 0 : index
    %get3A_698 = vector.load %arg16[%get3A_696, %get3A_697] : memref<128x128xf32, #tpu.memory_space<vmem>>, vector<128x128xf32>
    %dot_general3A_699 = arith.constant dense<0.000000e+00> : vector<32x128xf32>
    %dot_general3A_700 = tpu.matmul %tanh3A_678, %get3A_698, %dot_general3A_699 {dimension_numbers = #tpu.dot_dimension_numbers<[1], [0], [0], [1], [0, 0, 1, 1], [], []>, transpose_lhs_hint = false} : vector<32x128xf32>, vector<128x128xf32>, vector<32x128xf32> -> vector<32x128xf32>
    %add3A_701 = arith.addf %dot_general3A_695, %dot_general3A_700 : vector<32x128xf32>
    %tanh3A_702 = math.tanh %add3A_701 : vector<32x128xf32>
    %swap3A_703 = arith.constant 0 : index
    %swap3A_704 = arith.constant 8 : index
    %swap3A_705 = arith.constant 0 : index
    %swap3A_706 = vector.load %arg29[%swap3A_703, %swap3A_704, %swap3A_705] : memref<32x12x128xf32, #tpu.memory_space<vmem>>, vector<32x1x128xf32>
    %swap3A_707 = vector.shape_cast %swap3A_706 : vector<32x1x128xf32> to vector<32x128xf32>
    %swap3A_708 = vector.shape_cast %tanh3A_690 : vector<32x128xf32> to vector<32x1x128xf32>
    tpu.vector_store %arg29[%swap3A_703, %swap3A_704, %swap3A_705], %swap3A_708 {strides = array<i32>} : memref<32x12x128xf32, #tpu.memory_space<vmem>>, vector<32x1x128xf32>,
    %swap3A_709 = arith.constant 0 : index
    %swap3A_710 = arith.constant 8 : index
    %swap3A_711 = arith.constant 0 : index
    %swap3A_712 = vector.load %arg30[%swap3A_709, %swap3A_710, %swap3A_711] : memref<32x12x128xf32, #tpu.memory_space<vmem>>, vector<32x1x128xf32>
    %swap3A_713 = vector.shape_cast %swap3A_712 : vector<32x1x128xf32> to vector<32x128xf32>
    %swap3A_714 = vector.shape_cast %tanh3A_702 : vector<32x128xf32> to vector<32x1x128xf32>
    tpu.vector_store %arg30[%swap3A_709, %swap3A_710, %swap3A_711], %swap3A_714 {strides = array<i32>} : memref<32x12x128xf32, #tpu.memory_space<vmem>>, vector<32x1x128xf32>,
    %mul3A_715 = arith.mulf %get3A_1, %tanh3A_690 : vector<32x128xf32>
    %reduce_sum3A_716 = arith.constant dense<0.000000e+00> : vector<32xf32>
    %reduce_sum3A_717 = vector.multi_reduction <add>, %mul3A_715, %reduce_sum3A_716 [1] : vector<32x128xf32> to vector<32xf32>
    %broadcast_in_dim3A_718 = vector.shape_cast %reduce_sum3A_717 : vector<32xf32> to vector<32x1xf32>
    %mul3A_719 = arith.mulf %get3A_7, %tanh3A_702 : vector<32x128xf32>
    %reduce_sum3A_720 = arith.constant dense<0.000000e+00> : vector<32xf32>
    %reduce_sum3A_721 = vector.multi_reduction <add>, %mul3A_719, %reduce_sum3A_720 [1] : vector<32x128xf32> to vector<32xf32>
    %broadcast_in_dim3A_722 = vector.shape_cast %reduce_sum3A_721 : vector<32xf32> to vector<32x1xf32>
    %get3A_723 = arith.constant 0 : index
    %get3A_724 = arith.constant 9 : index
    %get3A_725 = arith.constant 0 : index
    %get3A_726 = vector.load %arg2[%get3A_723, %get3A_724, %get3A_725] : memref<32x12x128xf32, #tpu.memory_space<vmem>>, vector<32x1x128xf32>
    %get3A_727 = vector.shape_cast %get3A_726 : vector<32x1x128xf32> to vector<32x128xf32>
    %get3A_728 = arith.constant 0 : index
    %get3A_729 = arith.constant 9 : index
    %get3A_730 = arith.constant 0 : index
    %get3A_731 = vector.load %arg3[%get3A_728, %get3A_729, %get3A_730] : memref<32x12x128xf32, #tpu.memory_space<vmem>>, vector<32x1x128xf32>
    %get3A_732 = vector.shape_cast %get3A_731 : vector<32x1x128xf32> to vector<32x128xf32>
    %get3A_733 = arith.constant 0 : index
    %get3A_734 = arith.constant 9 : index
    %get3A_735 = arith.constant 0 : index
    %get3A_736 = vector.load %arg0[%get3A_733, %get3A_734, %get3A_735] : memref<32x12x128xf32, #tpu.memory_space<vmem>>, vector<32x1x128xf32>
    %get3A_737 = vector.shape_cast %get3A_736 : vector<32x1x128xf32> to vector<32x128xf32>
    %dot_general3A_738 = arith.constant dense<0.000000e+00> : vector<32x128xf32>
    %dot_general3A_739 = tpu.matmul %get3A_737, %get3A_10, %dot_general3A_738 {dimension_numbers = #tpu.dot_dimension_numbers<[1], [0], [0], [1], [0, 0, 1, 1], [], []>, transpose_lhs_hint = false} : vector<32x128xf32>, vector<128x128xf32>, vector<32x128xf32> -> vector<32x128xf32>
    %add3A_740 = arith.addf %dot_general3A_739, %add3A_21 : vector<32x128xf32>
    %dot_general3A_741 = arith.constant dense<0.000000e+00> : vector<32x128xf32>
    %dot_general3A_742 = tpu.matmul %get3A_727, %get3A_16, %dot_general3A_741 {dimension_numbers = #tpu.dot_dimension_numbers<[1], [0], [0], [1], [0, 0, 1, 1], [], []>, transpose_lhs_hint = false} : vector<32x128xf32>, vector<128x128xf32>, vector<32x128xf32> -> vector<32x128xf32>
    %add3A_743 = arith.addf %add3A_740, %dot_general3A_742 : vector<32x128xf32>
    %tanh3A_744 = math.tanh %add3A_743 : vector<32x128xf32>
    %get3A_745 = arith.constant 0 : index
    %get3A_746 = arith.constant 9 : index
    %get3A_747 = arith.constant 0 : index
    %get3A_748 = vector.load %arg1[%get3A_745, %get3A_746, %get3A_747] : memref<32x12x128xf32, #tpu.memory_space<vmem>>, vector<32x1x128xf32>
    %get3A_749 = vector.shape_cast %get3A_748 : vector<32x1x128xf32> to vector<32x128xf32>
    %dot_general3A_750 = arith.constant dense<0.000000e+00> : vector<32x128xf32>
    %dot_general3A_751 = tpu.matmul %get3A_749, %get3A_10, %dot_general3A_750 {dimension_numbers = #tpu.dot_dimension_numbers<[1], [0], [0], [1], [0, 0, 1, 1], [], []>, transpose_lhs_hint = false} : vector<32x128xf32>, vector<128x128xf32>, vector<32x128xf32> -> vector<32x128xf32>
    %dot_general3A_752 = arith.constant dense<0.000000e+00> : vector<32x128xf32>
    %dot_general3A_753 = tpu.matmul %get3A_732, %get3A_13, %dot_general3A_752 {dimension_numbers = #tpu.dot_dimension_numbers<[1], [0], [0], [1], [0, 0, 1, 1], [], []>, transpose_lhs_hint = false} : vector<32x128xf32>, vector<128x128xf32>, vector<32x128xf32> -> vector<32x128xf32>
    %add3A_754 = arith.addf %dot_general3A_751, %dot_general3A_753 : vector<32x128xf32>
    %add3A_755 = arith.addf %add3A_754, %add3A_25 : vector<32x128xf32>
    %tanh3A_756 = math.tanh %add3A_755 : vector<32x128xf32>
    %get3A_757 = arith.constant 0 : index
    %get3A_758 = arith.constant 0 : index
    %get3A_759 = vector.load %arg11[%get3A_757, %get3A_758] : memref<128x128xf32, #tpu.memory_space<vmem>>, vector<128x128xf32>
    %dot_general3A_760 = arith.constant dense<0.000000e+00> : vector<32x128xf32>
    %dot_general3A_761 = tpu.matmul %get3A_727, %get3A_759, %dot_general3A_760 {dimension_numbers = #tpu.dot_dimension_numbers<[1], [0], [0], [1], [0, 0, 1, 1], [], []>, transpose_lhs_hint = false} : vector<32x128xf32>, vector<128x128xf32>, vector<32x128xf32> -> vector<32x128xf32>
    %get3A_762 = arith.constant 0 : index
    %get3A_763 = arith.constant 0 : index
    %get3A_764 = vector.load %arg12[%get3A_762, %get3A_763] : memref<128x128xf32, #tpu.memory_space<vmem>>, vector<128x128xf32>
    %dot_general3A_765 = arith.constant dense<0.000000e+00> : vector<32x128xf32>
    %dot_general3A_766 = tpu.matmul %tanh3A_744, %get3A_764, %dot_general3A_765 {dimension_numbers = #tpu.dot_dimension_numbers<[1], [0], [0], [1], [0, 0, 1, 1], [], []>, transpose_lhs_hint = false} : vector<32x128xf32>, vector<128x128xf32>, vector<32x128xf32> -> vector<32x128xf32>
    %add3A_767 = arith.addf %dot_general3A_761, %dot_general3A_766 : vector<32x128xf32>
    %tanh3A_768 = math.tanh %add3A_767 : vector<32x128xf32>
    %get3A_769 = arith.constant 0 : index
    %get3A_770 = arith.constant 0 : index
    %get3A_771 = vector.load %arg15[%get3A_769, %get3A_770] : memref<128x128xf32, #tpu.memory_space<vmem>>, vector<128x128xf32>
    %dot_general3A_772 = arith.constant dense<0.000000e+00> : vector<32x128xf32>
    %dot_general3A_773 = tpu.matmul %get3A_732, %get3A_771, %dot_general3A_772 {dimension_numbers = #tpu.dot_dimension_numbers<[1], [0], [0], [1], [0, 0, 1, 1], [], []>, transpose_lhs_hint = false} : vector<32x128xf32>, vector<128x128xf32>, vector<32x128xf32> -> vector<32x128xf32>
    %get3A_774 = arith.constant 0 : index
    %get3A_775 = arith.constant 0 : index
    %get3A_776 = vector.load %arg16[%get3A_774, %get3A_775] : memref<128x128xf32, #tpu.memory_space<vmem>>, vector<128x128xf32>
    %dot_general3A_777 = arith.constant dense<0.000000e+00> : vector<32x128xf32>
    %dot_general3A_778 = tpu.matmul %tanh3A_756, %get3A_776, %dot_general3A_777 {dimension_numbers = #tpu.dot_dimension_numbers<[1], [0], [0], [1], [0, 0, 1, 1], [], []>, transpose_lhs_hint = false} : vector<32x128xf32>, vector<128x128xf32>, vector<32x128xf32> -> vector<32x128xf32>
    %add3A_779 = arith.addf %dot_general3A_773, %dot_general3A_778 : vector<32x128xf32>
    %tanh3A_780 = math.tanh %add3A_779 : vector<32x128xf32>
    %swap3A_781 = arith.constant 0 : index
    %swap3A_782 = arith.constant 9 : index
    %swap3A_783 = arith.constant 0 : index
    %swap3A_784 = vector.load %arg29[%swap3A_781, %swap3A_782, %swap3A_783] : memref<32x12x128xf32, #tpu.memory_space<vmem>>, vector<32x1x128xf32>
    %swap3A_785 = vector.shape_cast %swap3A_784 : vector<32x1x128xf32> to vector<32x128xf32>
    %swap3A_786 = vector.shape_cast %tanh3A_768 : vector<32x128xf32> to vector<32x1x128xf32>
    tpu.vector_store %arg29[%swap3A_781, %swap3A_782, %swap3A_783], %swap3A_786 {strides = array<i32>} : memref<32x12x128xf32, #tpu.memory_space<vmem>>, vector<32x1x128xf32>,
    %swap3A_787 = arith.constant 0 : index
    %swap3A_788 = arith.constant 9 : index
    %swap3A_789 = arith.constant 0 : index
    %swap3A_790 = vector.load %arg30[%swap3A_787, %swap3A_788, %swap3A_789] : memref<32x12x128xf32, #tpu.memory_space<vmem>>, vector<32x1x128xf32>
    %swap3A_791 = vector.shape_cast %swap3A_790 : vector<32x1x128xf32> to vector<32x128xf32>
    %swap3A_792 = vector.shape_cast %tanh3A_780 : vector<32x128xf32> to vector<32x1x128xf32>
    tpu.vector_store %arg30[%swap3A_787, %swap3A_788, %swap3A_789], %swap3A_792 {strides = array<i32>} : memref<32x12x128xf32, #tpu.memory_space<vmem>>, vector<32x1x128xf32>,
    %mul3A_793 = arith.mulf %get3A_1, %tanh3A_768 : vector<32x128xf32>
    %reduce_sum3A_794 = arith.constant dense<0.000000e+00> : vector<32xf32>
    %reduce_sum3A_795 = vector.multi_reduction <add>, %mul3A_793, %reduce_sum3A_794 [1] : vector<32x128xf32> to vector<32xf32>
    %broadcast_in_dim3A_796 = vector.shape_cast %reduce_sum3A_795 : vector<32xf32> to vector<32x1xf32>
    %mul3A_797 = arith.mulf %get3A_7, %tanh3A_780 : vector<32x128xf32>
    %reduce_sum3A_798 = arith.constant dense<0.000000e+00> : vector<32xf32>
    %reduce_sum3A_799 = vector.multi_reduction <add>, %mul3A_797, %reduce_sum3A_798 [1] : vector<32x128xf32> to vector<32xf32>
    %broadcast_in_dim3A_800 = vector.shape_cast %reduce_sum3A_799 : vector<32xf32> to vector<32x1xf32>
    %get3A_801 = arith.constant 0 : index
    %get3A_802 = arith.constant 10 : index
    %get3A_803 = arith.constant 0 : index
    %get3A_804 = vector.load %arg2[%get3A_801, %get3A_802, %get3A_803] : memref<32x12x128xf32, #tpu.memory_space<vmem>>, vector<32x1x128xf32>
    %get3A_805 = vector.shape_cast %get3A_804 : vector<32x1x128xf32> to vector<32x128xf32>
    %get3A_806 = arith.constant 0 : index
    %get3A_807 = arith.constant 10 : index
    %get3A_808 = arith.constant 0 : index
    %get3A_809 = vector.load %arg3[%get3A_806, %get3A_807, %get3A_808] : memref<32x12x128xf32, #tpu.memory_space<vmem>>, vector<32x1x128xf32>
    %get3A_810 = vector.shape_cast %get3A_809 : vector<32x1x128xf32> to vector<32x128xf32>
    %get3A_811 = arith.constant 0 : index
    %get3A_812 = arith.constant 10 : index
    %get3A_813 = arith.constant 0 : index
    %get3A_814 = vector.load %arg0[%get3A_811, %get3A_812, %get3A_813] : memref<32x12x128xf32, #tpu.memory_space<vmem>>, vector<32x1x128xf32>
    %get3A_815 = vector.shape_cast %get3A_814 : vector<32x1x128xf32> to vector<32x128xf32>
    %dot_general3A_816 = arith.constant dense<0.000000e+00> : vector<32x128xf32>
    %dot_general3A_817 = tpu.matmul %get3A_815, %get3A_10, %dot_general3A_816 {dimension_numbers = #tpu.dot_dimension_numbers<[1], [0], [0], [1], [0, 0, 1, 1], [], []>, transpose_lhs_hint = false} : vector<32x128xf32>, vector<128x128xf32>, vector<32x128xf32> -> vector<32x128xf32>
    %add3A_818 = arith.addf %dot_general3A_817, %add3A_21 : vector<32x128xf32>
    %dot_general3A_819 = arith.constant dense<0.000000e+00> : vector<32x128xf32>
    %dot_general3A_820 = tpu.matmul %get3A_805, %get3A_16, %dot_general3A_819 {dimension_numbers = #tpu.dot_dimension_numbers<[1], [0], [0], [1], [0, 0, 1, 1], [], []>, transpose_lhs_hint = false} : vector<32x128xf32>, vector<128x128xf32>, vector<32x128xf32> -> vector<32x128xf32>
    %add3A_821 = arith.addf %add3A_818, %dot_general3A_820 : vector<32x128xf32>
    %tanh3A_822 = math.tanh %add3A_821 : vector<32x128xf32>
    %get3A_823 = arith.constant 0 : index
    %get3A_824 = arith.constant 10 : index
    %get3A_825 = arith.constant 0 : index
    %get3A_826 = vector.load %arg1[%get3A_823, %get3A_824, %get3A_825] : memref<32x12x128xf32, #tpu.memory_space<vmem>>, vector<32x1x128xf32>
    %get3A_827 = vector.shape_cast %get3A_826 : vector<32x1x128xf32> to vector<32x128xf32>
    %dot_general3A_828 = arith.constant dense<0.000000e+00> : vector<32x128xf32>
    %dot_general3A_829 = tpu.matmul %get3A_827, %get3A_10, %dot_general3A_828 {dimension_numbers = #tpu.dot_dimension_numbers<[1], [0], [0], [1], [0, 0, 1, 1], [], []>, transpose_lhs_hint = false} : vector<32x128xf32>, vector<128x128xf32>, vector<32x128xf32> -> vector<32x128xf32>
    %dot_general3A_830 = arith.constant dense<0.000000e+00> : vector<32x128xf32>
    %dot_general3A_831 = tpu.matmul %get3A_810, %get3A_13, %dot_general3A_830 {dimension_numbers = #tpu.dot_dimension_numbers<[1], [0], [0], [1], [0, 0, 1, 1], [], []>, transpose_lhs_hint = false} : vector<32x128xf32>, vector<128x128xf32>, vector<32x128xf32> -> vector<32x128xf32>
    %add3A_832 = arith.addf %dot_general3A_829, %dot_general3A_831 : vector<32x128xf32>
    %add3A_833 = arith.addf %add3A_832, %add3A_25 : vector<32x128xf32>
    %tanh3A_834 = math.tanh %add3A_833 : vector<32x128xf32>
    %get3A_835 = arith.constant 0 : index
    %get3A_836 = arith.constant 0 : index
    %get3A_837 = vector.load %arg11[%get3A_835, %get3A_836] : memref<128x128xf32, #tpu.memory_space<vmem>>, vector<128x128xf32>
    %dot_general3A_838 = arith.constant dense<0.000000e+00> : vector<32x128xf32>
    %dot_general3A_839 = tpu.matmul %get3A_805, %get3A_837, %dot_general3A_838 {dimension_numbers = #tpu.dot_dimension_numbers<[1], [0], [0], [1], [0, 0, 1, 1], [], []>, transpose_lhs_hint = false} : vector<32x128xf32>, vector<128x128xf32>, vector<32x128xf32> -> vector<32x128xf32>
    %get3A_840 = arith.constant 0 : index
    %get3A_841 = arith.constant 0 : index
    %get3A_842 = vector.load %arg12[%get3A_840, %get3A_841] : memref<128x128xf32, #tpu.memory_space<vmem>>, vector<128x128xf32>
    %dot_general3A_843 = arith.constant dense<0.000000e+00> : vector<32x128xf32>
    %dot_general3A_844 = tpu.matmul %tanh3A_822, %get3A_842, %dot_general3A_843 {dimension_numbers = #tpu.dot_dimension_numbers<[1], [0], [0], [1], [0, 0, 1, 1], [], []>, transpose_lhs_hint = false} : vector<32x128xf32>, vector<128x128xf32>, vector<32x128xf32> -> vector<32x128xf32>
    %add3A_845 = arith.addf %dot_general3A_839, %dot_general3A_844 : vector<32x128xf32>
    %tanh3A_846 = math.tanh %add3A_845 : vector<32x128xf32>
    %get3A_847 = arith.constant 0 : index
    %get3A_848 = arith.constant 0 : index
    %get3A_849 = vector.load %arg15[%get3A_847, %get3A_848] : memref<128x128xf32, #tpu.memory_space<vmem>>, vector<128x128xf32>
    %dot_general3A_850 = arith.constant dense<0.000000e+00> : vector<32x128xf32>
    %dot_general3A_851 = tpu.matmul %get3A_810, %get3A_849, %dot_general3A_850 {dimension_numbers = #tpu.dot_dimension_numbers<[1], [0], [0], [1], [0, 0, 1, 1], [], []>, transpose_lhs_hint = false} : vector<32x128xf32>, vector<128x128xf32>, vector<32x128xf32> -> vector<32x128xf32>
    %get3A_852 = arith.constant 0 : index
    %get3A_853 = arith.constant 0 : index
    %get3A_854 = vector.load %arg16[%get3A_852, %get3A_853] : memref<128x128xf32, #tpu.memory_space<vmem>>, vector<128x128xf32>
    %dot_general3A_855 = arith.constant dense<0.000000e+00> : vector<32x128xf32>
    %dot_general3A_856 = tpu.matmul %tanh3A_834, %get3A_854, %dot_general3A_855 {dimension_numbers = #tpu.dot_dimension_numbers<[1], [0], [0], [1], [0, 0, 1, 1], [], []>, transpose_lhs_hint = false} : vector<32x128xf32>, vector<128x128xf32>, vector<32x128xf32> -> vector<32x128xf32>
    %add3A_857 = arith.addf %dot_general3A_851, %dot_general3A_856 : vector<32x128xf32>
    %tanh3A_858 = math.tanh %add3A_857 : vector<32x128xf32>
    %swap3A_859 = arith.constant 0 : index
    %swap3A_860 = arith.constant 10 : index
    %swap3A_861 = arith.constant 0 : index
    %swap3A_862 = vector.load %arg29[%swap3A_859, %swap3A_860, %swap3A_861] : memref<32x12x128xf32, #tpu.memory_space<vmem>>, vector<32x1x128xf32>
    %swap3A_863 = vector.shape_cast %swap3A_862 : vector<32x1x128xf32> to vector<32x128xf32>
    %swap3A_864 = vector.shape_cast %tanh3A_846 : vector<32x128xf32> to vector<32x1x128xf32>
    tpu.vector_store %arg29[%swap3A_859, %swap3A_860, %swap3A_861], %swap3A_864 {strides = array<i32>} : memref<32x12x128xf32, #tpu.memory_space<vmem>>, vector<32x1x128xf32>,
    %swap3A_865 = arith.constant 0 : index
    %swap3A_866 = arith.constant 10 : index
    %swap3A_867 = arith.constant 0 : index
    %swap3A_868 = vector.load %arg30[%swap3A_865, %swap3A_866, %swap3A_867] : memref<32x12x128xf32, #tpu.memory_space<vmem>>, vector<32x1x128xf32>
    %swap3A_869 = vector.shape_cast %swap3A_868 : vector<32x1x128xf32> to vector<32x128xf32>
    %swap3A_870 = vector.shape_cast %tanh3A_858 : vector<32x128xf32> to vector<32x1x128xf32>
    tpu.vector_store %arg30[%swap3A_865, %swap3A_866, %swap3A_867], %swap3A_870 {strides = array<i32>} : memref<32x12x128xf32, #tpu.memory_space<vmem>>, vector<32x1x128xf32>,
    %mul3A_871 = arith.mulf %get3A_1, %tanh3A_846 : vector<32x128xf32>
    %reduce_sum3A_872 = arith.constant dense<0.000000e+00> : vector<32xf32>
    %reduce_sum3A_873 = vector.multi_reduction <add>, %mul3A_871, %reduce_sum3A_872 [1] : vector<32x128xf32> to vector<32xf32>
    %broadcast_in_dim3A_874 = vector.shape_cast %reduce_sum3A_873 : vector<32xf32> to vector<32x1xf32>
    %mul3A_875 = arith.mulf %get3A_7, %tanh3A_858 : vector<32x128xf32>
    %reduce_sum3A_876 = arith.constant dense<0.000000e+00> : vector<32xf32>
    %reduce_sum3A_877 = vector.multi_reduction <add>, %mul3A_875, %reduce_sum3A_876 [1] : vector<32x128xf32> to vector<32xf32>
    %broadcast_in_dim3A_878 = vector.shape_cast %reduce_sum3A_877 : vector<32xf32> to vector<32x1xf32>
    %get3A_879 = arith.constant 0 : index
    %get3A_880 = arith.constant 11 : index
    %get3A_881 = arith.constant 0 : index
    %get3A_882 = vector.load %arg2[%get3A_879, %get3A_880, %get3A_881] : memref<32x12x128xf32, #tpu.memory_space<vmem>>, vector<32x1x128xf32>
    %get3A_883 = vector.shape_cast %get3A_882 : vector<32x1x128xf32> to vector<32x128xf32>
    %get3A_884 = arith.constant 0 : index
    %get3A_885 = arith.constant 11 : index
    %get3A_886 = arith.constant 0 : index
    %get3A_887 = vector.load %arg3[%get3A_884, %get3A_885, %get3A_886] : memref<32x12x128xf32, #tpu.memory_space<vmem>>, vector<32x1x128xf32>
    %get3A_888 = vector.shape_cast %get3A_887 : vector<32x1x128xf32> to vector<32x128xf32>
    %get3A_889 = arith.constant 0 : index
    %get3A_890 = arith.constant 11 : index
    %get3A_891 = arith.constant 0 : index
    %get3A_892 = vector.load %arg0[%get3A_889, %get3A_890, %get3A_891] : memref<32x12x128xf32, #tpu.memory_space<vmem>>, vector<32x1x128xf32>
    %get3A_893 = vector.shape_cast %get3A_892 : vector<32x1x128xf32> to vector<32x128xf32>
    %dot_general3A_894 = arith.constant dense<0.000000e+00> : vector<32x128xf32>
    %dot_general3A_895 = tpu.matmul %get3A_893, %get3A_10, %dot_general3A_894 {dimension_numbers = #tpu.dot_dimension_numbers<[1], [0], [0], [1], [0, 0, 1, 1], [], []>, transpose_lhs_hint = false} : vector<32x128xf32>, vector<128x128xf32>, vector<32x128xf32> -> vector<32x128xf32>
    %add3A_896 = arith.addf %dot_general3A_895, %add3A_21 : vector<32x128xf32>
    %dot_general3A_897 = arith.constant dense<0.000000e+00> : vector<32x128xf32>
    %dot_general3A_898 = tpu.matmul %get3A_883, %get3A_16, %dot_general3A_897 {dimension_numbers = #tpu.dot_dimension_numbers<[1], [0], [0], [1], [0, 0, 1, 1], [], []>, transpose_lhs_hint = false} : vector<32x128xf32>, vector<128x128xf32>, vector<32x128xf32> -> vector<32x128xf32>
    %add3A_899 = arith.addf %add3A_896, %dot_general3A_898 : vector<32x128xf32>
    %tanh3A_900 = math.tanh %add3A_899 : vector<32x128xf32>
    %get3A_901 = arith.constant 0 : index
    %get3A_902 = arith.constant 11 : index
    %get3A_903 = arith.constant 0 : index
    %get3A_904 = vector.load %arg1[%get3A_901, %get3A_902, %get3A_903] : memref<32x12x128xf32, #tpu.memory_space<vmem>>, vector<32x1x128xf32>
    %get3A_905 = vector.shape_cast %get3A_904 : vector<32x1x128xf32> to vector<32x128xf32>
    %dot_general3A_906 = arith.constant dense<0.000000e+00> : vector<32x128xf32>
    %dot_general3A_907 = tpu.matmul %get3A_905, %get3A_10, %dot_general3A_906 {dimension_numbers = #tpu.dot_dimension_numbers<[1], [0], [0], [1], [0, 0, 1, 1], [], []>, transpose_lhs_hint = false} : vector<32x128xf32>, vector<128x128xf32>, vector<32x128xf32> -> vector<32x128xf32>
    %dot_general3A_908 = arith.constant dense<0.000000e+00> : vector<32x128xf32>
    %dot_general3A_909 = tpu.matmul %get3A_888, %get3A_13, %dot_general3A_908 {dimension_numbers = #tpu.dot_dimension_numbers<[1], [0], [0], [1], [0, 0, 1, 1], [], []>, transpose_lhs_hint = false} : vector<32x128xf32>, vector<128x128xf32>, vector<32x128xf32> -> vector<32x128xf32>
    %add3A_910 = arith.addf %dot_general3A_907, %dot_general3A_909 : vector<32x128xf32>
    %add3A_911 = arith.addf %add3A_910, %add3A_25 : vector<32x128xf32>
    %tanh3A_912 = math.tanh %add3A_911 : vector<32x128xf32>
    %get3A_913 = arith.constant 0 : index
    %get3A_914 = arith.constant 0 : index
    %get3A_915 = vector.load %arg11[%get3A_913, %get3A_914] : memref<128x128xf32, #tpu.memory_space<vmem>>, vector<128x128xf32>
    %dot_general3A_916 = arith.constant dense<0.000000e+00> : vector<32x128xf32>
    %dot_general3A_917 = tpu.matmul %get3A_883, %get3A_915, %dot_general3A_916 {dimension_numbers = #tpu.dot_dimension_numbers<[1], [0], [0], [1], [0, 0, 1, 1], [], []>, transpose_lhs_hint = false} : vector<32x128xf32>, vector<128x128xf32>, vector<32x128xf32> -> vector<32x128xf32>
    %get3A_918 = arith.constant 0 : index
    %get3A_919 = arith.constant 0 : index
    %get3A_920 = vector.load %arg12[%get3A_918, %get3A_919] : memref<128x128xf32, #tpu.memory_space<vmem>>, vector<128x128xf32>
    %dot_general3A_921 = arith.constant dense<0.000000e+00> : vector<32x128xf32>
    %dot_general3A_922 = tpu.matmul %tanh3A_900, %get3A_920, %dot_general3A_921 {dimension_numbers = #tpu.dot_dimension_numbers<[1], [0], [0], [1], [0, 0, 1, 1], [], []>, transpose_lhs_hint = false} : vector<32x128xf32>, vector<128x128xf32>, vector<32x128xf32> -> vector<32x128xf32>
    %add3A_923 = arith.addf %dot_general3A_917, %dot_general3A_922 : vector<32x128xf32>
    %tanh3A_924 = math.tanh %add3A_923 : vector<32x128xf32>
    %get3A_925 = arith.constant 0 : index
    %get3A_926 = arith.constant 0 : index
    %get3A_927 = vector.load %arg15[%get3A_925, %get3A_926] : memref<128x128xf32, #tpu.memory_space<vmem>>, vector<128x128xf32>
    %dot_general3A_928 = arith.constant dense<0.000000e+00> : vector<32x128xf32>
    %dot_general3A_929 = tpu.matmul %get3A_888, %get3A_927, %dot_general3A_928 {dimension_numbers = #tpu.dot_dimension_numbers<[1], [0], [0], [1], [0, 0, 1, 1], [], []>, transpose_lhs_hint = false} : vector<32x128xf32>, vector<128x128xf32>, vector<32x128xf32> -> vector<32x128xf32>
    %get3A_930 = arith.constant 0 : index
    %get3A_931 = arith.constant 0 : index
    %get3A_932 = vector.load %arg16[%get3A_930, %get3A_931] : memref<128x128xf32, #tpu.memory_space<vmem>>, vector<128x128xf32>
    %dot_general3A_933 = arith.constant dense<0.000000e+00> : vector<32x128xf32>
    %dot_general3A_934 = tpu.matmul %tanh3A_912, %get3A_932, %dot_general3A_933 {dimension_numbers = #tpu.dot_dimension_numbers<[1], [0], [0], [1], [0, 0, 1, 1], [], []>, transpose_lhs_hint = false} : vector<32x128xf32>, vector<128x128xf32>, vector<32x128xf32> -> vector<32x128xf32>
    %add3A_935 = arith.addf %dot_general3A_929, %dot_general3A_934 : vector<32x128xf32>
    %tanh3A_936 = math.tanh %add3A_935 : vector<32x128xf32>
    %swap3A_937 = arith.constant 0 : index
    %swap3A_938 = arith.constant 11 : index
    %swap3A_939 = arith.constant 0 : index
    %swap3A_940 = vector.load %arg29[%swap3A_937, %swap3A_938, %swap3A_939] : memref<32x12x128xf32, #tpu.memory_space<vmem>>, vector<32x1x128xf32>
    %swap3A_941 = vector.shape_cast %swap3A_940 : vector<32x1x128xf32> to vector<32x128xf32>
    %swap3A_942 = vector.shape_cast %tanh3A_924 : vector<32x128xf32> to vector<32x1x128xf32>
    tpu.vector_store %arg29[%swap3A_937, %swap3A_938, %swap3A_939], %swap3A_942 {strides = array<i32>} : memref<32x12x128xf32, #tpu.memory_space<vmem>>, vector<32x1x128xf32>,
    %swap3A_943 = arith.constant 0 : index
    %swap3A_944 = arith.constant 11 : index
    %swap3A_945 = arith.constant 0 : index
    %swap3A_946 = vector.load %arg30[%swap3A_943, %swap3A_944, %swap3A_945] : memref<32x12x128xf32, #tpu.memory_space<vmem>>, vector<32x1x128xf32>
    %swap3A_947 = vector.shape_cast %swap3A_946 : vector<32x1x128xf32> to vector<32x128xf32>
    %swap3A_948 = vector.shape_cast %tanh3A_936 : vector<32x128xf32> to vector<32x1x128xf32>
    tpu.vector_store %arg30[%swap3A_943, %swap3A_944, %swap3A_945], %swap3A_948 {strides = array<i32>} : memref<32x12x128xf32, #tpu.memory_space<vmem>>, vector<32x1x128xf32>,
    %mul3A_949 = arith.mulf %get3A_1, %tanh3A_924 : vector<32x128xf32>
    %reduce_sum3A_950 = arith.constant dense<0.000000e+00> : vector<32xf32>
    %reduce_sum3A_951 = vector.multi_reduction <add>, %mul3A_949, %reduce_sum3A_950 [1] : vector<32x128xf32> to vector<32xf32>
    %broadcast_in_dim3A_952 = vector.shape_cast %reduce_sum3A_951 : vector<32xf32> to vector<32x1xf32>
    %mul3A_953 = arith.mulf %get3A_7, %tanh3A_936 : vector<32x128xf32>
    %reduce_sum3A_954 = arith.constant dense<0.000000e+00> : vector<32xf32>
    %reduce_sum3A_955 = vector.multi_reduction <add>, %mul3A_953, %reduce_sum3A_954 [1] : vector<32x128xf32> to vector<32xf32>
    %broadcast_in_dim3A_956 = vector.shape_cast %reduce_sum3A_955 : vector<32xf32> to vector<32x1xf32>
    %concatenate3A = tpu.concatenate %broadcast_in_dim3A, %broadcast_in_dim3A_172, %broadcast_in_dim3A_250, %broadcast_in_dim3A_328, %broadcast_in_dim3A_406, %broadcast_in_dim3A_484, %broadcast_in_dim3A_562, %broadcast_in_dim3A_640, %broadcast_in_dim3A_718, %broadcast_in_dim3A_796, %broadcast_in_dim3A_874, %broadcast_in_dim3A_952 in 1 : vector<32x1xf32>, vector<32x1xf32>, vector<32x1xf32>, vector<32x1xf32>, vector<32x1xf32>, vector<32x1xf32>, vector<32x1xf32>, vector<32x1xf32>, vector<32x1xf32>, vector<32x1xf32>, vector<32x1xf32>, vector<32x1xf32> -> vector<32x12xf32>
    %mul3A_957 = arith.constant 0.0883883461 : f32
    %mul3A_958 = vector.broadcast %mul3A_957 : f32 to vector<32x12xf32>
    %mul3A_959 = arith.mulf %concatenate3A, %mul3A_958 : vector<32x12xf32>
    %reduce_max3A = arith.constant dense<0xFF800000> : vector<32xf32>
    %reduce_max3A_960 = vector.multi_reduction <maximumf>, %mul3A_959, %reduce_max3A [1] : vector<32x12xf32> to vector<32xf32>
    %broadcast_in_dim3A_961 = vector.shape_cast %reduce_max3A_960 : vector<32xf32> to vector<32x1xf32>
    %sub3A = vector.broadcast %broadcast_in_dim3A_961 : vector<32x1xf32> to vector<32x12xf32>
    %sub3A_962 = arith.subf %mul3A_959, %sub3A : vector<32x12xf32>
    %exp3A = math.exp %sub3A_962 : vector<32x12xf32>
    %reduce_sum3A_963 = arith.constant dense<0.000000e+00> : vector<32xf32>
    %reduce_sum3A_964 = vector.multi_reduction <add>, %exp3A, %reduce_sum3A_963 [1] : vector<32x12xf32> to vector<32xf32>
    %broadcast_in_dim3A_965 = vector.shape_cast %reduce_sum3A_964 : vector<32xf32> to vector<32x1xf32>
    %div3A = vector.broadcast %broadcast_in_dim3A_965 : vector<32x1xf32> to vector<32x12xf32>
    %div3A_966 = arith.divf %exp3A, %div3A : vector<32x12xf32>
    %concatenate3A_967 = tpu.concatenate %broadcast_in_dim3A_98, %broadcast_in_dim3A_176, %broadcast_in_dim3A_254, %broadcast_in_dim3A_332, %broadcast_in_dim3A_410, %broadcast_in_dim3A_488, %broadcast_in_dim3A_566, %broadcast_in_dim3A_644, %broadcast_in_dim3A_722, %broadcast_in_dim3A_800, %broadcast_in_dim3A_878, %broadcast_in_dim3A_956 in 1 : vector<32x1xf32>, vector<32x1xf32>, vector<32x1xf32>, vector<32x1xf32>, vector<32x1xf32>, vector<32x1xf32>, vector<32x1xf32>, vector<32x1xf32>, vector<32x1xf32>, vector<32x1xf32>, vector<32x1xf32>, vector<32x1xf32> -> vector<32x12xf32>
    %mul3A_968 = arith.constant 0.0883883461 : f32
    %mul3A_969 = vector.broadcast %mul3A_968 : f32 to vector<32x12xf32>
    %mul3A_970 = arith.mulf %concatenate3A_967, %mul3A_969 : vector<32x12xf32>
    %reduce_max3A_971 = arith.constant dense<0xFF800000> : vector<32xf32>
    %reduce_max3A_972 = vector.multi_reduction <maximumf>, %mul3A_970, %reduce_max3A_971 [1] : vector<32x12xf32> to vector<32xf32>
    %broadcast_in_dim3A_973 = vector.shape_cast %reduce_max3A_972 : vector<32xf32> to vector<32x1xf32>
    %sub3A_974 = vector.broadcast %broadcast_in_dim3A_973 : vector<32x1xf32> to vector<32x12xf32>
    %sub3A_975 = arith.subf %mul3A_970, %sub3A_974 : vector<32x12xf32>
    %exp3A_976 = math.exp %sub3A_975 : vector<32x12xf32>
    %reduce_sum3A_977 = arith.constant dense<0.000000e+00> : vector<32xf32>
    %reduce_sum3A_978 = vector.multi_reduction <add>, %exp3A_976, %reduce_sum3A_977 [1] : vector<32x12xf32> to vector<32xf32>
    %broadcast_in_dim3A_979 = vector.shape_cast %reduce_sum3A_978 : vector<32xf32> to vector<32x1xf32>
    %div3A_980 = vector.broadcast %broadcast_in_dim3A_979 : vector<32x1xf32> to vector<32x12xf32>
    %div3A_981 = arith.divf %exp3A_976, %div3A_980 : vector<32x12xf32>
    %broadcast_in_dim3A_982 = arith.constant 0.000000e+00 : f32
    %broadcast_in_dim3A_983 = vector.broadcast %broadcast_in_dim3A_982 : f32 to vector<32x128xf32>
    %broadcast_in_dim3A_984 = arith.constant 0.000000e+00 : f32
    %broadcast_in_dim3A_985 = vector.broadcast %broadcast_in_dim3A_984 : f32 to vector<32x128xf32>
    %slice3A = vector.extract_strided_slice %div3A_966 {offsets = [0, 0], sizes = [32, 1], strides = [1, 1]} : vector<32x12xf32> to vector<32x1xf32>
    %get3A_986 = arith.constant 0 : index
    %get3A_987 = arith.constant 0 : index
    %get3A_988 = arith.constant 0 : index
    %get3A_989 = vector.load %arg29[%get3A_986, %get3A_987, %get3A_988] : memref<32x12x128xf32, #tpu.memory_space<vmem>>, vector<32x1x128xf32>
    %get3A_990 = vector.shape_cast %get3A_989 : vector<32x1x128xf32> to vector<32x128xf32>
    %mul3A_991 = vector.broadcast %slice3A : vector<32x1xf32> to vector<32x128xf32>
    %mul3A_992 = arith.mulf %mul3A_991, %get3A_990 : vector<32x128xf32>
    %add3A_993 = arith.addf %broadcast_in_dim3A_983, %mul3A_992 : vector<32x128xf32>
    %slice3A_994 = vector.extract_strided_slice %div3A_981 {offsets = [0, 0], sizes = [32, 1], strides = [1, 1]} : vector<32x12xf32> to vector<32x1xf32>
    %get3A_995 = arith.constant 0 : index
    %get3A_996 = arith.constant 0 : index
    %get3A_997 = arith.constant 0 : index
    %get3A_998 = vector.load %arg30[%get3A_995, %get3A_996, %get3A_997] : memref<32x12x128xf32, #tpu.memory_space<vmem>>, vector<32x1x128xf32>
    %get3A_999 = vector.shape_cast %get3A_998 : vector<32x1x128xf32> to vector<32x128xf32>
    %mul3A_1000 = vector.broadcast %slice3A_994 : vector<32x1xf32> to vector<32x128xf32>
    %mul3A_1001 = arith.mulf %mul3A_1000, %get3A_999 : vector<32x128xf32>
    %add3A_1002 = arith.addf %broadcast_in_dim3A_985, %mul3A_1001 : vector<32x128xf32>
    %slice3A_1003 = vector.extract_strided_slice %div3A_966 {offsets = [0, 1], sizes = [32, 1], strides = [1, 1]} : vector<32x12xf32> to vector<32x1xf32>
    %get3A_1004 = arith.constant 0 : index
    %get3A_1005 = arith.constant 1 : index
    %get3A_1006 = arith.constant 0 : index
    %get3A_1007 = vector.load %arg29[%get3A_1004, %get3A_1005, %get3A_1006] : memref<32x12x128xf32, #tpu.memory_space<vmem>>, vector<32x1x128xf32>
    %get3A_1008 = vector.shape_cast %get3A_1007 : vector<32x1x128xf32> to vector<32x128xf32>
    %mul3A_1009 = vector.broadcast %slice3A_1003 : vector<32x1xf32> to vector<32x128xf32>
    %mul3A_1010 = arith.mulf %mul3A_1009, %get3A_1008 : vector<32x128xf32>
    %add3A_1011 = arith.addf %add3A_993, %mul3A_1010 : vector<32x128xf32>
    %slice3A_1012 = vector.extract_strided_slice %div3A_981 {offsets = [0, 1], sizes = [32, 1], strides = [1, 1]} : vector<32x12xf32> to vector<32x1xf32>
    %get3A_1013 = arith.constant 0 : index
    %get3A_1014 = arith.constant 1 : index
    %get3A_1015 = arith.constant 0 : index
    %get3A_1016 = vector.load %arg30[%get3A_1013, %get3A_1014, %get3A_1015] : memref<32x12x128xf32, #tpu.memory_space<vmem>>, vector<32x1x128xf32>
    %get3A_1017 = vector.shape_cast %get3A_1016 : vector<32x1x128xf32> to vector<32x128xf32>
    %mul3A_1018 = vector.broadcast %slice3A_1012 : vector<32x1xf32> to vector<32x128xf32>
    %mul3A_1019 = arith.mulf %mul3A_1018, %get3A_1017 : vector<32x128xf32>
    %add3A_1020 = arith.addf %add3A_1002, %mul3A_1019 : vector<32x128xf32>
    %slice3A_1021 = vector.extract_strided_slice %div3A_966 {offsets = [0, 2], sizes = [32, 1], strides = [1, 1]} : vector<32x12xf32> to vector<32x1xf32>
    %get3A_1022 = arith.constant 0 : index
    %get3A_1023 = arith.constant 2 : index
    %get3A_1024 = arith.constant 0 : index
    %get3A_1025 = vector.load %arg29[%get3A_1022, %get3A_1023, %get3A_1024] : memref<32x12x128xf32, #tpu.memory_space<vmem>>, vector<32x1x128xf32>
    %get3A_1026 = vector.shape_cast %get3A_1025 : vector<32x1x128xf32> to vector<32x128xf32>
    %mul3A_1027 = vector.broadcast %slice3A_1021 : vector<32x1xf32> to vector<32x128xf32>
    %mul3A_1028 = arith.mulf %mul3A_1027, %get3A_1026 : vector<32x128xf32>
    %add3A_1029 = arith.addf %add3A_1011, %mul3A_1028 : vector<32x128xf32>
    %slice3A_1030 = vector.extract_strided_slice %div3A_981 {offsets = [0, 2], sizes = [32, 1], strides = [1, 1]} : vector<32x12xf32> to vector<32x1xf32>
    %get3A_1031 = arith.constant 0 : index
    %get3A_1032 = arith.constant 2 : index
    %get3A_1033 = arith.constant 0 : index
    %get3A_1034 = vector.load %arg30[%get3A_1031, %get3A_1032, %get3A_1033] : memref<32x12x128xf32, #tpu.memory_space<vmem>>, vector<32x1x128xf32>
    %get3A_1035 = vector.shape_cast %get3A_1034 : vector<32x1x128xf32> to vector<32x128xf32>
    %mul3A_1036 = vector.broadcast %slice3A_1030 : vector<32x1xf32> to vector<32x128xf32>
    %mul3A_1037 = arith.mulf %mul3A_1036, %get3A_1035 : vector<32x128xf32>
    %add3A_1038 = arith.addf %add3A_1020, %mul3A_1037 : vector<32x128xf32>
    %slice3A_1039 = vector.extract_strided_slice %div3A_966 {offsets = [0, 3], sizes = [32, 1], strides = [1, 1]} : vector<32x12xf32> to vector<32x1xf32>
    %get3A_1040 = arith.constant 0 : index
    %get3A_1041 = arith.constant 3 : index
    %get3A_1042 = arith.constant 0 : index
    %get3A_1043 = vector.load %arg29[%get3A_1040, %get3A_1041, %get3A_1042] : memref<32x12x128xf32, #tpu.memory_space<vmem>>, vector<32x1x128xf32>
    %get3A_1044 = vector.shape_cast %get3A_1043 : vector<32x1x128xf32> to vector<32x128xf32>
    %mul3A_1045 = vector.broadcast %slice3A_1039 : vector<32x1xf32> to vector<32x128xf32>
    %mul3A_1046 = arith.mulf %mul3A_1045, %get3A_1044 : vector<32x128xf32>
    %add3A_1047 = arith.addf %add3A_1029, %mul3A_1046 : vector<32x128xf32>
    %slice3A_1048 = vector.extract_strided_slice %div3A_981 {offsets = [0, 3], sizes = [32, 1], strides = [1, 1]} : vector<32x12xf32> to vector<32x1xf32>
    %get3A_1049 = arith.constant 0 : index
    %get3A_1050 = arith.constant 3 : index
    %get3A_1051 = arith.constant 0 : index
    %get3A_1052 = vector.load %arg30[%get3A_1049, %get3A_1050, %get3A_1051] : memref<32x12x128xf32, #tpu.memory_space<vmem>>, vector<32x1x128xf32>
    %get3A_1053 = vector.shape_cast %get3A_1052 : vector<32x1x128xf32> to vector<32x128xf32>
    %mul3A_1054 = vector.broadcast %slice3A_1048 : vector<32x1xf32> to vector<32x128xf32>
    %mul3A_1055 = arith.mulf %mul3A_1054, %get3A_1053 : vector<32x128xf32>
    %add3A_1056 = arith.addf %add3A_1038, %mul3A_1055 : vector<32x128xf32>
    %slice3A_1057 = vector.extract_strided_slice %div3A_966 {offsets = [0, 4], sizes = [32, 1], strides = [1, 1]} : vector<32x12xf32> to vector<32x1xf32>
    %get3A_1058 = arith.constant 0 : index
    %get3A_1059 = arith.constant 4 : index
    %get3A_1060 = arith.constant 0 : index
    %get3A_1061 = vector.load %arg29[%get3A_1058, %get3A_1059, %get3A_1060] : memref<32x12x128xf32, #tpu.memory_space<vmem>>, vector<32x1x128xf32>
    %get3A_1062 = vector.shape_cast %get3A_1061 : vector<32x1x128xf32> to vector<32x128xf32>
    %mul3A_1063 = vector.broadcast %slice3A_1057 : vector<32x1xf32> to vector<32x128xf32>
    %mul3A_1064 = arith.mulf %mul3A_1063, %get3A_1062 : vector<32x128xf32>
    %add3A_1065 = arith.addf %add3A_1047, %mul3A_1064 : vector<32x128xf32>
    %slice3A_1066 = vector.extract_strided_slice %div3A_981 {offsets = [0, 4], sizes = [32, 1], strides = [1, 1]} : vector<32x12xf32> to vector<32x1xf32>
    %get3A_1067 = arith.constant 0 : index
    %get3A_1068 = arith.constant 4 : index
    %get3A_1069 = arith.constant 0 : index
    %get3A_1070 = vector.load %arg30[%get3A_1067, %get3A_1068, %get3A_1069] : memref<32x12x128xf32, #tpu.memory_space<vmem>>, vector<32x1x128xf32>
    %get3A_1071 = vector.shape_cast %get3A_1070 : vector<32x1x128xf32> to vector<32x128xf32>
    %mul3A_1072 = vector.broadcast %slice3A_1066 : vector<32x1xf32> to vector<32x128xf32>
    %mul3A_1073 = arith.mulf %mul3A_1072, %get3A_1071 : vector<32x128xf32>
    %add3A_1074 = arith.addf %add3A_1056, %mul3A_1073 : vector<32x128xf32>
    %slice3A_1075 = vector.extract_strided_slice %div3A_966 {offsets = [0, 5], sizes = [32, 1], strides = [1, 1]} : vector<32x12xf32> to vector<32x1xf32>
    %get3A_1076 = arith.constant 0 : index
    %get3A_1077 = arith.constant 5 : index
    %get3A_1078 = arith.constant 0 : index
    %get3A_1079 = vector.load %arg29[%get3A_1076, %get3A_1077, %get3A_1078] : memref<32x12x128xf32, #tpu.memory_space<vmem>>, vector<32x1x128xf32>
    %get3A_1080 = vector.shape_cast %get3A_1079 : vector<32x1x128xf32> to vector<32x128xf32>
    %mul3A_1081 = vector.broadcast %slice3A_1075 : vector<32x1xf32> to vector<32x128xf32>
    %mul3A_1082 = arith.mulf %mul3A_1081, %get3A_1080 : vector<32x128xf32>
    %add3A_1083 = arith.addf %add3A_1065, %mul3A_1082 : vector<32x128xf32>
    %slice3A_1084 = vector.extract_strided_slice %div3A_981 {offsets = [0, 5], sizes = [32, 1], strides = [1, 1]} : vector<32x12xf32> to vector<32x1xf32>
    %get3A_1085 = arith.constant 0 : index
    %get3A_1086 = arith.constant 5 : index
    %get3A_1087 = arith.constant 0 : index
    %get3A_1088 = vector.load %arg30[%get3A_1085, %get3A_1086, %get3A_1087] : memref<32x12x128xf32, #tpu.memory_space<vmem>>, vector<32x1x128xf32>
    %get3A_1089 = vector.shape_cast %get3A_1088 : vector<32x1x128xf32> to vector<32x128xf32>
    %mul3A_1090 = vector.broadcast %slice3A_1084 : vector<32x1xf32> to vector<32x128xf32>
    %mul3A_1091 = arith.mulf %mul3A_1090, %get3A_1089 : vector<32x128xf32>
    %add3A_1092 = arith.addf %add3A_1074, %mul3A_1091 : vector<32x128xf32>
    %slice3A_1093 = vector.extract_strided_slice %div3A_966 {offsets = [0, 6], sizes = [32, 1], strides = [1, 1]} : vector<32x12xf32> to vector<32x1xf32>
    %get3A_1094 = arith.constant 0 : index
    %get3A_1095 = arith.constant 6 : index
    %get3A_1096 = arith.constant 0 : index
    %get3A_1097 = vector.load %arg29[%get3A_1094, %get3A_1095, %get3A_1096] : memref<32x12x128xf32, #tpu.memory_space<vmem>>, vector<32x1x128xf32>
    %get3A_1098 = vector.shape_cast %get3A_1097 : vector<32x1x128xf32> to vector<32x128xf32>
    %mul3A_1099 = vector.broadcast %slice3A_1093 : vector<32x1xf32> to vector<32x128xf32>
    %mul3A_1100 = arith.mulf %mul3A_1099, %get3A_1098 : vector<32x128xf32>
    %add3A_1101 = arith.addf %add3A_1083, %mul3A_1100 : vector<32x128xf32>
    %slice3A_1102 = vector.extract_strided_slice %div3A_981 {offsets = [0, 6], sizes = [32, 1], strides = [1, 1]} : vector<32x12xf32> to vector<32x1xf32>
    %get3A_1103 = arith.constant 0 : index
    %get3A_1104 = arith.constant 6 : index
    %get3A_1105 = arith.constant 0 : index
    %get3A_1106 = vector.load %arg30[%get3A_1103, %get3A_1104, %get3A_1105] : memref<32x12x128xf32, #tpu.memory_space<vmem>>, vector<32x1x128xf32>
    %get3A_1107 = vector.shape_cast %get3A_1106 : vector<32x1x128xf32> to vector<32x128xf32>
    %mul3A_1108 = vector.broadcast %slice3A_1102 : vector<32x1xf32> to vector<32x128xf32>
    %mul3A_1109 = arith.mulf %mul3A_1108, %get3A_1107 : vector<32x128xf32>
    %add3A_1110 = arith.addf %add3A_1092, %mul3A_1109 : vector<32x128xf32>
    %slice3A_1111 = vector.extract_strided_slice %div3A_966 {offsets = [0, 7], sizes = [32, 1], strides = [1, 1]} : vector<32x12xf32> to vector<32x1xf32>
    %get3A_1112 = arith.constant 0 : index
    %get3A_1113 = arith.constant 7 : index
    %get3A_1114 = arith.constant 0 : index
    %get3A_1115 = vector.load %arg29[%get3A_1112, %get3A_1113, %get3A_1114] : memref<32x12x128xf32, #tpu.memory_space<vmem>>, vector<32x1x128xf32>
    %get3A_1116 = vector.shape_cast %get3A_1115 : vector<32x1x128xf32> to vector<32x128xf32>
    %mul3A_1117 = vector.broadcast %slice3A_1111 : vector<32x1xf32> to vector<32x128xf32>
    %mul3A_1118 = arith.mulf %mul3A_1117, %get3A_1116 : vector<32x128xf32>
    %add3A_1119 = arith.addf %add3A_1101, %mul3A_1118 : vector<32x128xf32>
    %slice3A_1120 = vector.extract_strided_slice %div3A_981 {offsets = [0, 7], sizes = [32, 1], strides = [1, 1]} : vector<32x12xf32> to vector<32x1xf32>
    %get3A_1121 = arith.constant 0 : index
    %get3A_1122 = arith.constant 7 : index
    %get3A_1123 = arith.constant 0 : index
    %get3A_1124 = vector.load %arg30[%get3A_1121, %get3A_1122, %get3A_1123] : memref<32x12x128xf32, #tpu.memory_space<vmem>>, vector<32x1x128xf32>
    %get3A_1125 = vector.shape_cast %get3A_1124 : vector<32x1x128xf32> to vector<32x128xf32>
    %mul3A_1126 = vector.broadcast %slice3A_1120 : vector<32x1xf32> to vector<32x128xf32>
    %mul3A_1127 = arith.mulf %mul3A_1126, %get3A_1125 : vector<32x128xf32>
    %add3A_1128 = arith.addf %add3A_1110, %mul3A_1127 : vector<32x128xf32>
    %slice3A_1129 = vector.extract_strided_slice %div3A_966 {offsets = [0, 8], sizes = [32, 1], strides = [1, 1]} : vector<32x12xf32> to vector<32x1xf32>
    %get3A_1130 = arith.constant 0 : index
    %get3A_1131 = arith.constant 8 : index
    %get3A_1132 = arith.constant 0 : index
    %get3A_1133 = vector.load %arg29[%get3A_1130, %get3A_1131, %get3A_1132] : memref<32x12x128xf32, #tpu.memory_space<vmem>>, vector<32x1x128xf32>
    %get3A_1134 = vector.shape_cast %get3A_1133 : vector<32x1x128xf32> to vector<32x128xf32>
    %mul3A_1135 = vector.broadcast %slice3A_1129 : vector<32x1xf32> to vector<32x128xf32>
    %mul3A_1136 = arith.mulf %mul3A_1135, %get3A_1134 : vector<32x128xf32>
    %add3A_1137 = arith.addf %add3A_1119, %mul3A_1136 : vector<32x128xf32>
    %slice3A_1138 = vector.extract_strided_slice %div3A_981 {offsets = [0, 8], sizes = [32, 1], strides = [1, 1]} : vector<32x12xf32> to vector<32x1xf32>
    %get3A_1139 = arith.constant 0 : index
    %get3A_1140 = arith.constant 8 : index
    %get3A_1141 = arith.constant 0 : index
    %get3A_1142 = vector.load %arg30[%get3A_1139, %get3A_1140, %get3A_1141] : memref<32x12x128xf32, #tpu.memory_space<vmem>>, vector<32x1x128xf32>
    %get3A_1143 = vector.shape_cast %get3A_1142 : vector<32x1x128xf32> to vector<32x128xf32>
    %mul3A_1144 = vector.broadcast %slice3A_1138 : vector<32x1xf32> to vector<32x128xf32>
    %mul3A_1145 = arith.mulf %mul3A_1144, %get3A_1143 : vector<32x128xf32>
    %add3A_1146 = arith.addf %add3A_1128, %mul3A_1145 : vector<32x128xf32>
    %slice3A_1147 = vector.extract_strided_slice %div3A_966 {offsets = [0, 9], sizes = [32, 1], strides = [1, 1]} : vector<32x12xf32> to vector<32x1xf32>
    %get3A_1148 = arith.constant 0 : index
    %get3A_1149 = arith.constant 9 : index
    %get3A_1150 = arith.constant 0 : index
    %get3A_1151 = vector.load %arg29[%get3A_1148, %get3A_1149, %get3A_1150] : memref<32x12x128xf32, #tpu.memory_space<vmem>>, vector<32x1x128xf32>
    %get3A_1152 = vector.shape_cast %get3A_1151 : vector<32x1x128xf32> to vector<32x128xf32>
    %mul3A_1153 = vector.broadcast %slice3A_1147 : vector<32x1xf32> to vector<32x128xf32>
    %mul3A_1154 = arith.mulf %mul3A_1153, %get3A_1152 : vector<32x128xf32>
    %add3A_1155 = arith.addf %add3A_1137, %mul3A_1154 : vector<32x128xf32>
    %slice3A_1156 = vector.extract_strided_slice %div3A_981 {offsets = [0, 9], sizes = [32, 1], strides = [1, 1]} : vector<32x12xf32> to vector<32x1xf32>
    %get3A_1157 = arith.constant 0 : index
    %get3A_1158 = arith.constant 9 : index
    %get3A_1159 = arith.constant 0 : index
    %get3A_1160 = vector.load %arg30[%get3A_1157, %get3A_1158, %get3A_1159] : memref<32x12x128xf32, #tpu.memory_space<vmem>>, vector<32x1x128xf32>
    %get3A_1161 = vector.shape_cast %get3A_1160 : vector<32x1x128xf32> to vector<32x128xf32>
    %mul3A_1162 = vector.broadcast %slice3A_1156 : vector<32x1xf32> to vector<32x128xf32>
    %mul3A_1163 = arith.mulf %mul3A_1162, %get3A_1161 : vector<32x128xf32>
    %add3A_1164 = arith.addf %add3A_1146, %mul3A_1163 : vector<32x128xf32>
    %slice3A_1165 = vector.extract_strided_slice %div3A_966 {offsets = [0, 10], sizes = [32, 1], strides = [1, 1]} : vector<32x12xf32> to vector<32x1xf32>
    %get3A_1166 = arith.constant 0 : index
    %get3A_1167 = arith.constant 10 : index
    %get3A_1168 = arith.constant 0 : index
    %get3A_1169 = vector.load %arg29[%get3A_1166, %get3A_1167, %get3A_1168] : memref<32x12x128xf32, #tpu.memory_space<vmem>>, vector<32x1x128xf32>
    %get3A_1170 = vector.shape_cast %get3A_1169 : vector<32x1x128xf32> to vector<32x128xf32>
    %mul3A_1171 = vector.broadcast %slice3A_1165 : vector<32x1xf32> to vector<32x128xf32>
    %mul3A_1172 = arith.mulf %mul3A_1171, %get3A_1170 : vector<32x128xf32>
    %add3A_1173 = arith.addf %add3A_1155, %mul3A_1172 : vector<32x128xf32>
    %slice3A_1174 = vector.extract_strided_slice %div3A_981 {offsets = [0, 10], sizes = [32, 1], strides = [1, 1]} : vector<32x12xf32> to vector<32x1xf32>
    %get3A_1175 = arith.constant 0 : index
    %get3A_1176 = arith.constant 10 : index
    %get3A_1177 = arith.constant 0 : index
    %get3A_1178 = vector.load %arg30[%get3A_1175, %get3A_1176, %get3A_1177] : memref<32x12x128xf32, #tpu.memory_space<vmem>>, vector<32x1x128xf32>
    %get3A_1179 = vector.shape_cast %get3A_1178 : vector<32x1x128xf32> to vector<32x128xf32>
    %mul3A_1180 = vector.broadcast %slice3A_1174 : vector<32x1xf32> to vector<32x128xf32>
    %mul3A_1181 = arith.mulf %mul3A_1180, %get3A_1179 : vector<32x128xf32>
    %add3A_1182 = arith.addf %add3A_1164, %mul3A_1181 : vector<32x128xf32>
    %slice3A_1183 = vector.extract_strided_slice %div3A_966 {offsets = [0, 11], sizes = [32, 1], strides = [1, 1]} : vector<32x12xf32> to vector<32x1xf32>
    %get3A_1184 = arith.constant 0 : index
    %get3A_1185 = arith.constant 11 : index
    %get3A_1186 = arith.constant 0 : index
    %get3A_1187 = vector.load %arg29[%get3A_1184, %get3A_1185, %get3A_1186] : memref<32x12x128xf32, #tpu.memory_space<vmem>>, vector<32x1x128xf32>
    %get3A_1188 = vector.shape_cast %get3A_1187 : vector<32x1x128xf32> to vector<32x128xf32>
    %mul3A_1189 = vector.broadcast %slice3A_1183 : vector<32x1xf32> to vector<32x128xf32>
    %mul3A_1190 = arith.mulf %mul3A_1189, %get3A_1188 : vector<32x128xf32>
    %add3A_1191 = arith.addf %add3A_1173, %mul3A_1190 : vector<32x128xf32>
    %slice3A_1192 = vector.extract_strided_slice %div3A_981 {offsets = [0, 11], sizes = [32, 1], strides = [1, 1]} : vector<32x12xf32> to vector<32x1xf32>
    %get3A_1193 = arith.constant 0 : index
    %get3A_1194 = arith.constant 11 : index
    %get3A_1195 = arith.constant 0 : index
    %get3A_1196 = vector.load %arg30[%get3A_1193, %get3A_1194, %get3A_1195] : memref<32x12x128xf32, #tpu.memory_space<vmem>>, vector<32x1x128xf32>
    %get3A_1197 = vector.shape_cast %get3A_1196 : vector<32x1x128xf32> to vector<32x128xf32>
    %mul3A_1198 = vector.broadcast %slice3A_1192 : vector<32x1xf32> to vector<32x128xf32>
    %mul3A_1199 = arith.mulf %mul3A_1198, %get3A_1197 : vector<32x128xf32>
    %add3A_1200 = arith.addf %add3A_1182, %mul3A_1199 : vector<32x128xf32>
    %get3A_1201 = arith.constant 0 : index
    %get3A_1202 = arith.constant 0 : index
    %get3A_1203 = vector.load %arg13[%get3A_1201, %get3A_1202] : memref<128x128xf32, #tpu.memory_space<vmem>>, vector<128x128xf32>
    %dot_general3A_1204 = arith.constant dense<0.000000e+00> : vector<32x128xf32>
    %dot_general3A_1205 = tpu.matmul %get3A_1, %get3A_1203, %dot_general3A_1204 {dimension_numbers = #tpu.dot_dimension_numbers<[1], [0], [0], [1], [0, 0, 1, 1], [], []>, transpose_lhs_hint = false} : vector<32x128xf32>, vector<128x128xf32>, vector<32x128xf32> -> vector<32x128xf32>
    %add3A_1206 = arith.addf %dot_general3A_1205, %add3A_1191 : vector<32x128xf32>
    %get3A_1207 = arith.constant 0 : index
    %get3A_1208 = arith.constant 0 : index
    %get3A_1209 = vector.load %arg14[%get3A_1207, %get3A_1208] : memref<1x128xf32, #tpu.memory_space<vmem>>, vector<1x128xf32>
    %add3A_1210 = vector.broadcast %get3A_1209 : vector<1x128xf32> to vector<32x128xf32>
    %add3A_1211 = arith.addf %add3A_1206, %add3A_1210 : vector<32x128xf32>
    %tanh3A_1212 = math.tanh %add3A_1211 : vector<32x128xf32>
    %get3A_1213 = arith.constant 0 : index
    %get3A_1214 = arith.constant 0 : index
    %get3A_1215 = vector.load %arg17[%get3A_1213, %get3A_1214] : memref<128x128xf32, #tpu.memory_space<vmem>>, vector<128x128xf32>
    %dot_general3A_1216 = arith.constant dense<0.000000e+00> : vector<32x128xf32>
    %dot_general3A_1217 = tpu.matmul %get3A_7, %get3A_1215, %dot_general3A_1216 {dimension_numbers = #tpu.dot_dimension_numbers<[1], [0], [0], [1], [0, 0, 1, 1], [], []>, transpose_lhs_hint = false} : vector<32x128xf32>, vector<128x128xf32>, vector<32x128xf32> -> vector<32x128xf32>
    %add3A_1218 = arith.addf %dot_general3A_1217, %add3A_1200 : vector<32x128xf32>
    %get3A_1219 = arith.constant 0 : index
    %get3A_1220 = arith.constant 0 : index
    %get3A_1221 = vector.load %arg18[%get3A_1219, %get3A_1220] : memref<1x128xf32, #tpu.memory_space<vmem>>, vector<1x128xf32>
    %add3A_1222 = vector.broadcast %get3A_1221 : vector<1x128xf32> to vector<32x128xf32>
    %add3A_1223 = arith.addf %add3A_1218, %add3A_1222 : vector<32x128xf32>
    %tanh3A_1224 = math.tanh %add3A_1223 : vector<32x128xf32>
    %dot_general3A_1225 = arith.constant dense<0.000000e+00> : vector<32x128xf32>
    %dot_general3A_1226 = tpu.matmul %get3A_4, %get3A_10, %dot_general3A_1225 {dimension_numbers = #tpu.dot_dimension_numbers<[1], [0], [0], [1], [0, 0, 1, 1], [], []>, transpose_lhs_hint = false} : vector<32x128xf32>, vector<128x128xf32>, vector<32x128xf32> -> vector<32x128xf32>
    %dot_general3A_1227 = arith.constant dense<0.000000e+00> : vector<32x128xf32>
    %dot_general3A_1228 = tpu.matmul %tanh3A_1212, %get3A_13, %dot_general3A_1227 {dimension_numbers = #tpu.dot_dimension_numbers<[1], [0], [0], [1], [0, 0, 1, 1], [], []>, transpose_lhs_hint = false} : vector<32x128xf32>, vector<128x128xf32>, vector<32x128xf32> -> vector<32x128xf32>
    %add3A_1229 = arith.addf %dot_general3A_1226, %dot_general3A_1228 : vector<32x128xf32>
    %dot_general3A_1230 = arith.constant dense<0.000000e+00> : vector<32x128xf32>
    %dot_general3A_1231 = tpu.matmul %tanh3A_1224, %get3A_16, %dot_general3A_1230 {dimension_numbers = #tpu.dot_dimension_numbers<[1], [0], [0], [1], [0, 0, 1, 1], [], []>, transpose_lhs_hint = false} : vector<32x128xf32>, vector<128x128xf32>, vector<32x128xf32> -> vector<32x128xf32>
    %add3A_1232 = arith.addf %add3A_1229, %dot_general3A_1231 : vector<32x128xf32>
    %add3A_1233 = vector.broadcast %get3A_19 : vector<1x128xf32> to vector<32x128xf32>
    %add3A_1234 = arith.addf %add3A_1232, %add3A_1233 : vector<32x128xf32>
    %tanh3A_1235 = math.tanh %add3A_1234 : vector<32x128xf32>
    %get3A_1236 = arith.constant 0 : index
    %get3A_1237 = arith.constant 0 : index
    %get3A_1238 = vector.load %arg19[%get3A_1236, %get3A_1237] : memref<128x128xf32, #tpu.memory_space<vmem>>, vector<128x128xf32>
    %dot_general3A_1239 = arith.constant dense<0.000000e+00> : vector<32x128xf32>
    %dot_general3A_1240 = tpu.matmul %tanh3A_1212, %get3A_1238, %dot_general3A_1239 {dimension_numbers = #tpu.dot_dimension_numbers<[1], [0], [0], [1], [0, 0, 1, 1], [], []>, transpose_lhs_hint = false} : vector<32x128xf32>, vector<128x128xf32>, vector<32x128xf32> -> vector<32x128xf32>
    %get3A_1241 = arith.constant 0 : index
    %get3A_1242 = arith.constant 0 : index
    %get3A_1243 = vector.load %arg22[%get3A_1241, %get3A_1242] : memref<1x128xf32, #tpu.memory_space<vmem>>, vector<1x128xf32>
    %add3A_1244 = vector.broadcast %get3A_1243 : vector<1x128xf32> to vector<32x128xf32>
    %add3A_1245 = arith.addf %dot_general3A_1240, %add3A_1244 : vector<32x128xf32>
    %get3A_1246 = arith.constant 0 : index
    %get3A_1247 = arith.constant 0 : index
    %get3A_1248 = vector.load %arg20[%get3A_1246, %get3A_1247] : memref<128x128xf32, #tpu.memory_space<vmem>>, vector<128x128xf32>
    %dot_general3A_1249 = arith.constant dense<0.000000e+00> : vector<32x128xf32>
    %dot_general3A_1250 = tpu.matmul %tanh3A_1235, %get3A_1248, %dot_general3A_1249 {dimension_numbers = #tpu.dot_dimension_numbers<[1], [0], [0], [1], [0, 0, 1, 1], [], []>, transpose_lhs_hint = false} : vector<32x128xf32>, vector<128x128xf32>, vector<32x128xf32> -> vector<32x128xf32>
    %add3A_1251 = arith.addf %add3A_1245, %dot_general3A_1250 : vector<32x128xf32>
    %get3A_1252 = arith.constant 0 : index
    %get3A_1253 = arith.constant 0 : index
    %get3A_1254 = vector.load %arg23[%get3A_1252, %get3A_1253] : memref<1x128xf32, #tpu.memory_space<vmem>>, vector<1x128xf32>
    %add3A_1255 = vector.broadcast %get3A_1254 : vector<1x128xf32> to vector<32x128xf32>
    %add3A_1256 = arith.addf %add3A_1251, %add3A_1255 : vector<32x128xf32>
    %get3A_1257 = arith.constant 0 : index
    %get3A_1258 = arith.constant 0 : index
    %get3A_1259 = vector.load %arg21[%get3A_1257, %get3A_1258] : memref<128x128xf32, #tpu.memory_space<vmem>>, vector<128x128xf32>
    %dot_general3A_1260 = arith.constant dense<0.000000e+00> : vector<32x128xf32>
    %dot_general3A_1261 = tpu.matmul %tanh3A_1224, %get3A_1259, %dot_general3A_1260 {dimension_numbers = #tpu.dot_dimension_numbers<[1], [0], [0], [1], [0, 0, 1, 1], [], []>, transpose_lhs_hint = false} : vector<32x128xf32>, vector<128x128xf32>, vector<32x128xf32> -> vector<32x128xf32>
    %add3A_1262 = arith.addf %add3A_1256, %dot_general3A_1261 : vector<32x128xf32>
    %get3A_1263 = arith.constant 0 : index
    %get3A_1264 = arith.constant 0 : index
    %get3A_1265 = vector.load %arg24[%get3A_1263, %get3A_1264] : memref<1x128xf32, #tpu.memory_space<vmem>>, vector<1x128xf32>
    %add3A_1266 = vector.broadcast %get3A_1265 : vector<1x128xf32> to vector<32x128xf32>
    %add3A_1267 = arith.addf %add3A_1262, %add3A_1266 : vector<32x128xf32>
    %tanh3A_1268 = math.tanh %add3A_1267 : vector<32x128xf32>
    %get3A_1269 = arith.constant 0 : index
    %get3A_1270 = arith.constant 0 : index
    %get3A_1271 = vector.load %arg25[%get3A_1269, %get3A_1270] : memref<128x2xf32, #tpu.memory_space<vmem>>, vector<128x2xf32>
    %dot_general3A_1272 = arith.constant dense<0.000000e+00> : vector<32x2xf32>
    %dot_general3A_1273 = tpu.matmul %tanh3A_1268, %get3A_1271, %dot_general3A_1272 {dimension_numbers = #tpu.dot_dimension_numbers<[1], [0], [0], [1], [0, 0, 1, 1], [], []>, transpose_lhs_hint = false} : vector<32x128xf32>, vector<128x2xf32>, vector<32x2xf32> -> vector<32x2xf32>
    %get3A_1274 = arith.constant 0 : index
    %get3A_1275 = arith.constant 0 : index
    %get3A_1276 = vector.load %arg26[%get3A_1274, %get3A_1275] : memref<1x2xf32, #tpu.memory_space<vmem>>, vector<1x2xf32>
    %add3A_1277 = vector.broadcast %get3A_1276 : vector<1x2xf32> to vector<32x2xf32>
    %add3A_1278 = arith.addf %dot_general3A_1273, %add3A_1277 : vector<32x2xf32>
    %reduce_max3A_1279 = arith.constant dense<0xFF800000> : vector<32xf32>
    %reduce_max3A_1280 = vector.multi_reduction <maximumf>, %add3A_1278, %reduce_max3A_1279 [1] : vector<32x2xf32> to vector<32xf32>
    %broadcast_in_dim3A_1281 = vector.shape_cast %reduce_max3A_1280 : vector<32xf32> to vector<32x1xf32>
    %sub3A_1282 = vector.broadcast %broadcast_in_dim3A_1281 : vector<32x1xf32> to vector<32x2xf32>
    %sub3A_1283 = arith.subf %add3A_1278, %sub3A_1282 : vector<32x2xf32>
    %exp3A_1284 = math.exp %sub3A_1283 : vector<32x2xf32>
    %reduce_sum3A_1285 = arith.constant dense<0.000000e+00> : vector<32xf32>
    %reduce_sum3A_1286 = vector.multi_reduction <add>, %exp3A_1284, %reduce_sum3A_1285 [1] : vector<32x2xf32> to vector<32xf32>
    %broadcast_in_dim3A_1287 = vector.shape_cast %reduce_sum3A_1286 : vector<32xf32> to vector<32x1xf32>
    %log3A = math.log %broadcast_in_dim3A_1287 : vector<32x1xf32>
    %add3A_1288 = arith.addf %broadcast_in_dim3A_1281, %log3A : vector<32x1xf32>
    %sub3A_1289 = vector.broadcast %add3A_1288 : vector<32x1xf32> to vector<32x2xf32>
    %sub3A_1290 = arith.subf %add3A_1278, %sub3A_1289 : vector<32x2xf32>
    %swap3A_1291 = arith.constant 0 : index
    %swap3A_1292 = arith.constant 0 : index
    %swap3A_1293 = vector.load %arg27[%swap3A_1291, %swap3A_1292] : memref<32x2xf32, #tpu.memory_space<vmem>>, vector<32x2xf32>
    tpu.vector_store %arg27[%swap3A_1291, %swap3A_1292], %sub3A_1290 {strides = array<i32>} : memref<32x2xf32, #tpu.memory_space<vmem>>, vector<32x2xf32>,
    %slice3A_1294 = vector.extract_strided_slice %add3A_1278 {offsets = [0, 1], sizes = [32, 1], strides = [1, 1]} : vector<32x2xf32> to vector<32x1xf32>
    %slice3A_1295 = vector.extract_strided_slice %add3A_1278 {offsets = [0, 0], sizes = [32, 1], strides = [1, 1]} : vector<32x2xf32> to vector<32x1xf32>
    %gt3A = arith.cmpf ogt, %slice3A_1294, %slice3A_1295 : vector<32x1xf32>
    %convert_element_type3A = arith.extui %gt3A : vector<32x1xi1> to vector<32x1xi32>
    %swap3A_1296 = arith.constant 0 : index
    %swap3A_1297 = arith.constant 0 : index
    %swap3A_1298 = vector.load %arg28[%swap3A_1296, %swap3A_1297] : memref<32x1xi32, #tpu.memory_space<vmem>>, vector<32x1xi32>
    tpu.vector_store %arg28[%swap3A_1296, %swap3A_1297], %convert_element_type3A {strides = array<i32>} : memref<32x1xi32, #tpu.memory_space<vmem>>, vector<32x1xi32>,
    return
  }
}

</mosaic_0001>

<sc_bundles>
// kernel: kernel.6.cloned.1.call-start
scs
__scs_entry_jumppad:
0x0: {  	(pc) =	sbr.rel $0x88, $3  }
0x1: {  	(tag) =	ssettag $0x0;
	lr =	simm.s32 $0x1  }
0x2: {  	[smem:$0x3F7D] =	sst lr;
	_ =	strace $0xD0000000  }
0x3: {  	_ = 	snop  }
0x4: {  	_ = 	snop  }
0x5: {  	_ = 	snop  }
0x6: {  	_ = 	snop  }
0x7: {  	_ = 	snop  }
__scs_overlays_trampoline_lowered:
0x8: {  	[smem:$0x3F8C] =	sst s0  }
0x9: {  	[smem:$0x3F8D] =	sst s1  }
0xa: {  	[smem:$0x3F8E] =	sst s2  }
0xb: {  	[smem:$0x3F8F] =	sst s3  }
0xc: {  	[smem:$0x3F90] =	sst s4  }
0xd: {  	[smem:$0x3F91] =	sst s5  }
0xe: {  	[smem:$0x3F92] =	sst s6  }
0xf: {  	[smem:$0x3F93] =	sst s7  }
0x10: {  	[smem:$0x3F94] =	sst s8  }
0x11: {  	[smem:$0x3F95] =	sst s9;
	s0 =	simm.s32 @!p0 $0x0  }
0x12: {  	s1 =	sld [smem:$0x3F7B];
	s0 =	simm.s32 @p0 $0x1  }
0x13: {  	[smem:$0x3F96] =	sst s0;
	s0 =	simm.s32 @!p1 $0x0  }
0x14: {  	s2 =	sld [smem:$0x3F7A];
	s0 =	simm.s32 @p1 $0x1  }
0x15: {  	[smem:$0x3F97] =	sst s0;
	s0 =	simm.s32 @!p2 $0x0  }
0x16: {  	s3 =	sld [smem:$0x3FDB];
	s0 =	simm.s32 @p2 $0x1  }
0x17: {  	s4 =	simm.s32 $0x1BF5;
	[smem:$0x3F99] =	sst s0  }
0x18: {  	s0 =	sld [smem:$0x3F7C];
	_ =	swait.ge [sflag:s4], $0x0  }
0x19: {  	s7 =	sld [smem:$0x3F7D]  }
0x1a: {  	s8 =	sadd.s32 $0xFFFFE003, lr  }
0x1b: {  	s9 =	sadd.s32 $0xFFFFFEF7, lr;
	s5 =	simm.s32 $0xFFFFFFFF;
	p2 =	slt.u32 s8, $0xFFFFF086  }
0x1c: {  	p1 =	slt.u32 s9, $0xF7A;
	s5 =	simm.s32 @!p2 $0x0  }
0x1d: {  	s5 =	simm.s32 @p1 $0x1;
	p0 =	seq.s32 s7, s2  }
0x1e: {  	s7 =	smul.u32 @!p0 $0xF7A, s2;
	p2 =	seq.s32 @!p0 s5, $0x0  }
0x1f: {  	s9 =	smul.u32 $0xF7A, s1;
	s8 =	simm.s32 @!p0 $0x1BF5;
	p2 =	por !p2, p0  }
0x20: {  	[sflag:s8] =	ssyncset.s32 @!p0 $0xFFFFF086;
	s6 =	sadd.s32 @!p0 s3, s7;
	s7 =	simm.s32 @!p0 $0x108  }
0x21: {  	s3 =	sadd.s32 s3, s9;
	s6 =	sadd.s32 @!p0 $0x88, s6;
	s7 =	simm.s32 @p2 $0x1082  }
0x22: {  	[simem:s7], [sflag:s8] =	dma.local @!p0 [hbm:s6], $0xF7A  }
0x23: {  	s9 =	sor.u32 $0xD0000000, s2;
	s6 =	simm.s32 $0x108;
	_ =	swait.ge @!p0 [sflag:s8], $0x0  }
0x24: {  	s3 =	sadd.s32 $0x88, s3;
	s6 =	simm.s32 @!p1 $0x1082;
	[sflag:s4] =	ssyncset.s32 $0xFFFFF086  }
0x25: {  	[simem:s6], [sflag:s4] =	dma.local [hbm:s3], $0xF7A  }
0x26: {  	[smem:$0x3F7D] =	sst s1;
	(tag) =	ssettag s2;
	_ =	strace s9  }
0x27: {  	s1 =	sld [smem:$0x3F8D]  }
0x28: {  	s2 =	sld [smem:$0x3F8E]  }
0x29: {  	s4 =	sld [smem:$0x3F90]  }
0x2a: {  	p0 =	seq.s32 s5, $0x0;
	s5 =	sld [smem:$0x3F91]  }
0x2b: {  	s6 =	sld [smem:$0x3F92]  }
0x2c: {  	s7 =	sld [smem:$0x3F93]  }
0x2d: {  	s3 =	simm.s32 $0x108;
	s8 =	sld [smem:$0x3F94]  }
0x2e: {  	s3 =	simm.s32 @!p0 $0x1082;
	s9 =	sld [smem:$0x3F95]  }
0x2f: {  	lr =	sadd.s32 s0, s3;
	s0 =	sld [smem:$0x3F8C]  }
0x30: {  	s3 =	sld [smem:$0x3F8F]  }
0x31: {  	[smem:$0x3F98] =	sst s10  }
0x32: {  	s10 =	sld [smem:$0x3F96];
	_ =	sdelay $0x3  }
0x33: {  	p0 =	seq.s32 s10, $0x1;
	s10 =	sld [smem:$0x3F98];
	_ =	sdelay $0x3  }
0x34: {  	[smem:$0x3F98] =	sst s10  }
0x35: {  	s10 =	sld [smem:$0x3F97];
	_ =	sdelay $0x3  }
0x36: {  	p1 =	seq.s32 s10, $0x1;
	s10 =	sld [smem:$0x3F98];
	_ =	sdelay $0x3  }
0x37: {  	[smem:$0x3F98] =	sst s10  }
0x38: {  	s10 =	sld [smem:$0x3F99]  }
0x39: {  	_ = 	snop;
	(pc) =	sbr.ind lr, $3  }
0x3a: {  	_ = 	snop  }
0x3b: {  	_ = 	snop  }
0x3c: {  	p2 =	seq.s32 s10, $0x1;
	s10 =	sld [smem:$0x3F98]  }
0x3d: {  	_ =	shalt  }
0x3e: {  	_ =	shalt  }
0x3f: {  	_ =	shalt  }
0x40: {  	_ =	shalt  }
0x41: {  	_ =	shalt  }
0x42: {  	_ =	shalt  }
0x43: {  	_ =	shalt  }
0x44: {  	_ =	shalt  }
0x45: {  	_ =	shalt  }
0x46: {  	_ =	shalt  }
0x47: {  	_ =	shalt  }
0x48: {  	_ =	shalt  }
0x49: {  	_ =	shalt  }
0x4a: {  	_ =	shalt  }
0x4b: {  	_ =	shalt  }
0x4c: {  	_ =	shalt  }
0x4d: {  	_ =	shalt  }
0x4e: {  	_ =	shalt  }
0x4f: {  	_ =	shalt  }
0x50: {  	_ =	shalt  }
0x51: {  	_ =	shalt  }
0x52: {  	_ =	shalt  }
0x53: {  	_ =	shalt  }
0x54: {  	_ =	shalt  }
0x55: {  	_ =	shalt  }
0x56: {  	_ =	shalt  }
0x57: {  	_ =	shalt  }
0x58: {  	_ =	shalt  }
0x59: {  	_ =	shalt  }
0x5a: {  	_ =	shalt  }
0x5b: {  	_ =	shalt  }
0x5c: {  	_ =	shalt  }
0x5d: {  	_ =	shalt  }
0x5e: {  	_ =	shalt  }
0x5f: {  	_ =	shalt  }
0x60: {  	_ =	shalt  }
0x61: {  	_ =	shalt  }
0x62: {  	_ =	shalt  }
0x63: {  	_ =	shalt  }
0x64: {  	_ =	shalt  }
0x65: {  	_ =	shalt  }
0x66: {  	_ =	shalt  }
0x67: {  	_ =	shalt  }
0x68: {  	_ =	shalt  }
0x69: {  	_ =	shalt  }
0x6a: {  	_ =	shalt  }
0x6b: {  	_ =	shalt  }
0x6c: {  	_ =	shalt  }
0x6d: {  	_ =	shalt  }
0x6e: {  	_ =	shalt  }
0x6f: {  	_ =	shalt  }
0x70: {  	_ =	shalt  }
0x71: {  	_ =	shalt  }
0x72: {  	_ =	shalt  }
0x73: {  	_ =	shalt  }
0x74: {  	_ =	shalt  }
0x75: {  	_ =	shalt  }
0x76: {  	_ =	shalt  }
0x77: {  	_ =	shalt  }
0x78: {  	_ =	shalt  }
0x79: {  	_ =	shalt  }
0x7a: {  	_ =	shalt  }
0x7b: {  	_ =	shalt  }
0x7c: {  	_ =	shalt  }
0x7d: {  	_ =	shalt  }
0x7e: {  	_ =	shalt  }
0x7f: {  	_ =	shalt  }
0x80: {  	_ =	shalt  }
0x81: {  	_ =	shalt  }
0x82: {  	_ =	shalt  }
0x83: {  	_ =	shalt  }
0x84: {  	_ =	shalt  }
0x85: {  	_ =	shalt  }
0x86: {  	_ =	shalt  }
0x87: {  	_ =	shalt  }
.Lfunc_end0:
.L_simem_size_0:
called_computation.3_lowered:
.L_overlay_start_0:
0x88: {  	s2 =	sld [smem:$0x3FD9]  }
0x89: {  	s3 =	sld [smem:$0x3FFE];
	_ =	sdelay $0x1  }
0x8a: {  	s1 =	srdreg.scid  }
0x8b: {  	s0 =	sand.u32 $0x1, s1  }
0x8c: {  	s17 =	sshll.u32 s0, $0xA;
	s2 =	sadd.s32 s3, s2  }
0x8d: {  	s2 =	sadd.s32 s2, s17  }
0x8e: {  	[smem:$0x3FA4] =	sst s2  }
0x8f: {  	_ = 	snop  }
0x90: {  	s2 =	sld [smem:$0x3FBD];
	(tm) =	ssettm $0x1  }
0x91: {  	s18 =	sld [smem:$0x3FFB];
	_ =	sdelay $0x3  }
0x92: {  	_ =	strace s18  }
0x93: {  	s3 =	sld [smem:$0x3FFC];
	_ =	sdelay $0x3  }
0x94: {  	_ =	strace s3  }
0x95: {  	s3 =	sld [smem:$0x3FFD];
	_ =	sdelay $0x3  }
0x96: {  	_ =	strace s3  }
0x97: {  	_ =	strace $0x8FFFFFFF  }
0x98: {  	s19 =	sld [smem:$0x3FDB];
	_ =	sdelay $0x1  }
0x99: {  	s4 =	simm.s32 $_scs_section_size  }
0x9a: {  	s5 =	simm.s32 $_size__tile_overlayer_lowered;
	s6 =	simm.s32 $_tile_overlayer_lowered  }
0x9b: {  	s22 =	simm.s32 $0x1BFF;
	s21 =	sshll.u32 s6, $0x1;
	s3 =	sadd.s32 s4, s19  }
0x9c: {  	s7 =	simm.s32 $0x0;
	s20 =	sshll.u32 s5, $0x1;
	s5 =	sadd.s32 s21, s3  }
0x9d: {  	[timem:s7], [sflag:s22] =	dma.local [hbm:s5], s20  }
0x9e: {  	_ =	swait.ge [sflag:s22], s20  }
0x9f: {  	s4 =	ssub.s32 $0x0, s20;
	[sflag:s22] =	ssyncset.done $0x0  }
0xa0: {  	[sflag:s22] =	ssyncadd.s32 s4;
	_ =	sdelay $0x1  }
0xa1: {  	s23 =	simm.s32 $0x1B8B  }
0xa2: {  	_ =	swait.ge [sflag:s23], $0x1  }
0xa3: {  	[sflag:s23] =	ssyncset.done $0x0  }
0xa4: {  	s25 =	simm.s32 $0x1B8E;
	s24 =	sld [smem:$0x3FFE];
	[sflag:s23] =	ssyncadd.s32 $0xFFFFFFFF  }
0xa5: {  	s26 =	simm.s32 $execute0_lowered;
	[smem:$0x3FD2] =	sst s25  }
0xa6: {  	s5 =	sshll.u32 s26, $0x1;
	_ =	strace $0x80000049;
	[dreg:$0x1] =	wrdreg $0xFFFFFFFF  }
0xa7: {  	s28 =	simm.s32 $_size_execute0_lowered;
	s3 =	sadd.s32 s3, s5;
	[dreg:$0x0] =	wrdreg $0x0  }
0xa8: {  	s5 =	sshll.u32 s28, $0x1;
	[dreg:$0x2] =	wrdreg s3  }
0xa9: {  	[dreg:$0x3] =	wrdreg s5  }
0xaa: {  	[dreg:$0x4] =	wrdreg $0xC0  }
0xab: {  	_ =	task [dreg:s7], $0x5FFFF  }
0xac: {  	[dreg:$0x1] =	wrdreg $0xFFFFFFFF  }
0xad: {  	[dreg:$0x0] =	wrdreg $0x60  }
0xae: {  	[dreg:$0x2] =	wrdreg s24  }
0xaf: {  	[dreg:$0x3] =	wrdreg s2  }
0xb0: {  	[dreg:$0x4] =	wrdreg $0x9  }
0xb1: {  	_ =	task.clear_ibuf [dreg:s7], $0x5FFFF;
	_ =	strace $0x90000049  }
0xb2: {  	s29 =	simm.s32 $0x9;
	_ =	strace $0x8000004B  }
0xb3: {  	_ =	swait.ge [sflag:s29], $0x1  }
0xb4: {  	[sflag:s29] =	ssyncadd.s32 $0xFFFFFFFF  }
0xb5: {  	_ =	strace $0x9000004B  }
0xb6: {  	_ =	sfence  }
0xb7: {  	s30 =	sld [smem:$0x0];
	_ =	sdelay $0x2  }
0xb8: {  	s31 =	sshll.u32 s1, $0xD;
	s1 =	sshrl.u32 s1, $0x2  }
0xb9: {  	s3 =	sand.u32 $0x4000, s31;
	s1 =	sadd.s32 s1, s30  }
0xba: {  	s0 =	sor.u32 s3, s0;
	s1 =	sshll.u32 s1, $0x11  }
0xbb: {  	s0 =	sor.u32 s1, s0  }
0xbc: {  	s0 =	sadd.s32 $0x8F2B, s0  }
0xbd: {  	[sflag:s0] =	ssyncadd.remote.s32 $0x1  }
0xbe: {  	_ =	sfence.sel $0xFFFF  }
0xbf: {  	[dreg:$0x0] =	wrdreg $0xFFFFFFFF;
	(pc) =	sbr.abs _section_cstart, $3  }
0xc0: {  	[dreg:$0x1] =	wrdreg $0xFFFFFFFF  }
0xc1: {  	_ =	task.clear_ibuf [dreg:s7], $0x2FFFF;
	_ =	strace $0x9FFFFFFF  }
0xc2: {  	(tm) =	ssettm $0x7FFFFFFF  }
0xc3: {  	_ =	shalt  }
tec
execute0_lowered:
.L_overlay_start_1:
0x0: {  	(tag) =	ssettag $0x1  }
0x1: {  	s0 =	srdreg.scid  }
0x2: {  	s1 =	stileid.u32;
	s2 =	rddreg [dreg:$0x0];
	s4 =	simm.s32 $0x0  }
0x3: {  	s12 =	simm.s32 $0xD;
	s14 =	simm.s32 $0x80;
	s15 =	simm.s32 $0xCE00  }
0x4: {  	s16 =	simm.s32 $0x1;
	s25 =	simm.s32 $0x2E00;
	s17 =	simm.s32 $0x2  }
0x5: {  	s26 =	simm.s32 $0x4E00;
	s18 =	simm.s32 $0x3;
	s29 =	simm.s32 $0x6E00  }
0x6: {  	s19 =	simm.s32 $0x4;
	s30 =	simm.s32 $0x8E00;
	[smem:$0x7FF] =	sst s4  }
0x7: {  	s20 =	simm.s32 $0x5;
	_ =	strace $0x8000004A;
	[dreg:$0x3] =	wrdreg s25  }
0x8: {  	s31 =	simm.s32 $0xAE00;
	s28 =	simm.s32 $0xC;
	[dreg:$0x4] =	wrdreg s26  }
0x9: {  	s0 =	sand.u32 $0x1, s0;
	s1 =	sshll.u32 s1, $0x1;
	[dreg:$0x5] =	wrdreg s29  }
0xa: {  	s1 =	sor.u32 s0, s1;
	s0 =	ssub.s32 $0x2, s0;
	[dreg:$0x6] =	wrdreg s30  }
0xb: {  	[dreg:$0x7] =	wrdreg s31;
	s3 =	smul.u32 $0x2D00, s1;
	s6 =	sshll.u32 s1, $0x5  }
0xc: {  	s1 =	sshll.u32 s1, $0xC;
	s21 =	sshrl.u32 s0, $0x1;
	s8 =	sadd.s32 s6, s2  }
0xd: {  	s6 =	sadd.s32 $0x31EC00, s2;
	s1 =	sadd.s32 s1, s2;
	s23 =	sadd.s32 $0x31E800, s8  }
0xe: {  	s0 =	ssub.s32 s0, s21;
	s24 =	sadd.s32 $0xC9000, s1;
	[dreg:$0x9] =	wrdreg s23  }
0xf: {  	s21 =	simm.s32 $0x6;
	s1 =	sadd.s32 $0xC9800, s1;
	[dreg:$0xa] =	wrdreg s24  }
0x10: {  	s5 =	sshrl.u32 s3, $0x3;
	s0 =	smax.u32 s0, $0x1;
	[dreg:$0xb] =	wrdreg s1  }
0x11: {  	s7 =	sadd.s32 s5, s2;
	s5 =	sadd.s32 $0x5A00, s2;
	[dreg:$0xc] =	wrdreg s0  }
0x12: {  	s2 =	simm.s32 $0x2D00;
	s23 =	simm.s32 $0x8;
	s22 =	sadd.s32 $0x313400, s7  }
0x13: {  	s1 =	simm.s32 $0x0;
	[dreg:$0x8] =	wrdreg s22;
	s22 =	simm.s32 $0x7  }
.LBB2_1:
0x14: {  	s0 =	rddreg [dreg:$0x8]  }
0x15: {  	[tilespmem:s4], [sflag:$0xD] =	stream.linear.gather [hbm4b:s0+s4], $0x2D00, $0x38;
	[tilespmem:$0x16E00] =	vst v63  }
0x16: {  	_ =	swait.ge [sflag:s12], $0x2D00  }
0x17: {  	[sflag:s12] =	ssyncset.done $0x0  }
0x18: {  	s26 =	rddreg [dreg:$0x9];
	[sflag:s12] =	ssyncadd.s32 $0xFFFFD300  }
0x19: {  	[tilespmem:s2], [sflag:$0xD] =	stream.linear.gather [hbm4b:s26+s4], $0x100, $0x38;
	[tilespmem:$0x16E00] =	vst v63  }
0x1a: {  	_ =	swait.ge [sflag:s12], $0x100  }
0x1b: {  	p0 =	por $0x0, $0x0;
	[sflag:s12] =	ssyncset.done $0x0  }
0x1c: {  	s0 =	simm.s32 @p0 $0x7;
	[sflag:s12] =	ssyncadd.s32 $0xFFFFFF00  }
0x1d: {  	_ =	swait.ge @p0 [sflag:s0], $0x2000  }
0x1e: {  	s7 =	simm.s32 @p0 $0x80;
	s8 =	simm.s32 @p0 $0x8;
	[sflag:s0] =	ssyncset.done @p0 $0x0  }
0x1f: {  	s2 =	simm.s32 @p0 $0x0;
	[sflag:s0] =	ssyncadd.s32 @p0 $0xFFFFE000;
	s0 =	simm.s32 @p0 $0x2E00  }
0x20: {  	[tilespmem:s0], [sflag:$0x1] =	stream.indirect.gather @p0 [hbm4b:s5+s7], $0x40, s2, s7, $0xb8;
	[tilespmem:$0x16E00] =	vst v63  }
0x21: {  	_ =	swait.ge @p0 [sflag:s8], $0x2000  }
0x22: {  	s0 =	simm.s32 @p0 $0x80;
	[sflag:s8] =	ssyncset.done @p0 $0x0  }
0x23: {  	s2 =	simm.s32 @p0 $0x4E00;
	[sflag:s8] =	ssyncadd.s32 @p0 $0xFFFFE000;
	s8 =	simm.s32 @p0 $0x9  }
0x24: {  	[tilespmem:s2], [sflag:$0x2] =	stream.indirect.gather @p0 [hbm4b:s5+s7], $0x40, s0, s7, $0xb8;
	[tilespmem:$0x16E00] =	vst v63  }
0x25: {  	_ =	swait.ge @p0 [sflag:s8], $0x2000  }
0x26: {  	s0 =	simm.s32 @p0 $0x100;
	[sflag:s8] =	ssyncset.done @p0 $0x0  }
0x27: {  	s2 =	simm.s32 @p0 $0x6E00;
	[sflag:s8] =	ssyncadd.s32 @p0 $0xFFFFE000;
	s8 =	simm.s32 @p0 $0xA  }
0x28: {  	[tilespmem:s2], [sflag:$0x3] =	stream.indirect.gather @p0 [hbm4b:s5+s7], $0x40, s0, s7, $0xb8;
	[tilespmem:$0x16E00] =	vst v63  }
0x29: {  	_ =	swait.ge @p0 [sflag:s8], $0x2000  }
0x2a: {  	s0 =	simm.s32 @p0 $0x180;
	[sflag:s8] =	ssyncset.done @p0 $0x0  }
0x2b: {  	s2 =	simm.s32 @p0 $0x8E00;
	[sflag:s8] =	ssyncadd.s32 @p0 $0xFFFFE000;
	s8 =	simm.s32 @p0 $0xB  }
0x2c: {  	[tilespmem:s2], [sflag:$0x4] =	stream.indirect.gather @p0 [hbm4b:s5+s7], $0x40, s0, s7, $0xb8;
	[tilespmem:$0x16E00] =	vst v63  }
0x2d: {  	_ =	swait.ge @p0 [sflag:s8], $0x2000  }
0x2e: {  	s9 =	simm.s32 @p0 $0xC;
	[sflag:s8] =	ssyncset.done @p0 $0x0  }
0x2f: {  	s0 =	simm.s32 $0x200;
	s2 =	simm.s32 @p0 $0xAE00;
	[sflag:s8] =	ssyncadd.s32 @p0 $0xFFFFE000  }
0x30: {  	[tilespmem:s2], [sflag:$0x5] =	stream.indirect.gather @p0 [hbm4b:s5+s7], $0x40, s0, s7, $0xb8;
	[tilespmem:$0x16E00] =	vst v63  }
0x31: {  	_ =	swait.ge @p0 [sflag:s9], $0x2000  }
0x32: {  	s8 =	simm.s32 @!p0 $0x2E00;
	[sflag:s9] =	ssyncset.done @p0 $0x0  }
0x33: {  	s2 =	simm.s32 @!p0 $0x80;
	s7 =	simm.s32 @!p0 $0x0;
	[sflag:s9] =	ssyncadd.s32 @p0 $0xFFFFE000  }
0x34: {  	[tilespmem:s8], [sflag:$0x1] =	stream.indirect.gather @!p0 [hbm4b:s5+s2], $0x40, s7, s2, $0xb8;
	[tilespmem:$0x16E00] =	vst v63  }
0x35: {  	s7 =	simm.s32 @!p0 $0x4E00  }
0x36: {  	[tilespmem:s7], [sflag:$0x2] =	stream.indirect.gather @!p0 [hbm4b:s5+s2], $0x40, s2, s2, $0xb8;
	[tilespmem:$0x16E00] =	vst v63  }
0x37: {  	s8 =	simm.s32 @!p0 $0x6E00;
	s7 =	simm.s32 @!p0 $0x100  }
0x38: {  	[tilespmem:s8], [sflag:$0x3] =	stream.indirect.gather @!p0 [hbm4b:s5+s2], $0x40, s7, s2, $0xb8;
	[tilespmem:$0x16E00] =	vst v63  }
0x39: {  	s9 =	simm.s32 @!p0 $0x8E00;
	s7 =	simm.s32 @p0 $0x0;
	s8 =	simm.s32 @!p0 $0x180  }
0x3a: {  	[tilespmem:s9], [sflag:$0x4] =	stream.indirect.gather @!p0 [hbm4b:s5+s2], $0x40, s8, s2, $0xb8;
	[tilespmem:$0x16E00] =	vst v63  }
0x3b: {  	s7 =	simm.s32 @!p0 $0x0;
	s8 =	simm.s32 @!p0 $0x200  }
0x3c: {  	s9 =	simm.s32 @!p0 $0xAE00;
	s29 =	sadd.s32 $0x280, s7;
	s7 =	sadd.s32 s3, s7  }
0x3d: {  	[tilespmem:s9], [sflag:$0x5] =	stream.indirect.gather @!p0 [hbm4b:s5+s2], $0x40, s8, s2, $0xb8;
	[tilespmem:$0x16E00] =	vst v63  }
0x3e: {  	s0 =	simm.s32 @!p0 $0x200;
	s7 =	sshll.u32 s7, $0x3  }
0x3f: {  	[tilespmem:s15], [sflag:$0x6] =	stream.indirect.gather [hbm4b:s5+s14], $0x40, s29, s14, $0xb8;
	[tilespmem:$0x16E00] =	vst v63  }
0x40: {  	s9 =	simm.s32 @p0 $0x80;
	s7 =	sand.u32 $0x1FFFF800, s7;
	_ =	swait.ge [sflag:s16], $0x2000  }
0x41: {  	s9 =	simm.s32 @!p0 $0x80;
	s7 =	sadd.s32 s6, s7;
	[sflag:s16] =	ssyncset.done $0x0  }
0x42: {  	s9 =	sadd.s32 s3, s9;
	s31 =	rddreg [dreg:$0x3];
	[sflag:s16] =	ssyncadd.s32 $0xFFFFE000  }
0x43: {  	[hbm4b:s7+s4] =	stream.linear.scatter [tilespmem:s31], [sflag:$0x7], $0x2000, $0x38;
	[tilespmem:$0x16E00] =	vst v63  }
0x44: {  	s0 =	sadd.s32 s3, s0;
	s7 =	sshll.u32 s9, $0x3;
	s9 =	simm.s32 @p0 $0x100  }
0x45: {  	_ =	swait.ge [sflag:s17], $0x2000;
	s7 =	sand.u32 $0x1FFFFC00, s7;
	s9 =	simm.s32 @!p0 $0x100  }
0x46: {  	s10 =	rddreg [dreg:$0x4];
	[sflag:s17] =	ssyncset.done $0x0;
	s7 =	sadd.s32 s6, s7  }
0x47: {  	s11 =	sadd.s32 s3, s9;
	s9 =	simm.s32 @p0 $0x180;
	[sflag:s17] =	ssyncadd.s32 $0xFFFFE000  }
0x48: {  	[hbm4b:s7+s4] =	stream.linear.scatter [tilespmem:s10], [sflag:$0x8], $0x2000, $0x38;
	[tilespmem:$0x16E00] =	vst v63  }
0x49: {  	s9 =	simm.s32 @!p0 $0x180;
	s7 =	sshll.u32 s11, $0x3;
	_ =	swait.ge [sflag:s18], $0x2000  }
0x4a: {  	s24 =	sadd.s32 s3, s9;
	s7 =	sand.u32 $0x1FFFF800, s7;
	[sflag:s18] =	ssyncset.done $0x0  }
0x4b: {  	s13 =	rddreg [dreg:$0x5];
	s7 =	sadd.s32 s6, s7;
	[sflag:s18] =	ssyncadd.s32 $0xFFFFE000  }
0x4c: {  	[hbm4b:s7+s4] =	stream.linear.scatter [tilespmem:s13], [sflag:$0x9], $0x2000, $0x38;
	[tilespmem:$0x16E00] =	vst v63  }
0x4d: {  	s0 =	sshll.u32 s0, $0x3;
	s7 =	sshll.u32 s24, $0x3;
	_ =	swait.ge [sflag:s19], $0x2000  }
0x4e: {  	s0 =	sand.u32 $0x1FFFF800, s0;
	s7 =	sand.u32 $0x1FFFFC00, s7;
	[sflag:s19] =	ssyncset.done $0x0  }
0x4f: {  	s25 =	rddreg [dreg:$0x6];
	s7 =	sadd.s32 s6, s7;
	[sflag:s19] =	ssyncadd.s32 $0xFFFFE000  }
0x50: {  	[hbm4b:s7+s4] =	stream.linear.scatter [tilespmem:s25], [sflag:$0xA], $0x2000, $0x38;
	[tilespmem:$0x16E00] =	vst v63  }
0x51: {  	s30 =	simm.s32 $0x500;
	s0 =	sadd.s32 s6, s0;
	_ =	swait.ge [sflag:s20], $0x2000  }
0x52: {  	s2 =	simm.s32 $0x800;
	s29 =	sadd.s32 s3, s29;
	[sflag:s20] =	ssyncset.done $0x0  }
0x53: {  	s31 =	sshll.u32 s29, $0x3;
	s26 =	rddreg [dreg:$0x7];
	[sflag:s20] =	ssyncadd.s32 $0xFFFFE000  }
0x54: {  	[hbm4b:s0+s4] =	stream.linear.scatter [tilespmem:s26], [sflag:$0xB], $0x2000, $0x38;
	[tilespmem:$0x16E00] =	vst v63  }
0x55: {  	s8 =	sand.u32 $0x1FFFFC00, s31;
	p0 =	por $0x1, $0x1;
	s0 =	simm.s32 $0x500  }
.LBB2_2:
0x56: {  	s9 =	simm.s32 @p0 $0x7;
	_ =	swait.ge [sflag:s21], $0x2000  }
0x57: {  	s13 =	sadd.s32 @p0 $0xFFFFFE00, s0;
	s8 =	sadd.s32 s6, s8;
	[sflag:s21] =	ssyncset.done $0x0  }
0x58: {  	s10 =	sadd.s32 @p0 $0xFFFFFE80, s0;
	s11 =	simm.s32 @p0 $0x80;
	[sflag:s21] =	ssyncadd.s32 $0xFFFFE000  }
0x59: {  	[hbm4b:s8+s4] =	stream.linear.scatter [tilespmem:s15], [sflag:$0xC], $0x2000, $0x38;
	[tilespmem:$0x16E00] =	vst v63  }
0x5a: {  	s31 =	simm.s32 @p0 $0x8;
	s24 =	simm.s32 @p0 $0x4E00;
	_ =	swait.ge @p0 [sflag:s9], $0x2000  }
0x5b: {  	s13 =	simm.s32 @!p0 $0x0;
	s10 =	simm.s32 @!p0 $0x80;
	[sflag:s9] =	ssyncset.done @p0 $0x0  }
0x5c: {  	s8 =	sadd.s32 @p0 $0xFFFFFE00, s30;
	[sflag:s9] =	ssyncadd.s32 @p0 $0xFFFFE000;
	s9 =	simm.s32 @p0 $0x2E00  }
0x5d: {  	[tilespmem:s9], [sflag:$0x1] =	stream.indirect.gather @p0 [hbm4b:s5+s11], $0x40, s8, s11, $0xb8;
	[tilespmem:$0x16E00] =	vst v63  }
0x5e: {  	s29 =	sadd.s32 s3, s13;
	s10 =	sadd.s32 s3, s10;
	_ =	swait.ge @p0 [sflag:s31], $0x2000  }
0x5f: {  	s29 =	sshll.u32 s29, $0x3;
	s9 =	sadd.s32 @p0 $0xFFFFFE80, s30;
	[sflag:s31] =	ssyncset.done @p0 $0x0  }
0x60: {  	s8 =	sand.u32 $0x1FFFF800, s29;
	s29 =	simm.s32 @p0 $0x9;
	[sflag:s31] =	ssyncadd.s32 @p0 $0xFFFFE000  }
0x61: {  	[tilespmem:s24], [sflag:$0x2] =	stream.indirect.gather @p0 [hbm4b:s5+s11], $0x40, s9, s11, $0xb8;
	[tilespmem:$0x16E00] =	vst v63  }
0x62: {  	s10 =	sshll.u32 s10, $0x3;
	_ =	swait.ge @p0 [sflag:s29], $0x2000  }
0x63: {  	s31 =	simm.s32 @p0 $0x6E00;
	s24 =	sadd.s32 @p0 $0xFFFFFF00, s30;
	[sflag:s29] =	ssyncset.done @p0 $0x0  }
0x64: {  	s9 =	sand.u32 $0x1FFFFC00, s10;
	s10 =	simm.s32 @p0 $0xA;
	[sflag:s29] =	ssyncadd.s32 @p0 $0xFFFFE000  }
0x65: {  	[tilespmem:s31], [sflag:$0x3] =	stream.indirect.gather @p0 [hbm4b:s5+s11], $0x40, s24, s11, $0xb8;
	[tilespmem:$0x16E00] =	vst v63  }
0x66: {  	s25 =	sadd.s32 @p0 $0xFFFFFF00, s0;
	_ =	swait.ge @p0 [sflag:s10], $0x2000  }
0x67: {  	s26 =	simm.s32 @p0 $0xB;
	s25 =	simm.s32 @!p0 $0x100;
	[sflag:s10] =	ssyncset.done @p0 $0x0  }
0x68: {  	s29 =	simm.s32 @p0 $0x8E00;
	s24 =	sadd.s32 @p0 $0xFFFFFF80, s30;
	[sflag:s10] =	ssyncadd.s32 @p0 $0xFFFFE000  }
0x69: {  	[tilespmem:s29], [sflag:$0x4] =	stream.indirect.gather @p0 [hbm4b:s5+s11], $0x40, s24, s11, $0xb8;
	[tilespmem:$0x16E00] =	vst v63  }
0x6a: {  	s25 =	sadd.s32 s3, s25;
	_ =	swait.ge @p0 [sflag:s26], $0x2000  }
0x6b: {  	s10 =	sshll.u32 s25, $0x3;
	[sflag:s26] =	ssyncset.done @p0 $0x0  }
0x6c: {  	s25 =	simm.s32 @p0 $0xC;
	s24 =	simm.s32 @p0 $0xAE00;
	[sflag:s26] =	ssyncadd.s32 @p0 $0xFFFFE000  }
0x6d: {  	[tilespmem:s24], [sflag:$0x5] =	stream.indirect.gather @p0 [hbm4b:s5+s11], $0x40, s30, s11, $0xb8;
	[tilespmem:$0x16E00] =	vst v63  }
0x6e: {  	s31 =	sadd.s32 @p0 $0xFFFFFF80, s0;
	_ =	swait.ge @p0 [sflag:s25], $0x2000  }
0x6f: {  	s0 =	simm.s32 @!p0 $0x200;
	s29 =	simm.s32 @!p0 $0x0;
	[sflag:s25] =	ssyncset.done @p0 $0x0  }
0x70: {  	s24 =	simm.s32 @!p0 $0x80;
	[sflag:s25] =	ssyncadd.s32 @p0 $0xFFFFE000;
	s25 =	simm.s32 @!p0 $0x2E00  }
0x71: {  	[tilespmem:s25], [sflag:$0x1] =	stream.indirect.gather @!p0 [hbm4b:s5+s24], $0x40, s29, s24, $0xb8;
	[tilespmem:$0x16E00] =	vst v63  }
0x72: {  	s0 =	sadd.s32 s3, s0;
	s25 =	simm.s32 @!p0 $0x4E00  }
0x73: {  	[tilespmem:s25], [sflag:$0x2] =	stream.indirect.gather @!p0 [hbm4b:s5+s24], $0x40, s24, s24, $0xb8;
	[tilespmem:$0x16E00] =	vst v63  }
0x74: {  	s0 =	sshll.u32 s0, $0x3;
	s26 =	simm.s32 @!p0 $0x6E00;
	s25 =	simm.s32 @!p0 $0x100  }
0x75: {  	[tilespmem:s26], [sflag:$0x3] =	stream.indirect.gather @!p0 [hbm4b:s5+s24], $0x40, s25, s24, $0xb8;
	[tilespmem:$0x16E00] =	vst v63  }
0x76: {  	s29 =	sand.u32 $0x1FFFF800, s0;
	s0 =	simm.s32 @!p0 $0x180;
	s25 =	simm.s32 @!p0 $0x8E00  }
0x77: {  	[tilespmem:s25], [sflag:$0x4] =	stream.indirect.gather @!p0 [hbm4b:s5+s24], $0x40, s0, s24, $0xb8;
	[tilespmem:$0x16E00] =	vst v63  }
0x78: {  	s26 =	simm.s32 @!p0 $0xAE00;
	s25 =	simm.s32 @!p0 $0x200  }
0x79: {  	[tilespmem:s26], [sflag:$0x5] =	stream.indirect.gather @!p0 [hbm4b:s5+s24], $0x40, s25, s24, $0xb8;
	[tilespmem:$0x16E00] =	vst v63  }
0x7a: {  	s24 =	sadd.s32 $0x280, s13  }
0x7b: {  	[tilespmem:s15], [sflag:$0x6] =	stream.indirect.gather [hbm4b:s5+s14], $0x40, s24, s14, $0xb8;
	[tilespmem:$0x16E00] =	vst v63  }
0x7c: {  	_ =	swait.ge [sflag:s16], $0x2000  }
0x7d: {  	s31 =	simm.s32 @!p0 $0x180;
	[sflag:s16] =	ssyncset.done $0x0  }
0x7e: {  	s26 =	sadd.s32 s6, s8;
	s25 =	rddreg [dreg:$0x3];
	[sflag:s16] =	ssyncadd.s32 $0xFFFFE000  }
0x7f: {  	[hbm4b:s26+s4] =	stream.linear.scatter [tilespmem:s25], [sflag:$0x7], $0x2000, $0x38;
	[tilespmem:$0x16E00] =	vst v63  }
0x80: {  	s31 =	sadd.s32 s3, s31;
	_ =	swait.ge [sflag:s17], $0x2000  }
0x81: {  	s9 =	sadd.s32 s6, s9;
	s31 =	sshll.u32 s31, $0x3;
	[sflag:s17] =	ssyncset.done $0x0  }
0x82: {  	s11 =	sand.u32 $0x1FFFFC00, s31;
	s31 =	rddreg [dreg:$0x4];
	[sflag:s17] =	ssyncadd.s32 $0xFFFFE000  }
0x83: {  	[hbm4b:s9+s4] =	stream.linear.scatter [tilespmem:s31], [sflag:$0x8], $0x2000, $0x38;
	[tilespmem:$0x16E00] =	vst v63  }
0x84: {  	s7 =	smov.u32 s2;
	_ =	swait.ge [sflag:s18], $0x2000  }
0x85: {  	s2 =	sadd.s32 $0x300, s2;
	s10 =	sand.u32 $0x1FFFF800, s10;
	[sflag:s18] =	ssyncset.done $0x0  }
0x86: {  	s13 =	sadd.s32 s6, s10;
	s9 =	rddreg [dreg:$0x5];
	[sflag:s18] =	ssyncadd.s32 $0xFFFFE000  }
0x87: {  	[hbm4b:s13+s4] =	stream.linear.scatter [tilespmem:s9], [sflag:$0x9], $0x2000, $0x38;
	[tilespmem:$0x16E00] =	vst v63  }
0x88: {  	p1 =	sne.s32 s2, $0x2F00;
	_ =	swait.ge [sflag:s19], $0x2000  }
0x89: {  	s0 =	smov.u32 s7;
	s7 =	sadd.s32 s3, s24;
	[sflag:s19] =	ssyncset.done $0x0  }
0x8a: {  	s25 =	sadd.s32 s6, s11;
	s24 =	rddreg [dreg:$0x6];
	[sflag:s19] =	ssyncadd.s32 $0xFFFFE000  }
0x8b: {  	[hbm4b:s25+s4] =	stream.linear.scatter [tilespmem:s24], [sflag:$0xA], $0x2000, $0x38;
	[tilespmem:$0x16E00] =	vst v63  }
.Ltmp0:
0x8c: {  	_ = 	snop;
	(pc) =	sbr.rel @p1 .LBB2_2-.Ltmp0, $4  }
0x8d: {  	s30 =	sadd.s32 $0x300, s30;
	s7 =	sshll.u32 s7, $0x3;
	_ =	swait.ge [sflag:s20], $0x2000  }
0x8e: {  	p0 =	sne.s32 s0, $0x200;
	s8 =	sand.u32 $0x1FFFFC00, s7;
	[sflag:s20] =	ssyncset.done $0x0  }
0x8f: {  	s31 =	sadd.s32 s6, s29;
	s26 =	rddreg [dreg:$0x7];
	[sflag:s20] =	ssyncadd.s32 $0xFFFFE000  }
0x90: {  	[hbm4b:s31+s4] =	stream.linear.scatter [tilespmem:s26], [sflag:$0xB], $0x2000, $0x38;
	[tilespmem:$0x16E00] =	vst v63  }
0x91: {  	_ =	swait.ge [sflag:s21], $0x2000  }
0x92: {  	[sflag:s21] =	ssyncset.done $0x0  }
0x93: {  	s2 =	simm.s32 @p0 $0x7;
	s7 =	sadd.s32 s6, s8;
	[sflag:s21] =	ssyncadd.s32 $0xFFFFE000  }
0x94: {  	[hbm4b:s7+s4] =	stream.linear.scatter [tilespmem:s15], [sflag:$0xC], $0x2000, $0x38;
	[tilespmem:$0x16E00] =	vst v63  }
0x95: {  	_ =	swait.ge @p0 [sflag:s2], $0x2000  }
0x96: {  	s8 =	simm.s32 @p0 $0x80;
	[sflag:s2] =	ssyncset.done @p0 $0x0  }
0x97: {  	s7 =	sadd.s32 @p0 $0xFFFFFE00, s30;
	[sflag:s2] =	ssyncadd.s32 @p0 $0xFFFFE000;
	s2 =	simm.s32 @p0 $0x2E00  }
0x98: {  	[tilespmem:s2], [sflag:$0x1] =	stream.indirect.gather @p0 [hbm4b:s5+s8], $0x40, s7, s8, $0xb8;
	[tilespmem:$0x16E00] =	vst v63  }
0x99: {  	s2 =	simm.s32 @p0 $0x8  }
0x9a: {  	_ =	swait.ge @p0 [sflag:s2], $0x2000  }
0x9b: {  	[sflag:s2] =	ssyncset.done @p0 $0x0  }
0x9c: {  	s7 =	sadd.s32 @p0 $0xFFFFFE80, s30;
	[sflag:s2] =	ssyncadd.s32 @p0 $0xFFFFE000;
	s2 =	simm.s32 @p0 $0x4E00  }
0x9d: {  	[tilespmem:s2], [sflag:$0x2] =	stream.indirect.gather @p0 [hbm4b:s5+s8], $0x40, s7, s8, $0xb8;
	[tilespmem:$0x16E00] =	vst v63  }
0x9e: {  	s2 =	simm.s32 @p0 $0x9  }
0x9f: {  	_ =	swait.ge @p0 [sflag:s2], $0x2000  }
0xa0: {  	[sflag:s2] =	ssyncset.done @p0 $0x0  }
0xa1: {  	s7 =	sadd.s32 @p0 $0xFFFFFF00, s30;
	[sflag:s2] =	ssyncadd.s32 @p0 $0xFFFFE000;
	s2 =	simm.s32 @p0 $0x6E00  }
0xa2: {  	[tilespmem:s2], [sflag:$0x3] =	stream.indirect.gather @p0 [hbm4b:s5+s8], $0x40, s7, s8, $0xb8;
	[tilespmem:$0x16E00] =	vst v63  }
0xa3: {  	s2 =	simm.s32 @p0 $0xA  }
0xa4: {  	_ =	swait.ge @p0 [sflag:s2], $0x2000  }
0xa5: {  	[sflag:s2] =	ssyncset.done @p0 $0x0  }
0xa6: {  	s7 =	sadd.s32 @p0 $0xFFFFFF80, s30;
	[sflag:s2] =	ssyncadd.s32 @p0 $0xFFFFE000;
	s2 =	simm.s32 @p0 $0x8E00  }
0xa7: {  	[tilespmem:s2], [sflag:$0x4] =	stream.indirect.gather @p0 [hbm4b:s5+s8], $0x40, s7, s8, $0xb8;
	[tilespmem:$0x16E00] =	vst v63  }
0xa8: {  	s2 =	simm.s32 @p0 $0xB  }
0xa9: {  	_ =	swait.ge @p0 [sflag:s2], $0x2000  }
0xaa: {  	[sflag:s2] =	ssyncset.done @p0 $0x0  }
0xab: {  	[sflag:s2] =	ssyncadd.s32 @p0 $0xFFFFE000;
	s2 =	simm.s32 @p0 $0xAE00  }
0xac: {  	[tilespmem:s2], [sflag:$0x5] =	stream.indirect.gather @p0 [hbm4b:s5+s8], $0x40, s30, s8, $0xb8;
	[tilespmem:$0x16E00] =	vst v63  }
0xad: {  	s2 =	simm.s32 @p0 $0xC  }
0xae: {  	_ =	swait.ge @p0 [sflag:s2], $0x2000  }
0xaf: {  	s7 =	simm.s32 @!p0 $0x80;
	[sflag:s2] =	ssyncset.done @p0 $0x0  }
0xb0: {  	s8 =	simm.s32 @!p0 $0x0;
	[sflag:s2] =	ssyncadd.s32 @p0 $0xFFFFE000;
	s2 =	simm.s32 @!p0 $0x2E00  }
0xb1: {  	[tilespmem:s2], [sflag:$0x1] =	stream.indirect.gather @!p0 [hbm4b:s5+s7], $0x40, s8, s7, $0xb8;
	[tilespmem:$0x16E00] =	vst v63  }
0xb2: {  	s2 =	simm.s32 @!p0 $0x4E00  }
0xb3: {  	[tilespmem:s2], [sflag:$0x2] =	stream.indirect.gather @!p0 [hbm4b:s5+s7], $0x40, s7, s7, $0xb8;
	[tilespmem:$0x16E00] =	vst v63  }
0xb4: {  	s8 =	simm.s32 @!p0 $0x6E00;
	s2 =	simm.s32 @!p0 $0x100  }
0xb5: {  	[tilespmem:s8], [sflag:$0x3] =	stream.indirect.gather @!p0 [hbm4b:s5+s7], $0x40, s2, s7, $0xb8;
	[tilespmem:$0x16E00] =	vst v63  }
0xb6: {  	s2 =	simm.s32 @!p0 $0x180;
	s8 =	simm.s32 @!p0 $0x8E00  }
0xb7: {  	[tilespmem:s8], [sflag:$0x4] =	stream.indirect.gather @!p0 [hbm4b:s5+s7], $0x40, s2, s7, $0xb8;
	[tilespmem:$0x16E00] =	vst v63  }
0xb8: {  	s2 =	simm.s32 @!p0 $0x200;
	s8 =	simm.s32 @!p0 $0xAE00  }
0xb9: {  	[tilespmem:s8], [sflag:$0x5] =	stream.indirect.gather @!p0 [hbm4b:s5+s7], $0x40, s2, s7, $0xb8;
	[tilespmem:$0x16E00] =	vst v63  }
0xba: {  	s2 =	sadd.s32 @p0 $0xFFFFFE00, s0  }
0xbb: {  	s2 =	simm.s32 @!p0 $0x0  }
0xbc: {  	s25 =	sadd.s32 $0x280, s2;
	s2 =	sadd.s32 s3, s2  }
0xbd: {  	[tilespmem:s15], [sflag:$0x6] =	stream.indirect.gather [hbm4b:s5+s14], $0x40, s25, s14, $0xb8;
	[tilespmem:$0x16E00] =	vst v63  }
0xbe: {  	s2 =	sshll.u32 s2, $0x3;
	_ =	swait.ge [sflag:s16], $0x2000  }
0xbf: {  	s2 =	sand.u32 $0x1FFFF800, s2;
	[sflag:s16] =	ssyncset.done $0x0  }
0xc0: {  	s26 =	rddreg [dreg:$0x3];
	s2 =	sadd.s32 s6, s2;
	[sflag:s16] =	ssyncadd.s32 $0xFFFFE000  }
0xc1: {  	[hbm4b:s2+s4] =	stream.linear.scatter [tilespmem:s26], [sflag:$0x7], $0x2000, $0x38;
	[tilespmem:$0x16E00] =	vst v63  }
0xc2: {  	s2 =	sadd.s32 @p0 $0xFFFFFE80, s0  }
0xc3: {  	s2 =	simm.s32 @!p0 $0x80  }
0xc4: {  	s2 =	sadd.s32 s3, s2  }
0xc5: {  	_ =	swait.ge [sflag:s17], $0x2000;
	s2 =	sshll.u32 s2, $0x3  }
0xc6: {  	[sflag:s17] =	ssyncset.done $0x0;
	s2 =	sand.u32 $0x1FFFFC00, s2  }
0xc7: {  	s29 =	rddreg [dreg:$0x4];
	[sflag:s17] =	ssyncadd.s32 $0xFFFFE000;
	s2 =	sadd.s32 s6, s2  }
0xc8: {  	[hbm4b:s2+s4] =	stream.linear.scatter [tilespmem:s29], [sflag:$0x8], $0x2000, $0x38;
	[tilespmem:$0x16E00] =	vst v63  }
0xc9: {  	s2 =	sadd.s32 @p0 $0xFFFFFF00, s0  }
0xca: {  	s2 =	simm.s32 @!p0 $0x100  }
0xcb: {  	s2 =	sadd.s32 s3, s2  }
0xcc: {  	_ =	swait.ge [sflag:s18], $0x2000;
	s2 =	sshll.u32 s2, $0x3  }
0xcd: {  	[sflag:s18] =	ssyncset.done $0x0;
	s2 =	sand.u32 $0x1FFFF800, s2  }
0xce: {  	s30 =	rddreg [dreg:$0x5];
	[sflag:s18] =	ssyncadd.s32 $0xFFFFE000;
	s2 =	sadd.s32 s6, s2  }
0xcf: {  	[hbm4b:s2+s4] =	stream.linear.scatter [tilespmem:s30], [sflag:$0x9], $0x2000, $0x38;
	[tilespmem:$0x16E00] =	vst v63  }
0xd0: {  	s2 =	sadd.s32 @p0 $0xFFFFFF80, s0  }
0xd1: {  	s2 =	simm.s32 @!p0 $0x180  }
0xd2: {  	s2 =	sadd.s32 s3, s2  }
0xd3: {  	s0 =	simm.s32 @!p0 $0x200;
	_ =	swait.ge [sflag:s19], $0x2000;
	s2 =	sshll.u32 s2, $0x3  }
0xd4: {  	s0 =	sadd.s32 s3, s0;
	[sflag:s19] =	ssyncset.done $0x0;
	s2 =	sand.u32 $0x1FFFFC00, s2  }
0xd5: {  	s31 =	rddreg [dreg:$0x6];
	[sflag:s19] =	ssyncadd.s32 $0xFFFFE000;
	s2 =	sadd.s32 s6, s2  }
0xd6: {  	[hbm4b:s2+s4] =	stream.linear.scatter [tilespmem:s31], [sflag:$0xA], $0x2000, $0x38;
	[tilespmem:$0x16E00] =	vst v63  }
0xd7: {  	s0 =	sshll.u32 s0, $0x3;
	_ =	swait.ge [sflag:s20], $0x2000  }
0xd8: {  	s9 =	sadd.s32 s3, s25;
	s0 =	sand.u32 $0x1FFFF800, s0;
	[sflag:s20] =	ssyncset.done $0x0  }
0xd9: {  	s0 =	sadd.s32 s6, s0;
	s8 =	rddreg [dreg:$0x7];
	[sflag:s20] =	ssyncadd.s32 $0xFFFFE000  }
0xda: {  	[hbm4b:s0+s4] =	stream.linear.scatter [tilespmem:s8], [sflag:$0xB], $0x2000, $0x38;
	[tilespmem:$0x16E00] =	vst v63  }
0xdb: {  	s0 =	sshll.u32 s9, $0x3;
	_ =	swait.ge [sflag:s21], $0x2000  }
0xdc: {  	s0 =	sand.u32 $0x1FFFFC00, s0;
	[sflag:s21] =	ssyncset.done $0x0  }
0xdd: {  	s0 =	sadd.s32 s6, s0;
	[sflag:s21] =	ssyncadd.s32 $0xFFFFE000  }
0xde: {  	[hbm4b:s0+s4] =	stream.linear.scatter [tilespmem:s15], [sflag:$0xC], $0x2000, $0x38;
	[tilespmem:$0x16E00] =	vst v63  }
0xdf: {  	_ =	swait.ge [sflag:s22], $0x2000  }
0xe0: {  	[sflag:s22] =	ssyncset.done $0x0  }
0xe1: {  	[sflag:s22] =	ssyncadd.s32 $0xFFFFE000  }
0xe2: {  	_ =	swait.ge [sflag:s23], $0x2000  }
0xe3: {  	[sflag:s23] =	ssyncset.done $0x0  }
0xe4: {  	s10 =	simm.s32 $0x9;
	[sflag:s23] =	ssyncadd.s32 $0xFFFFE000  }
0xe5: {  	_ =	swait.ge [sflag:s10], $0x2000  }
0xe6: {  	[sflag:s10] =	ssyncset.done $0x0  }
0xe7: {  	s11 =	simm.s32 $0xA;
	[sflag:s10] =	ssyncadd.s32 $0xFFFFE000  }
0xe8: {  	_ =	swait.ge [sflag:s11], $0x2000  }
0xe9: {  	[sflag:s11] =	ssyncset.done $0x0  }
0xea: {  	s13 =	simm.s32 $0xB;
	[sflag:s11] =	ssyncadd.s32 $0xFFFFE000  }
0xeb: {  	_ =	swait.ge [sflag:s13], $0x2000  }
0xec: {  	[sflag:s13] =	ssyncset.done $0x0  }
0xed: {  	[sflag:s13] =	ssyncadd.s32 $0xFFFFE000  }
0xee: {  	_ =	swait.ge [sflag:s28], $0x2000  }
0xef: {  	[sflag:s28] =	ssyncset.done $0x0  }
0xf0: {  	[sflag:s28] =	ssyncadd.s32 $0xFFFFE000  }
0xf1: {  	s25 =	simm.s32 $0xEE00;
	s2 =	simm.s32 $0x2D00;
	s24 =	rddreg [dreg:$0x1]  }
0xf2: {  	[tilespmem:s25], [sflag:$0x1] =	stream.indirect.gather [hbm4b:s24+s14], $0x80, s2, s14, $0xb8;
	[tilespmem:$0x16E00] =	vst v63  }
0xf3: {  	s26 =	simm.s32 $0x2D80;
	s9 =	simm.s32 $0x12E00  }
0xf4: {  	[tilespmem:s9], [sflag:$0x2] =	stream.indirect.gather [hbm4b:s24+s14], $0x80, s26, s14, $0xb8;
	[tilespmem:$0x16E00] =	vst v63  }
0xf5: {  	_ =	swait.ge [sflag:s16], $0x4000  }
0xf6: {  	[sflag:s16] =	ssyncset.done $0x0  }
0xf7: {  	s29 =	rddreg [dreg:$0xa];
	[sflag:s16] =	ssyncadd.s32 $0xFFFFC000  }
0xf8: {  	[hbm4b:s29+s4] =	stream.linear.scatter [tilespmem:s25], [sflag:$0x7], $0x4000, $0x38;
	[tilespmem:$0x16E00] =	vst v63  }
0xf9: {  	_ =	swait.ge [sflag:s17], $0x4000  }
0xfa: {  	[sflag:s17] =	ssyncset.done $0x0  }
0xfb: {  	s30 =	rddreg [dreg:$0xb];
	[sflag:s17] =	ssyncadd.s32 $0xFFFFC000  }
0xfc: {  	[hbm4b:s30+s4] =	stream.linear.scatter [tilespmem:s9], [sflag:$0x8], $0x4000, $0x38;
	[tilespmem:$0x16E00] =	vst v63  }
0xfd: {  	_ =	swait.ge [sflag:s22], $0x4000  }
0xfe: {  	[sflag:s22] =	ssyncset.done $0x0  }
0xff: {  	[sflag:s22] =	ssyncadd.s32 $0xFFFFC000  }
0x100: {  	_ =	swait.ge [sflag:s23], $0x4000  }
0x101: {  	s1 =	sadd.s32 $0x1, s1;
	s31 =	rddreg [dreg:$0xc]  }
0x102: {  	p0 =	sne.s32 s1, s31  }
.Ltmp1:
0x103: {  	_ = 	snop;
	(pc) =	sbr.rel @p0 .LBB2_1-.Ltmp1, $3  }
0x104: {  	_ =	sdelay $0x1  }
0x105: {  	[sflag:s23] =	ssyncset.done $0x0  }
0x106: {  	[sflag:s23] =	ssyncadd.s32 $0xFFFFC000  }
0x107: {  	_ =	sfence.sel $0x180000  }
0x108: {  	[bflag:$0x0] =	sbarrier.arrive $0xFFFF  }
0x109: {  	_ =	strace $0x9000004A  }
0x10a: {  	s0 =	stileid.u32;
	[bflag:$0x2] =	sbarrier.arrive $0xFFFF  }
0x10b: {  	p0 =	sne.s32 s0, $0x0;
	s0 =	rddreg [dreg:$0x2]  }
0x10c: {  	s0 =	sadd.s32 @!p0 $0x100000, s0  }
0x10d: {  	[sflag:s0] =	ssyncadd.tile.s32 @!p0 $0x1;
	_ =	shalt  }
.Lfunc_end2:
_tile_overlayer_lowered:
.L_overlay_start_2:
0x10e: {  	(tag) =	ssettag $0x2  }
0x10f: {  	s0 =	rddreg [dreg:$0x0];
	s2 =	stileid.u32  }
0x110: {  	s1 =	rddreg [dreg:$0x1];
	p0 =	sne.s32 s2, $0x0  }
0x111: {  	s3 =	rddreg [dreg:$0x2];
	[bflag:$0x3] =	sbarrier.arrive $0xFFFF;
	s2 =	simm.s32 @!p0 $0x1C0D  }
0x112: {  	[timem:s3], [sflag:s2] =	dma.local @!p0 [hbm:s0], s1  }
0x113: {  	s0 =	simm.s32 @!p0 $0xD  }
0x114: {  	_ =	swait.ge @!p0 [sflag:s0], s1  }
0x115: {  	s1 =	ssub.s32 @!p0 $0x0, s1;
	[sflag:s0] =	ssyncset.done @!p0 $0x0  }
0x116: {  	[sflag:s0] =	ssyncadd.s32 @!p0 s1  }
0x117: {  	[bflag:$0x3] =	sbarrier.arrive $0xFFFF  }
0x118: {  	_ =	shalt  }

// kernel: sparse-core-data-format-call.1.cloned.1.call-start
scs
called_computation.1_lowered:
.L_overlay_start_0:
0x0: {  	s1 =	sld [smem:$0x3FD9]  }
0x1: {  	s2 =	sld [smem:$0x3FFE];
	_ =	sdelay $0x1  }
0x2: {  	s3 =	srdreg.scid  }
0x3: {  	s0 =	sand.u32 $0x1, s3  }
0x4: {  	s17 =	sshll.u32 s0, $0xA;
	s1 =	sadd.s32 s2, s1  }
0x5: {  	s1 =	sadd.s32 s1, s17  }
0x6: {  	[smem:$0x3FA4] =	sst s1  }
0x7: {  	_ = 	snop  }
0x8: {  	(tm) =	ssettm $0x1  }
0x9: {  	s18 =	sld [smem:$0x3FFB];
	_ =	sdelay $0x3  }
0xa: {  	_ =	strace s18  }
0xb: {  	s1 =	sld [smem:$0x3FFC];
	_ =	sdelay $0x3  }
0xc: {  	_ =	strace s1  }
0xd: {  	s1 =	sld [smem:$0x3FFD];
	_ =	sdelay $0x3  }
0xe: {  	_ =	strace s1  }
0xf: {  	_ =	strace $0x8FFFFFFF  }
0x10: {  	s19 =	sld [smem:$0x3FDB];
	_ =	sdelay $0x1  }
0x11: {  	s20 =	simm.s32 $_scs_section_size  }
0x12: {  	s4 =	simm.s32 $_size__tile_overlayer_lowered;
	s5 =	simm.s32 $_tile_overlayer_lowered  }
0x13: {  	s23 =	simm.s32 $0x1BFF;
	s22 =	sshll.u32 s5, $0x1;
	s1 =	sadd.s32 s20, s19  }
0x14: {  	s6 =	simm.s32 $0x0;
	s21 =	sshll.u32 s4, $0x1;
	s4 =	sadd.s32 s22, s1  }
0x15: {  	[timem:s6], [sflag:s23] =	dma.local [hbm:s4], s21  }
0x16: {  	_ =	swait.ge [sflag:s23], s21  }
0x17: {  	s2 =	ssub.s32 $0x0, s21;
	[sflag:s23] =	ssyncset.done $0x0  }
0x18: {  	[sflag:s23] =	ssyncadd.s32 s2;
	_ =	sdelay $0x1  }
0x19: {  	s24 =	simm.s32 $0x1B8B  }
0x1a: {  	_ =	swait.ge [sflag:s24], $0x1  }
0x1b: {  	[sflag:s24] =	ssyncset.done $0x0  }
0x1c: {  	s26 =	simm.s32 $0x1B8E;
	s25 =	sld [smem:$0x3FFE];
	[sflag:s24] =	ssyncadd.s32 $0xFFFFFFFF  }
0x1d: {  	s27 =	simm.s32 $execute0_lowered;
	[smem:$0x3FD2] =	sst s26  }
0x1e: {  	s4 =	sshll.u32 s27, $0x1;
	_ =	strace $0x8000004C;
	[dreg:$0x1] =	wrdreg $0xFFFFFFFF  }
0x1f: {  	s28 =	simm.s32 $_size_execute0_lowered;
	s1 =	sadd.s32 s1, s4;
	[dreg:$0x0] =	wrdreg $0x0  }
0x20: {  	s4 =	sshll.u32 s28, $0x1;
	[dreg:$0x2] =	wrdreg s1  }
0x21: {  	[dreg:$0x3] =	wrdreg s4  }
0x22: {  	[dreg:$0x4] =	wrdreg $0xC0  }
0x23: {  	_ =	task [dreg:s6], $0x5FFFF  }
0x24: {  	[dreg:$0x1] =	wrdreg $0xFFFFFFFF  }
0x25: {  	[dreg:$0x0] =	wrdreg $0x60  }
0x26: {  	[dreg:$0x2] =	wrdreg s25  }
0x27: {  	[dreg:$0x3] =	wrdreg $0x9  }
0x28: {  	_ =	task.clear_ibuf [dreg:s6], $0x4FFFF;
	_ =	strace $0x9000004C  }
0x29: {  	s29 =	simm.s32 $0x9;
	_ =	strace $0x8000004E  }
0x2a: {  	_ =	swait.ge [sflag:s29], $0x1  }
0x2b: {  	[sflag:s29] =	ssyncadd.s32 $0xFFFFFFFF  }
0x2c: {  	_ =	strace $0x9000004E  }
0x2d: {  	_ =	sfence  }
0x2e: {  	s30 =	sld [smem:$0x0];
	_ =	sdelay $0x2  }
0x2f: {  	s31 =	sshll.u32 s3, $0xD;
	s3 =	sshrl.u32 s3, $0x2  }
0x30: {  	s2 =	sand.u32 $0x4000, s31;
	s1 =	sadd.s32 s3, s30  }
0x31: {  	s0 =	sor.u32 s2, s0;
	s1 =	sshll.u32 s1, $0x11  }
0x32: {  	s0 =	sor.u32 s1, s0  }
0x33: {  	s0 =	sadd.s32 $0x8F2B, s0  }
0x34: {  	[sflag:s0] =	ssyncadd.remote.s32 $0x1  }
0x35: {  	_ =	sfence.sel $0xFFFF  }
0x36: {  	[dreg:$0x0] =	wrdreg $0xFFFFFFFF;
	(pc) =	sbr.abs _section_cstart, $3  }
0x37: {  	[dreg:$0x1] =	wrdreg $0xFFFFFFFF  }
0x38: {  	_ =	task.clear_ibuf [dreg:s6], $0x2FFFF;
	_ =	strace $0x9FFFFFFF  }
0x39: {  	(tm) =	ssettm $0x7FFFFFFF  }
tec
execute0_lowered:
.L_overlay_start_1:
0x0: {  	(tag) =	ssettag $0x1  }
0x1: {  	s0 =	srdreg.scid  }
0x2: {  	s1 =	sshll.u32 s0, $0x4  }
0x3: {  	s4 =	rddreg [dreg:$0x0];
	s0 =	stileid.u32;
	s1 =	sand.u32 $0x10, s1  }
0x4: {  	s7 =	simm.s32 $0x1;
	s8 =	simm.s32 $0x2;
	s2 =	sor.u32 s0, s1  }
0x5: {  	s11 =	simm.s32 $0x0;
	s10 =	simm.s32 $0x0;
	s2 =	sshll.u32 s2, $0x7  }
0x6: {  	s3 =	sadd.s32 $0xB8EC00, s4;
	s4 =	sadd.s32 $0xE9000, s4;
	s6 =	ssub.s32 $0x5A000, s2  }
.Ltmp0:
0x7: {  	s1 =	rddreg [dreg:$0x1];
	s5 =	sand.u32 $0xF80, s6;
	(pc) =	sbr.rel .LBB1_1-.Ltmp0, $4  }
0x8: {  	_ =	strace $0x8000004D;
	s9 =	smov.u32 s2;
	p0 =	sne.s32 s5, $0x0  }
0x9: {  	s6 =	sshrl.u32 s6, $0xC;
	s5 =	simm.s32 $0x1;
	s7 =	simm.s32 @!p0 $0x0  }
0xa: {  	[sflag:s5] =	ssyncpa.u1 $0x0;
	p0 =	por $0x0, $0x0;
	s6 =	sadd.s32 s7, s6  }
0xb: {  	[sflag:s8] =	ssyncpa.u1 $0x0;
	s8 =	simm.s32 $0x2D0000;
	s7 =	sadd.s32 $0x1, s6  }
.LBB1_4:
0xc: {  	s14 =	sshll.u32 s11, $0x3  }
0xd: {  	s15 =	sshrl.u32 s14, $0xD  }
0xe: {  	s15 =	smulhi.u32 $0x5B05B06, s15;
	_ =	sdelay $0x1  }
0xf: {  	s28 =	sand.u32 $0x7F, s11;
	s14 =	sand.u32 $0xFFFFFC00, s14;
	s16 =	smul.u32 $0x5A000, s15  }
0x10: {  	s11 =	sor.u32 s28, s14;
	s29 =	sand.u32 $0x3F, s15  }
0x11: {  	s14 =	smul.u32 $0xB400, s29;
	s11 =	ssub.s32 s11, s16  }
0x12: {  	[tilespmem:s13+$0x810 ss:$0x81] =	vst.msk $0xffff, v2;
	s30 =	sand.u32 $0x7, s11  }
0x13: {  	[tilespmem:s13+$0x1020 ss:$0x81] =	vst.msk $0xffff, v0;
	s11 =	sshrl.u32 s11, $0x3;
	s14 =	sadd.s32 s4, s14;
	s15 =	sshll.u32 s30, $0x12  }
0x14: {  	[tilespmem:s13+$0x0 ss:$0x81] =	vst.msk $0xffff, v1;
	s11 =	sadd.s32 s11, s14;
	s31 =	sor.u32 $0x400, s15  }
0x15: {  	[hbm4b:s11+s31] =	stream.strided.scatter [tilespmem:s12], [sflag:$0x2], $0x2000, s8, s31, $0x20;
	[tilespmem:$0x8080] =	vst v63  }
.LBB1_5:
0x16: {  	s13 =	sadd.s32 $0x1000, s9  }
0x17: {  	p2 =	sgt.s32 s13, $0x59FFF  }
0x18: {  	s13 =	smov.u32 @p2 s2;
	p2 =	sne.s32 s10, s7  }
.Ltmp1:
0x19: {  	p1 =	slt.u32 s10, $0x2;
	(pc) =	sbr.rel @!p2 .LBB1_6-.Ltmp1, $4  }
0x1a: {  	s12 =	simm.s32 @!p1 $0x2  }
0x1b: {  	s14 =	sadd.s32 $0x1, s10;
	_ =	swait.ge @!p1 [sflag:s12], $0x2000  }
0x1c: {  	s11 =	smov.u32 s9;
	p0 =	por !p0, !p0;
	[sflag:s12] =	ssyncset.done @!p1 $0x0  }
0x1d: {  	s10 =	smov.u32 s14;
	s9 =	smov.u32 s13;
	[sflag:s12] =	ssyncadd.s32 @!p1 $0xFFFFE000  }
.LBB1_1:
0x1e: {  	p1 =	sge.u32 s10, s6  }
0x1f: {  	s12 =	sand.u32 @!p1 $0x1FFFFFF, s9  }
0x20: {  	s13 =	smulhi.u32 @!p1 $0xB60B61, s12;
	_ =	sdelay $0x1  }
0x21: {  	s13 =	sshrl.u32 @!p1 s13, $0xA  }
0x22: {  	s13 =	smul.u32 @!p1 $0x5A000, s13;
	_ =	sdelay $0x1  }
0x23: {  	s31 =	sadd.s32 $0xFFFFFFFF, s10;
	s14 =	sxor.u32 @!p1 $0xFFFFFFFF, s10;
	s12 =	ssub.s32 @!p1 s12, s13  }
0x24: {  	s15 =	simm.s32 @!p1 $0x80;
	s14 =	sshll.u32 @!p1 s14, $0xD;
	s12 =	sshll.u32 @!p1 s12, $0x4  }
0x25: {  	s13 =	sand.u32 @!p1 $0x2000, s14;
	s14 =	simm.s32 @!p1 $0x40;
	s12 =	sadd.s32 @!p1 s3, s12  }
0x26: {  	[tilespmem:s13], [sflag:$0x1] =	stream.strided.gather @!p1 [hbm4b:s12+s14], $0x2000, s15, s14, $0x38;
	[tilespmem:$0x8080] =	vst v63  }
0x27: {  	p1 =	sge.u32 s31, s6  }
.Ltmp2:
0x28: {  	_ = 	snop;
	(pc) =	sbr.rel @p1 .LBB1_5-.Ltmp2, $1  }
0x29: {  	_ =	sdelay $0x3  }
0x2a: {  	s12 =	simm.s32 $0x1  }
0x2b: {  	_ =	swait.ge [sflag:s5], $0x2000;
	s12 =	simm.s32 @!p0 $0x0  }
0x2c: {  	[sflag:s5] =	ssyncset.done $0x0;
	s13 =	sshll.u32 s12, $0xD  }
0x2d: {  	[sflag:s5] =	ssyncadd.s32 $0xFFFFE000;
	s16 =	sor.u32 $0x20, s13  }
0x2e: {  	s12 =	smul.u32 $0x8100, s12;
	v3 =	vld [tilespmem:s16+$0x10]  }
0x2f: {  	s30 =	sand.u32 $0x1, s10;
	v2 =	vld [tilespmem:s16+$0xFFFFFFF0]  }
0x30: {  	s13 =	smul.u32 $0x8100, s30;
	s12 =	sshrl.u32 s12, $0x2;
	v0 =	vld [tilespmem:s16+$0x0]  }
0x31: {  	v1 =	vld [tilespmem:s16+$0xFFFFFFE0];
	s14 =	sor.u32 $0x4000, s12  }
0x32: {  	s31 =	sshrl.u32 s13, $0x2;
	s13 =	sadd.s32 $0x0, s14  }
0x33: {  	s15 =	simm.s32 $0x4;
	s16 =	sadd.s32 $0x40, s16;
	s12 =	sor.u32 $0x4000, s31;
	[tilespmem:s13+$0x1830 ss:$0x81] =	vst.msk $0xffff, v3  }
.LBB1_3:
0x34: {  	v3 =	vld [tilespmem:s16+$0x10];
	p1 =	sne.s32 s15, $0x1FC;
	[tilespmem:s13+$0x810 ss:$0x81] =	vst.msk $0xffff, v2;
	s17 =	smov.u32 s15;
	s15 =	sadd.s32 $0x4, s15  }
.Ltmp3:
0x35: {  	v2 =	vld [tilespmem:s16+$0xFFFFFFF0];
	[tilespmem:s13+$0x1020 ss:$0x81] =	vst.msk $0xffff, v0;
	(pc) =	sbr.rel @p1 .LBB1_3-.Ltmp3, $4  }
0x36: {  	v0 =	vld [tilespmem:s16+$0x0];
	[tilespmem:s13+$0x0 ss:$0x81] =	vst.msk $0xffff, v1  }
0x37: {  	s13 =	sshra.s32 s17, $0x2;
	v1 =	vld [tilespmem:s16+$0xFFFFFFE0]  }
0x38: {  	s13 =	sadd.s32 s13, s14  }
0x39: {  	s16 =	sadd.s32 $0x40, s16;
	[tilespmem:s13+$0x1830 ss:$0x81] =	vst.msk $0xffff, v3  }
.Ltmp4:
0x3a: {  	_ = 	snop;
	(pc) =	sbr.rel .LBB1_4-.Ltmp4, $1  }
0x3b: {  	_ =	sdelay $0x3  }
.LBB1_6:
0x3c: {  	_ =	sfence.sel $0x180000  }
0x3d: {  	s2 =	simm.s32 $0x1;
	[bflag:$0x0] =	sbarrier.arrive $0xFFFF  }
0x3e: {  	s31 =	simm.s32 $0x2;
	[sflag:s2] =	ssyncpa.u1 $0x1  }
0x3f: {  	[sflag:s31] =	ssyncpa.u1 $0x1  }
0x40: {  	p0 =	sne.s32 s0, $0x0;
	_ =	strace $0x9000004D  }
0x41: {  	s0 =	sadd.s32 @!p0 $0x100000, s1;
	[bflag:$0x2] =	sbarrier.arrive $0xFFFF  }
0x42: {  	[sflag:s0] =	ssyncadd.tile.s32 @!p0 $0x1;
	_ =	shalt  }
.Lfunc_end1:
_tile_overlayer_lowered:
.L_overlay_start_2:
0x43: {  	(tag) =	ssettag $0x2  }
0x44: {  	s0 =	rddreg [dreg:$0x0];
	s2 =	stileid.u32  }
0x45: {  	s1 =	rddreg [dreg:$0x1];
	p0 =	sne.s32 s2, $0x0  }
0x46: {  	s3 =	rddreg [dreg:$0x2];
	[bflag:$0x3] =	sbarrier.arrive $0xFFFF;
	s2 =	simm.s32 @!p0 $0x1C01  }
0x47: {  	[timem:s3], [sflag:s2] =	dma.local @!p0 [hbm:s0], s1  }
0x48: {  	s0 =	simm.s32 @!p0 $0x1  }
0x49: {  	_ =	swait.ge @!p0 [sflag:s0], s1  }
0x4a: {  	s1 =	ssub.s32 @!p0 $0x0, s1;
	[sflag:s0] =	ssyncset.done @!p0 $0x0  }
0x4b: {  	[sflag:s0] =	ssyncadd.s32 @!p0 s1  }
0x4c: {  	[bflag:$0x3] =	sbarrier.arrive $0xFFFF  }
0x4d: {  	_ =	shalt  }

// kernel: sparse-core-data-format-call.2.cloned.1.call-start
scs
called_computation.2_lowered:
.L_overlay_start_0:
0x0: {  	s1 =	sld [smem:$0x3FD9]  }
0x1: {  	s2 =	sld [smem:$0x3FFE];
	_ =	sdelay $0x1  }
0x2: {  	s3 =	srdreg.scid  }
0x3: {  	s0 =	sand.u32 $0x1, s3  }
0x4: {  	s17 =	sshll.u32 s0, $0xA;
	s1 =	sadd.s32 s2, s1  }
0x5: {  	s1 =	sadd.s32 s1, s17  }
0x6: {  	[smem:$0x3FA4] =	sst s1  }
0x7: {  	_ = 	snop  }
0x8: {  	(tm) =	ssettm $0x1  }
0x9: {  	s18 =	sld [smem:$0x3FFB];
	_ =	sdelay $0x3  }
0xa: {  	_ =	strace s18  }
0xb: {  	s1 =	sld [smem:$0x3FFC];
	_ =	sdelay $0x3  }
0xc: {  	_ =	strace s1  }
0xd: {  	s1 =	sld [smem:$0x3FFD];
	_ =	sdelay $0x3  }
0xe: {  	_ =	strace s1  }
0xf: {  	_ =	strace $0x8FFFFFFF  }
0x10: {  	s19 =	sld [smem:$0x3FDB];
	_ =	sdelay $0x1  }
0x11: {  	s20 =	simm.s32 $_scs_section_size  }
0x12: {  	s4 =	simm.s32 $_size__tile_overlayer_lowered;
	s5 =	simm.s32 $_tile_overlayer_lowered  }
0x13: {  	s23 =	simm.s32 $0x1BFF;
	s22 =	sshll.u32 s5, $0x1;
	s1 =	sadd.s32 s20, s19  }
0x14: {  	s6 =	simm.s32 $0x0;
	s21 =	sshll.u32 s4, $0x1;
	s4 =	sadd.s32 s22, s1  }
0x15: {  	[timem:s6], [sflag:s23] =	dma.local [hbm:s4], s21  }
0x16: {  	_ =	swait.ge [sflag:s23], s21  }
0x17: {  	s2 =	ssub.s32 $0x0, s21;
	[sflag:s23] =	ssyncset.done $0x0  }
0x18: {  	[sflag:s23] =	ssyncadd.s32 s2;
	_ =	sdelay $0x1  }
0x19: {  	s24 =	simm.s32 $0x1B8B  }
0x1a: {  	_ =	swait.ge [sflag:s24], $0x1  }
0x1b: {  	[sflag:s24] =	ssyncset.done $0x0  }
0x1c: {  	s26 =	simm.s32 $0x1B8E;
	s25 =	sld [smem:$0x3FFE];
	[sflag:s24] =	ssyncadd.s32 $0xFFFFFFFF  }
0x1d: {  	s27 =	simm.s32 $execute0_lowered;
	[smem:$0x3FD2] =	sst s26  }
0x1e: {  	s4 =	sshll.u32 s27, $0x1;
	_ =	strace $0x80000046;
	[dreg:$0x1] =	wrdreg $0xFFFFFFFF  }
0x1f: {  	s28 =	simm.s32 $_size_execute0_lowered;
	s1 =	sadd.s32 s1, s4;
	[dreg:$0x0] =	wrdreg $0x0  }
0x20: {  	s4 =	sshll.u32 s28, $0x1;
	[dreg:$0x2] =	wrdreg s1  }
0x21: {  	[dreg:$0x3] =	wrdreg s4  }
0x22: {  	[dreg:$0x4] =	wrdreg $0xC0  }
0x23: {  	_ =	task [dreg:s6], $0x5FFFF  }
0x24: {  	[dreg:$0x1] =	wrdreg $0xFFFFFFFF  }
0x25: {  	[dreg:$0x0] =	wrdreg $0x60  }
0x26: {  	[dreg:$0x2] =	wrdreg s25  }
0x27: {  	[dreg:$0x3] =	wrdreg $0x9  }
0x28: {  	_ =	task.clear_ibuf [dreg:s6], $0x4FFFF;
	_ =	strace $0x90000046  }
0x29: {  	s29 =	simm.s32 $0x9;
	_ =	strace $0x80000048  }
0x2a: {  	_ =	swait.ge [sflag:s29], $0x1  }
0x2b: {  	[sflag:s29] =	ssyncadd.s32 $0xFFFFFFFF  }
0x2c: {  	_ =	strace $0x90000048  }
0x2d: {  	_ =	sfence  }
0x2e: {  	s30 =	sld [smem:$0x0];
	_ =	sdelay $0x2  }
0x2f: {  	s31 =	sshll.u32 s3, $0xD;
	s3 =	sshrl.u32 s3, $0x2  }
0x30: {  	s2 =	sand.u32 $0x4000, s31;
	s1 =	sadd.s32 s3, s30  }
0x31: {  	s0 =	sor.u32 s2, s0;
	s1 =	sshll.u32 s1, $0x11  }
0x32: {  	s0 =	sor.u32 s1, s0  }
0x33: {  	s0 =	sadd.s32 $0x8F2B, s0  }
0x34: {  	[sflag:s0] =	ssyncadd.remote.s32 $0x1  }
0x35: {  	_ =	sfence.sel $0xFFFF  }
0x36: {  	[dreg:$0x0] =	wrdreg $0xFFFFFFFF;
	(pc) =	sbr.abs _section_cstart, $3  }
0x37: {  	[dreg:$0x1] =	wrdreg $0xFFFFFFFF  }
0x38: {  	_ =	task.clear_ibuf [dreg:s6], $0x2FFFF;
	_ =	strace $0x9FFFFFFF  }
0x39: {  	(tm) =	ssettm $0x7FFFFFFF  }
tec
execute0_lowered:
.L_overlay_start_1:
0x0: {  	(tag) =	ssettag $0x1  }
0x1: {  	s0 =	srdreg.scid  }
0x2: {  	s4 =	rddreg [dreg:$0x0];
	s1 =	stileid.u32  }
0x3: {  	s5 =	simm.s32 $0x1;
	s7 =	simm.s32 $0x2;
	s0 =	sshll.u32 s0, $0x4  }
0x4: {  	s11 =	simm.s32 $0x0;
	p0 =	por $0x0, $0x0;
	s2 =	sand.u32 $0x10, s0  }
.Ltmp0:
0x5: {  	s8 =	simm.s32 $0xC3800;
	s3 =	sor.u32 s1, s2;
	(pc) =	sbr.rel .LBB1_1-.Ltmp0, $4  }
0x6: {  	s10 =	simm.s32 $0x0;
	s0 =	rddreg [dreg:$0x1];
	s3 =	sshll.u32 s3, $0x7  }
0x7: {  	_ =	strace $0x80000047;
	s2 =	sadd.s32 $0x5A00, s4;
	s6 =	ssub.s32 $0x18680, s3  }
0x8: {  	s4 =	sadd.s32 $0x18C400, s4;
	[sflag:s5] =	ssyncpa.u1 $0x0;
	s6 =	sshrl.u32 s6, $0xC  }
0x9: {  	[sflag:s7] =	ssyncpa.u1 $0x0;
	s9 =	smov.u32 s3;
	s7 =	sadd.s32 $0x2, s6  }
.LBB1_5:
0xa: {  	s13 =	sadd.s32 $0x1000, s9  }
0xb: {  	p2 =	sgt.s32 s13, $0x1869F  }
0xc: {  	s13 =	smov.u32 @p2 s3;
	p2 =	sne.s32 s10, s7  }
.Ltmp1:
0xd: {  	p1 =	slt.u32 s10, $0x2;
	(pc) =	sbr.rel @!p2 .LBB1_6-.Ltmp1, $4  }
0xe: {  	s12 =	simm.s32 @!p1 $0x2  }
0xf: {  	s14 =	sadd.s32 $0x1, s10;
	_ =	swait.ge @!p1 [sflag:s12], $0x4000  }
0x10: {  	s11 =	smov.u32 s9;
	p0 =	por !p0, !p0;
	[sflag:s12] =	ssyncset.done @!p1 $0x0  }
0x11: {  	s10 =	smov.u32 s14;
	s9 =	smov.u32 s13;
	[sflag:s12] =	ssyncadd.s32 @!p1 $0xFFFFC000  }
.LBB1_1:
0x12: {  	p1 =	sgt.u32 s10, s6  }
0x13: {  	s12 =	sand.u32 @!p1 $0x1FFFFFF, s9  }
0x14: {  	p2 =	sgt.s32 @!p1 s9, $0x18620;
	s13 =	smulhi.u32 @!p1 $0x14F8B59, s12  }
0x15: {  	s14 =	smov.u32 s9;
	s15 =	sshra.s32 @!p1 s9, $0x1F;
	p2 =	por !p2, p1  }
0x16: {  	s15 =	sand.u32 @!p1 s15, s9;
	s14 =	simm.s32 @p2 $0x18620;
	s13 =	sshrl.u32 @!p1 s13, $0x9  }
0x17: {  	s14 =	ssub.s32 @!p1 s14, s15;
	s13 =	smul.u32 @!p1 $0x186A0, s13  }
0x18: {  	s15 =	sxor.u32 @!p1 $0xFFFFFFFF, s10;
	s14 =	sadd.s32 @!p1 $0xFFFE79E0, s14  }
0x19: {  	s15 =	sshll.u32 @!p1 s15, $0xE;
	s12 =	ssub.s32 @!p1 s12, s13;
	s13 =	sshll.u32 @!p1 s14, $0x9  }
0x1a: {  	s15 =	sand.u32 @!p1 $0x4000, s15;
	p2 =	sgt.s32 @!p1 s14, $0x7F;
	s13 =	ssub.s32 @!p1 $0x10000, s13  }
0x1b: {  	p2 =	por !p2, p1;
	s12 =	sshll.u32 @!p1 s12, $0x4;
	s13 =	sshrl.u32 @!p1 s13, $0x2  }
0x1c: {  	s14 =	simm.s32 @!p1 $0x0;
	s12 =	sadd.s32 @!p1 s2, s12;
	s13 =	simm.s32 @!p2 $0x0  }
0x1d: {  	[tilespmem:s15], [sflag:$0x1] =	stream.linear.gather @!p1 [hbm4b:s12+s14], s13, $0x38;
	[tilespmem:$0x10100] =	vst v63  }
0x1e: {  	p1 =	seq.s32 s10, $0x0  }
0x1f: {  	p2 =	sge.u32 @!p1 s10, s7  }
0x20: {  	p1 =	por p1, p2  }
.Ltmp2:
0x21: {  	_ = 	snop;
	(pc) =	sbr.rel @p1 .LBB1_5-.Ltmp2, $1  }
0x22: {  	_ =	sdelay $0x3  }
0x23: {  	p1 =	sgt.s32 s11, $0x18620;
	s12 =	smov.u32 s11;
	s13 =	sshra.s32 s11, $0x1F  }
0x24: {  	s12 =	simm.s32 @!p1 $0x18620;
	s13 =	sand.u32 s13, s11  }
0x25: {  	s12 =	ssub.s32 s12, s13  }
0x26: {  	s12 =	sadd.s32 $0xFFFE79E0, s12  }
0x27: {  	s29 =	sshll.u32 s12, $0x9  }
0x28: {  	s13 =	ssub.s32 $0x10000, s29  }
0x29: {  	p1 =	sgt.s32 s12, $0x7F;
	s12 =	sshrl.u32 s13, $0x2  }
0x2a: {  	s13 =	simm.s32 $0x1;
	s12 =	simm.s32 @p1 $0x0  }
0x2b: {  	s13 =	simm.s32 @!p0 $0x0;
	_ =	swait.ge [sflag:s5], s12  }
0x2c: {  	s14 =	sshll.u32 s13, $0xE;
	s12 =	ssub.s32 $0x0, s12;
	[sflag:s5] =	ssyncset.done $0x0  }
0x2d: {  	s15 =	sor.u32 $0x40, s14;
	[sflag:s5] =	ssyncadd.s32 s12  }
0x2e: {  	s30 =	smul.u32 $0x10200, s13;
	v0 =	vld [tilespmem:s15+$0x30]  }
0x2f: {  	v1 =	vld [tilespmem:s15+$0xFFFFFFD0]  }
0x30: {  	s12 =	sshrl.u32 s30, $0x2;
	v5 =	vld [tilespmem:s15+$0xFFFFFFE0]  }
0x31: {  	s13 =	sor.u32 $0x8000, s12;
	v6 =	vld [tilespmem:s15+$0xFFFFFFF0]  }
0x32: {  	s31 =	sand.u32 $0x1, s10;
	v3 =	vld [tilespmem:s15+$0x0];
	s14 =	sadd.s32 $0x0, s13  }
0x33: {  	s12 =	smul.u32 $0x10200, s31;
	v4 =	vld [tilespmem:s15+$0x10];
	[tilespmem:s14+$0x3870 ss:$0x81] =	vst.msk $0xffff, v0  }
0x34: {  	v2 =	vld [tilespmem:s15+$0x20];
	[tilespmem:s14+$0x810 ss:$0x81] =	vst.msk $0xffff, v1  }
0x35: {  	s12 =	sshrl.u32 s12, $0x2;
	v0 =	vld [tilespmem:s15+$0xFFFFFFC0];
	[tilespmem:s14+$0x1020 ss:$0x81] =	vst.msk $0xffff, v5;
	s15 =	sadd.s32 $0x80, s15  }
0x36: {  	s16 =	simm.s32 $0x4;
	s17 =	simm.s32 $0x8;
	s12 =	sor.u32 $0x8000, s12;
	[tilespmem:s14+$0x1830 ss:$0x81] =	vst.msk $0xffff, v6;
	v1 =	vld [tilespmem:s15+$0x30]  }
.LBB1_3:
0x37: {  	p1 =	sne.s32 s17, $0x1FC;
	v5 =	vld [tilespmem:s15+$0xFFFFFFD0];
	[tilespmem:s14+$0x2040 ss:$0x81] =	vst.msk $0xffff, v3  }
0x38: {  	v6 =	vld [tilespmem:s15+$0xFFFFFFE0];
	[tilespmem:s14+$0x2850 ss:$0x81] =	vst.msk $0xffff, v4  }
0x39: {  	s18 =	sshra.s32 s16, $0x2;
	s16 =	smov.u32 s17;
	v7 =	vld [tilespmem:s15+$0xFFFFFFF0];
	[tilespmem:s14+$0x3060 ss:$0x81] =	vst.msk $0xffff, v2  }
.Ltmp3:
0x3a: {  	v3 =	vld [tilespmem:s15+$0x0];
	[tilespmem:s14+$0x0 ss:$0x81] =	vst.msk $0xffff, v0;
	s14 =	sadd.s32 s18, s13;
	(pc) =	sbr.rel @p1 .LBB1_3-.Ltmp3, $4  }
0x3b: {  	v4 =	vld [tilespmem:s15+$0x10];
	[tilespmem:s14+$0x3870 ss:$0x81] =	vst.msk $0xffff, v1  }
0x3c: {  	[tilespmem:s14+$0x810 ss:$0x81] =	vst.msk $0xffff, v5;
	v2 =	vld [tilespmem:s15+$0x20]  }
0x3d: {  	v0 =	vld [tilespmem:s15+$0xFFFFFFC0];
	[tilespmem:s14+$0x1020 ss:$0x81] =	vst.msk $0xffff, v6;
	s15 =	sadd.s32 $0x80, s15  }
0x3e: {  	s17 =	sadd.s32 $0x4, s17;
	v1 =	vld [tilespmem:s15+$0x30];
	[tilespmem:s14+$0x1830 ss:$0x81] =	vst.msk $0xffff, v7  }
0x3f: {  	v5 =	vld [tilespmem:s15+$0xFFFFFFD0];
	[tilespmem:s14+$0x2040 ss:$0x81] =	vst.msk $0xffff, v3;
	s17 =	sshll.u32 s11, $0x3  }
0x40: {  	v58 =	vld [tilespmem:s15+$0xFFFFFFE0];
	s25 =	sand.u32 $0x7F, s11;
	[tilespmem:s14+$0x2850 ss:$0x81] =	vst.msk $0xffff, v4;
	s17 =	sand.u32 $0xFFFFFC00, s17  }
0x41: {  	s16 =	sshra.s32 s16, $0x2;
	v59 =	vld [tilespmem:s15+$0xFFFFFFF0];
	[tilespmem:s14+$0x3060 ss:$0x81] =	vst.msk $0xffff, v2;
	s11 =	sor.u32 s25, s17  }
0x42: {  	v60 =	vld [tilespmem:s15+$0x0];
	s13 =	sadd.s32 s16, s13;
	[tilespmem:s14+$0x0 ss:$0x81] =	vst.msk $0xffff, v0;
	s26 =	smulhi.u32 $0xA79C7B17, s11  }
0x43: {  	v61 =	vld [tilespmem:s15+$0x10];
	[tilespmem:s13+$0x3870 ss:$0x81] =	vst.msk $0xffff, v1  }
0x44: {  	v62 =	vld [tilespmem:s15+$0x20];
	s27 =	smulhi.u32 $0xA79C7B17, s17;
	[tilespmem:s13+$0x810 ss:$0x81] =	vst.msk $0xffff, v5;
	s14 =	sshrl.u32 s26, $0x10  }
0x45: {  	v63 =	vld [tilespmem:s15+$0xFFFFFFC0];
	[tilespmem:s13+$0x1020 ss:$0x81] =	vst.msk $0xffff, v58;
	s14 =	smul.u32 $0x18700, s14  }
0x46: {  	s28 =	sshrl.u32 s27, $0x10;
	[tilespmem:s13+$0x1830 ss:$0x81] =	vst.msk $0xffff, v59  }
.Ltmp4:
0x47: {  	[tilespmem:s13+$0x2040 ss:$0x81] =	vst.msk $0xffff, v60;
	s29 =	sand.u32 $0x7F, s28;
	s11 =	ssub.s32 s11, s14;
	(pc) =	sbr.rel .LBB1_5-.Ltmp4, $4  }
0x48: {  	[tilespmem:s13+$0x2850 ss:$0x81] =	vst.msk $0xffff, v61;
	s14 =	smul.u32 $0x30E0, s29;
	s30 =	sshrl.u32 s11, $0x3;
	s11 =	sand.u32 $0x7, s11  }
0x49: {  	[tilespmem:s13+$0x3060 ss:$0x81] =	vst.msk $0xffff, v62;
	s15 =	sadd.s32 s4, s30;
	s11 =	sshll.u32 s11, $0x12  }
0x4a: {  	[tilespmem:s13+$0x0 ss:$0x81] =	vst.msk $0xffff, v63;
	s31 =	sadd.s32 s14, s15;
	s11 =	sor.u32 $0x400, s11  }
0x4b: {  	[hbm4b:s31+s11] =	stream.strided.scatter [tilespmem:s12], [sflag:$0x2], $0x4000, s8, s11, $0x20;
	[tilespmem:$0x10100] =	vst v63  }
.LBB1_6:
0x4c: {  	_ =	sfence.sel $0x180000  }
0x4d: {  	s2 =	simm.s32 $0x1;
	[bflag:$0x0] =	sbarrier.arrive $0xFFFF  }
0x4e: {  	s31 =	simm.s32 $0x2;
	[sflag:s2] =	ssyncpa.u1 $0x1  }
0x4f: {  	[sflag:s31] =	ssyncpa.u1 $0x1  }
0x50: {  	p0 =	sne.s32 s1, $0x0;
	_ =	strace $0x90000047  }
0x51: {  	s0 =	sadd.s32 @!p0 $0x100000, s0;
	[bflag:$0x2] =	sbarrier.arrive $0xFFFF  }
0x52: {  	[sflag:s0] =	ssyncadd.tile.s32 @!p0 $0x1;
	_ =	shalt  }
.Lfunc_end1:
_tile_overlayer_lowered:
.L_overlay_start_2:
0x53: {  	(tag) =	ssettag $0x2  }
0x54: {  	s0 =	rddreg [dreg:$0x0];
	s2 =	stileid.u32  }
0x55: {  	s1 =	rddreg [dreg:$0x1];
	p0 =	sne.s32 s2, $0x0  }
0x56: {  	s3 =	rddreg [dreg:$0x2];
	[bflag:$0x3] =	sbarrier.arrive $0xFFFF;
	s2 =	simm.s32 @!p0 $0x1C01  }
0x57: {  	[timem:s3], [sflag:s2] =	dma.local @!p0 [hbm:s0], s1  }
0x58: {  	s0 =	simm.s32 @!p0 $0x1  }
0x59: {  	_ =	swait.ge @!p0 [sflag:s0], s1  }
0x5a: {  	s1 =	ssub.s32 @!p0 $0x0, s1;
	[sflag:s0] =	ssyncset.done @!p0 $0x0  }
0x5b: {  	[sflag:s0] =	ssyncadd.s32 @!p0 s1  }
0x5c: {  	[bflag:$0x3] =	sbarrier.arrive $0xFFFF  }
0x5d: {  	_ =	shalt  }

// kernel: sparse-core-data-format-call.cloned.1.call-start
scs
called_computation_lowered:
.L_overlay_start_0:
0x0: {  	s1 =	sld [smem:$0x3FD9]  }
0x1: {  	s2 =	sld [smem:$0x3FFE];
	_ =	sdelay $0x1  }
0x2: {  	s3 =	srdreg.scid  }
0x3: {  	s0 =	sand.u32 $0x1, s3  }
0x4: {  	s17 =	sshll.u32 s0, $0xA;
	s1 =	sadd.s32 s2, s1  }
0x5: {  	s1 =	sadd.s32 s1, s17  }
0x6: {  	[smem:$0x3FA4] =	sst s1  }
0x7: {  	_ = 	snop  }
0x8: {  	(tm) =	ssettm $0x1  }
0x9: {  	s18 =	sld [smem:$0x3FFB];
	_ =	sdelay $0x3  }
0xa: {  	_ =	strace s18  }
0xb: {  	s1 =	sld [smem:$0x3FFC];
	_ =	sdelay $0x3  }
0xc: {  	_ =	strace s1  }
0xd: {  	s1 =	sld [smem:$0x3FFD];
	_ =	sdelay $0x3  }
0xe: {  	_ =	strace s1  }
0xf: {  	_ =	strace $0x8FFFFFFF  }
0x10: {  	s19 =	sld [smem:$0x3FDB];
	_ =	sdelay $0x1  }
0x11: {  	s20 =	simm.s32 $_scs_section_size  }
0x12: {  	s4 =	simm.s32 $_size__tile_overlayer_lowered;
	s5 =	simm.s32 $_tile_overlayer_lowered  }
0x13: {  	s23 =	simm.s32 $0x1BFF;
	s22 =	sshll.u32 s5, $0x1;
	s1 =	sadd.s32 s20, s19  }
0x14: {  	s6 =	simm.s32 $0x0;
	s21 =	sshll.u32 s4, $0x1;
	s4 =	sadd.s32 s22, s1  }
0x15: {  	[timem:s6], [sflag:s23] =	dma.local [hbm:s4], s21  }
0x16: {  	_ =	swait.ge [sflag:s23], s21  }
0x17: {  	s2 =	ssub.s32 $0x0, s21;
	[sflag:s23] =	ssyncset.done $0x0  }
0x18: {  	[sflag:s23] =	ssyncadd.s32 s2;
	_ =	sdelay $0x1  }
0x19: {  	s24 =	simm.s32 $0x1B8B  }
0x1a: {  	_ =	swait.ge [sflag:s24], $0x1  }
0x1b: {  	[sflag:s24] =	ssyncset.done $0x0  }
0x1c: {  	s26 =	simm.s32 $0x1B8E;
	s25 =	sld [smem:$0x3FFE];
	[sflag:s24] =	ssyncadd.s32 $0xFFFFFFFF  }
0x1d: {  	s27 =	simm.s32 $execute0_lowered;
	[smem:$0x3FD2] =	sst s26  }
0x1e: {  	s4 =	sshll.u32 s27, $0x1;
	_ =	strace $0x8000004F;
	[dreg:$0x1] =	wrdreg $0xFFFFFFFF  }
0x1f: {  	s28 =	simm.s32 $_size_execute0_lowered;
	s1 =	sadd.s32 s1, s4;
	[dreg:$0x0] =	wrdreg $0x0  }
0x20: {  	s4 =	sshll.u32 s28, $0x1;
	[dreg:$0x2] =	wrdreg s1  }
0x21: {  	[dreg:$0x3] =	wrdreg s4  }
0x22: {  	[dreg:$0x4] =	wrdreg $0xC0  }
0x23: {  	_ =	task [dreg:s6], $0x5FFFF  }
0x24: {  	[dreg:$0x1] =	wrdreg $0xFFFFFFFF  }
0x25: {  	[dreg:$0x0] =	wrdreg $0x60  }
0x26: {  	[dreg:$0x2] =	wrdreg s25  }
0x27: {  	[dreg:$0x3] =	wrdreg $0x9  }
0x28: {  	_ =	task.clear_ibuf [dreg:s6], $0x4FFFF;
	_ =	strace $0x9000004F  }
0x29: {  	s29 =	simm.s32 $0x9;
	_ =	strace $0x80000051  }
0x2a: {  	_ =	swait.ge [sflag:s29], $0x1  }
0x2b: {  	[sflag:s29] =	ssyncadd.s32 $0xFFFFFFFF  }
0x2c: {  	_ =	strace $0x90000051  }
0x2d: {  	_ =	sfence  }
0x2e: {  	s30 =	sld [smem:$0x0];
	_ =	sdelay $0x2  }
0x2f: {  	s31 =	sshll.u32 s3, $0xD;
	s3 =	sshrl.u32 s3, $0x2  }
0x30: {  	s2 =	sand.u32 $0x4000, s31;
	s1 =	sadd.s32 s3, s30  }
0x31: {  	s0 =	sor.u32 s2, s0;
	s1 =	sshll.u32 s1, $0x11  }
0x32: {  	s0 =	sor.u32 s1, s0  }
0x33: {  	s0 =	sadd.s32 $0x8F2B, s0  }
0x34: {  	[sflag:s0] =	ssyncadd.remote.s32 $0x1  }
0x35: {  	_ =	sfence.sel $0xFFFF  }
0x36: {  	[dreg:$0x0] =	wrdreg $0xFFFFFFFF;
	(pc) =	sbr.abs _section_cstart, $3  }
0x37: {  	[dreg:$0x1] =	wrdreg $0xFFFFFFFF  }
0x38: {  	_ =	task.clear_ibuf [dreg:s6], $0x2FFFF;
	_ =	strace $0x9FFFFFFF  }
0x39: {  	(tm) =	ssettm $0x7FFFFFFF  }
tec
execute0_lowered:
.L_overlay_start_1:
0x0: {  	(tag) =	ssettag $0x1  }
0x1: {  	s1 =	rddreg [dreg:$0x0]  }
0x2: {  	s0 =	rddreg [dreg:$0x1]  }
0x3: {  	_ =	strace $0x80000050;
	s4 =	srdreg.scid;
	s6 =	simm.s32 $0x2  }
0x4: {  	s12 =	simm.s32 $0x0;
	p0 =	por $0x0, $0x0;
	s11 =	simm.s32 $0x0  }
.Ltmp0:
0x5: {  	s7 =	simm.s32 $0x0;
	s8 =	simm.s32 $0x0;
	(pc) =	sbr.rel .LBB1_1-.Ltmp0, $4  }
0x6: {  	s2 =	sadd.s32 $0x959000, s1;
	s3 =	sadd.s32 $0xE9000, s1;
	s5 =	sshll.u32 s4, $0x4  }
0x7: {  	s1 =	stileid.u32;
	s4 =	simm.s32 $0x1;
	s5 =	sand.u32 $0x10, s5  }
0x8: {  	s10 =	simm.s32 $0x0;
	[sflag:s4] =	ssyncpa.u1 $0x0;
	s5 =	sor.u32 s1, s5  }
0x9: {  	[sflag:s6] =	ssyncpa.u1 $0x0;
	s6 =	simm.s32 $0x0;
	s9 =	smov.u32 s5  }
.LBB1_5:
0xa: {  	p1 =	slt.u32 s6, $0x2  }
0xb: {  	p2 =	sgt.s32 @!p1 s12, $0x3BFF  }
0xc: {  	s13 =	smov.u32 s12;
	s14 =	sshra.s32 @!p1 s12, $0x1F;
	p2 =	por !p2, p1  }
0xd: {  	s12 =	sand.u32 @!p1 s14, s12;
	s13 =	simm.s32 @p2 $0x3BFF  }
0xe: {  	s15 =	smov.u32 s10;
	s12 =	ssub.s32 @!p1 s13, s12;
	s13 =	ssub.s32 @!p1 $0x0, s11  }
0xf: {  	s14 =	sadd.s32 @!p1 $0xFFFFC401, s12;
	s12 =	ssub.s32 @!p1 $0x3C00, s12;
	s11 =	smin.u32 @!p1 s11, s13  }
0x10: {  	p2 =	sgt.s32 @!p1 s14, $0x0;
	s12 =	smul.u32 @!p1 $0x18, s12;
	p3 =	sgt.s32 @!p1 s11, $0x7F  }
0x11: {  	s11 =	ssub.s32 @!p1 $0x80, s11;
	p2 =	por !p2, p1;
	p3 =	por !p3, p1  }
0x12: {  	s13 =	sadd.s32 $0x20, s9;
	s12 =	simm.s32 @!p2 $0x0;
	s11 =	simm.s32 @!p3 $0x0  }
0x13: {  	p2 =	sgt.s32 s13, $0x3BFF;
	s11 =	smul.u32 @!p1 s11, s12;
	s12 =	sadd.s32 $0x80, s10  }
0x14: {  	s15 =	smov.u32 @p2 s12  }
0x15: {  	s6 =	sadd.s32 $0x1, s6;
	s13 =	smov.u32 @p2 s5;
	p2 =	sgt.s32 s15, $0x7F  }
0x16: {  	s15 =	simm.s32 @p2 $0x0;
	p2 =	sne.s32 s6, $0x1E2  }
.Ltmp1:
0x17: {  	p0 =	por !p0, !p0;
	(pc) =	sbr.rel @!p2 .LBB1_6-.Ltmp1, $4  }
0x18: {  	s14 =	simm.s32 @!p1 $0x2;
	s12 =	smov.u32 s7;
	s11 =	sand.u32 @!p1 $0x3FFFFFF8, s11  }
0x19: {  	s7 =	smov.u32 s9;
	s9 =	smov.u32 s13;
	_ =	swait.ge @!p1 [sflag:s14], s11  }
0x1a: {  	s16 =	ssub.s32 @!p1 $0x0, s11;
	s11 =	smov.u32 s8;
	[sflag:s14] =	ssyncset.done @!p1 $0x0  }
0x1b: {  	s8 =	smov.u32 s10;
	s10 =	smov.u32 s15;
	[sflag:s14] =	ssyncadd.s32 @!p1 s16  }
.LBB1_1:
0x1c: {  	p1 =	sgt.u32 s6, $0x1DF  }
0x1d: {  	s13 =	sand.u32 @!p1 $0x1FFFFFF, s9  }
0x1e: {  	s14 =	smulhi.u32 @!p1 $0x2222223, s13;
	_ =	sdelay $0x1  }
0x1f: {  	s14 =	sshrl.u32 @!p1 s14, $0x7  }
0x20: {  	s14 =	smul.u32 @!p1 $0x3C00, s14  }
0x21: {  	s15 =	sxor.u32 @!p1 $0xFFFFFFFF, s6;
	s16 =	smul.u32 @!p1 $0x3C000, s10  }
0x22: {  	s15 =	sshll.u32 @!p1 s15, $0xC;
	s13 =	ssub.s32 @!p1 s13, s14  }
0x23: {  	s14 =	sand.u32 @!p1 $0x1000, s15;
	s15 =	sadd.s32 @!p1 s2, s16;
	s13 =	sshll.u32 @!p1 s13, $0x4  }
0x24: {  	s16 =	simm.s32 @!p1 $0x1E0000;
	s13 =	sadd.s32 @!p1 s13, s15;
	s15 =	simm.s32 @!p1 $0x20  }
0x25: {  	[tilespmem:s14], [sflag:$0x1] =	stream.strided.gather @!p1 [hbm4b:s13+s15], $0x1000, s16, s15, $0x38;
	[tilespmem:$0x4040] =	vst v63  }
0x26: {  	p1 =	seq.s32 s6, $0x0  }
0x27: {  	p2 =	seq.s32 @!p1 s6, $0x1E1  }
0x28: {  	p1 =	por p1, p2  }
.Ltmp2:
0x29: {  	_ = 	snop;
	(pc) =	sbr.rel @p1 .LBB1_5-.Ltmp2, $1  }
0x2a: {  	_ =	sdelay $0x3  }
0x2b: {  	s13 =	simm.s32 $0x1  }
0x2c: {  	_ =	swait.ge [sflag:s4], $0x1000;
	s13 =	simm.s32 @!p0 $0x0  }
0x2d: {  	[sflag:s4] =	ssyncset.done $0x0;
	s14 =	sshll.u32 s13, $0xC  }
0x2e: {  	[sflag:s4] =	ssyncadd.s32 $0xFFFFF000;
	s17 =	sor.u32 $0x10, s14  }
0x2f: {  	s13 =	smul.u32 $0x4080, s13;
	v1 =	vld [tilespmem:s17+$0x0]  }
0x30: {  	s30 =	sand.u32 $0x1, s6;
	v0 =	vld [tilespmem:s17+$0xFFFFFFF0]  }
0x31: {  	s14 =	smul.u32 $0x4080, s30;
	s13 =	sshrl.u32 s13, $0x2  }
0x32: {  	s15 =	sor.u32 $0x2000, s13  }
0x33: {  	s31 =	sshrl.u32 s14, $0x2;
	s14 =	sadd.s32 $0x0, s15  }
0x34: {  	s16 =	simm.s32 $0x4;
	s17 =	sadd.s32 $0x20, s17;
	s13 =	sor.u32 $0x2000, s31;
	[tilespmem:s14+$0x810 ss:$0x81] =	vst.msk $0xffff, v1  }
.LBB1_3:
0x35: {  	v1 =	vld [tilespmem:s17+$0x0];
	p1 =	sne.s32 s16, $0x1FC;
	[tilespmem:s14+$0x0 ss:$0x81] =	vst.msk $0xffff, v0;
	s14 =	smov.u32 s16;
	s16 =	sadd.s32 $0x4, s16  }
.Ltmp3:
0x36: {  	v0 =	vld [tilespmem:s17+$0xFFFFFFF0];
	(pc) =	sbr.rel @p1 .LBB1_3-.Ltmp3, $4  }
0x37: {  	_ = 	snop  }
0x38: {  	s14 =	sshra.s32 s14, $0x2  }
0x39: {  	s14 =	sadd.s32 s14, s15  }
0x3a: {  	s17 =	sadd.s32 $0x20, s17;
	[tilespmem:s14+$0x810 ss:$0x81] =	vst.msk $0xffff, v1  }
0x3b: {  	p1 =	sgt.s32 s7, $0x3BFF;
	s15 =	smov.u32 s7;
	s16 =	sshra.s32 s7, $0x1F  }
0x3c: {  	s17 =	sshrl.u32 s8, $0x4;
	s15 =	simm.s32 @!p1 $0x3BFF;
	s16 =	sand.u32 s16, s7  }
0x3d: {  	s19 =	smul.u32 $0x180, s7;
	s17 =	sand.u32 $0x1FFFFF8, s17;
	s15 =	ssub.s32 s15, s16  }
0x3e: {  	s26 =	ssub.s32 $0x0, s8;
	s25 =	smulhi.u32 $0xAAAAAAB, s17;
	s18 =	ssub.s32 $0x3C00, s15  }
0x3f: {  	s27 =	sshrl.u32 s8, $0x3;
	s15 =	sadd.s32 $0xFFFFC401, s15;
	s18 =	smul.u32 $0x18, s18  }
0x40: {  	p1 =	sgt.s32 s15, $0x0;
	s16 =	smul.u32 $0x18, s25;
	s15 =	smin.u32 s8, s26  }
0x41: {  	s18 =	simm.s32 @p1 $0x0;
	p1 =	sgt.s32 s15, $0x7F;
	s15 =	ssub.s32 $0x80, s15  }
.Ltmp4:
0x42: {  	s28 =	sadd.s32 s3, s19;
	s15 =	simm.s32 @p1 $0x0;
	(pc) =	sbr.rel .LBB1_5-.Ltmp4, $4  }
0x43: {  	s16 =	ssub.s32 s17, s16;
	s17 =	sand.u32 $0xF, s27;
	s15 =	smul.u32 s15, s18  }
0x44: {  	s17 =	sadd.s32 s17, s28;
	s16 =	sshll.u32 s16, $0x4  }
0x45: {  	[tilespmem:s14+$0x0 ss:$0x81] =	vst.msk $0xffff, v0;
	s31 =	sand.u32 $0x7, s8;
	s30 =	sadd.s32 s16, s17;
	s29 =	sand.u32 $0x3FFFFFF8, s15  }
0x46: {  	[hbm4b:s30+s31] =	stream.linear.scatter [tilespmem:s13], [sflag:$0x2], s29, $0x20;
	[tilespmem:$0x4040] =	vst v63  }
.LBB1_6:
0x47: {  	_ =	sfence.sel $0x180000  }
0x48: {  	s2 =	simm.s32 $0x1;
	[bflag:$0x0] =	sbarrier.arrive $0xFFFF  }
0x49: {  	s31 =	simm.s32 $0x2;
	[sflag:s2] =	ssyncpa.u1 $0x1  }
0x4a: {  	[sflag:s31] =	ssyncpa.u1 $0x1  }
0x4b: {  	p0 =	sne.s32 s1, $0x0;
	_ =	strace $0x90000050  }
0x4c: {  	s0 =	sadd.s32 @!p0 $0x100000, s0;
	[bflag:$0x2] =	sbarrier.arrive $0xFFFF  }
0x4d: {  	[sflag:s0] =	ssyncadd.tile.s32 @!p0 $0x1;
	_ =	shalt  }
.Lfunc_end1:
_tile_overlayer_lowered:
.L_overlay_start_2:
0x4e: {  	(tag) =	ssettag $0x2  }
0x4f: {  	s0 =	rddreg [dreg:$0x0];
	s2 =	stileid.u32  }
0x50: {  	s1 =	rddreg [dreg:$0x1];
	p0 =	sne.s32 s2, $0x0  }
0x51: {  	s3 =	rddreg [dreg:$0x2];
	[bflag:$0x3] =	sbarrier.arrive $0xFFFF;
	s2 =	simm.s32 @!p0 $0x1C01  }
0x52: {  	[timem:s3], [sflag:s2] =	dma.local @!p0 [hbm:s0], s1  }
0x53: {  	s0 =	simm.s32 @!p0 $0x1  }
0x54: {  	_ =	swait.ge @!p0 [sflag:s0], s1  }
0x55: {  	s1 =	ssub.s32 @!p0 $0x0, s1;
	[sflag:s0] =	ssyncset.done @!p0 $0x0  }
0x56: {  	[sflag:s0] =	ssyncadd.s32 @!p0 s1  }
0x57: {  	[bflag:$0x3] =	sbarrier.arrive $0xFFFF  }
0x58: {  	_ =	shalt  }

</sc_bundles>
